<compile_context>
chip_gen: v7x
topology: tpu7x:2x2x1
jax: 0.10.2.dev20260603
libtpu: 0.0.44.dev20260713+nightly
codegen_flags: <defaults>
</compile_context>

<pallas_src>
import functools

import jax
import jax.numpy as jnp
from jax import lax
from jax.experimental import pallas as pl
from jax.experimental.pallas import tpu as pltpu
from jax.experimental.pallas import tpu_sc as plsc

N = 100000
D = 128
S = 512
U = 128
CHUNK = 256
NFULL = N // CHUNK
TAILA = 128
TAILB = N - NFULL * CHUNK - TAILA
NC = 2
NS = 16
NW = NC * NS
KBASE = NFULL // NW
NEXTRA = NFULL - KBASE * NW
NL = KBASE + 1
NBUF = 3
SPS = S // NS
L = 16


def _sc_body(x_hbm, batch_hbm, psum_hbm, pcnt_hbm,
             xbuf0, xbuf1, xbuf2, idx0, idx1, idx2, zbuf, cnt, ssum,
             semd0, semd1, semd2, sems0, sems1, sems2):
    cid = lax.axis_index("c")
    sid = lax.axis_index("s")
    w = cid * NS + sid

    xbufs = (xbuf0, xbuf1, xbuf2)
    idxs = (idx0, idx1, idx2)
    semds = (semd0, semd1, semd2)
    semss = (sems0, sems1, sems2)

    zeros16 = jnp.zeros((L,), jnp.float32)
    ones16 = jnp.ones((L,), jnp.float32)

    for i in range(S // L):
        cnt[pl.ds(i * L, L)] = zeros16

    def fill_z(i, _):
        for j in range(D // L):
            zbuf[i, pl.ds(j * L, L)] = zeros16
        return 0

    lax.fori_loop(0, SPS, fill_z, 0)

    pltpu.sync_copy(zbuf, ssum.at[pl.ds(sid * SPS, SPS), :])
    plsc.subcore_barrier()

    def start_dma(c, b):
        pltpu.async_copy(batch_hbm.at[pl.ds(c * CHUNK, U)],
                         idxs[b].at[0], semds[b])
        pltpu.async_copy(batch_hbm.at[pl.ds(c * CHUNK + U, U)],
                         idxs[b].at[1], semds[b])
        pltpu.async_copy(x_hbm.at[pl.ds(c * CHUNK, CHUNK), :], xbufs[b],
                         semds[b])

    def wait_dma(b):
        pltpu.make_async_copy(batch_hbm.at[pl.ds(0, U)], idxs[b].at[0],
                              semds[b]).wait()
        pltpu.make_async_copy(batch_hbm.at[pl.ds(0, U)], idxs[b].at[1],
                              semds[b]).wait()
        pltpu.make_async_copy(x_hbm.at[pl.ds(0, CHUNK), :], xbufs[b],
                              semds[b]).wait()

    def start_tail_dma(b):
        base = NFULL * CHUNK
        pltpu.async_copy(batch_hbm.at[pl.ds(base, TAILA)],
                         idxs[b].at[0], semds[b])
        pltpu.async_copy(batch_hbm.at[pl.ds(base + TAILA, TAILB)],
                         idxs[b].at[1, pl.ds(0, TAILB)], semds[b])
        pltpu.async_copy(x_hbm.at[pl.ds(base, TAILA + TAILB), :],
                         xbufs[b].at[pl.ds(0, TAILA + TAILB), :], semds[b])

    def wait_tail_dma(b):
        base = NFULL * CHUNK
        pltpu.make_async_copy(batch_hbm.at[pl.ds(base, TAILA)],
                              idxs[b].at[0], semds[b]).wait()
        pltpu.make_async_copy(batch_hbm.at[pl.ds(base, TAILB)],
                              idxs[b].at[1, pl.ds(0, TAILB)],
                              semds[b]).wait()
        pltpu.make_async_copy(x_hbm.at[pl.ds(base, TAILA + TAILB), :],
                              xbufs[b].at[pl.ds(0, TAILA + TAILB), :],
                              semds[b]).wait()

    def start_scatter(b):
        pltpu.async_copy(xbufs[b].at[pl.ds(0, U), :],
                         ssum.at[idxs[b].at[0]], semss[b], add=True)
        pltpu.async_copy(xbufs[b].at[pl.ds(U, U), :],
                         ssum.at[idxs[b].at[1]], semss[b], add=True)

    def wait_scatter(b):
        pltpu.make_async_copy(xbufs[b].at[pl.ds(0, U), :],
                              ssum.at[idxs[b].at[0]], semss[b]).wait()
        pltpu.make_async_copy(xbufs[b].at[pl.ds(U, U), :],
                              ssum.at[idxs[b].at[1]], semss[b]).wait()

    def histo(b, row, nv):
        for k in range(nv):
            idv = idxs[b][row, pl.ds(k * L, L)]
            plsc.addupdate_scatter(cnt, [idv], ones16)

    is_extra = w < NEXTRA
    is_tailw = w == NW - 1

    def start_logical(i, b):
        if i < KBASE:
            start_dma(w + NW * i, b)
        else:
            @pl.when(is_extra)
            def _():
                start_dma(w + NW * KBASE, b)

            @pl.when(is_tailw)
            def _():
                start_tail_dma(b)

    def process_logical(i, b):
        if i < KBASE:
            wait_dma(b)
            start_scatter(b)
            histo(b, 0, U // L)
            histo(b, 1, U // L)
        else:
            @pl.when(is_extra)
            def _():
                wait_dma(b)
                start_scatter(b)
                histo(b, 0, U // L)
                histo(b, 1, U // L)

            @pl.when(is_tailw)
            def _():
                wait_tail_dma(b)
                for k in range(TAILB // L, U // L):
                    idxs[b][1, pl.ds(k * L, L)] = jnp.full((L,), S - 1,
                                                           jnp.int32)

                def zero_row(r, _):
                    for j in range(D // L):
                        xbufs[b][r, pl.ds(j * L, L)] = zeros16
                    return 0

                lax.fori_loop(TAILA + TAILB, CHUNK, zero_row, 0)
                start_scatter(b)
                histo(b, 0, U // L)
                histo(b, 1, TAILB // L)

    def wait_scatter_logical(i, b):
        if i < KBASE:
            wait_scatter(b)
        else:
            @pl.when(jnp.logical_or(is_extra, is_tailw))
            def _():
                wait_scatter(b)

    start_logical(0, 0)
    start_logical(1, 1)
    for i in range(NL):
        b = i % NBUF
        if i + 2 < NL:
            if i + 2 >= NBUF:
                wait_scatter_logical(i + 2 - NBUF, (i + 2) % NBUF)
            start_logical(i + 2, (i + 2) % NBUF)
        process_logical(i, b)
    for i in range(max(0, NL - NBUF), NL):
        wait_scatter_logical(i, i % NBUF)

    pltpu.sync_copy(cnt, pcnt_hbm.at[w, :])

    plsc.subcore_barrier()

    pltpu.sync_copy(ssum.at[pl.ds(sid * SPS, SPS), :],
                    psum_hbm.at[cid, pl.ds(sid * SPS, SPS), :])


_sc_pool = functools.partial(
    pl.kernel,
    out_type=(jax.ShapeDtypeStruct((NC, S, D), jnp.float32),
              jax.ShapeDtypeStruct((NW, S), jnp.float32)),
    mesh=plsc.VectorSubcoreMesh(core_axis_name="c", subcore_axis_name="s"),
    scratch_types=[
        pltpu.VMEM((CHUNK, D), jnp.float32),
        pltpu.VMEM((CHUNK, D), jnp.float32),
        pltpu.VMEM((CHUNK, D), jnp.float32),
        pltpu.VMEM((2, U), jnp.int32),
        pltpu.VMEM((2, U), jnp.int32),
        pltpu.VMEM((2, U), jnp.int32),
        pltpu.VMEM((SPS, D), jnp.float32),
        pltpu.VMEM((S,), jnp.float32),
        pltpu.VMEM_SHARED((S, D), jnp.float32),
        pltpu.SemaphoreType.DMA,
        pltpu.SemaphoreType.DMA,
        pltpu.SemaphoreType.DMA,
        pltpu.SemaphoreType.DMA,
        pltpu.SemaphoreType.DMA,
        pltpu.SemaphoreType.DMA,
    ],
    compiler_params=pltpu.CompilerParams(needs_layout_passes=False),
)(_sc_body)


def _combine_body(ps_ref, pc_ref, out_ref):
    sums = ps_ref[0] + ps_ref[1]
    cnt = jnp.sum(pc_ref[...], axis=0)
    cnt = jnp.maximum(cnt, 1.0)
    out_ref[...] = sums / cnt[:, None]


@jax.jit
def kernel(x, batch):
    psum, pcnt = _sc_pool(x, batch)
    return pl.pallas_call(
        _combine_body,
        out_shape=jax.ShapeDtypeStruct((S, D), jnp.float32),
    )(psum, pcnt)

# --- scband reference (transcript-rebuilt; emitter-appended) ---
"""Pipeline reference for scband-gnnpool-19825569038676 (READ-ONLY COPY).

The authoritative reference and input builder live on the scoring server;
editing this copy changes nothing except your own understanding.
"""

import jax, jax.numpy as jnp
import numpy as np

NUM_NODES = 100000
D_FEAT = 128
NUM_SEGMENTS = 512


def setup_inputs(seed: int = 0) -> dict:
    key = jax.random.key(seed)
    k1, k2 = jax.random.split(key)
    x = jax.random.normal(k1, (NUM_NODES, D_FEAT), dtype=jnp.float32)
    batch = jnp.sort(jax.random.randint(k2, (NUM_NODES,), 0, NUM_SEGMENTS, dtype=jnp.int32))
    # ensure the last segment id is present so output has NUM_SEGMENTS rows
    batch = batch.at[-1].set(NUM_SEGMENTS - 1)
    return {"x": x, "batch": batch}


def reference(x, batch):
    # global_mean_pool: scatter-mean of node features by graph id
    sums = jax.ops.segment_sum(x, batch, num_segments=NUM_SEGMENTS)
    counts = jax.ops.segment_sum(jnp.ones((x.shape[0],), dtype=x.dtype), batch, num_segments=NUM_SEGMENTS)
    counts = jnp.clip(counts, 1.0, None)
    return sums / counts[:, None]

if __name__ == "__main__":
    import jax
    _d = setup_inputs()
    print(jax.jit(kernel)(*tuple(_d.values())))

</pallas_src>

<mosaic_0001>
#map = affine_map<(d0, d1) -> (0, 0)>
#map1 = affine_map<(d0, d1) -> (0)>
#map2 = affine_map<(d0, d1) -> (0, 0, 0)>
module attributes {stable_mosaic.version = 14 : i64} {
  func.func @_sc_body(%arg0: i32, %arg1: i32, %arg2: memref<100000x128xf32, #tpu.memory_space<hbm>>, %arg3: memref<100000xi32, #tpu.memory_space<hbm>>, %arg4: memref<2x512x128xf32, #tpu.memory_space<hbm>>, %arg5: memref<32x512xf32, #tpu.memory_space<hbm>>, %arg6: memref<256x128xf32, #tpu.memory_space<vmem>>, %arg7: memref<256x128xf32, #tpu.memory_space<vmem>>, %arg8: memref<256x128xf32, #tpu.memory_space<vmem>>, %arg9: memref<2x128xi32, #tpu.memory_space<vmem>>, %arg10: memref<2x128xi32, #tpu.memory_space<vmem>>, %arg11: memref<2x128xi32, #tpu.memory_space<vmem>>, %arg12: memref<32x128xf32, #tpu.memory_space<vmem>>, %arg13: memref<512xf32, #tpu.memory_space<vmem>>, %arg14: memref<512x128xf32, #tpu.memory_space<vmem_shared>>, %arg15: memref<!tpu.dma_semaphore, #tpu.memory_space<semaphore_mem>>, %arg16: memref<!tpu.dma_semaphore, #tpu.memory_space<semaphore_mem>>, %arg17: memref<!tpu.dma_semaphore, #tpu.memory_space<semaphore_mem>>, %arg18: memref<!tpu.dma_semaphore, #tpu.memory_space<semaphore_mem>>, %arg19: memref<!tpu.dma_semaphore, #tpu.memory_space<semaphore_mem>>, %arg20: memref<!tpu.dma_semaphore, #tpu.memory_space<semaphore_mem>>) attributes {dimension_semantics = [#tpu.dimension_semantics<core_parallel>, #tpu.dimension_semantics<subcore_parallel>], iteration_bounds = array<i64: 2, 16>, scalar_prefetch = 0 : i64, scratch_operands = 15 : i64, tpu.core_type = #tpu.core_type<sc_vector_subcore>, window_params = [{transform_indices = #map}, {transform_indices = #map1}, {transform_indices = #map2}, {transform_indices = #map}]} {
    %mul3A = arith.constant 16 : i32
    %mul3A_0 = arith.muli %arg0, %mul3A : i32
    %add3A = arith.addi %mul3A_0, %arg1 : i32
    %broadcast_in_dim3A = arith.constant 0.000000e+00 : f32
    %broadcast_in_dim3A_1 = vector.broadcast %broadcast_in_dim3A : f32 to vector<16xf32>
    %broadcast_in_dim3A_2 = arith.constant 1.000000e+00 : f32
    %broadcast_in_dim3A_3 = vector.broadcast %broadcast_in_dim3A_2 : f32 to vector<16xf32>
    %swap3A = arith.constant 0 : index
    %swap3A_4 = tpu.vector_load %arg13[%swap3A] {strides = array<i32>} : memref<512xf32, #tpu.memory_space<vmem>>, vector<16xf32>,
    tpu.vector_store %arg13[%swap3A], %broadcast_in_dim3A_1 {strides = array<i32>} : memref<512xf32, #tpu.memory_space<vmem>>, vector<16xf32>,
    %swap3A_5 = arith.constant 16 : index
    %swap3A_6 = tpu.vector_load %arg13[%swap3A_5] {strides = array<i32>} : memref<512xf32, #tpu.memory_space<vmem>>, vector<16xf32>,
    tpu.vector_store %arg13[%swap3A_5], %broadcast_in_dim3A_1 {strides = array<i32>} : memref<512xf32, #tpu.memory_space<vmem>>, vector<16xf32>,
    %swap3A_7 = arith.constant 32 : index
    %swap3A_8 = tpu.vector_load %arg13[%swap3A_7] {strides = array<i32>} : memref<512xf32, #tpu.memory_space<vmem>>, vector<16xf32>,
    tpu.vector_store %arg13[%swap3A_7], %broadcast_in_dim3A_1 {strides = array<i32>} : memref<512xf32, #tpu.memory_space<vmem>>, vector<16xf32>,
    %swap3A_9 = arith.constant 48 : index
    %swap3A_10 = tpu.vector_load %arg13[%swap3A_9] {strides = array<i32>} : memref<512xf32, #tpu.memory_space<vmem>>, vector<16xf32>,
    tpu.vector_store %arg13[%swap3A_9], %broadcast_in_dim3A_1 {strides = array<i32>} : memref<512xf32, #tpu.memory_space<vmem>>, vector<16xf32>,
    %swap3A_11 = arith.constant 64 : index
    %swap3A_12 = tpu.vector_load %arg13[%swap3A_11] {strides = array<i32>} : memref<512xf32, #tpu.memory_space<vmem>>, vector<16xf32>,
    tpu.vector_store %arg13[%swap3A_11], %broadcast_in_dim3A_1 {strides = array<i32>} : memref<512xf32, #tpu.memory_space<vmem>>, vector<16xf32>,
    %swap3A_13 = arith.constant 80 : index
    %swap3A_14 = tpu.vector_load %arg13[%swap3A_13] {strides = array<i32>} : memref<512xf32, #tpu.memory_space<vmem>>, vector<16xf32>,
    tpu.vector_store %arg13[%swap3A_13], %broadcast_in_dim3A_1 {strides = array<i32>} : memref<512xf32, #tpu.memory_space<vmem>>, vector<16xf32>,
    %swap3A_15 = arith.constant 96 : index
    %swap3A_16 = tpu.vector_load %arg13[%swap3A_15] {strides = array<i32>} : memref<512xf32, #tpu.memory_space<vmem>>, vector<16xf32>,
    tpu.vector_store %arg13[%swap3A_15], %broadcast_in_dim3A_1 {strides = array<i32>} : memref<512xf32, #tpu.memory_space<vmem>>, vector<16xf32>,
    %swap3A_17 = arith.constant 112 : index
    %swap3A_18 = tpu.vector_load %arg13[%swap3A_17] {strides = array<i32>} : memref<512xf32, #tpu.memory_space<vmem>>, vector<16xf32>,
    tpu.vector_store %arg13[%swap3A_17], %broadcast_in_dim3A_1 {strides = array<i32>} : memref<512xf32, #tpu.memory_space<vmem>>, vector<16xf32>,
    %swap3A_19 = arith.constant 128 : index
    %swap3A_20 = tpu.vector_load %arg13[%swap3A_19] {strides = array<i32>} : memref<512xf32, #tpu.memory_space<vmem>>, vector<16xf32>,
    tpu.vector_store %arg13[%swap3A_19], %broadcast_in_dim3A_1 {strides = array<i32>} : memref<512xf32, #tpu.memory_space<vmem>>, vector<16xf32>,
    %swap3A_21 = arith.constant 144 : index
    %swap3A_22 = tpu.vector_load %arg13[%swap3A_21] {strides = array<i32>} : memref<512xf32, #tpu.memory_space<vmem>>, vector<16xf32>,
    tpu.vector_store %arg13[%swap3A_21], %broadcast_in_dim3A_1 {strides = array<i32>} : memref<512xf32, #tpu.memory_space<vmem>>, vector<16xf32>,
    %swap3A_23 = arith.constant 160 : index
    %swap3A_24 = tpu.vector_load %arg13[%swap3A_23] {strides = array<i32>} : memref<512xf32, #tpu.memory_space<vmem>>, vector<16xf32>,
    tpu.vector_store %arg13[%swap3A_23], %broadcast_in_dim3A_1 {strides = array<i32>} : memref<512xf32, #tpu.memory_space<vmem>>, vector<16xf32>,
    %swap3A_25 = arith.constant 176 : index
    %swap3A_26 = tpu.vector_load %arg13[%swap3A_25] {strides = array<i32>} : memref<512xf32, #tpu.memory_space<vmem>>, vector<16xf32>,
    tpu.vector_store %arg13[%swap3A_25], %broadcast_in_dim3A_1 {strides = array<i32>} : memref<512xf32, #tpu.memory_space<vmem>>, vector<16xf32>,
    %swap3A_27 = arith.constant 192 : index
    %swap3A_28 = tpu.vector_load %arg13[%swap3A_27] {strides = array<i32>} : memref<512xf32, #tpu.memory_space<vmem>>, vector<16xf32>,
    tpu.vector_store %arg13[%swap3A_27], %broadcast_in_dim3A_1 {strides = array<i32>} : memref<512xf32, #tpu.memory_space<vmem>>, vector<16xf32>,
    %swap3A_29 = arith.constant 208 : index
    %swap3A_30 = tpu.vector_load %arg13[%swap3A_29] {strides = array<i32>} : memref<512xf32, #tpu.memory_space<vmem>>, vector<16xf32>,
    tpu.vector_store %arg13[%swap3A_29], %broadcast_in_dim3A_1 {strides = array<i32>} : memref<512xf32, #tpu.memory_space<vmem>>, vector<16xf32>,
    %swap3A_31 = arith.constant 224 : index
    %swap3A_32 = tpu.vector_load %arg13[%swap3A_31] {strides = array<i32>} : memref<512xf32, #tpu.memory_space<vmem>>, vector<16xf32>,
    tpu.vector_store %arg13[%swap3A_31], %broadcast_in_dim3A_1 {strides = array<i32>} : memref<512xf32, #tpu.memory_space<vmem>>, vector<16xf32>,
    %swap3A_33 = arith.constant 240 : index
    %swap3A_34 = tpu.vector_load %arg13[%swap3A_33] {strides = array<i32>} : memref<512xf32, #tpu.memory_space<vmem>>, vector<16xf32>,
    tpu.vector_store %arg13[%swap3A_33], %broadcast_in_dim3A_1 {strides = array<i32>} : memref<512xf32, #tpu.memory_space<vmem>>, vector<16xf32>,
    %swap3A_35 = arith.constant 256 : index
    %swap3A_36 = tpu.vector_load %arg13[%swap3A_35] {strides = array<i32>} : memref<512xf32, #tpu.memory_space<vmem>>, vector<16xf32>,
    tpu.vector_store %arg13[%swap3A_35], %broadcast_in_dim3A_1 {strides = array<i32>} : memref<512xf32, #tpu.memory_space<vmem>>, vector<16xf32>,
    %swap3A_37 = arith.constant 272 : index
    %swap3A_38 = tpu.vector_load %arg13[%swap3A_37] {strides = array<i32>} : memref<512xf32, #tpu.memory_space<vmem>>, vector<16xf32>,
    tpu.vector_store %arg13[%swap3A_37], %broadcast_in_dim3A_1 {strides = array<i32>} : memref<512xf32, #tpu.memory_space<vmem>>, vector<16xf32>,
    %swap3A_39 = arith.constant 288 : index
    %swap3A_40 = tpu.vector_load %arg13[%swap3A_39] {strides = array<i32>} : memref<512xf32, #tpu.memory_space<vmem>>, vector<16xf32>,
    tpu.vector_store %arg13[%swap3A_39], %broadcast_in_dim3A_1 {strides = array<i32>} : memref<512xf32, #tpu.memory_space<vmem>>, vector<16xf32>,
    %swap3A_41 = arith.constant 304 : index
    %swap3A_42 = tpu.vector_load %arg13[%swap3A_41] {strides = array<i32>} : memref<512xf32, #tpu.memory_space<vmem>>, vector<16xf32>,
    tpu.vector_store %arg13[%swap3A_41], %broadcast_in_dim3A_1 {strides = array<i32>} : memref<512xf32, #tpu.memory_space<vmem>>, vector<16xf32>,
    %swap3A_43 = arith.constant 320 : index
    %swap3A_44 = tpu.vector_load %arg13[%swap3A_43] {strides = array<i32>} : memref<512xf32, #tpu.memory_space<vmem>>, vector<16xf32>,
    tpu.vector_store %arg13[%swap3A_43], %broadcast_in_dim3A_1 {strides = array<i32>} : memref<512xf32, #tpu.memory_space<vmem>>, vector<16xf32>,
    %swap3A_45 = arith.constant 336 : index
    %swap3A_46 = tpu.vector_load %arg13[%swap3A_45] {strides = array<i32>} : memref<512xf32, #tpu.memory_space<vmem>>, vector<16xf32>,
    tpu.vector_store %arg13[%swap3A_45], %broadcast_in_dim3A_1 {strides = array<i32>} : memref<512xf32, #tpu.memory_space<vmem>>, vector<16xf32>,
    %swap3A_47 = arith.constant 352 : index
    %swap3A_48 = tpu.vector_load %arg13[%swap3A_47] {strides = array<i32>} : memref<512xf32, #tpu.memory_space<vmem>>, vector<16xf32>,
    tpu.vector_store %arg13[%swap3A_47], %broadcast_in_dim3A_1 {strides = array<i32>} : memref<512xf32, #tpu.memory_space<vmem>>, vector<16xf32>,
    %swap3A_49 = arith.constant 368 : index
    %swap3A_50 = tpu.vector_load %arg13[%swap3A_49] {strides = array<i32>} : memref<512xf32, #tpu.memory_space<vmem>>, vector<16xf32>,
    tpu.vector_store %arg13[%swap3A_49], %broadcast_in_dim3A_1 {strides = array<i32>} : memref<512xf32, #tpu.memory_space<vmem>>, vector<16xf32>,
    %swap3A_51 = arith.constant 384 : index
    %swap3A_52 = tpu.vector_load %arg13[%swap3A_51] {strides = array<i32>} : memref<512xf32, #tpu.memory_space<vmem>>, vector<16xf32>,
    tpu.vector_store %arg13[%swap3A_51], %broadcast_in_dim3A_1 {strides = array<i32>} : memref<512xf32, #tpu.memory_space<vmem>>, vector<16xf32>,
    %swap3A_53 = arith.constant 400 : index
    %swap3A_54 = tpu.vector_load %arg13[%swap3A_53] {strides = array<i32>} : memref<512xf32, #tpu.memory_space<vmem>>, vector<16xf32>,
    tpu.vector_store %arg13[%swap3A_53], %broadcast_in_dim3A_1 {strides = array<i32>} : memref<512xf32, #tpu.memory_space<vmem>>, vector<16xf32>,
    %swap3A_55 = arith.constant 416 : index
    %swap3A_56 = tpu.vector_load %arg13[%swap3A_55] {strides = array<i32>} : memref<512xf32, #tpu.memory_space<vmem>>, vector<16xf32>,
    tpu.vector_store %arg13[%swap3A_55], %broadcast_in_dim3A_1 {strides = array<i32>} : memref<512xf32, #tpu.memory_space<vmem>>, vector<16xf32>,
    %swap3A_57 = arith.constant 432 : index
    %swap3A_58 = tpu.vector_load %arg13[%swap3A_57] {strides = array<i32>} : memref<512xf32, #tpu.memory_space<vmem>>, vector<16xf32>,
    tpu.vector_store %arg13[%swap3A_57], %broadcast_in_dim3A_1 {strides = array<i32>} : memref<512xf32, #tpu.memory_space<vmem>>, vector<16xf32>,
    %swap3A_59 = arith.constant 448 : index
    %swap3A_60 = tpu.vector_load %arg13[%swap3A_59] {strides = array<i32>} : memref<512xf32, #tpu.memory_space<vmem>>, vector<16xf32>,
    tpu.vector_store %arg13[%swap3A_59], %broadcast_in_dim3A_1 {strides = array<i32>} : memref<512xf32, #tpu.memory_space<vmem>>, vector<16xf32>,
    %swap3A_61 = arith.constant 464 : index
    %swap3A_62 = tpu.vector_load %arg13[%swap3A_61] {strides = array<i32>} : memref<512xf32, #tpu.memory_space<vmem>>, vector<16xf32>,
    tpu.vector_store %arg13[%swap3A_61], %broadcast_in_dim3A_1 {strides = array<i32>} : memref<512xf32, #tpu.memory_space<vmem>>, vector<16xf32>,
    %swap3A_63 = arith.constant 480 : index
    %swap3A_64 = tpu.vector_load %arg13[%swap3A_63] {strides = array<i32>} : memref<512xf32, #tpu.memory_space<vmem>>, vector<16xf32>,
    tpu.vector_store %arg13[%swap3A_63], %broadcast_in_dim3A_1 {strides = array<i32>} : memref<512xf32, #tpu.memory_space<vmem>>, vector<16xf32>,
    %swap3A_65 = arith.constant 496 : index
    %swap3A_66 = tpu.vector_load %arg13[%swap3A_65] {strides = array<i32>} : memref<512xf32, #tpu.memory_space<vmem>>, vector<16xf32>,
    tpu.vector_store %arg13[%swap3A_65], %broadcast_in_dim3A_1 {strides = array<i32>} : memref<512xf32, #tpu.memory_space<vmem>>, vector<16xf32>,
    %scan3A = arith.constant 0 : i32
    %scan3A_67 = arith.constant 0 : i32
    %scan3A_68 = arith.constant 32 : i32
    %scan3A_69 = arith.addi %scan3A_67, %scan3A_68 : i32
    %scan3A_70 = arith.constant 1 : i32
    %scan3A_71 = scf.for %scan3A_2060 = %scan3A_67 to %scan3A_69 step %scan3A_70 iter_args(%scan3A_2061 = %scan3A) -> (i32)  : i32 {
      %swap3A_2062 = arith.index_cast %scan3A_2060 : i32 to index
      %swap3A_2063 = arith.constant 0 : index
      %swap3A_2064 = tpu.vector_load %arg12[%swap3A_2062, %swap3A_2063] {strides = array<i32>} : memref<32x128xf32, #tpu.memory_space<vmem>>, vector<16xf32>,
      tpu.vector_store %arg12[%swap3A_2062, %swap3A_2063], %broadcast_in_dim3A_1 {strides = array<i32>} : memref<32x128xf32, #tpu.memory_space<vmem>>, vector<16xf32>,
      %swap3A_2065 = arith.index_cast %scan3A_2060 : i32 to index
      %swap3A_2066 = arith.constant 16 : index
      %swap3A_2067 = tpu.vector_load %arg12[%swap3A_2065, %swap3A_2066] {strides = array<i32>} : memref<32x128xf32, #tpu.memory_space<vmem>>, vector<16xf32>,
      tpu.vector_store %arg12[%swap3A_2065, %swap3A_2066], %broadcast_in_dim3A_1 {strides = array<i32>} : memref<32x128xf32, #tpu.memory_space<vmem>>, vector<16xf32>,
      %swap3A_2068 = arith.index_cast %scan3A_2060 : i32 to index
      %swap3A_2069 = arith.constant 32 : index
      %swap3A_2070 = tpu.vector_load %arg12[%swap3A_2068, %swap3A_2069] {strides = array<i32>} : memref<32x128xf32, #tpu.memory_space<vmem>>, vector<16xf32>,
      tpu.vector_store %arg12[%swap3A_2068, %swap3A_2069], %broadcast_in_dim3A_1 {strides = array<i32>} : memref<32x128xf32, #tpu.memory_space<vmem>>, vector<16xf32>,
      %swap3A_2071 = arith.index_cast %scan3A_2060 : i32 to index
      %swap3A_2072 = arith.constant 48 : index
      %swap3A_2073 = tpu.vector_load %arg12[%swap3A_2071, %swap3A_2072] {strides = array<i32>} : memref<32x128xf32, #tpu.memory_space<vmem>>, vector<16xf32>,
      tpu.vector_store %arg12[%swap3A_2071, %swap3A_2072], %broadcast_in_dim3A_1 {strides = array<i32>} : memref<32x128xf32, #tpu.memory_space<vmem>>, vector<16xf32>,
      %swap3A_2074 = arith.index_cast %scan3A_2060 : i32 to index
      %swap3A_2075 = arith.constant 64 : index
      %swap3A_2076 = tpu.vector_load %arg12[%swap3A_2074, %swap3A_2075] {strides = array<i32>} : memref<32x128xf32, #tpu.memory_space<vmem>>, vector<16xf32>,
      tpu.vector_store %arg12[%swap3A_2074, %swap3A_2075], %broadcast_in_dim3A_1 {strides = array<i32>} : memref<32x128xf32, #tpu.memory_space<vmem>>, vector<16xf32>,
      %swap3A_2077 = arith.index_cast %scan3A_2060 : i32 to index
      %swap3A_2078 = arith.constant 80 : index
      %swap3A_2079 = tpu.vector_load %arg12[%swap3A_2077, %swap3A_2078] {strides = array<i32>} : memref<32x128xf32, #tpu.memory_space<vmem>>, vector<16xf32>,
      tpu.vector_store %arg12[%swap3A_2077, %swap3A_2078], %broadcast_in_dim3A_1 {strides = array<i32>} : memref<32x128xf32, #tpu.memory_space<vmem>>, vector<16xf32>,
      %swap3A_2080 = arith.index_cast %scan3A_2060 : i32 to index
      %swap3A_2081 = arith.constant 96 : index
      %swap3A_2082 = tpu.vector_load %arg12[%swap3A_2080, %swap3A_2081] {strides = array<i32>} : memref<32x128xf32, #tpu.memory_space<vmem>>, vector<16xf32>,
      tpu.vector_store %arg12[%swap3A_2080, %swap3A_2081], %broadcast_in_dim3A_1 {strides = array<i32>} : memref<32x128xf32, #tpu.memory_space<vmem>>, vector<16xf32>,
      %swap3A_2083 = arith.index_cast %scan3A_2060 : i32 to index
      %swap3A_2084 = arith.constant 112 : index
      %swap3A_2085 = tpu.vector_load %arg12[%swap3A_2083, %swap3A_2084] {strides = array<i32>} : memref<32x128xf32, #tpu.memory_space<vmem>>, vector<16xf32>,
      tpu.vector_store %arg12[%swap3A_2083, %swap3A_2084], %broadcast_in_dim3A_1 {strides = array<i32>} : memref<32x128xf32, #tpu.memory_space<vmem>>, vector<16xf32>,
      %scan3A_2086 = arith.constant 0 : i32
      scf.yield %scan3A_2086 : i32
    }
    %scan3A_72 = arith.constant 32 : i32
    %mul3A_73 = arith.constant 32 : i32
    %mul3A_74 = arith.muli %arg1, %mul3A_73 : i32
    "tpu.region"() ({
      %run_scoped3A = tpu.sem_alloc : memref<!tpu.dma_semaphore, #tpu.memory_space<semaphore_mem>>
      %dma_start3A_2060 = arith.constant 0 : i32
      %dma_start3A_2061 = tpu.memref_slice %arg14[%mul3A_74, %dma_start3A_2060] : memref<512x128xf32, #tpu.memory_space<vmem_shared>> -> memref<32x128xf32, #tpu.memory_space<vmem_shared>>
      %dma_start3A_2062 = arith.constant 0 : i32
      %dma_start3A_2063 = tpu.memref_slice %arg14[%mul3A_74, %dma_start3A_2062] : memref<512x128xf32, #tpu.memory_space<vmem_shared>> -> memref<32x128xf32, #tpu.memory_space<vmem_shared>>
      tpu.enqueue_dma source(%arg12 : memref<32x128xf32, #tpu.memory_space<vmem>>) target(%dma_start3A_2063 : memref<32x128xf32, #tpu.memory_space<vmem_shared>>) target_semaphore(%run_scoped3A : memref<!tpu.dma_semaphore, #tpu.memory_space<semaphore_mem>>)
      %dma_wait3A_2064 = arith.constant 0 : i32
      %dma_wait3A_2065 = tpu.memref_slice %arg14[%mul3A_74, %dma_wait3A_2064] : memref<512x128xf32, #tpu.memory_space<vmem_shared>> -> memref<32x128xf32, #tpu.memory_space<vmem_shared>>
      %dma_wait3A_2066 = arith.constant 0 : i32
      %dma_wait3A_2067 = tpu.memref_slice %arg14[%mul3A_74, %dma_wait3A_2066] : memref<512x128xf32, #tpu.memory_space<vmem_shared>> -> memref<32x128xf32, #tpu.memory_space<vmem_shared>>
      tpu.wait_dma2 semaphore(%run_scoped3A : memref<!tpu.dma_semaphore, #tpu.memory_space<semaphore_mem>>) src(%arg12 : memref<32x128xf32, #tpu.memory_space<vmem>>) dst(%dma_wait3A_2067 : memref<32x128xf32, #tpu.memory_space<vmem_shared>>)
      tpu.yield
    }) : () -> ()
    %barrier3A = arith.constant 0 : index
    tpu.barrier barrier_id(%barrier3A)
    %lt3A = arith.constant 6 : i32
    %lt3A_75 = arith.cmpi slt, %add3A, %lt3A : i32
    %eq3A = arith.constant 31 : i32
    %eq3A_76 = arith.cmpi eq, %add3A, %eq3A : i32
    %add3A_77 = arith.constant 0 : i32
    %add3A_78 = arith.addi %add3A, %add3A_77 : i32
    %mul3A_79 = arith.constant 256 : i32
    %mul3A_80 = arith.muli %add3A_78, %mul3A_79 : i32
    %dma_start3A = arith.constant 0 : i32
    %dma_start3A_81 = arith.constant 0 : i32
    %dma_start3A_82 = tpu.memref_slice %arg9[%dma_start3A, %dma_start3A_81] : memref<2x128xi32, #tpu.memory_space<vmem>> -> memref<1x128xi32, #tpu.memory_space<vmem>>
    %dma_start3A_83 = tpu.memref_squeeze %dma_start3A_82 : memref<1x128xi32, #tpu.memory_space<vmem>> -> memref<128xi32, #tpu.memory_space<vmem>>
    %dma_start3A_84 = tpu.memref_slice %arg3[%mul3A_80] : memref<100000xi32, #tpu.memory_space<hbm>> -> memref<128xi32, #tpu.memory_space<hbm>>
    %dma_start3A_85 = arith.constant 0 : i32
    %dma_start3A_86 = tpu.memref_slice %arg9[%dma_start3A, %dma_start3A_85] : memref<2x128xi32, #tpu.memory_space<vmem>> -> memref<1x128xi32, #tpu.memory_space<vmem>>
    %dma_start3A_87 = tpu.memref_squeeze %dma_start3A_86 : memref<1x128xi32, #tpu.memory_space<vmem>> -> memref<128xi32, #tpu.memory_space<vmem>>
    %dma_start3A_88 = tpu.memref_slice %arg3[%mul3A_80] : memref<100000xi32, #tpu.memory_space<hbm>> -> memref<128xi32, #tpu.memory_space<hbm>>
    tpu.enqueue_dma source(%dma_start3A_88 : memref<128xi32, #tpu.memory_space<hbm>>) target(%dma_start3A_87 : memref<128xi32, #tpu.memory_space<vmem>>) target_semaphore(%arg15 : memref<!tpu.dma_semaphore, #tpu.memory_space<semaphore_mem>>)
    %mul3A_89 = arith.constant 256 : i32
    %mul3A_90 = arith.muli %add3A_78, %mul3A_89 : i32
    %add3A_91 = arith.constant 128 : i32
    %add3A_92 = arith.addi %mul3A_90, %add3A_91 : i32
    %dma_start3A_93 = arith.constant 1 : i32
    %dma_start3A_94 = arith.constant 0 : i32
    %dma_start3A_95 = tpu.memref_slice %arg9[%dma_start3A_93, %dma_start3A_94] : memref<2x128xi32, #tpu.memory_space<vmem>> -> memref<1x128xi32, #tpu.memory_space<vmem>>
    %dma_start3A_96 = tpu.memref_squeeze %dma_start3A_95 : memref<1x128xi32, #tpu.memory_space<vmem>> -> memref<128xi32, #tpu.memory_space<vmem>>
    %dma_start3A_97 = tpu.memref_slice %arg3[%add3A_92] : memref<100000xi32, #tpu.memory_space<hbm>> -> memref<128xi32, #tpu.memory_space<hbm>>
    %dma_start3A_98 = arith.constant 0 : i32
    %dma_start3A_99 = tpu.memref_slice %arg9[%dma_start3A_93, %dma_start3A_98] : memref<2x128xi32, #tpu.memory_space<vmem>> -> memref<1x128xi32, #tpu.memory_space<vmem>>
    %dma_start3A_100 = tpu.memref_squeeze %dma_start3A_99 : memref<1x128xi32, #tpu.memory_space<vmem>> -> memref<128xi32, #tpu.memory_space<vmem>>
    %dma_start3A_101 = tpu.memref_slice %arg3[%add3A_92] : memref<100000xi32, #tpu.memory_space<hbm>> -> memref<128xi32, #tpu.memory_space<hbm>>
    tpu.enqueue_dma source(%dma_start3A_101 : memref<128xi32, #tpu.memory_space<hbm>>) target(%dma_start3A_100 : memref<128xi32, #tpu.memory_space<vmem>>) target_semaphore(%arg15 : memref<!tpu.dma_semaphore, #tpu.memory_space<semaphore_mem>>)
    %mul3A_102 = arith.constant 256 : i32
    %mul3A_103 = arith.muli %add3A_78, %mul3A_102 : i32
    %dma_start3A_104 = arith.constant 0 : i32
    %dma_start3A_105 = tpu.memref_slice %arg2[%mul3A_103, %dma_start3A_104] : memref<100000x128xf32, #tpu.memory_space<hbm>> -> memref<256x128xf32, #tpu.memory_space<hbm>>
    %dma_start3A_106 = arith.constant 0 : i32
    %dma_start3A_107 = tpu.memref_slice %arg2[%mul3A_103, %dma_start3A_106] : memref<100000x128xf32, #tpu.memory_space<hbm>> -> memref<256x128xf32, #tpu.memory_space<hbm>>
    tpu.enqueue_dma source(%dma_start3A_107 : memref<256x128xf32, #tpu.memory_space<hbm>>) target(%arg6 : memref<256x128xf32, #tpu.memory_space<vmem>>) target_semaphore(%arg15 : memref<!tpu.dma_semaphore, #tpu.memory_space<semaphore_mem>>)
    %add3A_108 = arith.constant 32 : i32
    %add3A_109 = arith.addi %add3A, %add3A_108 : i32
    %mul3A_110 = arith.constant 256 : i32
    %mul3A_111 = arith.muli %add3A_109, %mul3A_110 : i32
    %dma_start3A_112 = arith.constant 0 : i32
    %dma_start3A_113 = arith.constant 0 : i32
    %dma_start3A_114 = tpu.memref_slice %arg10[%dma_start3A_112, %dma_start3A_113] : memref<2x128xi32, #tpu.memory_space<vmem>> -> memref<1x128xi32, #tpu.memory_space<vmem>>
    %dma_start3A_115 = tpu.memref_squeeze %dma_start3A_114 : memref<1x128xi32, #tpu.memory_space<vmem>> -> memref<128xi32, #tpu.memory_space<vmem>>
    %dma_start3A_116 = tpu.memref_slice %arg3[%mul3A_111] : memref<100000xi32, #tpu.memory_space<hbm>> -> memref<128xi32, #tpu.memory_space<hbm>>
    %dma_start3A_117 = arith.constant 0 : i32
    %dma_start3A_118 = tpu.memref_slice %arg10[%dma_start3A_112, %dma_start3A_117] : memref<2x128xi32, #tpu.memory_space<vmem>> -> memref<1x128xi32, #tpu.memory_space<vmem>>
    %dma_start3A_119 = tpu.memref_squeeze %dma_start3A_118 : memref<1x128xi32, #tpu.memory_space<vmem>> -> memref<128xi32, #tpu.memory_space<vmem>>
    %dma_start3A_120 = tpu.memref_slice %arg3[%mul3A_111] : memref<100000xi32, #tpu.memory_space<hbm>> -> memref<128xi32, #tpu.memory_space<hbm>>
    tpu.enqueue_dma source(%dma_start3A_120 : memref<128xi32, #tpu.memory_space<hbm>>) target(%dma_start3A_119 : memref<128xi32, #tpu.memory_space<vmem>>) target_semaphore(%arg16 : memref<!tpu.dma_semaphore, #tpu.memory_space<semaphore_mem>>)
    %mul3A_121 = arith.constant 256 : i32
    %mul3A_122 = arith.muli %add3A_109, %mul3A_121 : i32
    %add3A_123 = arith.constant 128 : i32
    %add3A_124 = arith.addi %mul3A_122, %add3A_123 : i32
    %dma_start3A_125 = arith.constant 1 : i32
    %dma_start3A_126 = arith.constant 0 : i32
    %dma_start3A_127 = tpu.memref_slice %arg10[%dma_start3A_125, %dma_start3A_126] : memref<2x128xi32, #tpu.memory_space<vmem>> -> memref<1x128xi32, #tpu.memory_space<vmem>>
    %dma_start3A_128 = tpu.memref_squeeze %dma_start3A_127 : memref<1x128xi32, #tpu.memory_space<vmem>> -> memref<128xi32, #tpu.memory_space<vmem>>
    %dma_start3A_129 = tpu.memref_slice %arg3[%add3A_124] : memref<100000xi32, #tpu.memory_space<hbm>> -> memref<128xi32, #tpu.memory_space<hbm>>
    %dma_start3A_130 = arith.constant 0 : i32
    %dma_start3A_131 = tpu.memref_slice %arg10[%dma_start3A_125, %dma_start3A_130] : memref<2x128xi32, #tpu.memory_space<vmem>> -> memref<1x128xi32, #tpu.memory_space<vmem>>
    %dma_start3A_132 = tpu.memref_squeeze %dma_start3A_131 : memref<1x128xi32, #tpu.memory_space<vmem>> -> memref<128xi32, #tpu.memory_space<vmem>>
    %dma_start3A_133 = tpu.memref_slice %arg3[%add3A_124] : memref<100000xi32, #tpu.memory_space<hbm>> -> memref<128xi32, #tpu.memory_space<hbm>>
    tpu.enqueue_dma source(%dma_start3A_133 : memref<128xi32, #tpu.memory_space<hbm>>) target(%dma_start3A_132 : memref<128xi32, #tpu.memory_space<vmem>>) target_semaphore(%arg16 : memref<!tpu.dma_semaphore, #tpu.memory_space<semaphore_mem>>)
    %mul3A_134 = arith.constant 256 : i32
    %mul3A_135 = arith.muli %add3A_109, %mul3A_134 : i32
    %dma_start3A_136 = arith.constant 0 : i32
    %dma_start3A_137 = tpu.memref_slice %arg2[%mul3A_135, %dma_start3A_136] : memref<100000x128xf32, #tpu.memory_space<hbm>> -> memref<256x128xf32, #tpu.memory_space<hbm>>
    %dma_start3A_138 = arith.constant 0 : i32
    %dma_start3A_139 = tpu.memref_slice %arg2[%mul3A_135, %dma_start3A_138] : memref<100000x128xf32, #tpu.memory_space<hbm>> -> memref<256x128xf32, #tpu.memory_space<hbm>>
    tpu.enqueue_dma source(%dma_start3A_139 : memref<256x128xf32, #tpu.memory_space<hbm>>) target(%arg7 : memref<256x128xf32, #tpu.memory_space<vmem>>) target_semaphore(%arg16 : memref<!tpu.dma_semaphore, #tpu.memory_space<semaphore_mem>>)
    %add3A_140 = arith.constant 64 : i32
    %add3A_141 = arith.addi %add3A, %add3A_140 : i32
    %mul3A_142 = arith.constant 256 : i32
    %mul3A_143 = arith.muli %add3A_141, %mul3A_142 : i32
    %dma_start3A_144 = arith.constant 0 : i32
    %dma_start3A_145 = arith.constant 0 : i32
    %dma_start3A_146 = tpu.memref_slice %arg11[%dma_start3A_144, %dma_start3A_145] : memref<2x128xi32, #tpu.memory_space<vmem>> -> memref<1x128xi32, #tpu.memory_space<vmem>>
    %dma_start3A_147 = tpu.memref_squeeze %dma_start3A_146 : memref<1x128xi32, #tpu.memory_space<vmem>> -> memref<128xi32, #tpu.memory_space<vmem>>
    %dma_start3A_148 = tpu.memref_slice %arg3[%mul3A_143] : memref<100000xi32, #tpu.memory_space<hbm>> -> memref<128xi32, #tpu.memory_space<hbm>>
    %dma_start3A_149 = arith.constant 0 : i32
    %dma_start3A_150 = tpu.memref_slice %arg11[%dma_start3A_144, %dma_start3A_149] : memref<2x128xi32, #tpu.memory_space<vmem>> -> memref<1x128xi32, #tpu.memory_space<vmem>>
    %dma_start3A_151 = tpu.memref_squeeze %dma_start3A_150 : memref<1x128xi32, #tpu.memory_space<vmem>> -> memref<128xi32, #tpu.memory_space<vmem>>
    %dma_start3A_152 = tpu.memref_slice %arg3[%mul3A_143] : memref<100000xi32, #tpu.memory_space<hbm>> -> memref<128xi32, #tpu.memory_space<hbm>>
    tpu.enqueue_dma source(%dma_start3A_152 : memref<128xi32, #tpu.memory_space<hbm>>) target(%dma_start3A_151 : memref<128xi32, #tpu.memory_space<vmem>>) target_semaphore(%arg17 : memref<!tpu.dma_semaphore, #tpu.memory_space<semaphore_mem>>)
    %mul3A_153 = arith.constant 256 : i32
    %mul3A_154 = arith.muli %add3A_141, %mul3A_153 : i32
    %add3A_155 = arith.constant 128 : i32
    %add3A_156 = arith.addi %mul3A_154, %add3A_155 : i32
    %dma_start3A_157 = arith.constant 1 : i32
    %dma_start3A_158 = arith.constant 0 : i32
    %dma_start3A_159 = tpu.memref_slice %arg11[%dma_start3A_157, %dma_start3A_158] : memref<2x128xi32, #tpu.memory_space<vmem>> -> memref<1x128xi32, #tpu.memory_space<vmem>>
    %dma_start3A_160 = tpu.memref_squeeze %dma_start3A_159 : memref<1x128xi32, #tpu.memory_space<vmem>> -> memref<128xi32, #tpu.memory_space<vmem>>
    %dma_start3A_161 = tpu.memref_slice %arg3[%add3A_156] : memref<100000xi32, #tpu.memory_space<hbm>> -> memref<128xi32, #tpu.memory_space<hbm>>
    %dma_start3A_162 = arith.constant 0 : i32
    %dma_start3A_163 = tpu.memref_slice %arg11[%dma_start3A_157, %dma_start3A_162] : memref<2x128xi32, #tpu.memory_space<vmem>> -> memref<1x128xi32, #tpu.memory_space<vmem>>
    %dma_start3A_164 = tpu.memref_squeeze %dma_start3A_163 : memref<1x128xi32, #tpu.memory_space<vmem>> -> memref<128xi32, #tpu.memory_space<vmem>>
    %dma_start3A_165 = tpu.memref_slice %arg3[%add3A_156] : memref<100000xi32, #tpu.memory_space<hbm>> -> memref<128xi32, #tpu.memory_space<hbm>>
    tpu.enqueue_dma source(%dma_start3A_165 : memref<128xi32, #tpu.memory_space<hbm>>) target(%dma_start3A_164 : memref<128xi32, #tpu.memory_space<vmem>>) target_semaphore(%arg17 : memref<!tpu.dma_semaphore, #tpu.memory_space<semaphore_mem>>)
    %mul3A_166 = arith.constant 256 : i32
    %mul3A_167 = arith.muli %add3A_141, %mul3A_166 : i32
    %dma_start3A_168 = arith.constant 0 : i32
    %dma_start3A_169 = tpu.memref_slice %arg2[%mul3A_167, %dma_start3A_168] : memref<100000x128xf32, #tpu.memory_space<hbm>> -> memref<256x128xf32, #tpu.memory_space<hbm>>
    %dma_start3A_170 = arith.constant 0 : i32
    %dma_start3A_171 = tpu.memref_slice %arg2[%mul3A_167, %dma_start3A_170] : memref<100000x128xf32, #tpu.memory_space<hbm>> -> memref<256x128xf32, #tpu.memory_space<hbm>>
    tpu.enqueue_dma source(%dma_start3A_171 : memref<256x128xf32, #tpu.memory_space<hbm>>) target(%arg8 : memref<256x128xf32, #tpu.memory_space<vmem>>) target_semaphore(%arg17 : memref<!tpu.dma_semaphore, #tpu.memory_space<semaphore_mem>>)
    %dma_wait3A = arith.constant 0 : i32
    %dma_wait3A_172 = arith.constant 0 : i32
    %dma_wait3A_173 = tpu.memref_slice %arg9[%dma_wait3A, %dma_wait3A_172] : memref<2x128xi32, #tpu.memory_space<vmem>> -> memref<1x128xi32, #tpu.memory_space<vmem>>
    %dma_wait3A_174 = tpu.memref_squeeze %dma_wait3A_173 : memref<1x128xi32, #tpu.memory_space<vmem>> -> memref<128xi32, #tpu.memory_space<vmem>>
    %dma_wait3A_175 = arith.constant 0 : i32
    %dma_wait3A_176 = tpu.memref_slice %arg3[%dma_wait3A_175] : memref<100000xi32, #tpu.memory_space<hbm>> -> memref<128xi32, #tpu.memory_space<hbm>>
    %dma_wait3A_177 = arith.constant 0 : i32
    %dma_wait3A_178 = tpu.memref_slice %arg9[%dma_wait3A, %dma_wait3A_177] : memref<2x128xi32, #tpu.memory_space<vmem>> -> memref<1x128xi32, #tpu.memory_space<vmem>>
    %dma_wait3A_179 = tpu.memref_squeeze %dma_wait3A_178 : memref<1x128xi32, #tpu.memory_space<vmem>> -> memref<128xi32, #tpu.memory_space<vmem>>
    %dma_wait3A_180 = arith.constant 0 : i32
    %dma_wait3A_181 = tpu.memref_slice %arg3[%dma_wait3A_180] : memref<100000xi32, #tpu.memory_space<hbm>> -> memref<128xi32, #tpu.memory_space<hbm>>
    tpu.wait_dma2 semaphore(%arg15 : memref<!tpu.dma_semaphore, #tpu.memory_space<semaphore_mem>>) src(%dma_wait3A_181 : memref<128xi32, #tpu.memory_space<hbm>>) dst(%dma_wait3A_179 : memref<128xi32, #tpu.memory_space<vmem>>)
    %dma_wait3A_182 = arith.constant 1 : i32
    %dma_wait3A_183 = arith.constant 0 : i32
    %dma_wait3A_184 = tpu.memref_slice %arg9[%dma_wait3A_182, %dma_wait3A_183] : memref<2x128xi32, #tpu.memory_space<vmem>> -> memref<1x128xi32, #tpu.memory_space<vmem>>
    %dma_wait3A_185 = tpu.memref_squeeze %dma_wait3A_184 : memref<1x128xi32, #tpu.memory_space<vmem>> -> memref<128xi32, #tpu.memory_space<vmem>>
    %dma_wait3A_186 = arith.constant 0 : i32
    %dma_wait3A_187 = tpu.memref_slice %arg3[%dma_wait3A_186] : memref<100000xi32, #tpu.memory_space<hbm>> -> memref<128xi32, #tpu.memory_space<hbm>>
    %dma_wait3A_188 = arith.constant 0 : i32
    %dma_wait3A_189 = tpu.memref_slice %arg9[%dma_wait3A_182, %dma_wait3A_188] : memref<2x128xi32, #tpu.memory_space<vmem>> -> memref<1x128xi32, #tpu.memory_space<vmem>>
    %dma_wait3A_190 = tpu.memref_squeeze %dma_wait3A_189 : memref<1x128xi32, #tpu.memory_space<vmem>> -> memref<128xi32, #tpu.memory_space<vmem>>
    %dma_wait3A_191 = arith.constant 0 : i32
    %dma_wait3A_192 = tpu.memref_slice %arg3[%dma_wait3A_191] : memref<100000xi32, #tpu.memory_space<hbm>> -> memref<128xi32, #tpu.memory_space<hbm>>
    tpu.wait_dma2 semaphore(%arg15 : memref<!tpu.dma_semaphore, #tpu.memory_space<semaphore_mem>>) src(%dma_wait3A_192 : memref<128xi32, #tpu.memory_space<hbm>>) dst(%dma_wait3A_190 : memref<128xi32, #tpu.memory_space<vmem>>)
    %dma_wait3A_193 = arith.constant 0 : i32
    %dma_wait3A_194 = arith.constant 0 : i32
    %dma_wait3A_195 = tpu.memref_slice %arg2[%dma_wait3A_193, %dma_wait3A_194] : memref<100000x128xf32, #tpu.memory_space<hbm>> -> memref<256x128xf32, #tpu.memory_space<hbm>>
    %dma_wait3A_196 = arith.constant 0 : i32
    %dma_wait3A_197 = arith.constant 0 : i32
    %dma_wait3A_198 = tpu.memref_slice %arg2[%dma_wait3A_196, %dma_wait3A_197] : memref<100000x128xf32, #tpu.memory_space<hbm>> -> memref<256x128xf32, #tpu.memory_space<hbm>>
    tpu.wait_dma2 semaphore(%arg15 : memref<!tpu.dma_semaphore, #tpu.memory_space<semaphore_mem>>) src(%dma_wait3A_198 : memref<256x128xf32, #tpu.memory_space<hbm>>) dst(%arg6 : memref<256x128xf32, #tpu.memory_space<vmem>>)
    %dma_start3A_199 = arith.constant 0 : i32
    %dma_start3A_200 = arith.constant 0 : i32
    %dma_start3A_201 = arith.constant 0 : i32
    %dma_start3A_202 = tpu.memref_slice %arg6[%dma_start3A_200, %dma_start3A_201] : memref<256x128xf32, #tpu.memory_space<vmem>> -> memref<128x128xf32, #tpu.memory_space<vmem>>
    %dma_start3A_203 = arith.constant 0 : i32
    %dma_start3A_204 = tpu.memref_slice %arg9[%dma_start3A_199, %dma_start3A_203] : memref<2x128xi32, #tpu.memory_space<vmem>> -> memref<1x128xi32, #tpu.memory_space<vmem>>
    %dma_start3A_205 = tpu.memref_squeeze %dma_start3A_204 : memref<1x128xi32, #tpu.memory_space<vmem>> -> memref<128xi32, #tpu.memory_space<vmem>>
    %dma_start3A_206 = arith.constant 0 : i32
    %dma_start3A_207 = arith.constant 0 : i32
    %dma_start3A_208 = tpu.memref_slice %arg14[%dma_start3A_206, %dma_start3A_207] : memref<512x128xf32, #tpu.memory_space<vmem_shared>> -> memref<512x128xf32, #tpu.memory_space<vmem_shared>>
    tpu.enqueue_indirect_dma source(%dma_start3A_202 : memref<128x128xf32, #tpu.memory_space<vmem>>) target(%dma_start3A_208 : memref<512x128xf32, #tpu.memory_space<vmem_shared>>) offsets(%dma_start3A_205 : memref<128xi32, #tpu.memory_space<vmem>>) semaphore(%arg18 : memref<!tpu.dma_semaphore, #tpu.memory_space<semaphore_mem>>) {add = true}
    %dma_start3A_209 = arith.constant 1 : i32
    %dma_start3A_210 = arith.constant 128 : i32
    %dma_start3A_211 = arith.constant 0 : i32
    %dma_start3A_212 = tpu.memref_slice %arg6[%dma_start3A_210, %dma_start3A_211] : memref<256x128xf32, #tpu.memory_space<vmem>> -> memref<128x128xf32, #tpu.memory_space<vmem>>
    %dma_start3A_213 = arith.constant 0 : i32
    %dma_start3A_214 = tpu.memref_slice %arg9[%dma_start3A_209, %dma_start3A_213] : memref<2x128xi32, #tpu.memory_space<vmem>> -> memref<1x128xi32, #tpu.memory_space<vmem>>
    %dma_start3A_215 = tpu.memref_squeeze %dma_start3A_214 : memref<1x128xi32, #tpu.memory_space<vmem>> -> memref<128xi32, #tpu.memory_space<vmem>>
    %dma_start3A_216 = arith.constant 0 : i32
    %dma_start3A_217 = arith.constant 0 : i32
    %dma_start3A_218 = tpu.memref_slice %arg14[%dma_start3A_216, %dma_start3A_217] : memref<512x128xf32, #tpu.memory_space<vmem_shared>> -> memref<512x128xf32, #tpu.memory_space<vmem_shared>>
    tpu.enqueue_indirect_dma source(%dma_start3A_212 : memref<128x128xf32, #tpu.memory_space<vmem>>) target(%dma_start3A_218 : memref<512x128xf32, #tpu.memory_space<vmem_shared>>) offsets(%dma_start3A_215 : memref<128xi32, #tpu.memory_space<vmem>>) semaphore(%arg18 : memref<!tpu.dma_semaphore, #tpu.memory_space<semaphore_mem>>) {add = true}
    %get3A = arith.constant 0 : i32
    %get3A_219 = arith.index_cast %get3A : i32 to index
    %get3A_220 = arith.constant 0 : index
    %get3A_221 = tpu.vector_load %arg9[%get3A_219, %get3A_220] {strides = array<i32>} : memref<2x128xi32, #tpu.memory_space<vmem>>, vector<16xi32>,
    tpu.vector_store_idx %arg13[%get3A_221], %broadcast_in_dim3A_3 {add = true} : memref<512xf32, #tpu.memory_space<vmem>>[vector<16xi32>], vector<16xf32>,
    %get3A_222 = arith.constant 0 : i32
    %get3A_223 = arith.index_cast %get3A_222 : i32 to index
    %get3A_224 = arith.constant 16 : index
    %get3A_225 = tpu.vector_load %arg9[%get3A_223, %get3A_224] {strides = array<i32>} : memref<2x128xi32, #tpu.memory_space<vmem>>, vector<16xi32>,
    tpu.vector_store_idx %arg13[%get3A_225], %broadcast_in_dim3A_3 {add = true} : memref<512xf32, #tpu.memory_space<vmem>>[vector<16xi32>], vector<16xf32>,
    %get3A_226 = arith.constant 0 : i32
    %get3A_227 = arith.index_cast %get3A_226 : i32 to index
    %get3A_228 = arith.constant 32 : index
    %get3A_229 = tpu.vector_load %arg9[%get3A_227, %get3A_228] {strides = array<i32>} : memref<2x128xi32, #tpu.memory_space<vmem>>, vector<16xi32>,
    tpu.vector_store_idx %arg13[%get3A_229], %broadcast_in_dim3A_3 {add = true} : memref<512xf32, #tpu.memory_space<vmem>>[vector<16xi32>], vector<16xf32>,
    %get3A_230 = arith.constant 0 : i32
    %get3A_231 = arith.index_cast %get3A_230 : i32 to index
    %get3A_232 = arith.constant 48 : index
    %get3A_233 = tpu.vector_load %arg9[%get3A_231, %get3A_232] {strides = array<i32>} : memref<2x128xi32, #tpu.memory_space<vmem>>, vector<16xi32>,
    tpu.vector_store_idx %arg13[%get3A_233], %broadcast_in_dim3A_3 {add = true} : memref<512xf32, #tpu.memory_space<vmem>>[vector<16xi32>], vector<16xf32>,
    %get3A_234 = arith.constant 0 : i32
    %get3A_235 = arith.index_cast %get3A_234 : i32 to index
    %get3A_236 = arith.constant 64 : index
    %get3A_237 = tpu.vector_load %arg9[%get3A_235, %get3A_236] {strides = array<i32>} : memref<2x128xi32, #tpu.memory_space<vmem>>, vector<16xi32>,
    tpu.vector_store_idx %arg13[%get3A_237], %broadcast_in_dim3A_3 {add = true} : memref<512xf32, #tpu.memory_space<vmem>>[vector<16xi32>], vector<16xf32>,
    %get3A_238 = arith.constant 0 : i32
    %get3A_239 = arith.index_cast %get3A_238 : i32 to index
    %get3A_240 = arith.constant 80 : index
    %get3A_241 = tpu.vector_load %arg9[%get3A_239, %get3A_240] {strides = array<i32>} : memref<2x128xi32, #tpu.memory_space<vmem>>, vector<16xi32>,
    tpu.vector_store_idx %arg13[%get3A_241], %broadcast_in_dim3A_3 {add = true} : memref<512xf32, #tpu.memory_space<vmem>>[vector<16xi32>], vector<16xf32>,
    %get3A_242 = arith.constant 0 : i32
    %get3A_243 = arith.index_cast %get3A_242 : i32 to index
    %get3A_244 = arith.constant 96 : index
    %get3A_245 = tpu.vector_load %arg9[%get3A_243, %get3A_244] {strides = array<i32>} : memref<2x128xi32, #tpu.memory_space<vmem>>, vector<16xi32>,
    tpu.vector_store_idx %arg13[%get3A_245], %broadcast_in_dim3A_3 {add = true} : memref<512xf32, #tpu.memory_space<vmem>>[vector<16xi32>], vector<16xf32>,
    %get3A_246 = arith.constant 0 : i32
    %get3A_247 = arith.index_cast %get3A_246 : i32 to index
    %get3A_248 = arith.constant 112 : index
    %get3A_249 = tpu.vector_load %arg9[%get3A_247, %get3A_248] {strides = array<i32>} : memref<2x128xi32, #tpu.memory_space<vmem>>, vector<16xi32>,
    tpu.vector_store_idx %arg13[%get3A_249], %broadcast_in_dim3A_3 {add = true} : memref<512xf32, #tpu.memory_space<vmem>>[vector<16xi32>], vector<16xf32>,
    %get3A_250 = arith.constant 1 : i32
    %get3A_251 = arith.index_cast %get3A_250 : i32 to index
    %get3A_252 = arith.constant 0 : index
    %get3A_253 = tpu.vector_load %arg9[%get3A_251, %get3A_252] {strides = array<i32>} : memref<2x128xi32, #tpu.memory_space<vmem>>, vector<16xi32>,
    tpu.vector_store_idx %arg13[%get3A_253], %broadcast_in_dim3A_3 {add = true} : memref<512xf32, #tpu.memory_space<vmem>>[vector<16xi32>], vector<16xf32>,
    %get3A_254 = arith.constant 1 : i32
    %get3A_255 = arith.index_cast %get3A_254 : i32 to index
    %get3A_256 = arith.constant 16 : index
    %get3A_257 = tpu.vector_load %arg9[%get3A_255, %get3A_256] {strides = array<i32>} : memref<2x128xi32, #tpu.memory_space<vmem>>, vector<16xi32>,
    tpu.vector_store_idx %arg13[%get3A_257], %broadcast_in_dim3A_3 {add = true} : memref<512xf32, #tpu.memory_space<vmem>>[vector<16xi32>], vector<16xf32>,
    %get3A_258 = arith.constant 1 : i32
    %get3A_259 = arith.index_cast %get3A_258 : i32 to index
    %get3A_260 = arith.constant 32 : index
    %get3A_261 = tpu.vector_load %arg9[%get3A_259, %get3A_260] {strides = array<i32>} : memref<2x128xi32, #tpu.memory_space<vmem>>, vector<16xi32>,
    tpu.vector_store_idx %arg13[%get3A_261], %broadcast_in_dim3A_3 {add = true} : memref<512xf32, #tpu.memory_space<vmem>>[vector<16xi32>], vector<16xf32>,
    %get3A_262 = arith.constant 1 : i32
    %get3A_263 = arith.index_cast %get3A_262 : i32 to index
    %get3A_264 = arith.constant 48 : index
    %get3A_265 = tpu.vector_load %arg9[%get3A_263, %get3A_264] {strides = array<i32>} : memref<2x128xi32, #tpu.memory_space<vmem>>, vector<16xi32>,
    tpu.vector_store_idx %arg13[%get3A_265], %broadcast_in_dim3A_3 {add = true} : memref<512xf32, #tpu.memory_space<vmem>>[vector<16xi32>], vector<16xf32>,
    %get3A_266 = arith.constant 1 : i32
    %get3A_267 = arith.index_cast %get3A_266 : i32 to index
    %get3A_268 = arith.constant 64 : index
    %get3A_269 = tpu.vector_load %arg9[%get3A_267, %get3A_268] {strides = array<i32>} : memref<2x128xi32, #tpu.memory_space<vmem>>, vector<16xi32>,
    tpu.vector_store_idx %arg13[%get3A_269], %broadcast_in_dim3A_3 {add = true} : memref<512xf32, #tpu.memory_space<vmem>>[vector<16xi32>], vector<16xf32>,
    %get3A_270 = arith.constant 1 : i32
    %get3A_271 = arith.index_cast %get3A_270 : i32 to index
    %get3A_272 = arith.constant 80 : index
    %get3A_273 = tpu.vector_load %arg9[%get3A_271, %get3A_272] {strides = array<i32>} : memref<2x128xi32, #tpu.memory_space<vmem>>, vector<16xi32>,
    tpu.vector_store_idx %arg13[%get3A_273], %broadcast_in_dim3A_3 {add = true} : memref<512xf32, #tpu.memory_space<vmem>>[vector<16xi32>], vector<16xf32>,
    %get3A_274 = arith.constant 1 : i32
    %get3A_275 = arith.index_cast %get3A_274 : i32 to index
    %get3A_276 = arith.constant 96 : index
    %get3A_277 = tpu.vector_load %arg9[%get3A_275, %get3A_276] {strides = array<i32>} : memref<2x128xi32, #tpu.memory_space<vmem>>, vector<16xi32>,
    tpu.vector_store_idx %arg13[%get3A_277], %broadcast_in_dim3A_3 {add = true} : memref<512xf32, #tpu.memory_space<vmem>>[vector<16xi32>], vector<16xf32>,
    %get3A_278 = arith.constant 1 : i32
    %get3A_279 = arith.index_cast %get3A_278 : i32 to index
    %get3A_280 = arith.constant 112 : index
    %get3A_281 = tpu.vector_load %arg9[%get3A_279, %get3A_280] {strides = array<i32>} : memref<2x128xi32, #tpu.memory_space<vmem>>, vector<16xi32>,
    tpu.vector_store_idx %arg13[%get3A_281], %broadcast_in_dim3A_3 {add = true} : memref<512xf32, #tpu.memory_space<vmem>>[vector<16xi32>], vector<16xf32>,
    %dma_wait3A_282 = arith.constant 0 : i32
    %dma_wait3A_283 = arith.constant 0 : i32
    %dma_wait3A_284 = arith.constant 0 : i32
    %dma_wait3A_285 = tpu.memref_slice %arg6[%dma_wait3A_283, %dma_wait3A_284] : memref<256x128xf32, #tpu.memory_space<vmem>> -> memref<128x128xf32, #tpu.memory_space<vmem>>
    %dma_wait3A_286 = arith.constant 0 : i32
    %dma_wait3A_287 = tpu.memref_slice %arg9[%dma_wait3A_282, %dma_wait3A_286] : memref<2x128xi32, #tpu.memory_space<vmem>> -> memref<1x128xi32, #tpu.memory_space<vmem>>
    %dma_wait3A_288 = tpu.memref_squeeze %dma_wait3A_287 : memref<1x128xi32, #tpu.memory_space<vmem>> -> memref<128xi32, #tpu.memory_space<vmem>>
    %dma_wait3A_289 = arith.constant 0 : i32
    %dma_wait3A_290 = arith.constant 0 : i32
    %dma_wait3A_291 = tpu.memref_slice %arg14[%dma_wait3A_289, %dma_wait3A_290] : memref<512x128xf32, #tpu.memory_space<vmem_shared>> -> memref<512x128xf32, #tpu.memory_space<vmem_shared>>
    tpu.wait_indirect_dma semaphore(%arg18 : memref<!tpu.dma_semaphore, #tpu.memory_space<semaphore_mem>>) src(%dma_wait3A_285 : memref<128x128xf32, #tpu.memory_space<vmem>>) dst(%dma_wait3A_291 : memref<512x128xf32, #tpu.memory_space<vmem_shared>>)
    %dma_wait3A_292 = arith.constant 1 : i32
    %dma_wait3A_293 = arith.constant 128 : i32
    %dma_wait3A_294 = arith.constant 0 : i32
    %dma_wait3A_295 = tpu.memref_slice %arg6[%dma_wait3A_293, %dma_wait3A_294] : memref<256x128xf32, #tpu.memory_space<vmem>> -> memref<128x128xf32, #tpu.memory_space<vmem>>
    %dma_wait3A_296 = arith.constant 0 : i32
    %dma_wait3A_297 = tpu.memref_slice %arg9[%dma_wait3A_292, %dma_wait3A_296] : memref<2x128xi32, #tpu.memory_space<vmem>> -> memref<1x128xi32, #tpu.memory_space<vmem>>
    %dma_wait3A_298 = tpu.memref_squeeze %dma_wait3A_297 : memref<1x128xi32, #tpu.memory_space<vmem>> -> memref<128xi32, #tpu.memory_space<vmem>>
    %dma_wait3A_299 = arith.constant 0 : i32
    %dma_wait3A_300 = arith.constant 0 : i32
    %dma_wait3A_301 = tpu.memref_slice %arg14[%dma_wait3A_299, %dma_wait3A_300] : memref<512x128xf32, #tpu.memory_space<vmem_shared>> -> memref<512x128xf32, #tpu.memory_space<vmem_shared>>
    tpu.wait_indirect_dma semaphore(%arg18 : memref<!tpu.dma_semaphore, #tpu.memory_space<semaphore_mem>>) src(%dma_wait3A_295 : memref<128x128xf32, #tpu.memory_space<vmem>>) dst(%dma_wait3A_301 : memref<512x128xf32, #tpu.memory_space<vmem_shared>>)
    %add3A_302 = arith.constant 96 : i32
    %add3A_303 = arith.addi %add3A, %add3A_302 : i32
    %mul3A_304 = arith.constant 256 : i32
    %mul3A_305 = arith.muli %add3A_303, %mul3A_304 : i32
    %dma_start3A_306 = arith.constant 0 : i32
    %dma_start3A_307 = arith.constant 0 : i32
    %dma_start3A_308 = tpu.memref_slice %arg9[%dma_start3A_306, %dma_start3A_307] : memref<2x128xi32, #tpu.memory_space<vmem>> -> memref<1x128xi32, #tpu.memory_space<vmem>>
    %dma_start3A_309 = tpu.memref_squeeze %dma_start3A_308 : memref<1x128xi32, #tpu.memory_space<vmem>> -> memref<128xi32, #tpu.memory_space<vmem>>
    %dma_start3A_310 = tpu.memref_slice %arg3[%mul3A_305] : memref<100000xi32, #tpu.memory_space<hbm>> -> memref<128xi32, #tpu.memory_space<hbm>>
    %dma_start3A_311 = arith.constant 0 : i32
    %dma_start3A_312 = tpu.memref_slice %arg9[%dma_start3A_306, %dma_start3A_311] : memref<2x128xi32, #tpu.memory_space<vmem>> -> memref<1x128xi32, #tpu.memory_space<vmem>>
    %dma_start3A_313 = tpu.memref_squeeze %dma_start3A_312 : memref<1x128xi32, #tpu.memory_space<vmem>> -> memref<128xi32, #tpu.memory_space<vmem>>
    %dma_start3A_314 = tpu.memref_slice %arg3[%mul3A_305] : memref<100000xi32, #tpu.memory_space<hbm>> -> memref<128xi32, #tpu.memory_space<hbm>>
    tpu.enqueue_dma source(%dma_start3A_314 : memref<128xi32, #tpu.memory_space<hbm>>) target(%dma_start3A_313 : memref<128xi32, #tpu.memory_space<vmem>>) target_semaphore(%arg15 : memref<!tpu.dma_semaphore, #tpu.memory_space<semaphore_mem>>)
    %mul3A_315 = arith.constant 256 : i32
    %mul3A_316 = arith.muli %add3A_303, %mul3A_315 : i32
    %add3A_317 = arith.constant 128 : i32
    %add3A_318 = arith.addi %mul3A_316, %add3A_317 : i32
    %dma_start3A_319 = arith.constant 1 : i32
    %dma_start3A_320 = arith.constant 0 : i32
    %dma_start3A_321 = tpu.memref_slice %arg9[%dma_start3A_319, %dma_start3A_320] : memref<2x128xi32, #tpu.memory_space<vmem>> -> memref<1x128xi32, #tpu.memory_space<vmem>>
    %dma_start3A_322 = tpu.memref_squeeze %dma_start3A_321 : memref<1x128xi32, #tpu.memory_space<vmem>> -> memref<128xi32, #tpu.memory_space<vmem>>
    %dma_start3A_323 = tpu.memref_slice %arg3[%add3A_318] : memref<100000xi32, #tpu.memory_space<hbm>> -> memref<128xi32, #tpu.memory_space<hbm>>
    %dma_start3A_324 = arith.constant 0 : i32
    %dma_start3A_325 = tpu.memref_slice %arg9[%dma_start3A_319, %dma_start3A_324] : memref<2x128xi32, #tpu.memory_space<vmem>> -> memref<1x128xi32, #tpu.memory_space<vmem>>
    %dma_start3A_326 = tpu.memref_squeeze %dma_start3A_325 : memref<1x128xi32, #tpu.memory_space<vmem>> -> memref<128xi32, #tpu.memory_space<vmem>>
    %dma_start3A_327 = tpu.memref_slice %arg3[%add3A_318] : memref<100000xi32, #tpu.memory_space<hbm>> -> memref<128xi32, #tpu.memory_space<hbm>>
    tpu.enqueue_dma source(%dma_start3A_327 : memref<128xi32, #tpu.memory_space<hbm>>) target(%dma_start3A_326 : memref<128xi32, #tpu.memory_space<vmem>>) target_semaphore(%arg15 : memref<!tpu.dma_semaphore, #tpu.memory_space<semaphore_mem>>)
    %mul3A_328 = arith.constant 256 : i32
    %mul3A_329 = arith.muli %add3A_303, %mul3A_328 : i32
    %dma_start3A_330 = arith.constant 0 : i32
    %dma_start3A_331 = tpu.memref_slice %arg2[%mul3A_329, %dma_start3A_330] : memref<100000x128xf32, #tpu.memory_space<hbm>> -> memref<256x128xf32, #tpu.memory_space<hbm>>
    %dma_start3A_332 = arith.constant 0 : i32
    %dma_start3A_333 = tpu.memref_slice %arg2[%mul3A_329, %dma_start3A_332] : memref<100000x128xf32, #tpu.memory_space<hbm>> -> memref<256x128xf32, #tpu.memory_space<hbm>>
    tpu.enqueue_dma source(%dma_start3A_333 : memref<256x128xf32, #tpu.memory_space<hbm>>) target(%arg6 : memref<256x128xf32, #tpu.memory_space<vmem>>) target_semaphore(%arg15 : memref<!tpu.dma_semaphore, #tpu.memory_space<semaphore_mem>>)
    %dma_wait3A_334 = arith.constant 0 : i32
    %dma_wait3A_335 = arith.constant 0 : i32
    %dma_wait3A_336 = tpu.memref_slice %arg10[%dma_wait3A_334, %dma_wait3A_335] : memref<2x128xi32, #tpu.memory_space<vmem>> -> memref<1x128xi32, #tpu.memory_space<vmem>>
    %dma_wait3A_337 = tpu.memref_squeeze %dma_wait3A_336 : memref<1x128xi32, #tpu.memory_space<vmem>> -> memref<128xi32, #tpu.memory_space<vmem>>
    %dma_wait3A_338 = arith.constant 0 : i32
    %dma_wait3A_339 = tpu.memref_slice %arg3[%dma_wait3A_338] : memref<100000xi32, #tpu.memory_space<hbm>> -> memref<128xi32, #tpu.memory_space<hbm>>
    %dma_wait3A_340 = arith.constant 0 : i32
    %dma_wait3A_341 = tpu.memref_slice %arg10[%dma_wait3A_334, %dma_wait3A_340] : memref<2x128xi32, #tpu.memory_space<vmem>> -> memref<1x128xi32, #tpu.memory_space<vmem>>
    %dma_wait3A_342 = tpu.memref_squeeze %dma_wait3A_341 : memref<1x128xi32, #tpu.memory_space<vmem>> -> memref<128xi32, #tpu.memory_space<vmem>>
    %dma_wait3A_343 = arith.constant 0 : i32
    %dma_wait3A_344 = tpu.memref_slice %arg3[%dma_wait3A_343] : memref<100000xi32, #tpu.memory_space<hbm>> -> memref<128xi32, #tpu.memory_space<hbm>>
    tpu.wait_dma2 semaphore(%arg16 : memref<!tpu.dma_semaphore, #tpu.memory_space<semaphore_mem>>) src(%dma_wait3A_344 : memref<128xi32, #tpu.memory_space<hbm>>) dst(%dma_wait3A_342 : memref<128xi32, #tpu.memory_space<vmem>>)
    %dma_wait3A_345 = arith.constant 1 : i32
    %dma_wait3A_346 = arith.constant 0 : i32
    %dma_wait3A_347 = tpu.memref_slice %arg10[%dma_wait3A_345, %dma_wait3A_346] : memref<2x128xi32, #tpu.memory_space<vmem>> -> memref<1x128xi32, #tpu.memory_space<vmem>>
    %dma_wait3A_348 = tpu.memref_squeeze %dma_wait3A_347 : memref<1x128xi32, #tpu.memory_space<vmem>> -> memref<128xi32, #tpu.memory_space<vmem>>
    %dma_wait3A_349 = arith.constant 0 : i32
    %dma_wait3A_350 = tpu.memref_slice %arg3[%dma_wait3A_349] : memref<100000xi32, #tpu.memory_space<hbm>> -> memref<128xi32, #tpu.memory_space<hbm>>
    %dma_wait3A_351 = arith.constant 0 : i32
    %dma_wait3A_352 = tpu.memref_slice %arg10[%dma_wait3A_345, %dma_wait3A_351] : memref<2x128xi32, #tpu.memory_space<vmem>> -> memref<1x128xi32, #tpu.memory_space<vmem>>
    %dma_wait3A_353 = tpu.memref_squeeze %dma_wait3A_352 : memref<1x128xi32, #tpu.memory_space<vmem>> -> memref<128xi32, #tpu.memory_space<vmem>>
    %dma_wait3A_354 = arith.constant 0 : i32
    %dma_wait3A_355 = tpu.memref_slice %arg3[%dma_wait3A_354] : memref<100000xi32, #tpu.memory_space<hbm>> -> memref<128xi32, #tpu.memory_space<hbm>>
    tpu.wait_dma2 semaphore(%arg16 : memref<!tpu.dma_semaphore, #tpu.memory_space<semaphore_mem>>) src(%dma_wait3A_355 : memref<128xi32, #tpu.memory_space<hbm>>) dst(%dma_wait3A_353 : memref<128xi32, #tpu.memory_space<vmem>>)
    %dma_wait3A_356 = arith.constant 0 : i32
    %dma_wait3A_357 = arith.constant 0 : i32
    %dma_wait3A_358 = tpu.memref_slice %arg2[%dma_wait3A_356, %dma_wait3A_357] : memref<100000x128xf32, #tpu.memory_space<hbm>> -> memref<256x128xf32, #tpu.memory_space<hbm>>
    %dma_wait3A_359 = arith.constant 0 : i32
    %dma_wait3A_360 = arith.constant 0 : i32
    %dma_wait3A_361 = tpu.memref_slice %arg2[%dma_wait3A_359, %dma_wait3A_360] : memref<100000x128xf32, #tpu.memory_space<hbm>> -> memref<256x128xf32, #tpu.memory_space<hbm>>
    tpu.wait_dma2 semaphore(%arg16 : memref<!tpu.dma_semaphore, #tpu.memory_space<semaphore_mem>>) src(%dma_wait3A_361 : memref<256x128xf32, #tpu.memory_space<hbm>>) dst(%arg7 : memref<256x128xf32, #tpu.memory_space<vmem>>)
    %dma_start3A_362 = arith.constant 0 : i32
    %dma_start3A_363 = arith.constant 0 : i32
    %dma_start3A_364 = arith.constant 0 : i32
    %dma_start3A_365 = tpu.memref_slice %arg7[%dma_start3A_363, %dma_start3A_364] : memref<256x128xf32, #tpu.memory_space<vmem>> -> memref<128x128xf32, #tpu.memory_space<vmem>>
    %dma_start3A_366 = arith.constant 0 : i32
    %dma_start3A_367 = tpu.memref_slice %arg10[%dma_start3A_362, %dma_start3A_366] : memref<2x128xi32, #tpu.memory_space<vmem>> -> memref<1x128xi32, #tpu.memory_space<vmem>>
    %dma_start3A_368 = tpu.memref_squeeze %dma_start3A_367 : memref<1x128xi32, #tpu.memory_space<vmem>> -> memref<128xi32, #tpu.memory_space<vmem>>
    %dma_start3A_369 = arith.constant 0 : i32
    %dma_start3A_370 = arith.constant 0 : i32
    %dma_start3A_371 = tpu.memref_slice %arg14[%dma_start3A_369, %dma_start3A_370] : memref<512x128xf32, #tpu.memory_space<vmem_shared>> -> memref<512x128xf32, #tpu.memory_space<vmem_shared>>
    tpu.enqueue_indirect_dma source(%dma_start3A_365 : memref<128x128xf32, #tpu.memory_space<vmem>>) target(%dma_start3A_371 : memref<512x128xf32, #tpu.memory_space<vmem_shared>>) offsets(%dma_start3A_368 : memref<128xi32, #tpu.memory_space<vmem>>) semaphore(%arg19 : memref<!tpu.dma_semaphore, #tpu.memory_space<semaphore_mem>>) {add = true}
    %dma_start3A_372 = arith.constant 1 : i32
    %dma_start3A_373 = arith.constant 128 : i32
    %dma_start3A_374 = arith.constant 0 : i32
    %dma_start3A_375 = tpu.memref_slice %arg7[%dma_start3A_373, %dma_start3A_374] : memref<256x128xf32, #tpu.memory_space<vmem>> -> memref<128x128xf32, #tpu.memory_space<vmem>>
    %dma_start3A_376 = arith.constant 0 : i32
    %dma_start3A_377 = tpu.memref_slice %arg10[%dma_start3A_372, %dma_start3A_376] : memref<2x128xi32, #tpu.memory_space<vmem>> -> memref<1x128xi32, #tpu.memory_space<vmem>>
    %dma_start3A_378 = tpu.memref_squeeze %dma_start3A_377 : memref<1x128xi32, #tpu.memory_space<vmem>> -> memref<128xi32, #tpu.memory_space<vmem>>
    %dma_start3A_379 = arith.constant 0 : i32
    %dma_start3A_380 = arith.constant 0 : i32
    %dma_start3A_381 = tpu.memref_slice %arg14[%dma_start3A_379, %dma_start3A_380] : memref<512x128xf32, #tpu.memory_space<vmem_shared>> -> memref<512x128xf32, #tpu.memory_space<vmem_shared>>
    tpu.enqueue_indirect_dma source(%dma_start3A_375 : memref<128x128xf32, #tpu.memory_space<vmem>>) target(%dma_start3A_381 : memref<512x128xf32, #tpu.memory_space<vmem_shared>>) offsets(%dma_start3A_378 : memref<128xi32, #tpu.memory_space<vmem>>) semaphore(%arg19 : memref<!tpu.dma_semaphore, #tpu.memory_space<semaphore_mem>>) {add = true}
    %get3A_382 = arith.constant 0 : i32
    %get3A_383 = arith.index_cast %get3A_382 : i32 to index
    %get3A_384 = arith.constant 0 : index
    %get3A_385 = tpu.vector_load %arg10[%get3A_383, %get3A_384] {strides = array<i32>} : memref<2x128xi32, #tpu.memory_space<vmem>>, vector<16xi32>,
    tpu.vector_store_idx %arg13[%get3A_385], %broadcast_in_dim3A_3 {add = true} : memref<512xf32, #tpu.memory_space<vmem>>[vector<16xi32>], vector<16xf32>,
    %get3A_386 = arith.constant 0 : i32
    %get3A_387 = arith.index_cast %get3A_386 : i32 to index
    %get3A_388 = arith.constant 16 : index
    %get3A_389 = tpu.vector_load %arg10[%get3A_387, %get3A_388] {strides = array<i32>} : memref<2x128xi32, #tpu.memory_space<vmem>>, vector<16xi32>,
    tpu.vector_store_idx %arg13[%get3A_389], %broadcast_in_dim3A_3 {add = true} : memref<512xf32, #tpu.memory_space<vmem>>[vector<16xi32>], vector<16xf32>,
    %get3A_390 = arith.constant 0 : i32
    %get3A_391 = arith.index_cast %get3A_390 : i32 to index
    %get3A_392 = arith.constant 32 : index
    %get3A_393 = tpu.vector_load %arg10[%get3A_391, %get3A_392] {strides = array<i32>} : memref<2x128xi32, #tpu.memory_space<vmem>>, vector<16xi32>,
    tpu.vector_store_idx %arg13[%get3A_393], %broadcast_in_dim3A_3 {add = true} : memref<512xf32, #tpu.memory_space<vmem>>[vector<16xi32>], vector<16xf32>,
    %get3A_394 = arith.constant 0 : i32
    %get3A_395 = arith.index_cast %get3A_394 : i32 to index
    %get3A_396 = arith.constant 48 : index
    %get3A_397 = tpu.vector_load %arg10[%get3A_395, %get3A_396] {strides = array<i32>} : memref<2x128xi32, #tpu.memory_space<vmem>>, vector<16xi32>,
    tpu.vector_store_idx %arg13[%get3A_397], %broadcast_in_dim3A_3 {add = true} : memref<512xf32, #tpu.memory_space<vmem>>[vector<16xi32>], vector<16xf32>,
    %get3A_398 = arith.constant 0 : i32
    %get3A_399 = arith.index_cast %get3A_398 : i32 to index
    %get3A_400 = arith.constant 64 : index
    %get3A_401 = tpu.vector_load %arg10[%get3A_399, %get3A_400] {strides = array<i32>} : memref<2x128xi32, #tpu.memory_space<vmem>>, vector<16xi32>,
    tpu.vector_store_idx %arg13[%get3A_401], %broadcast_in_dim3A_3 {add = true} : memref<512xf32, #tpu.memory_space<vmem>>[vector<16xi32>], vector<16xf32>,
    %get3A_402 = arith.constant 0 : i32
    %get3A_403 = arith.index_cast %get3A_402 : i32 to index
    %get3A_404 = arith.constant 80 : index
    %get3A_405 = tpu.vector_load %arg10[%get3A_403, %get3A_404] {strides = array<i32>} : memref<2x128xi32, #tpu.memory_space<vmem>>, vector<16xi32>,
    tpu.vector_store_idx %arg13[%get3A_405], %broadcast_in_dim3A_3 {add = true} : memref<512xf32, #tpu.memory_space<vmem>>[vector<16xi32>], vector<16xf32>,
    %get3A_406 = arith.constant 0 : i32
    %get3A_407 = arith.index_cast %get3A_406 : i32 to index
    %get3A_408 = arith.constant 96 : index
    %get3A_409 = tpu.vector_load %arg10[%get3A_407, %get3A_408] {strides = array<i32>} : memref<2x128xi32, #tpu.memory_space<vmem>>, vector<16xi32>,
    tpu.vector_store_idx %arg13[%get3A_409], %broadcast_in_dim3A_3 {add = true} : memref<512xf32, #tpu.memory_space<vmem>>[vector<16xi32>], vector<16xf32>,
    %get3A_410 = arith.constant 0 : i32
    %get3A_411 = arith.index_cast %get3A_410 : i32 to index
    %get3A_412 = arith.constant 112 : index
    %get3A_413 = tpu.vector_load %arg10[%get3A_411, %get3A_412] {strides = array<i32>} : memref<2x128xi32, #tpu.memory_space<vmem>>, vector<16xi32>,
    tpu.vector_store_idx %arg13[%get3A_413], %broadcast_in_dim3A_3 {add = true} : memref<512xf32, #tpu.memory_space<vmem>>[vector<16xi32>], vector<16xf32>,
    %get3A_414 = arith.constant 1 : i32
    %get3A_415 = arith.index_cast %get3A_414 : i32 to index
    %get3A_416 = arith.constant 0 : index
    %get3A_417 = tpu.vector_load %arg10[%get3A_415, %get3A_416] {strides = array<i32>} : memref<2x128xi32, #tpu.memory_space<vmem>>, vector<16xi32>,
    tpu.vector_store_idx %arg13[%get3A_417], %broadcast_in_dim3A_3 {add = true} : memref<512xf32, #tpu.memory_space<vmem>>[vector<16xi32>], vector<16xf32>,
    %get3A_418 = arith.constant 1 : i32
    %get3A_419 = arith.index_cast %get3A_418 : i32 to index
    %get3A_420 = arith.constant 16 : index
    %get3A_421 = tpu.vector_load %arg10[%get3A_419, %get3A_420] {strides = array<i32>} : memref<2x128xi32, #tpu.memory_space<vmem>>, vector<16xi32>,
    tpu.vector_store_idx %arg13[%get3A_421], %broadcast_in_dim3A_3 {add = true} : memref<512xf32, #tpu.memory_space<vmem>>[vector<16xi32>], vector<16xf32>,
    %get3A_422 = arith.constant 1 : i32
    %get3A_423 = arith.index_cast %get3A_422 : i32 to index
    %get3A_424 = arith.constant 32 : index
    %get3A_425 = tpu.vector_load %arg10[%get3A_423, %get3A_424] {strides = array<i32>} : memref<2x128xi32, #tpu.memory_space<vmem>>, vector<16xi32>,
    tpu.vector_store_idx %arg13[%get3A_425], %broadcast_in_dim3A_3 {add = true} : memref<512xf32, #tpu.memory_space<vmem>>[vector<16xi32>], vector<16xf32>,
    %get3A_426 = arith.constant 1 : i32
    %get3A_427 = arith.index_cast %get3A_426 : i32 to index
    %get3A_428 = arith.constant 48 : index
    %get3A_429 = tpu.vector_load %arg10[%get3A_427, %get3A_428] {strides = array<i32>} : memref<2x128xi32, #tpu.memory_space<vmem>>, vector<16xi32>,
    tpu.vector_store_idx %arg13[%get3A_429], %broadcast_in_dim3A_3 {add = true} : memref<512xf32, #tpu.memory_space<vmem>>[vector<16xi32>], vector<16xf32>,
    %get3A_430 = arith.constant 1 : i32
    %get3A_431 = arith.index_cast %get3A_430 : i32 to index
    %get3A_432 = arith.constant 64 : index
    %get3A_433 = tpu.vector_load %arg10[%get3A_431, %get3A_432] {strides = array<i32>} : memref<2x128xi32, #tpu.memory_space<vmem>>, vector<16xi32>,
    tpu.vector_store_idx %arg13[%get3A_433], %broadcast_in_dim3A_3 {add = true} : memref<512xf32, #tpu.memory_space<vmem>>[vector<16xi32>], vector<16xf32>,
    %get3A_434 = arith.constant 1 : i32
    %get3A_435 = arith.index_cast %get3A_434 : i32 to index
    %get3A_436 = arith.constant 80 : index
    %get3A_437 = tpu.vector_load %arg10[%get3A_435, %get3A_436] {strides = array<i32>} : memref<2x128xi32, #tpu.memory_space<vmem>>, vector<16xi32>,
    tpu.vector_store_idx %arg13[%get3A_437], %broadcast_in_dim3A_3 {add = true} : memref<512xf32, #tpu.memory_space<vmem>>[vector<16xi32>], vector<16xf32>,
    %get3A_438 = arith.constant 1 : i32
    %get3A_439 = arith.index_cast %get3A_438 : i32 to index
    %get3A_440 = arith.constant 96 : index
    %get3A_441 = tpu.vector_load %arg10[%get3A_439, %get3A_440] {strides = array<i32>} : memref<2x128xi32, #tpu.memory_space<vmem>>, vector<16xi32>,
    tpu.vector_store_idx %arg13[%get3A_441], %broadcast_in_dim3A_3 {add = true} : memref<512xf32, #tpu.memory_space<vmem>>[vector<16xi32>], vector<16xf32>,
    %get3A_442 = arith.constant 1 : i32
    %get3A_443 = arith.index_cast %get3A_442 : i32 to index
    %get3A_444 = arith.constant 112 : index
    %get3A_445 = tpu.vector_load %arg10[%get3A_443, %get3A_444] {strides = array<i32>} : memref<2x128xi32, #tpu.memory_space<vmem>>, vector<16xi32>,
    tpu.vector_store_idx %arg13[%get3A_445], %broadcast_in_dim3A_3 {add = true} : memref<512xf32, #tpu.memory_space<vmem>>[vector<16xi32>], vector<16xf32>,
    %dma_wait3A_446 = arith.constant 0 : i32
    %dma_wait3A_447 = arith.constant 0 : i32
    %dma_wait3A_448 = arith.constant 0 : i32
    %dma_wait3A_449 = tpu.memref_slice %arg7[%dma_wait3A_447, %dma_wait3A_448] : memref<256x128xf32, #tpu.memory_space<vmem>> -> memref<128x128xf32, #tpu.memory_space<vmem>>
    %dma_wait3A_450 = arith.constant 0 : i32
    %dma_wait3A_451 = tpu.memref_slice %arg10[%dma_wait3A_446, %dma_wait3A_450] : memref<2x128xi32, #tpu.memory_space<vmem>> -> memref<1x128xi32, #tpu.memory_space<vmem>>
    %dma_wait3A_452 = tpu.memref_squeeze %dma_wait3A_451 : memref<1x128xi32, #tpu.memory_space<vmem>> -> memref<128xi32, #tpu.memory_space<vmem>>
    %dma_wait3A_453 = arith.constant 0 : i32
    %dma_wait3A_454 = arith.constant 0 : i32
    %dma_wait3A_455 = tpu.memref_slice %arg14[%dma_wait3A_453, %dma_wait3A_454] : memref<512x128xf32, #tpu.memory_space<vmem_shared>> -> memref<512x128xf32, #tpu.memory_space<vmem_shared>>
    tpu.wait_indirect_dma semaphore(%arg19 : memref<!tpu.dma_semaphore, #tpu.memory_space<semaphore_mem>>) src(%dma_wait3A_449 : memref<128x128xf32, #tpu.memory_space<vmem>>) dst(%dma_wait3A_455 : memref<512x128xf32, #tpu.memory_space<vmem_shared>>)
    %dma_wait3A_456 = arith.constant 1 : i32
    %dma_wait3A_457 = arith.constant 128 : i32
    %dma_wait3A_458 = arith.constant 0 : i32
    %dma_wait3A_459 = tpu.memref_slice %arg7[%dma_wait3A_457, %dma_wait3A_458] : memref<256x128xf32, #tpu.memory_space<vmem>> -> memref<128x128xf32, #tpu.memory_space<vmem>>
    %dma_wait3A_460 = arith.constant 0 : i32
    %dma_wait3A_461 = tpu.memref_slice %arg10[%dma_wait3A_456, %dma_wait3A_460] : memref<2x128xi32, #tpu.memory_space<vmem>> -> memref<1x128xi32, #tpu.memory_space<vmem>>
    %dma_wait3A_462 = tpu.memref_squeeze %dma_wait3A_461 : memref<1x128xi32, #tpu.memory_space<vmem>> -> memref<128xi32, #tpu.memory_space<vmem>>
    %dma_wait3A_463 = arith.constant 0 : i32
    %dma_wait3A_464 = arith.constant 0 : i32
    %dma_wait3A_465 = tpu.memref_slice %arg14[%dma_wait3A_463, %dma_wait3A_464] : memref<512x128xf32, #tpu.memory_space<vmem_shared>> -> memref<512x128xf32, #tpu.memory_space<vmem_shared>>
    tpu.wait_indirect_dma semaphore(%arg19 : memref<!tpu.dma_semaphore, #tpu.memory_space<semaphore_mem>>) src(%dma_wait3A_459 : memref<128x128xf32, #tpu.memory_space<vmem>>) dst(%dma_wait3A_465 : memref<512x128xf32, #tpu.memory_space<vmem_shared>>)
    %add3A_466 = arith.constant 128 : i32
    %add3A_467 = arith.addi %add3A, %add3A_466 : i32
    %mul3A_468 = arith.constant 256 : i32
    %mul3A_469 = arith.muli %add3A_467, %mul3A_468 : i32
    %dma_start3A_470 = arith.constant 0 : i32
    %dma_start3A_471 = arith.constant 0 : i32
    %dma_start3A_472 = tpu.memref_slice %arg10[%dma_start3A_470, %dma_start3A_471] : memref<2x128xi32, #tpu.memory_space<vmem>> -> memref<1x128xi32, #tpu.memory_space<vmem>>
    %dma_start3A_473 = tpu.memref_squeeze %dma_start3A_472 : memref<1x128xi32, #tpu.memory_space<vmem>> -> memref<128xi32, #tpu.memory_space<vmem>>
    %dma_start3A_474 = tpu.memref_slice %arg3[%mul3A_469] : memref<100000xi32, #tpu.memory_space<hbm>> -> memref<128xi32, #tpu.memory_space<hbm>>
    %dma_start3A_475 = arith.constant 0 : i32
    %dma_start3A_476 = tpu.memref_slice %arg10[%dma_start3A_470, %dma_start3A_475] : memref<2x128xi32, #tpu.memory_space<vmem>> -> memref<1x128xi32, #tpu.memory_space<vmem>>
    %dma_start3A_477 = tpu.memref_squeeze %dma_start3A_476 : memref<1x128xi32, #tpu.memory_space<vmem>> -> memref<128xi32, #tpu.memory_space<vmem>>
    %dma_start3A_478 = tpu.memref_slice %arg3[%mul3A_469] : memref<100000xi32, #tpu.memory_space<hbm>> -> memref<128xi32, #tpu.memory_space<hbm>>
    tpu.enqueue_dma source(%dma_start3A_478 : memref<128xi32, #tpu.memory_space<hbm>>) target(%dma_start3A_477 : memref<128xi32, #tpu.memory_space<vmem>>) target_semaphore(%arg16 : memref<!tpu.dma_semaphore, #tpu.memory_space<semaphore_mem>>)
    %mul3A_479 = arith.constant 256 : i32
    %mul3A_480 = arith.muli %add3A_467, %mul3A_479 : i32
    %add3A_481 = arith.constant 128 : i32
    %add3A_482 = arith.addi %mul3A_480, %add3A_481 : i32
    %dma_start3A_483 = arith.constant 1 : i32
    %dma_start3A_484 = arith.constant 0 : i32
    %dma_start3A_485 = tpu.memref_slice %arg10[%dma_start3A_483, %dma_start3A_484] : memref<2x128xi32, #tpu.memory_space<vmem>> -> memref<1x128xi32, #tpu.memory_space<vmem>>
    %dma_start3A_486 = tpu.memref_squeeze %dma_start3A_485 : memref<1x128xi32, #tpu.memory_space<vmem>> -> memref<128xi32, #tpu.memory_space<vmem>>
    %dma_start3A_487 = tpu.memref_slice %arg3[%add3A_482] : memref<100000xi32, #tpu.memory_space<hbm>> -> memref<128xi32, #tpu.memory_space<hbm>>
    %dma_start3A_488 = arith.constant 0 : i32
    %dma_start3A_489 = tpu.memref_slice %arg10[%dma_start3A_483, %dma_start3A_488] : memref<2x128xi32, #tpu.memory_space<vmem>> -> memref<1x128xi32, #tpu.memory_space<vmem>>
    %dma_start3A_490 = tpu.memref_squeeze %dma_start3A_489 : memref<1x128xi32, #tpu.memory_space<vmem>> -> memref<128xi32, #tpu.memory_space<vmem>>
    %dma_start3A_491 = tpu.memref_slice %arg3[%add3A_482] : memref<100000xi32, #tpu.memory_space<hbm>> -> memref<128xi32, #tpu.memory_space<hbm>>
    tpu.enqueue_dma source(%dma_start3A_491 : memref<128xi32, #tpu.memory_space<hbm>>) target(%dma_start3A_490 : memref<128xi32, #tpu.memory_space<vmem>>) target_semaphore(%arg16 : memref<!tpu.dma_semaphore, #tpu.memory_space<semaphore_mem>>)
    %mul3A_492 = arith.constant 256 : i32
    %mul3A_493 = arith.muli %add3A_467, %mul3A_492 : i32
    %dma_start3A_494 = arith.constant 0 : i32
    %dma_start3A_495 = tpu.memref_slice %arg2[%mul3A_493, %dma_start3A_494] : memref<100000x128xf32, #tpu.memory_space<hbm>> -> memref<256x128xf32, #tpu.memory_space<hbm>>
    %dma_start3A_496 = arith.constant 0 : i32
    %dma_start3A_497 = tpu.memref_slice %arg2[%mul3A_493, %dma_start3A_496] : memref<100000x128xf32, #tpu.memory_space<hbm>> -> memref<256x128xf32, #tpu.memory_space<hbm>>
    tpu.enqueue_dma source(%dma_start3A_497 : memref<256x128xf32, #tpu.memory_space<hbm>>) target(%arg7 : memref<256x128xf32, #tpu.memory_space<vmem>>) target_semaphore(%arg16 : memref<!tpu.dma_semaphore, #tpu.memory_space<semaphore_mem>>)
    %dma_wait3A_498 = arith.constant 0 : i32
    %dma_wait3A_499 = arith.constant 0 : i32
    %dma_wait3A_500 = tpu.memref_slice %arg11[%dma_wait3A_498, %dma_wait3A_499] : memref<2x128xi32, #tpu.memory_space<vmem>> -> memref<1x128xi32, #tpu.memory_space<vmem>>
    %dma_wait3A_501 = tpu.memref_squeeze %dma_wait3A_500 : memref<1x128xi32, #tpu.memory_space<vmem>> -> memref<128xi32, #tpu.memory_space<vmem>>
    %dma_wait3A_502 = arith.constant 0 : i32
    %dma_wait3A_503 = tpu.memref_slice %arg3[%dma_wait3A_502] : memref<100000xi32, #tpu.memory_space<hbm>> -> memref<128xi32, #tpu.memory_space<hbm>>
    %dma_wait3A_504 = arith.constant 0 : i32
    %dma_wait3A_505 = tpu.memref_slice %arg11[%dma_wait3A_498, %dma_wait3A_504] : memref<2x128xi32, #tpu.memory_space<vmem>> -> memref<1x128xi32, #tpu.memory_space<vmem>>
    %dma_wait3A_506 = tpu.memref_squeeze %dma_wait3A_505 : memref<1x128xi32, #tpu.memory_space<vmem>> -> memref<128xi32, #tpu.memory_space<vmem>>
    %dma_wait3A_507 = arith.constant 0 : i32
    %dma_wait3A_508 = tpu.memref_slice %arg3[%dma_wait3A_507] : memref<100000xi32, #tpu.memory_space<hbm>> -> memref<128xi32, #tpu.memory_space<hbm>>
    tpu.wait_dma2 semaphore(%arg17 : memref<!tpu.dma_semaphore, #tpu.memory_space<semaphore_mem>>) src(%dma_wait3A_508 : memref<128xi32, #tpu.memory_space<hbm>>) dst(%dma_wait3A_506 : memref<128xi32, #tpu.memory_space<vmem>>)
    %dma_wait3A_509 = arith.constant 1 : i32
    %dma_wait3A_510 = arith.constant 0 : i32
    %dma_wait3A_511 = tpu.memref_slice %arg11[%dma_wait3A_509, %dma_wait3A_510] : memref<2x128xi32, #tpu.memory_space<vmem>> -> memref<1x128xi32, #tpu.memory_space<vmem>>
    %dma_wait3A_512 = tpu.memref_squeeze %dma_wait3A_511 : memref<1x128xi32, #tpu.memory_space<vmem>> -> memref<128xi32, #tpu.memory_space<vmem>>
    %dma_wait3A_513 = arith.constant 0 : i32
    %dma_wait3A_514 = tpu.memref_slice %arg3[%dma_wait3A_513] : memref<100000xi32, #tpu.memory_space<hbm>> -> memref<128xi32, #tpu.memory_space<hbm>>
    %dma_wait3A_515 = arith.constant 0 : i32
    %dma_wait3A_516 = tpu.memref_slice %arg11[%dma_wait3A_509, %dma_wait3A_515] : memref<2x128xi32, #tpu.memory_space<vmem>> -> memref<1x128xi32, #tpu.memory_space<vmem>>
    %dma_wait3A_517 = tpu.memref_squeeze %dma_wait3A_516 : memref<1x128xi32, #tpu.memory_space<vmem>> -> memref<128xi32, #tpu.memory_space<vmem>>
    %dma_wait3A_518 = arith.constant 0 : i32
    %dma_wait3A_519 = tpu.memref_slice %arg3[%dma_wait3A_518] : memref<100000xi32, #tpu.memory_space<hbm>> -> memref<128xi32, #tpu.memory_space<hbm>>
    tpu.wait_dma2 semaphore(%arg17 : memref<!tpu.dma_semaphore, #tpu.memory_space<semaphore_mem>>) src(%dma_wait3A_519 : memref<128xi32, #tpu.memory_space<hbm>>) dst(%dma_wait3A_517 : memref<128xi32, #tpu.memory_space<vmem>>)
    %dma_wait3A_520 = arith.constant 0 : i32
    %dma_wait3A_521 = arith.constant 0 : i32
    %dma_wait3A_522 = tpu.memref_slice %arg2[%dma_wait3A_520, %dma_wait3A_521] : memref<100000x128xf32, #tpu.memory_space<hbm>> -> memref<256x128xf32, #tpu.memory_space<hbm>>
    %dma_wait3A_523 = arith.constant 0 : i32
    %dma_wait3A_524 = arith.constant 0 : i32
    %dma_wait3A_525 = tpu.memref_slice %arg2[%dma_wait3A_523, %dma_wait3A_524] : memref<100000x128xf32, #tpu.memory_space<hbm>> -> memref<256x128xf32, #tpu.memory_space<hbm>>
    tpu.wait_dma2 semaphore(%arg17 : memref<!tpu.dma_semaphore, #tpu.memory_space<semaphore_mem>>) src(%dma_wait3A_525 : memref<256x128xf32, #tpu.memory_space<hbm>>) dst(%arg8 : memref<256x128xf32, #tpu.memory_space<vmem>>)
    %dma_start3A_526 = arith.constant 0 : i32
    %dma_start3A_527 = arith.constant 0 : i32
    %dma_start3A_528 = arith.constant 0 : i32
    %dma_start3A_529 = tpu.memref_slice %arg8[%dma_start3A_527, %dma_start3A_528] : memref<256x128xf32, #tpu.memory_space<vmem>> -> memref<128x128xf32, #tpu.memory_space<vmem>>
    %dma_start3A_530 = arith.constant 0 : i32
    %dma_start3A_531 = tpu.memref_slice %arg11[%dma_start3A_526, %dma_start3A_530] : memref<2x128xi32, #tpu.memory_space<vmem>> -> memref<1x128xi32, #tpu.memory_space<vmem>>
    %dma_start3A_532 = tpu.memref_squeeze %dma_start3A_531 : memref<1x128xi32, #tpu.memory_space<vmem>> -> memref<128xi32, #tpu.memory_space<vmem>>
    %dma_start3A_533 = arith.constant 0 : i32
    %dma_start3A_534 = arith.constant 0 : i32
    %dma_start3A_535 = tpu.memref_slice %arg14[%dma_start3A_533, %dma_start3A_534] : memref<512x128xf32, #tpu.memory_space<vmem_shared>> -> memref<512x128xf32, #tpu.memory_space<vmem_shared>>
    tpu.enqueue_indirect_dma source(%dma_start3A_529 : memref<128x128xf32, #tpu.memory_space<vmem>>) target(%dma_start3A_535 : memref<512x128xf32, #tpu.memory_space<vmem_shared>>) offsets(%dma_start3A_532 : memref<128xi32, #tpu.memory_space<vmem>>) semaphore(%arg20 : memref<!tpu.dma_semaphore, #tpu.memory_space<semaphore_mem>>) {add = true}
    %dma_start3A_536 = arith.constant 1 : i32
    %dma_start3A_537 = arith.constant 128 : i32
    %dma_start3A_538 = arith.constant 0 : i32
    %dma_start3A_539 = tpu.memref_slice %arg8[%dma_start3A_537, %dma_start3A_538] : memref<256x128xf32, #tpu.memory_space<vmem>> -> memref<128x128xf32, #tpu.memory_space<vmem>>
    %dma_start3A_540 = arith.constant 0 : i32
    %dma_start3A_541 = tpu.memref_slice %arg11[%dma_start3A_536, %dma_start3A_540] : memref<2x128xi32, #tpu.memory_space<vmem>> -> memref<1x128xi32, #tpu.memory_space<vmem>>
    %dma_start3A_542 = tpu.memref_squeeze %dma_start3A_541 : memref<1x128xi32, #tpu.memory_space<vmem>> -> memref<128xi32, #tpu.memory_space<vmem>>
    %dma_start3A_543 = arith.constant 0 : i32
    %dma_start3A_544 = arith.constant 0 : i32
    %dma_start3A_545 = tpu.memref_slice %arg14[%dma_start3A_543, %dma_start3A_544] : memref<512x128xf32, #tpu.memory_space<vmem_shared>> -> memref<512x128xf32, #tpu.memory_space<vmem_shared>>
    tpu.enqueue_indirect_dma source(%dma_start3A_539 : memref<128x128xf32, #tpu.memory_space<vmem>>) target(%dma_start3A_545 : memref<512x128xf32, #tpu.memory_space<vmem_shared>>) offsets(%dma_start3A_542 : memref<128xi32, #tpu.memory_space<vmem>>) semaphore(%arg20 : memref<!tpu.dma_semaphore, #tpu.memory_space<semaphore_mem>>) {add = true}
    %get3A_546 = arith.constant 0 : i32
    %get3A_547 = arith.index_cast %get3A_546 : i32 to index
    %get3A_548 = arith.constant 0 : index
    %get3A_549 = tpu.vector_load %arg11[%get3A_547, %get3A_548] {strides = array<i32>} : memref<2x128xi32, #tpu.memory_space<vmem>>, vector<16xi32>,
    tpu.vector_store_idx %arg13[%get3A_549], %broadcast_in_dim3A_3 {add = true} : memref<512xf32, #tpu.memory_space<vmem>>[vector<16xi32>], vector<16xf32>,
    %get3A_550 = arith.constant 0 : i32
    %get3A_551 = arith.index_cast %get3A_550 : i32 to index
    %get3A_552 = arith.constant 16 : index
    %get3A_553 = tpu.vector_load %arg11[%get3A_551, %get3A_552] {strides = array<i32>} : memref<2x128xi32, #tpu.memory_space<vmem>>, vector<16xi32>,
    tpu.vector_store_idx %arg13[%get3A_553], %broadcast_in_dim3A_3 {add = true} : memref<512xf32, #tpu.memory_space<vmem>>[vector<16xi32>], vector<16xf32>,
    %get3A_554 = arith.constant 0 : i32
    %get3A_555 = arith.index_cast %get3A_554 : i32 to index
    %get3A_556 = arith.constant 32 : index
    %get3A_557 = tpu.vector_load %arg11[%get3A_555, %get3A_556] {strides = array<i32>} : memref<2x128xi32, #tpu.memory_space<vmem>>, vector<16xi32>,
    tpu.vector_store_idx %arg13[%get3A_557], %broadcast_in_dim3A_3 {add = true} : memref<512xf32, #tpu.memory_space<vmem>>[vector<16xi32>], vector<16xf32>,
    %get3A_558 = arith.constant 0 : i32
    %get3A_559 = arith.index_cast %get3A_558 : i32 to index
    %get3A_560 = arith.constant 48 : index
    %get3A_561 = tpu.vector_load %arg11[%get3A_559, %get3A_560] {strides = array<i32>} : memref<2x128xi32, #tpu.memory_space<vmem>>, vector<16xi32>,
    tpu.vector_store_idx %arg13[%get3A_561], %broadcast_in_dim3A_3 {add = true} : memref<512xf32, #tpu.memory_space<vmem>>[vector<16xi32>], vector<16xf32>,
    %get3A_562 = arith.constant 0 : i32
    %get3A_563 = arith.index_cast %get3A_562 : i32 to index
    %get3A_564 = arith.constant 64 : index
    %get3A_565 = tpu.vector_load %arg11[%get3A_563, %get3A_564] {strides = array<i32>} : memref<2x128xi32, #tpu.memory_space<vmem>>, vector<16xi32>,
    tpu.vector_store_idx %arg13[%get3A_565], %broadcast_in_dim3A_3 {add = true} : memref<512xf32, #tpu.memory_space<vmem>>[vector<16xi32>], vector<16xf32>,
    %get3A_566 = arith.constant 0 : i32
    %get3A_567 = arith.index_cast %get3A_566 : i32 to index
    %get3A_568 = arith.constant 80 : index
    %get3A_569 = tpu.vector_load %arg11[%get3A_567, %get3A_568] {strides = array<i32>} : memref<2x128xi32, #tpu.memory_space<vmem>>, vector<16xi32>,
    tpu.vector_store_idx %arg13[%get3A_569], %broadcast_in_dim3A_3 {add = true} : memref<512xf32, #tpu.memory_space<vmem>>[vector<16xi32>], vector<16xf32>,
    %get3A_570 = arith.constant 0 : i32
    %get3A_571 = arith.index_cast %get3A_570 : i32 to index
    %get3A_572 = arith.constant 96 : index
    %get3A_573 = tpu.vector_load %arg11[%get3A_571, %get3A_572] {strides = array<i32>} : memref<2x128xi32, #tpu.memory_space<vmem>>, vector<16xi32>,
    tpu.vector_store_idx %arg13[%get3A_573], %broadcast_in_dim3A_3 {add = true} : memref<512xf32, #tpu.memory_space<vmem>>[vector<16xi32>], vector<16xf32>,
    %get3A_574 = arith.constant 0 : i32
    %get3A_575 = arith.index_cast %get3A_574 : i32 to index
    %get3A_576 = arith.constant 112 : index
    %get3A_577 = tpu.vector_load %arg11[%get3A_575, %get3A_576] {strides = array<i32>} : memref<2x128xi32, #tpu.memory_space<vmem>>, vector<16xi32>,
    tpu.vector_store_idx %arg13[%get3A_577], %broadcast_in_dim3A_3 {add = true} : memref<512xf32, #tpu.memory_space<vmem>>[vector<16xi32>], vector<16xf32>,
    %get3A_578 = arith.constant 1 : i32
    %get3A_579 = arith.index_cast %get3A_578 : i32 to index
    %get3A_580 = arith.constant 0 : index
    %get3A_581 = tpu.vector_load %arg11[%get3A_579, %get3A_580] {strides = array<i32>} : memref<2x128xi32, #tpu.memory_space<vmem>>, vector<16xi32>,
    tpu.vector_store_idx %arg13[%get3A_581], %broadcast_in_dim3A_3 {add = true} : memref<512xf32, #tpu.memory_space<vmem>>[vector<16xi32>], vector<16xf32>,
    %get3A_582 = arith.constant 1 : i32
    %get3A_583 = arith.index_cast %get3A_582 : i32 to index
    %get3A_584 = arith.constant 16 : index
    %get3A_585 = tpu.vector_load %arg11[%get3A_583, %get3A_584] {strides = array<i32>} : memref<2x128xi32, #tpu.memory_space<vmem>>, vector<16xi32>,
    tpu.vector_store_idx %arg13[%get3A_585], %broadcast_in_dim3A_3 {add = true} : memref<512xf32, #tpu.memory_space<vmem>>[vector<16xi32>], vector<16xf32>,
    %get3A_586 = arith.constant 1 : i32
    %get3A_587 = arith.index_cast %get3A_586 : i32 to index
    %get3A_588 = arith.constant 32 : index
    %get3A_589 = tpu.vector_load %arg11[%get3A_587, %get3A_588] {strides = array<i32>} : memref<2x128xi32, #tpu.memory_space<vmem>>, vector<16xi32>,
    tpu.vector_store_idx %arg13[%get3A_589], %broadcast_in_dim3A_3 {add = true} : memref<512xf32, #tpu.memory_space<vmem>>[vector<16xi32>], vector<16xf32>,
    %get3A_590 = arith.constant 1 : i32
    %get3A_591 = arith.index_cast %get3A_590 : i32 to index
    %get3A_592 = arith.constant 48 : index
    %get3A_593 = tpu.vector_load %arg11[%get3A_591, %get3A_592] {strides = array<i32>} : memref<2x128xi32, #tpu.memory_space<vmem>>, vector<16xi32>,
    tpu.vector_store_idx %arg13[%get3A_593], %broadcast_in_dim3A_3 {add = true} : memref<512xf32, #tpu.memory_space<vmem>>[vector<16xi32>], vector<16xf32>,
    %get3A_594 = arith.constant 1 : i32
    %get3A_595 = arith.index_cast %get3A_594 : i32 to index
    %get3A_596 = arith.constant 64 : index
    %get3A_597 = tpu.vector_load %arg11[%get3A_595, %get3A_596] {strides = array<i32>} : memref<2x128xi32, #tpu.memory_space<vmem>>, vector<16xi32>,
    tpu.vector_store_idx %arg13[%get3A_597], %broadcast_in_dim3A_3 {add = true} : memref<512xf32, #tpu.memory_space<vmem>>[vector<16xi32>], vector<16xf32>,
    %get3A_598 = arith.constant 1 : i32
    %get3A_599 = arith.index_cast %get3A_598 : i32 to index
    %get3A_600 = arith.constant 80 : index
    %get3A_601 = tpu.vector_load %arg11[%get3A_599, %get3A_600] {strides = array<i32>} : memref<2x128xi32, #tpu.memory_space<vmem>>, vector<16xi32>,
    tpu.vector_store_idx %arg13[%get3A_601], %broadcast_in_dim3A_3 {add = true} : memref<512xf32, #tpu.memory_space<vmem>>[vector<16xi32>], vector<16xf32>,
    %get3A_602 = arith.constant 1 : i32
    %get3A_603 = arith.index_cast %get3A_602 : i32 to index
    %get3A_604 = arith.constant 96 : index
    %get3A_605 = tpu.vector_load %arg11[%get3A_603, %get3A_604] {strides = array<i32>} : memref<2x128xi32, #tpu.memory_space<vmem>>, vector<16xi32>,
    tpu.vector_store_idx %arg13[%get3A_605], %broadcast_in_dim3A_3 {add = true} : memref<512xf32, #tpu.memory_space<vmem>>[vector<16xi32>], vector<16xf32>,
    %get3A_606 = arith.constant 1 : i32
    %get3A_607 = arith.index_cast %get3A_606 : i32 to index
    %get3A_608 = arith.constant 112 : index
    %get3A_609 = tpu.vector_load %arg11[%get3A_607, %get3A_608] {strides = array<i32>} : memref<2x128xi32, #tpu.memory_space<vmem>>, vector<16xi32>,
    tpu.vector_store_idx %arg13[%get3A_609], %broadcast_in_dim3A_3 {add = true} : memref<512xf32, #tpu.memory_space<vmem>>[vector<16xi32>], vector<16xf32>,
    %dma_wait3A_610 = arith.constant 0 : i32
    %dma_wait3A_611 = arith.constant 0 : i32
    %dma_wait3A_612 = arith.constant 0 : i32
    %dma_wait3A_613 = tpu.memref_slice %arg8[%dma_wait3A_611, %dma_wait3A_612] : memref<256x128xf32, #tpu.memory_space<vmem>> -> memref<128x128xf32, #tpu.memory_space<vmem>>
    %dma_wait3A_614 = arith.constant 0 : i32
    %dma_wait3A_615 = tpu.memref_slice %arg11[%dma_wait3A_610, %dma_wait3A_614] : memref<2x128xi32, #tpu.memory_space<vmem>> -> memref<1x128xi32, #tpu.memory_space<vmem>>
    %dma_wait3A_616 = tpu.memref_squeeze %dma_wait3A_615 : memref<1x128xi32, #tpu.memory_space<vmem>> -> memref<128xi32, #tpu.memory_space<vmem>>
    %dma_wait3A_617 = arith.constant 0 : i32
    %dma_wait3A_618 = arith.constant 0 : i32
    %dma_wait3A_619 = tpu.memref_slice %arg14[%dma_wait3A_617, %dma_wait3A_618] : memref<512x128xf32, #tpu.memory_space<vmem_shared>> -> memref<512x128xf32, #tpu.memory_space<vmem_shared>>
    tpu.wait_indirect_dma semaphore(%arg20 : memref<!tpu.dma_semaphore, #tpu.memory_space<semaphore_mem>>) src(%dma_wait3A_613 : memref<128x128xf32, #tpu.memory_space<vmem>>) dst(%dma_wait3A_619 : memref<512x128xf32, #tpu.memory_space<vmem_shared>>)
    %dma_wait3A_620 = arith.constant 1 : i32
    %dma_wait3A_621 = arith.constant 128 : i32
    %dma_wait3A_622 = arith.constant 0 : i32
    %dma_wait3A_623 = tpu.memref_slice %arg8[%dma_wait3A_621, %dma_wait3A_622] : memref<256x128xf32, #tpu.memory_space<vmem>> -> memref<128x128xf32, #tpu.memory_space<vmem>>
    %dma_wait3A_624 = arith.constant 0 : i32
    %dma_wait3A_625 = tpu.memref_slice %arg11[%dma_wait3A_620, %dma_wait3A_624] : memref<2x128xi32, #tpu.memory_space<vmem>> -> memref<1x128xi32, #tpu.memory_space<vmem>>
    %dma_wait3A_626 = tpu.memref_squeeze %dma_wait3A_625 : memref<1x128xi32, #tpu.memory_space<vmem>> -> memref<128xi32, #tpu.memory_space<vmem>>
    %dma_wait3A_627 = arith.constant 0 : i32
    %dma_wait3A_628 = arith.constant 0 : i32
    %dma_wait3A_629 = tpu.memref_slice %arg14[%dma_wait3A_627, %dma_wait3A_628] : memref<512x128xf32, #tpu.memory_space<vmem_shared>> -> memref<512x128xf32, #tpu.memory_space<vmem_shared>>
    tpu.wait_indirect_dma semaphore(%arg20 : memref<!tpu.dma_semaphore, #tpu.memory_space<semaphore_mem>>) src(%dma_wait3A_623 : memref<128x128xf32, #tpu.memory_space<vmem>>) dst(%dma_wait3A_629 : memref<512x128xf32, #tpu.memory_space<vmem_shared>>)
    %add3A_630 = arith.constant 160 : i32
    %add3A_631 = arith.addi %add3A, %add3A_630 : i32
    %mul3A_632 = arith.constant 256 : i32
    %mul3A_633 = arith.muli %add3A_631, %mul3A_632 : i32
    %dma_start3A_634 = arith.constant 0 : i32
    %dma_start3A_635 = arith.constant 0 : i32
    %dma_start3A_636 = tpu.memref_slice %arg11[%dma_start3A_634, %dma_start3A_635] : memref<2x128xi32, #tpu.memory_space<vmem>> -> memref<1x128xi32, #tpu.memory_space<vmem>>
    %dma_start3A_637 = tpu.memref_squeeze %dma_start3A_636 : memref<1x128xi32, #tpu.memory_space<vmem>> -> memref<128xi32, #tpu.memory_space<vmem>>
    %dma_start3A_638 = tpu.memref_slice %arg3[%mul3A_633] : memref<100000xi32, #tpu.memory_space<hbm>> -> memref<128xi32, #tpu.memory_space<hbm>>
    %dma_start3A_639 = arith.constant 0 : i32
    %dma_start3A_640 = tpu.memref_slice %arg11[%dma_start3A_634, %dma_start3A_639] : memref<2x128xi32, #tpu.memory_space<vmem>> -> memref<1x128xi32, #tpu.memory_space<vmem>>
    %dma_start3A_641 = tpu.memref_squeeze %dma_start3A_640 : memref<1x128xi32, #tpu.memory_space<vmem>> -> memref<128xi32, #tpu.memory_space<vmem>>
    %dma_start3A_642 = tpu.memref_slice %arg3[%mul3A_633] : memref<100000xi32, #tpu.memory_space<hbm>> -> memref<128xi32, #tpu.memory_space<hbm>>
    tpu.enqueue_dma source(%dma_start3A_642 : memref<128xi32, #tpu.memory_space<hbm>>) target(%dma_start3A_641 : memref<128xi32, #tpu.memory_space<vmem>>) target_semaphore(%arg17 : memref<!tpu.dma_semaphore, #tpu.memory_space<semaphore_mem>>)
    %mul3A_643 = arith.constant 256 : i32
    %mul3A_644 = arith.muli %add3A_631, %mul3A_643 : i32
    %add3A_645 = arith.constant 128 : i32
    %add3A_646 = arith.addi %mul3A_644, %add3A_645 : i32
    %dma_start3A_647 = arith.constant 1 : i32
    %dma_start3A_648 = arith.constant 0 : i32
    %dma_start3A_649 = tpu.memref_slice %arg11[%dma_start3A_647, %dma_start3A_648] : memref<2x128xi32, #tpu.memory_space<vmem>> -> memref<1x128xi32, #tpu.memory_space<vmem>>
    %dma_start3A_650 = tpu.memref_squeeze %dma_start3A_649 : memref<1x128xi32, #tpu.memory_space<vmem>> -> memref<128xi32, #tpu.memory_space<vmem>>
    %dma_start3A_651 = tpu.memref_slice %arg3[%add3A_646] : memref<100000xi32, #tpu.memory_space<hbm>> -> memref<128xi32, #tpu.memory_space<hbm>>
    %dma_start3A_652 = arith.constant 0 : i32
    %dma_start3A_653 = tpu.memref_slice %arg11[%dma_start3A_647, %dma_start3A_652] : memref<2x128xi32, #tpu.memory_space<vmem>> -> memref<1x128xi32, #tpu.memory_space<vmem>>
    %dma_start3A_654 = tpu.memref_squeeze %dma_start3A_653 : memref<1x128xi32, #tpu.memory_space<vmem>> -> memref<128xi32, #tpu.memory_space<vmem>>
    %dma_start3A_655 = tpu.memref_slice %arg3[%add3A_646] : memref<100000xi32, #tpu.memory_space<hbm>> -> memref<128xi32, #tpu.memory_space<hbm>>
    tpu.enqueue_dma source(%dma_start3A_655 : memref<128xi32, #tpu.memory_space<hbm>>) target(%dma_start3A_654 : memref<128xi32, #tpu.memory_space<vmem>>) target_semaphore(%arg17 : memref<!tpu.dma_semaphore, #tpu.memory_space<semaphore_mem>>)
    %mul3A_656 = arith.constant 256 : i32
    %mul3A_657 = arith.muli %add3A_631, %mul3A_656 : i32
    %dma_start3A_658 = arith.constant 0 : i32
    %dma_start3A_659 = tpu.memref_slice %arg2[%mul3A_657, %dma_start3A_658] : memref<100000x128xf32, #tpu.memory_space<hbm>> -> memref<256x128xf32, #tpu.memory_space<hbm>>
    %dma_start3A_660 = arith.constant 0 : i32
    %dma_start3A_661 = tpu.memref_slice %arg2[%mul3A_657, %dma_start3A_660] : memref<100000x128xf32, #tpu.memory_space<hbm>> -> memref<256x128xf32, #tpu.memory_space<hbm>>
    tpu.enqueue_dma source(%dma_start3A_661 : memref<256x128xf32, #tpu.memory_space<hbm>>) target(%arg8 : memref<256x128xf32, #tpu.memory_space<vmem>>) target_semaphore(%arg17 : memref<!tpu.dma_semaphore, #tpu.memory_space<semaphore_mem>>)
    %dma_wait3A_662 = arith.constant 0 : i32
    %dma_wait3A_663 = arith.constant 0 : i32
    %dma_wait3A_664 = tpu.memref_slice %arg9[%dma_wait3A_662, %dma_wait3A_663] : memref<2x128xi32, #tpu.memory_space<vmem>> -> memref<1x128xi32, #tpu.memory_space<vmem>>
    %dma_wait3A_665 = tpu.memref_squeeze %dma_wait3A_664 : memref<1x128xi32, #tpu.memory_space<vmem>> -> memref<128xi32, #tpu.memory_space<vmem>>
    %dma_wait3A_666 = arith.constant 0 : i32
    %dma_wait3A_667 = tpu.memref_slice %arg3[%dma_wait3A_666] : memref<100000xi32, #tpu.memory_space<hbm>> -> memref<128xi32, #tpu.memory_space<hbm>>
    %dma_wait3A_668 = arith.constant 0 : i32
    %dma_wait3A_669 = tpu.memref_slice %arg9[%dma_wait3A_662, %dma_wait3A_668] : memref<2x128xi32, #tpu.memory_space<vmem>> -> memref<1x128xi32, #tpu.memory_space<vmem>>
    %dma_wait3A_670 = tpu.memref_squeeze %dma_wait3A_669 : memref<1x128xi32, #tpu.memory_space<vmem>> -> memref<128xi32, #tpu.memory_space<vmem>>
    %dma_wait3A_671 = arith.constant 0 : i32
    %dma_wait3A_672 = tpu.memref_slice %arg3[%dma_wait3A_671] : memref<100000xi32, #tpu.memory_space<hbm>> -> memref<128xi32, #tpu.memory_space<hbm>>
    tpu.wait_dma2 semaphore(%arg15 : memref<!tpu.dma_semaphore, #tpu.memory_space<semaphore_mem>>) src(%dma_wait3A_672 : memref<128xi32, #tpu.memory_space<hbm>>) dst(%dma_wait3A_670 : memref<128xi32, #tpu.memory_space<vmem>>)
    %dma_wait3A_673 = arith.constant 1 : i32
    %dma_wait3A_674 = arith.constant 0 : i32
    %dma_wait3A_675 = tpu.memref_slice %arg9[%dma_wait3A_673, %dma_wait3A_674] : memref<2x128xi32, #tpu.memory_space<vmem>> -> memref<1x128xi32, #tpu.memory_space<vmem>>
    %dma_wait3A_676 = tpu.memref_squeeze %dma_wait3A_675 : memref<1x128xi32, #tpu.memory_space<vmem>> -> memref<128xi32, #tpu.memory_space<vmem>>
    %dma_wait3A_677 = arith.constant 0 : i32
    %dma_wait3A_678 = tpu.memref_slice %arg3[%dma_wait3A_677] : memref<100000xi32, #tpu.memory_space<hbm>> -> memref<128xi32, #tpu.memory_space<hbm>>
    %dma_wait3A_679 = arith.constant 0 : i32
    %dma_wait3A_680 = tpu.memref_slice %arg9[%dma_wait3A_673, %dma_wait3A_679] : memref<2x128xi32, #tpu.memory_space<vmem>> -> memref<1x128xi32, #tpu.memory_space<vmem>>
    %dma_wait3A_681 = tpu.memref_squeeze %dma_wait3A_680 : memref<1x128xi32, #tpu.memory_space<vmem>> -> memref<128xi32, #tpu.memory_space<vmem>>
    %dma_wait3A_682 = arith.constant 0 : i32
    %dma_wait3A_683 = tpu.memref_slice %arg3[%dma_wait3A_682] : memref<100000xi32, #tpu.memory_space<hbm>> -> memref<128xi32, #tpu.memory_space<hbm>>
    tpu.wait_dma2 semaphore(%arg15 : memref<!tpu.dma_semaphore, #tpu.memory_space<semaphore_mem>>) src(%dma_wait3A_683 : memref<128xi32, #tpu.memory_space<hbm>>) dst(%dma_wait3A_681 : memref<128xi32, #tpu.memory_space<vmem>>)
    %dma_wait3A_684 = arith.constant 0 : i32
    %dma_wait3A_685 = arith.constant 0 : i32
    %dma_wait3A_686 = tpu.memref_slice %arg2[%dma_wait3A_684, %dma_wait3A_685] : memref<100000x128xf32, #tpu.memory_space<hbm>> -> memref<256x128xf32, #tpu.memory_space<hbm>>
    %dma_wait3A_687 = arith.constant 0 : i32
    %dma_wait3A_688 = arith.constant 0 : i32
    %dma_wait3A_689 = tpu.memref_slice %arg2[%dma_wait3A_687, %dma_wait3A_688] : memref<100000x128xf32, #tpu.memory_space<hbm>> -> memref<256x128xf32, #tpu.memory_space<hbm>>
    tpu.wait_dma2 semaphore(%arg15 : memref<!tpu.dma_semaphore, #tpu.memory_space<semaphore_mem>>) src(%dma_wait3A_689 : memref<256x128xf32, #tpu.memory_space<hbm>>) dst(%arg6 : memref<256x128xf32, #tpu.memory_space<vmem>>)
    %dma_start3A_690 = arith.constant 0 : i32
    %dma_start3A_691 = arith.constant 0 : i32
    %dma_start3A_692 = arith.constant 0 : i32
    %dma_start3A_693 = tpu.memref_slice %arg6[%dma_start3A_691, %dma_start3A_692] : memref<256x128xf32, #tpu.memory_space<vmem>> -> memref<128x128xf32, #tpu.memory_space<vmem>>
    %dma_start3A_694 = arith.constant 0 : i32
    %dma_start3A_695 = tpu.memref_slice %arg9[%dma_start3A_690, %dma_start3A_694] : memref<2x128xi32, #tpu.memory_space<vmem>> -> memref<1x128xi32, #tpu.memory_space<vmem>>
    %dma_start3A_696 = tpu.memref_squeeze %dma_start3A_695 : memref<1x128xi32, #tpu.memory_space<vmem>> -> memref<128xi32, #tpu.memory_space<vmem>>
    %dma_start3A_697 = arith.constant 0 : i32
    %dma_start3A_698 = arith.constant 0 : i32
    %dma_start3A_699 = tpu.memref_slice %arg14[%dma_start3A_697, %dma_start3A_698] : memref<512x128xf32, #tpu.memory_space<vmem_shared>> -> memref<512x128xf32, #tpu.memory_space<vmem_shared>>
    tpu.enqueue_indirect_dma source(%dma_start3A_693 : memref<128x128xf32, #tpu.memory_space<vmem>>) target(%dma_start3A_699 : memref<512x128xf32, #tpu.memory_space<vmem_shared>>) offsets(%dma_start3A_696 : memref<128xi32, #tpu.memory_space<vmem>>) semaphore(%arg18 : memref<!tpu.dma_semaphore, #tpu.memory_space<semaphore_mem>>) {add = true}
    %dma_start3A_700 = arith.constant 1 : i32
    %dma_start3A_701 = arith.constant 128 : i32
    %dma_start3A_702 = arith.constant 0 : i32
    %dma_start3A_703 = tpu.memref_slice %arg6[%dma_start3A_701, %dma_start3A_702] : memref<256x128xf32, #tpu.memory_space<vmem>> -> memref<128x128xf32, #tpu.memory_space<vmem>>
    %dma_start3A_704 = arith.constant 0 : i32
    %dma_start3A_705 = tpu.memref_slice %arg9[%dma_start3A_700, %dma_start3A_704] : memref<2x128xi32, #tpu.memory_space<vmem>> -> memref<1x128xi32, #tpu.memory_space<vmem>>
    %dma_start3A_706 = tpu.memref_squeeze %dma_start3A_705 : memref<1x128xi32, #tpu.memory_space<vmem>> -> memref<128xi32, #tpu.memory_space<vmem>>
    %dma_start3A_707 = arith.constant 0 : i32
    %dma_start3A_708 = arith.constant 0 : i32
    %dma_start3A_709 = tpu.memref_slice %arg14[%dma_start3A_707, %dma_start3A_708] : memref<512x128xf32, #tpu.memory_space<vmem_shared>> -> memref<512x128xf32, #tpu.memory_space<vmem_shared>>
    tpu.enqueue_indirect_dma source(%dma_start3A_703 : memref<128x128xf32, #tpu.memory_space<vmem>>) target(%dma_start3A_709 : memref<512x128xf32, #tpu.memory_space<vmem_shared>>) offsets(%dma_start3A_706 : memref<128xi32, #tpu.memory_space<vmem>>) semaphore(%arg18 : memref<!tpu.dma_semaphore, #tpu.memory_space<semaphore_mem>>) {add = true}
    %get3A_710 = arith.constant 0 : i32
    %get3A_711 = arith.index_cast %get3A_710 : i32 to index
    %get3A_712 = arith.constant 0 : index
    %get3A_713 = tpu.vector_load %arg9[%get3A_711, %get3A_712] {strides = array<i32>} : memref<2x128xi32, #tpu.memory_space<vmem>>, vector<16xi32>,
    tpu.vector_store_idx %arg13[%get3A_713], %broadcast_in_dim3A_3 {add = true} : memref<512xf32, #tpu.memory_space<vmem>>[vector<16xi32>], vector<16xf32>,
    %get3A_714 = arith.constant 0 : i32
    %get3A_715 = arith.index_cast %get3A_714 : i32 to index
    %get3A_716 = arith.constant 16 : index
    %get3A_717 = tpu.vector_load %arg9[%get3A_715, %get3A_716] {strides = array<i32>} : memref<2x128xi32, #tpu.memory_space<vmem>>, vector<16xi32>,
    tpu.vector_store_idx %arg13[%get3A_717], %broadcast_in_dim3A_3 {add = true} : memref<512xf32, #tpu.memory_space<vmem>>[vector<16xi32>], vector<16xf32>,
    %get3A_718 = arith.constant 0 : i32
    %get3A_719 = arith.index_cast %get3A_718 : i32 to index
    %get3A_720 = arith.constant 32 : index
    %get3A_721 = tpu.vector_load %arg9[%get3A_719, %get3A_720] {strides = array<i32>} : memref<2x128xi32, #tpu.memory_space<vmem>>, vector<16xi32>,
    tpu.vector_store_idx %arg13[%get3A_721], %broadcast_in_dim3A_3 {add = true} : memref<512xf32, #tpu.memory_space<vmem>>[vector<16xi32>], vector<16xf32>,
    %get3A_722 = arith.constant 0 : i32
    %get3A_723 = arith.index_cast %get3A_722 : i32 to index
    %get3A_724 = arith.constant 48 : index
    %get3A_725 = tpu.vector_load %arg9[%get3A_723, %get3A_724] {strides = array<i32>} : memref<2x128xi32, #tpu.memory_space<vmem>>, vector<16xi32>,
    tpu.vector_store_idx %arg13[%get3A_725], %broadcast_in_dim3A_3 {add = true} : memref<512xf32, #tpu.memory_space<vmem>>[vector<16xi32>], vector<16xf32>,
    %get3A_726 = arith.constant 0 : i32
    %get3A_727 = arith.index_cast %get3A_726 : i32 to index
    %get3A_728 = arith.constant 64 : index
    %get3A_729 = tpu.vector_load %arg9[%get3A_727, %get3A_728] {strides = array<i32>} : memref<2x128xi32, #tpu.memory_space<vmem>>, vector<16xi32>,
    tpu.vector_store_idx %arg13[%get3A_729], %broadcast_in_dim3A_3 {add = true} : memref<512xf32, #tpu.memory_space<vmem>>[vector<16xi32>], vector<16xf32>,
    %get3A_730 = arith.constant 0 : i32
    %get3A_731 = arith.index_cast %get3A_730 : i32 to index
    %get3A_732 = arith.constant 80 : index
    %get3A_733 = tpu.vector_load %arg9[%get3A_731, %get3A_732] {strides = array<i32>} : memref<2x128xi32, #tpu.memory_space<vmem>>, vector<16xi32>,
    tpu.vector_store_idx %arg13[%get3A_733], %broadcast_in_dim3A_3 {add = true} : memref<512xf32, #tpu.memory_space<vmem>>[vector<16xi32>], vector<16xf32>,
    %get3A_734 = arith.constant 0 : i32
    %get3A_735 = arith.index_cast %get3A_734 : i32 to index
    %get3A_736 = arith.constant 96 : index
    %get3A_737 = tpu.vector_load %arg9[%get3A_735, %get3A_736] {strides = array<i32>} : memref<2x128xi32, #tpu.memory_space<vmem>>, vector<16xi32>,
    tpu.vector_store_idx %arg13[%get3A_737], %broadcast_in_dim3A_3 {add = true} : memref<512xf32, #tpu.memory_space<vmem>>[vector<16xi32>], vector<16xf32>,
    %get3A_738 = arith.constant 0 : i32
    %get3A_739 = arith.index_cast %get3A_738 : i32 to index
    %get3A_740 = arith.constant 112 : index
    %get3A_741 = tpu.vector_load %arg9[%get3A_739, %get3A_740] {strides = array<i32>} : memref<2x128xi32, #tpu.memory_space<vmem>>, vector<16xi32>,
    tpu.vector_store_idx %arg13[%get3A_741], %broadcast_in_dim3A_3 {add = true} : memref<512xf32, #tpu.memory_space<vmem>>[vector<16xi32>], vector<16xf32>,
    %get3A_742 = arith.constant 1 : i32
    %get3A_743 = arith.index_cast %get3A_742 : i32 to index
    %get3A_744 = arith.constant 0 : index
    %get3A_745 = tpu.vector_load %arg9[%get3A_743, %get3A_744] {strides = array<i32>} : memref<2x128xi32, #tpu.memory_space<vmem>>, vector<16xi32>,
    tpu.vector_store_idx %arg13[%get3A_745], %broadcast_in_dim3A_3 {add = true} : memref<512xf32, #tpu.memory_space<vmem>>[vector<16xi32>], vector<16xf32>,
    %get3A_746 = arith.constant 1 : i32
    %get3A_747 = arith.index_cast %get3A_746 : i32 to index
    %get3A_748 = arith.constant 16 : index
    %get3A_749 = tpu.vector_load %arg9[%get3A_747, %get3A_748] {strides = array<i32>} : memref<2x128xi32, #tpu.memory_space<vmem>>, vector<16xi32>,
    tpu.vector_store_idx %arg13[%get3A_749], %broadcast_in_dim3A_3 {add = true} : memref<512xf32, #tpu.memory_space<vmem>>[vector<16xi32>], vector<16xf32>,
    %get3A_750 = arith.constant 1 : i32
    %get3A_751 = arith.index_cast %get3A_750 : i32 to index
    %get3A_752 = arith.constant 32 : index
    %get3A_753 = tpu.vector_load %arg9[%get3A_751, %get3A_752] {strides = array<i32>} : memref<2x128xi32, #tpu.memory_space<vmem>>, vector<16xi32>,
    tpu.vector_store_idx %arg13[%get3A_753], %broadcast_in_dim3A_3 {add = true} : memref<512xf32, #tpu.memory_space<vmem>>[vector<16xi32>], vector<16xf32>,
    %get3A_754 = arith.constant 1 : i32
    %get3A_755 = arith.index_cast %get3A_754 : i32 to index
    %get3A_756 = arith.constant 48 : index
    %get3A_757 = tpu.vector_load %arg9[%get3A_755, %get3A_756] {strides = array<i32>} : memref<2x128xi32, #tpu.memory_space<vmem>>, vector<16xi32>,
    tpu.vector_store_idx %arg13[%get3A_757], %broadcast_in_dim3A_3 {add = true} : memref<512xf32, #tpu.memory_space<vmem>>[vector<16xi32>], vector<16xf32>,
    %get3A_758 = arith.constant 1 : i32
    %get3A_759 = arith.index_cast %get3A_758 : i32 to index
    %get3A_760 = arith.constant 64 : index
    %get3A_761 = tpu.vector_load %arg9[%get3A_759, %get3A_760] {strides = array<i32>} : memref<2x128xi32, #tpu.memory_space<vmem>>, vector<16xi32>,
    tpu.vector_store_idx %arg13[%get3A_761], %broadcast_in_dim3A_3 {add = true} : memref<512xf32, #tpu.memory_space<vmem>>[vector<16xi32>], vector<16xf32>,
    %get3A_762 = arith.constant 1 : i32
    %get3A_763 = arith.index_cast %get3A_762 : i32 to index
    %get3A_764 = arith.constant 80 : index
    %get3A_765 = tpu.vector_load %arg9[%get3A_763, %get3A_764] {strides = array<i32>} : memref<2x128xi32, #tpu.memory_space<vmem>>, vector<16xi32>,
    tpu.vector_store_idx %arg13[%get3A_765], %broadcast_in_dim3A_3 {add = true} : memref<512xf32, #tpu.memory_space<vmem>>[vector<16xi32>], vector<16xf32>,
    %get3A_766 = arith.constant 1 : i32
    %get3A_767 = arith.index_cast %get3A_766 : i32 to index
    %get3A_768 = arith.constant 96 : index
    %get3A_769 = tpu.vector_load %arg9[%get3A_767, %get3A_768] {strides = array<i32>} : memref<2x128xi32, #tpu.memory_space<vmem>>, vector<16xi32>,
    tpu.vector_store_idx %arg13[%get3A_769], %broadcast_in_dim3A_3 {add = true} : memref<512xf32, #tpu.memory_space<vmem>>[vector<16xi32>], vector<16xf32>,
    %get3A_770 = arith.constant 1 : i32
    %get3A_771 = arith.index_cast %get3A_770 : i32 to index
    %get3A_772 = arith.constant 112 : index
    %get3A_773 = tpu.vector_load %arg9[%get3A_771, %get3A_772] {strides = array<i32>} : memref<2x128xi32, #tpu.memory_space<vmem>>, vector<16xi32>,
    tpu.vector_store_idx %arg13[%get3A_773], %broadcast_in_dim3A_3 {add = true} : memref<512xf32, #tpu.memory_space<vmem>>[vector<16xi32>], vector<16xf32>,
    %dma_wait3A_774 = arith.constant 0 : i32
    %dma_wait3A_775 = arith.constant 0 : i32
    %dma_wait3A_776 = arith.constant 0 : i32
    %dma_wait3A_777 = tpu.memref_slice %arg6[%dma_wait3A_775, %dma_wait3A_776] : memref<256x128xf32, #tpu.memory_space<vmem>> -> memref<128x128xf32, #tpu.memory_space<vmem>>
    %dma_wait3A_778 = arith.constant 0 : i32
    %dma_wait3A_779 = tpu.memref_slice %arg9[%dma_wait3A_774, %dma_wait3A_778] : memref<2x128xi32, #tpu.memory_space<vmem>> -> memref<1x128xi32, #tpu.memory_space<vmem>>
    %dma_wait3A_780 = tpu.memref_squeeze %dma_wait3A_779 : memref<1x128xi32, #tpu.memory_space<vmem>> -> memref<128xi32, #tpu.memory_space<vmem>>
    %dma_wait3A_781 = arith.constant 0 : i32
    %dma_wait3A_782 = arith.constant 0 : i32
    %dma_wait3A_783 = tpu.memref_slice %arg14[%dma_wait3A_781, %dma_wait3A_782] : memref<512x128xf32, #tpu.memory_space<vmem_shared>> -> memref<512x128xf32, #tpu.memory_space<vmem_shared>>
    tpu.wait_indirect_dma semaphore(%arg18 : memref<!tpu.dma_semaphore, #tpu.memory_space<semaphore_mem>>) src(%dma_wait3A_777 : memref<128x128xf32, #tpu.memory_space<vmem>>) dst(%dma_wait3A_783 : memref<512x128xf32, #tpu.memory_space<vmem_shared>>)
    %dma_wait3A_784 = arith.constant 1 : i32
    %dma_wait3A_785 = arith.constant 128 : i32
    %dma_wait3A_786 = arith.constant 0 : i32
    %dma_wait3A_787 = tpu.memref_slice %arg6[%dma_wait3A_785, %dma_wait3A_786] : memref<256x128xf32, #tpu.memory_space<vmem>> -> memref<128x128xf32, #tpu.memory_space<vmem>>
    %dma_wait3A_788 = arith.constant 0 : i32
    %dma_wait3A_789 = tpu.memref_slice %arg9[%dma_wait3A_784, %dma_wait3A_788] : memref<2x128xi32, #tpu.memory_space<vmem>> -> memref<1x128xi32, #tpu.memory_space<vmem>>
    %dma_wait3A_790 = tpu.memref_squeeze %dma_wait3A_789 : memref<1x128xi32, #tpu.memory_space<vmem>> -> memref<128xi32, #tpu.memory_space<vmem>>
    %dma_wait3A_791 = arith.constant 0 : i32
    %dma_wait3A_792 = arith.constant 0 : i32
    %dma_wait3A_793 = tpu.memref_slice %arg14[%dma_wait3A_791, %dma_wait3A_792] : memref<512x128xf32, #tpu.memory_space<vmem_shared>> -> memref<512x128xf32, #tpu.memory_space<vmem_shared>>
    tpu.wait_indirect_dma semaphore(%arg18 : memref<!tpu.dma_semaphore, #tpu.memory_space<semaphore_mem>>) src(%dma_wait3A_787 : memref<128x128xf32, #tpu.memory_space<vmem>>) dst(%dma_wait3A_793 : memref<512x128xf32, #tpu.memory_space<vmem_shared>>)
    %add3A_794 = arith.constant 192 : i32
    %add3A_795 = arith.addi %add3A, %add3A_794 : i32
    %mul3A_796 = arith.constant 256 : i32
    %mul3A_797 = arith.muli %add3A_795, %mul3A_796 : i32
    %dma_start3A_798 = arith.constant 0 : i32
    %dma_start3A_799 = arith.constant 0 : i32
    %dma_start3A_800 = tpu.memref_slice %arg9[%dma_start3A_798, %dma_start3A_799] : memref<2x128xi32, #tpu.memory_space<vmem>> -> memref<1x128xi32, #tpu.memory_space<vmem>>
    %dma_start3A_801 = tpu.memref_squeeze %dma_start3A_800 : memref<1x128xi32, #tpu.memory_space<vmem>> -> memref<128xi32, #tpu.memory_space<vmem>>
    %dma_start3A_802 = tpu.memref_slice %arg3[%mul3A_797] : memref<100000xi32, #tpu.memory_space<hbm>> -> memref<128xi32, #tpu.memory_space<hbm>>
    %dma_start3A_803 = arith.constant 0 : i32
    %dma_start3A_804 = tpu.memref_slice %arg9[%dma_start3A_798, %dma_start3A_803] : memref<2x128xi32, #tpu.memory_space<vmem>> -> memref<1x128xi32, #tpu.memory_space<vmem>>
    %dma_start3A_805 = tpu.memref_squeeze %dma_start3A_804 : memref<1x128xi32, #tpu.memory_space<vmem>> -> memref<128xi32, #tpu.memory_space<vmem>>
    %dma_start3A_806 = tpu.memref_slice %arg3[%mul3A_797] : memref<100000xi32, #tpu.memory_space<hbm>> -> memref<128xi32, #tpu.memory_space<hbm>>
    tpu.enqueue_dma source(%dma_start3A_806 : memref<128xi32, #tpu.memory_space<hbm>>) target(%dma_start3A_805 : memref<128xi32, #tpu.memory_space<vmem>>) target_semaphore(%arg15 : memref<!tpu.dma_semaphore, #tpu.memory_space<semaphore_mem>>)
    %mul3A_807 = arith.constant 256 : i32
    %mul3A_808 = arith.muli %add3A_795, %mul3A_807 : i32
    %add3A_809 = arith.constant 128 : i32
    %add3A_810 = arith.addi %mul3A_808, %add3A_809 : i32
    %dma_start3A_811 = arith.constant 1 : i32
    %dma_start3A_812 = arith.constant 0 : i32
    %dma_start3A_813 = tpu.memref_slice %arg9[%dma_start3A_811, %dma_start3A_812] : memref<2x128xi32, #tpu.memory_space<vmem>> -> memref<1x128xi32, #tpu.memory_space<vmem>>
    %dma_start3A_814 = tpu.memref_squeeze %dma_start3A_813 : memref<1x128xi32, #tpu.memory_space<vmem>> -> memref<128xi32, #tpu.memory_space<vmem>>
    %dma_start3A_815 = tpu.memref_slice %arg3[%add3A_810] : memref<100000xi32, #tpu.memory_space<hbm>> -> memref<128xi32, #tpu.memory_space<hbm>>
    %dma_start3A_816 = arith.constant 0 : i32
    %dma_start3A_817 = tpu.memref_slice %arg9[%dma_start3A_811, %dma_start3A_816] : memref<2x128xi32, #tpu.memory_space<vmem>> -> memref<1x128xi32, #tpu.memory_space<vmem>>
    %dma_start3A_818 = tpu.memref_squeeze %dma_start3A_817 : memref<1x128xi32, #tpu.memory_space<vmem>> -> memref<128xi32, #tpu.memory_space<vmem>>
    %dma_start3A_819 = tpu.memref_slice %arg3[%add3A_810] : memref<100000xi32, #tpu.memory_space<hbm>> -> memref<128xi32, #tpu.memory_space<hbm>>
    tpu.enqueue_dma source(%dma_start3A_819 : memref<128xi32, #tpu.memory_space<hbm>>) target(%dma_start3A_818 : memref<128xi32, #tpu.memory_space<vmem>>) target_semaphore(%arg15 : memref<!tpu.dma_semaphore, #tpu.memory_space<semaphore_mem>>)
    %mul3A_820 = arith.constant 256 : i32
    %mul3A_821 = arith.muli %add3A_795, %mul3A_820 : i32
    %dma_start3A_822 = arith.constant 0 : i32
    %dma_start3A_823 = tpu.memref_slice %arg2[%mul3A_821, %dma_start3A_822] : memref<100000x128xf32, #tpu.memory_space<hbm>> -> memref<256x128xf32, #tpu.memory_space<hbm>>
    %dma_start3A_824 = arith.constant 0 : i32
    %dma_start3A_825 = tpu.memref_slice %arg2[%mul3A_821, %dma_start3A_824] : memref<100000x128xf32, #tpu.memory_space<hbm>> -> memref<256x128xf32, #tpu.memory_space<hbm>>
    tpu.enqueue_dma source(%dma_start3A_825 : memref<256x128xf32, #tpu.memory_space<hbm>>) target(%arg6 : memref<256x128xf32, #tpu.memory_space<vmem>>) target_semaphore(%arg15 : memref<!tpu.dma_semaphore, #tpu.memory_space<semaphore_mem>>)
    %dma_wait3A_826 = arith.constant 0 : i32
    %dma_wait3A_827 = arith.constant 0 : i32
    %dma_wait3A_828 = tpu.memref_slice %arg10[%dma_wait3A_826, %dma_wait3A_827] : memref<2x128xi32, #tpu.memory_space<vmem>> -> memref<1x128xi32, #tpu.memory_space<vmem>>
    %dma_wait3A_829 = tpu.memref_squeeze %dma_wait3A_828 : memref<1x128xi32, #tpu.memory_space<vmem>> -> memref<128xi32, #tpu.memory_space<vmem>>
    %dma_wait3A_830 = arith.constant 0 : i32
    %dma_wait3A_831 = tpu.memref_slice %arg3[%dma_wait3A_830] : memref<100000xi32, #tpu.memory_space<hbm>> -> memref<128xi32, #tpu.memory_space<hbm>>
    %dma_wait3A_832 = arith.constant 0 : i32
    %dma_wait3A_833 = tpu.memref_slice %arg10[%dma_wait3A_826, %dma_wait3A_832] : memref<2x128xi32, #tpu.memory_space<vmem>> -> memref<1x128xi32, #tpu.memory_space<vmem>>
    %dma_wait3A_834 = tpu.memref_squeeze %dma_wait3A_833 : memref<1x128xi32, #tpu.memory_space<vmem>> -> memref<128xi32, #tpu.memory_space<vmem>>
    %dma_wait3A_835 = arith.constant 0 : i32
    %dma_wait3A_836 = tpu.memref_slice %arg3[%dma_wait3A_835] : memref<100000xi32, #tpu.memory_space<hbm>> -> memref<128xi32, #tpu.memory_space<hbm>>
    tpu.wait_dma2 semaphore(%arg16 : memref<!tpu.dma_semaphore, #tpu.memory_space<semaphore_mem>>) src(%dma_wait3A_836 : memref<128xi32, #tpu.memory_space<hbm>>) dst(%dma_wait3A_834 : memref<128xi32, #tpu.memory_space<vmem>>)
    %dma_wait3A_837 = arith.constant 1 : i32
    %dma_wait3A_838 = arith.constant 0 : i32
    %dma_wait3A_839 = tpu.memref_slice %arg10[%dma_wait3A_837, %dma_wait3A_838] : memref<2x128xi32, #tpu.memory_space<vmem>> -> memref<1x128xi32, #tpu.memory_space<vmem>>
    %dma_wait3A_840 = tpu.memref_squeeze %dma_wait3A_839 : memref<1x128xi32, #tpu.memory_space<vmem>> -> memref<128xi32, #tpu.memory_space<vmem>>
    %dma_wait3A_841 = arith.constant 0 : i32
    %dma_wait3A_842 = tpu.memref_slice %arg3[%dma_wait3A_841] : memref<100000xi32, #tpu.memory_space<hbm>> -> memref<128xi32, #tpu.memory_space<hbm>>
    %dma_wait3A_843 = arith.constant 0 : i32
    %dma_wait3A_844 = tpu.memref_slice %arg10[%dma_wait3A_837, %dma_wait3A_843] : memref<2x128xi32, #tpu.memory_space<vmem>> -> memref<1x128xi32, #tpu.memory_space<vmem>>
    %dma_wait3A_845 = tpu.memref_squeeze %dma_wait3A_844 : memref<1x128xi32, #tpu.memory_space<vmem>> -> memref<128xi32, #tpu.memory_space<vmem>>
    %dma_wait3A_846 = arith.constant 0 : i32
    %dma_wait3A_847 = tpu.memref_slice %arg3[%dma_wait3A_846] : memref<100000xi32, #tpu.memory_space<hbm>> -> memref<128xi32, #tpu.memory_space<hbm>>
    tpu.wait_dma2 semaphore(%arg16 : memref<!tpu.dma_semaphore, #tpu.memory_space<semaphore_mem>>) src(%dma_wait3A_847 : memref<128xi32, #tpu.memory_space<hbm>>) dst(%dma_wait3A_845 : memref<128xi32, #tpu.memory_space<vmem>>)
    %dma_wait3A_848 = arith.constant 0 : i32
    %dma_wait3A_849 = arith.constant 0 : i32
    %dma_wait3A_850 = tpu.memref_slice %arg2[%dma_wait3A_848, %dma_wait3A_849] : memref<100000x128xf32, #tpu.memory_space<hbm>> -> memref<256x128xf32, #tpu.memory_space<hbm>>
    %dma_wait3A_851 = arith.constant 0 : i32
    %dma_wait3A_852 = arith.constant 0 : i32
    %dma_wait3A_853 = tpu.memref_slice %arg2[%dma_wait3A_851, %dma_wait3A_852] : memref<100000x128xf32, #tpu.memory_space<hbm>> -> memref<256x128xf32, #tpu.memory_space<hbm>>
    tpu.wait_dma2 semaphore(%arg16 : memref<!tpu.dma_semaphore, #tpu.memory_space<semaphore_mem>>) src(%dma_wait3A_853 : memref<256x128xf32, #tpu.memory_space<hbm>>) dst(%arg7 : memref<256x128xf32, #tpu.memory_space<vmem>>)
    %dma_start3A_854 = arith.constant 0 : i32
    %dma_start3A_855 = arith.constant 0 : i32
    %dma_start3A_856 = arith.constant 0 : i32
    %dma_start3A_857 = tpu.memref_slice %arg7[%dma_start3A_855, %dma_start3A_856] : memref<256x128xf32, #tpu.memory_space<vmem>> -> memref<128x128xf32, #tpu.memory_space<vmem>>
    %dma_start3A_858 = arith.constant 0 : i32
    %dma_start3A_859 = tpu.memref_slice %arg10[%dma_start3A_854, %dma_start3A_858] : memref<2x128xi32, #tpu.memory_space<vmem>> -> memref<1x128xi32, #tpu.memory_space<vmem>>
    %dma_start3A_860 = tpu.memref_squeeze %dma_start3A_859 : memref<1x128xi32, #tpu.memory_space<vmem>> -> memref<128xi32, #tpu.memory_space<vmem>>
    %dma_start3A_861 = arith.constant 0 : i32
    %dma_start3A_862 = arith.constant 0 : i32
    %dma_start3A_863 = tpu.memref_slice %arg14[%dma_start3A_861, %dma_start3A_862] : memref<512x128xf32, #tpu.memory_space<vmem_shared>> -> memref<512x128xf32, #tpu.memory_space<vmem_shared>>
    tpu.enqueue_indirect_dma source(%dma_start3A_857 : memref<128x128xf32, #tpu.memory_space<vmem>>) target(%dma_start3A_863 : memref<512x128xf32, #tpu.memory_space<vmem_shared>>) offsets(%dma_start3A_860 : memref<128xi32, #tpu.memory_space<vmem>>) semaphore(%arg19 : memref<!tpu.dma_semaphore, #tpu.memory_space<semaphore_mem>>) {add = true}
    %dma_start3A_864 = arith.constant 1 : i32
    %dma_start3A_865 = arith.constant 128 : i32
    %dma_start3A_866 = arith.constant 0 : i32
    %dma_start3A_867 = tpu.memref_slice %arg7[%dma_start3A_865, %dma_start3A_866] : memref<256x128xf32, #tpu.memory_space<vmem>> -> memref<128x128xf32, #tpu.memory_space<vmem>>
    %dma_start3A_868 = arith.constant 0 : i32
    %dma_start3A_869 = tpu.memref_slice %arg10[%dma_start3A_864, %dma_start3A_868] : memref<2x128xi32, #tpu.memory_space<vmem>> -> memref<1x128xi32, #tpu.memory_space<vmem>>
    %dma_start3A_870 = tpu.memref_squeeze %dma_start3A_869 : memref<1x128xi32, #tpu.memory_space<vmem>> -> memref<128xi32, #tpu.memory_space<vmem>>
    %dma_start3A_871 = arith.constant 0 : i32
    %dma_start3A_872 = arith.constant 0 : i32
    %dma_start3A_873 = tpu.memref_slice %arg14[%dma_start3A_871, %dma_start3A_872] : memref<512x128xf32, #tpu.memory_space<vmem_shared>> -> memref<512x128xf32, #tpu.memory_space<vmem_shared>>
    tpu.enqueue_indirect_dma source(%dma_start3A_867 : memref<128x128xf32, #tpu.memory_space<vmem>>) target(%dma_start3A_873 : memref<512x128xf32, #tpu.memory_space<vmem_shared>>) offsets(%dma_start3A_870 : memref<128xi32, #tpu.memory_space<vmem>>) semaphore(%arg19 : memref<!tpu.dma_semaphore, #tpu.memory_space<semaphore_mem>>) {add = true}
    %get3A_874 = arith.constant 0 : i32
    %get3A_875 = arith.index_cast %get3A_874 : i32 to index
    %get3A_876 = arith.constant 0 : index
    %get3A_877 = tpu.vector_load %arg10[%get3A_875, %get3A_876] {strides = array<i32>} : memref<2x128xi32, #tpu.memory_space<vmem>>, vector<16xi32>,
    tpu.vector_store_idx %arg13[%get3A_877], %broadcast_in_dim3A_3 {add = true} : memref<512xf32, #tpu.memory_space<vmem>>[vector<16xi32>], vector<16xf32>,
    %get3A_878 = arith.constant 0 : i32
    %get3A_879 = arith.index_cast %get3A_878 : i32 to index
    %get3A_880 = arith.constant 16 : index
    %get3A_881 = tpu.vector_load %arg10[%get3A_879, %get3A_880] {strides = array<i32>} : memref<2x128xi32, #tpu.memory_space<vmem>>, vector<16xi32>,
    tpu.vector_store_idx %arg13[%get3A_881], %broadcast_in_dim3A_3 {add = true} : memref<512xf32, #tpu.memory_space<vmem>>[vector<16xi32>], vector<16xf32>,
    %get3A_882 = arith.constant 0 : i32
    %get3A_883 = arith.index_cast %get3A_882 : i32 to index
    %get3A_884 = arith.constant 32 : index
    %get3A_885 = tpu.vector_load %arg10[%get3A_883, %get3A_884] {strides = array<i32>} : memref<2x128xi32, #tpu.memory_space<vmem>>, vector<16xi32>,
    tpu.vector_store_idx %arg13[%get3A_885], %broadcast_in_dim3A_3 {add = true} : memref<512xf32, #tpu.memory_space<vmem>>[vector<16xi32>], vector<16xf32>,
    %get3A_886 = arith.constant 0 : i32
    %get3A_887 = arith.index_cast %get3A_886 : i32 to index
    %get3A_888 = arith.constant 48 : index
    %get3A_889 = tpu.vector_load %arg10[%get3A_887, %get3A_888] {strides = array<i32>} : memref<2x128xi32, #tpu.memory_space<vmem>>, vector<16xi32>,
    tpu.vector_store_idx %arg13[%get3A_889], %broadcast_in_dim3A_3 {add = true} : memref<512xf32, #tpu.memory_space<vmem>>[vector<16xi32>], vector<16xf32>,
    %get3A_890 = arith.constant 0 : i32
    %get3A_891 = arith.index_cast %get3A_890 : i32 to index
    %get3A_892 = arith.constant 64 : index
    %get3A_893 = tpu.vector_load %arg10[%get3A_891, %get3A_892] {strides = array<i32>} : memref<2x128xi32, #tpu.memory_space<vmem>>, vector<16xi32>,
    tpu.vector_store_idx %arg13[%get3A_893], %broadcast_in_dim3A_3 {add = true} : memref<512xf32, #tpu.memory_space<vmem>>[vector<16xi32>], vector<16xf32>,
    %get3A_894 = arith.constant 0 : i32
    %get3A_895 = arith.index_cast %get3A_894 : i32 to index
    %get3A_896 = arith.constant 80 : index
    %get3A_897 = tpu.vector_load %arg10[%get3A_895, %get3A_896] {strides = array<i32>} : memref<2x128xi32, #tpu.memory_space<vmem>>, vector<16xi32>,
    tpu.vector_store_idx %arg13[%get3A_897], %broadcast_in_dim3A_3 {add = true} : memref<512xf32, #tpu.memory_space<vmem>>[vector<16xi32>], vector<16xf32>,
    %get3A_898 = arith.constant 0 : i32
    %get3A_899 = arith.index_cast %get3A_898 : i32 to index
    %get3A_900 = arith.constant 96 : index
    %get3A_901 = tpu.vector_load %arg10[%get3A_899, %get3A_900] {strides = array<i32>} : memref<2x128xi32, #tpu.memory_space<vmem>>, vector<16xi32>,
    tpu.vector_store_idx %arg13[%get3A_901], %broadcast_in_dim3A_3 {add = true} : memref<512xf32, #tpu.memory_space<vmem>>[vector<16xi32>], vector<16xf32>,
    %get3A_902 = arith.constant 0 : i32
    %get3A_903 = arith.index_cast %get3A_902 : i32 to index
    %get3A_904 = arith.constant 112 : index
    %get3A_905 = tpu.vector_load %arg10[%get3A_903, %get3A_904] {strides = array<i32>} : memref<2x128xi32, #tpu.memory_space<vmem>>, vector<16xi32>,
    tpu.vector_store_idx %arg13[%get3A_905], %broadcast_in_dim3A_3 {add = true} : memref<512xf32, #tpu.memory_space<vmem>>[vector<16xi32>], vector<16xf32>,
    %get3A_906 = arith.constant 1 : i32
    %get3A_907 = arith.index_cast %get3A_906 : i32 to index
    %get3A_908 = arith.constant 0 : index
    %get3A_909 = tpu.vector_load %arg10[%get3A_907, %get3A_908] {strides = array<i32>} : memref<2x128xi32, #tpu.memory_space<vmem>>, vector<16xi32>,
    tpu.vector_store_idx %arg13[%get3A_909], %broadcast_in_dim3A_3 {add = true} : memref<512xf32, #tpu.memory_space<vmem>>[vector<16xi32>], vector<16xf32>,
    %get3A_910 = arith.constant 1 : i32
    %get3A_911 = arith.index_cast %get3A_910 : i32 to index
    %get3A_912 = arith.constant 16 : index
    %get3A_913 = tpu.vector_load %arg10[%get3A_911, %get3A_912] {strides = array<i32>} : memref<2x128xi32, #tpu.memory_space<vmem>>, vector<16xi32>,
    tpu.vector_store_idx %arg13[%get3A_913], %broadcast_in_dim3A_3 {add = true} : memref<512xf32, #tpu.memory_space<vmem>>[vector<16xi32>], vector<16xf32>,
    %get3A_914 = arith.constant 1 : i32
    %get3A_915 = arith.index_cast %get3A_914 : i32 to index
    %get3A_916 = arith.constant 32 : index
    %get3A_917 = tpu.vector_load %arg10[%get3A_915, %get3A_916] {strides = array<i32>} : memref<2x128xi32, #tpu.memory_space<vmem>>, vector<16xi32>,
    tpu.vector_store_idx %arg13[%get3A_917], %broadcast_in_dim3A_3 {add = true} : memref<512xf32, #tpu.memory_space<vmem>>[vector<16xi32>], vector<16xf32>,
    %get3A_918 = arith.constant 1 : i32
    %get3A_919 = arith.index_cast %get3A_918 : i32 to index
    %get3A_920 = arith.constant 48 : index
    %get3A_921 = tpu.vector_load %arg10[%get3A_919, %get3A_920] {strides = array<i32>} : memref<2x128xi32, #tpu.memory_space<vmem>>, vector<16xi32>,
    tpu.vector_store_idx %arg13[%get3A_921], %broadcast_in_dim3A_3 {add = true} : memref<512xf32, #tpu.memory_space<vmem>>[vector<16xi32>], vector<16xf32>,
    %get3A_922 = arith.constant 1 : i32
    %get3A_923 = arith.index_cast %get3A_922 : i32 to index
    %get3A_924 = arith.constant 64 : index
    %get3A_925 = tpu.vector_load %arg10[%get3A_923, %get3A_924] {strides = array<i32>} : memref<2x128xi32, #tpu.memory_space<vmem>>, vector<16xi32>,
    tpu.vector_store_idx %arg13[%get3A_925], %broadcast_in_dim3A_3 {add = true} : memref<512xf32, #tpu.memory_space<vmem>>[vector<16xi32>], vector<16xf32>,
    %get3A_926 = arith.constant 1 : i32
    %get3A_927 = arith.index_cast %get3A_926 : i32 to index
    %get3A_928 = arith.constant 80 : index
    %get3A_929 = tpu.vector_load %arg10[%get3A_927, %get3A_928] {strides = array<i32>} : memref<2x128xi32, #tpu.memory_space<vmem>>, vector<16xi32>,
    tpu.vector_store_idx %arg13[%get3A_929], %broadcast_in_dim3A_3 {add = true} : memref<512xf32, #tpu.memory_space<vmem>>[vector<16xi32>], vector<16xf32>,
    %get3A_930 = arith.constant 1 : i32
    %get3A_931 = arith.index_cast %get3A_930 : i32 to index
    %get3A_932 = arith.constant 96 : index
    %get3A_933 = tpu.vector_load %arg10[%get3A_931, %get3A_932] {strides = array<i32>} : memref<2x128xi32, #tpu.memory_space<vmem>>, vector<16xi32>,
    tpu.vector_store_idx %arg13[%get3A_933], %broadcast_in_dim3A_3 {add = true} : memref<512xf32, #tpu.memory_space<vmem>>[vector<16xi32>], vector<16xf32>,
    %get3A_934 = arith.constant 1 : i32
    %get3A_935 = arith.index_cast %get3A_934 : i32 to index
    %get3A_936 = arith.constant 112 : index
    %get3A_937 = tpu.vector_load %arg10[%get3A_935, %get3A_936] {strides = array<i32>} : memref<2x128xi32, #tpu.memory_space<vmem>>, vector<16xi32>,
    tpu.vector_store_idx %arg13[%get3A_937], %broadcast_in_dim3A_3 {add = true} : memref<512xf32, #tpu.memory_space<vmem>>[vector<16xi32>], vector<16xf32>,
    %dma_wait3A_938 = arith.constant 0 : i32
    %dma_wait3A_939 = arith.constant 0 : i32
    %dma_wait3A_940 = arith.constant 0 : i32
    %dma_wait3A_941 = tpu.memref_slice %arg7[%dma_wait3A_939, %dma_wait3A_940] : memref<256x128xf32, #tpu.memory_space<vmem>> -> memref<128x128xf32, #tpu.memory_space<vmem>>
    %dma_wait3A_942 = arith.constant 0 : i32
    %dma_wait3A_943 = tpu.memref_slice %arg10[%dma_wait3A_938, %dma_wait3A_942] : memref<2x128xi32, #tpu.memory_space<vmem>> -> memref<1x128xi32, #tpu.memory_space<vmem>>
    %dma_wait3A_944 = tpu.memref_squeeze %dma_wait3A_943 : memref<1x128xi32, #tpu.memory_space<vmem>> -> memref<128xi32, #tpu.memory_space<vmem>>
    %dma_wait3A_945 = arith.constant 0 : i32
    %dma_wait3A_946 = arith.constant 0 : i32
    %dma_wait3A_947 = tpu.memref_slice %arg14[%dma_wait3A_945, %dma_wait3A_946] : memref<512x128xf32, #tpu.memory_space<vmem_shared>> -> memref<512x128xf32, #tpu.memory_space<vmem_shared>>
    tpu.wait_indirect_dma semaphore(%arg19 : memref<!tpu.dma_semaphore, #tpu.memory_space<semaphore_mem>>) src(%dma_wait3A_941 : memref<128x128xf32, #tpu.memory_space<vmem>>) dst(%dma_wait3A_947 : memref<512x128xf32, #tpu.memory_space<vmem_shared>>)
    %dma_wait3A_948 = arith.constant 1 : i32
    %dma_wait3A_949 = arith.constant 128 : i32
    %dma_wait3A_950 = arith.constant 0 : i32
    %dma_wait3A_951 = tpu.memref_slice %arg7[%dma_wait3A_949, %dma_wait3A_950] : memref<256x128xf32, #tpu.memory_space<vmem>> -> memref<128x128xf32, #tpu.memory_space<vmem>>
    %dma_wait3A_952 = arith.constant 0 : i32
    %dma_wait3A_953 = tpu.memref_slice %arg10[%dma_wait3A_948, %dma_wait3A_952] : memref<2x128xi32, #tpu.memory_space<vmem>> -> memref<1x128xi32, #tpu.memory_space<vmem>>
    %dma_wait3A_954 = tpu.memref_squeeze %dma_wait3A_953 : memref<1x128xi32, #tpu.memory_space<vmem>> -> memref<128xi32, #tpu.memory_space<vmem>>
    %dma_wait3A_955 = arith.constant 0 : i32
    %dma_wait3A_956 = arith.constant 0 : i32
    %dma_wait3A_957 = tpu.memref_slice %arg14[%dma_wait3A_955, %dma_wait3A_956] : memref<512x128xf32, #tpu.memory_space<vmem_shared>> -> memref<512x128xf32, #tpu.memory_space<vmem_shared>>
    tpu.wait_indirect_dma semaphore(%arg19 : memref<!tpu.dma_semaphore, #tpu.memory_space<semaphore_mem>>) src(%dma_wait3A_951 : memref<128x128xf32, #tpu.memory_space<vmem>>) dst(%dma_wait3A_957 : memref<512x128xf32, #tpu.memory_space<vmem_shared>>)
    %add3A_958 = arith.constant 224 : i32
    %add3A_959 = arith.addi %add3A, %add3A_958 : i32
    %mul3A_960 = arith.constant 256 : i32
    %mul3A_961 = arith.muli %add3A_959, %mul3A_960 : i32
    %dma_start3A_962 = arith.constant 0 : i32
    %dma_start3A_963 = arith.constant 0 : i32
    %dma_start3A_964 = tpu.memref_slice %arg10[%dma_start3A_962, %dma_start3A_963] : memref<2x128xi32, #tpu.memory_space<vmem>> -> memref<1x128xi32, #tpu.memory_space<vmem>>
    %dma_start3A_965 = tpu.memref_squeeze %dma_start3A_964 : memref<1x128xi32, #tpu.memory_space<vmem>> -> memref<128xi32, #tpu.memory_space<vmem>>
    %dma_start3A_966 = tpu.memref_slice %arg3[%mul3A_961] : memref<100000xi32, #tpu.memory_space<hbm>> -> memref<128xi32, #tpu.memory_space<hbm>>
    %dma_start3A_967 = arith.constant 0 : i32
    %dma_start3A_968 = tpu.memref_slice %arg10[%dma_start3A_962, %dma_start3A_967] : memref<2x128xi32, #tpu.memory_space<vmem>> -> memref<1x128xi32, #tpu.memory_space<vmem>>
    %dma_start3A_969 = tpu.memref_squeeze %dma_start3A_968 : memref<1x128xi32, #tpu.memory_space<vmem>> -> memref<128xi32, #tpu.memory_space<vmem>>
    %dma_start3A_970 = tpu.memref_slice %arg3[%mul3A_961] : memref<100000xi32, #tpu.memory_space<hbm>> -> memref<128xi32, #tpu.memory_space<hbm>>
    tpu.enqueue_dma source(%dma_start3A_970 : memref<128xi32, #tpu.memory_space<hbm>>) target(%dma_start3A_969 : memref<128xi32, #tpu.memory_space<vmem>>) target_semaphore(%arg16 : memref<!tpu.dma_semaphore, #tpu.memory_space<semaphore_mem>>)
    %mul3A_971 = arith.constant 256 : i32
    %mul3A_972 = arith.muli %add3A_959, %mul3A_971 : i32
    %add3A_973 = arith.constant 128 : i32
    %add3A_974 = arith.addi %mul3A_972, %add3A_973 : i32
    %dma_start3A_975 = arith.constant 1 : i32
    %dma_start3A_976 = arith.constant 0 : i32
    %dma_start3A_977 = tpu.memref_slice %arg10[%dma_start3A_975, %dma_start3A_976] : memref<2x128xi32, #tpu.memory_space<vmem>> -> memref<1x128xi32, #tpu.memory_space<vmem>>
    %dma_start3A_978 = tpu.memref_squeeze %dma_start3A_977 : memref<1x128xi32, #tpu.memory_space<vmem>> -> memref<128xi32, #tpu.memory_space<vmem>>
    %dma_start3A_979 = tpu.memref_slice %arg3[%add3A_974] : memref<100000xi32, #tpu.memory_space<hbm>> -> memref<128xi32, #tpu.memory_space<hbm>>
    %dma_start3A_980 = arith.constant 0 : i32
    %dma_start3A_981 = tpu.memref_slice %arg10[%dma_start3A_975, %dma_start3A_980] : memref<2x128xi32, #tpu.memory_space<vmem>> -> memref<1x128xi32, #tpu.memory_space<vmem>>
    %dma_start3A_982 = tpu.memref_squeeze %dma_start3A_981 : memref<1x128xi32, #tpu.memory_space<vmem>> -> memref<128xi32, #tpu.memory_space<vmem>>
    %dma_start3A_983 = tpu.memref_slice %arg3[%add3A_974] : memref<100000xi32, #tpu.memory_space<hbm>> -> memref<128xi32, #tpu.memory_space<hbm>>
    tpu.enqueue_dma source(%dma_start3A_983 : memref<128xi32, #tpu.memory_space<hbm>>) target(%dma_start3A_982 : memref<128xi32, #tpu.memory_space<vmem>>) target_semaphore(%arg16 : memref<!tpu.dma_semaphore, #tpu.memory_space<semaphore_mem>>)
    %mul3A_984 = arith.constant 256 : i32
    %mul3A_985 = arith.muli %add3A_959, %mul3A_984 : i32
    %dma_start3A_986 = arith.constant 0 : i32
    %dma_start3A_987 = tpu.memref_slice %arg2[%mul3A_985, %dma_start3A_986] : memref<100000x128xf32, #tpu.memory_space<hbm>> -> memref<256x128xf32, #tpu.memory_space<hbm>>
    %dma_start3A_988 = arith.constant 0 : i32
    %dma_start3A_989 = tpu.memref_slice %arg2[%mul3A_985, %dma_start3A_988] : memref<100000x128xf32, #tpu.memory_space<hbm>> -> memref<256x128xf32, #tpu.memory_space<hbm>>
    tpu.enqueue_dma source(%dma_start3A_989 : memref<256x128xf32, #tpu.memory_space<hbm>>) target(%arg7 : memref<256x128xf32, #tpu.memory_space<vmem>>) target_semaphore(%arg16 : memref<!tpu.dma_semaphore, #tpu.memory_space<semaphore_mem>>)
    %dma_wait3A_990 = arith.constant 0 : i32
    %dma_wait3A_991 = arith.constant 0 : i32
    %dma_wait3A_992 = tpu.memref_slice %arg11[%dma_wait3A_990, %dma_wait3A_991] : memref<2x128xi32, #tpu.memory_space<vmem>> -> memref<1x128xi32, #tpu.memory_space<vmem>>
    %dma_wait3A_993 = tpu.memref_squeeze %dma_wait3A_992 : memref<1x128xi32, #tpu.memory_space<vmem>> -> memref<128xi32, #tpu.memory_space<vmem>>
    %dma_wait3A_994 = arith.constant 0 : i32
    %dma_wait3A_995 = tpu.memref_slice %arg3[%dma_wait3A_994] : memref<100000xi32, #tpu.memory_space<hbm>> -> memref<128xi32, #tpu.memory_space<hbm>>
    %dma_wait3A_996 = arith.constant 0 : i32
    %dma_wait3A_997 = tpu.memref_slice %arg11[%dma_wait3A_990, %dma_wait3A_996] : memref<2x128xi32, #tpu.memory_space<vmem>> -> memref<1x128xi32, #tpu.memory_space<vmem>>
    %dma_wait3A_998 = tpu.memref_squeeze %dma_wait3A_997 : memref<1x128xi32, #tpu.memory_space<vmem>> -> memref<128xi32, #tpu.memory_space<vmem>>
    %dma_wait3A_999 = arith.constant 0 : i32
    %dma_wait3A_1000 = tpu.memref_slice %arg3[%dma_wait3A_999] : memref<100000xi32, #tpu.memory_space<hbm>> -> memref<128xi32, #tpu.memory_space<hbm>>
    tpu.wait_dma2 semaphore(%arg17 : memref<!tpu.dma_semaphore, #tpu.memory_space<semaphore_mem>>) src(%dma_wait3A_1000 : memref<128xi32, #tpu.memory_space<hbm>>) dst(%dma_wait3A_998 : memref<128xi32, #tpu.memory_space<vmem>>)
    %dma_wait3A_1001 = arith.constant 1 : i32
    %dma_wait3A_1002 = arith.constant 0 : i32
    %dma_wait3A_1003 = tpu.memref_slice %arg11[%dma_wait3A_1001, %dma_wait3A_1002] : memref<2x128xi32, #tpu.memory_space<vmem>> -> memref<1x128xi32, #tpu.memory_space<vmem>>
    %dma_wait3A_1004 = tpu.memref_squeeze %dma_wait3A_1003 : memref<1x128xi32, #tpu.memory_space<vmem>> -> memref<128xi32, #tpu.memory_space<vmem>>
    %dma_wait3A_1005 = arith.constant 0 : i32
    %dma_wait3A_1006 = tpu.memref_slice %arg3[%dma_wait3A_1005] : memref<100000xi32, #tpu.memory_space<hbm>> -> memref<128xi32, #tpu.memory_space<hbm>>
    %dma_wait3A_1007 = arith.constant 0 : i32
    %dma_wait3A_1008 = tpu.memref_slice %arg11[%dma_wait3A_1001, %dma_wait3A_1007] : memref<2x128xi32, #tpu.memory_space<vmem>> -> memref<1x128xi32, #tpu.memory_space<vmem>>
    %dma_wait3A_1009 = tpu.memref_squeeze %dma_wait3A_1008 : memref<1x128xi32, #tpu.memory_space<vmem>> -> memref<128xi32, #tpu.memory_space<vmem>>
    %dma_wait3A_1010 = arith.constant 0 : i32
    %dma_wait3A_1011 = tpu.memref_slice %arg3[%dma_wait3A_1010] : memref<100000xi32, #tpu.memory_space<hbm>> -> memref<128xi32, #tpu.memory_space<hbm>>
    tpu.wait_dma2 semaphore(%arg17 : memref<!tpu.dma_semaphore, #tpu.memory_space<semaphore_mem>>) src(%dma_wait3A_1011 : memref<128xi32, #tpu.memory_space<hbm>>) dst(%dma_wait3A_1009 : memref<128xi32, #tpu.memory_space<vmem>>)
    %dma_wait3A_1012 = arith.constant 0 : i32
    %dma_wait3A_1013 = arith.constant 0 : i32
    %dma_wait3A_1014 = tpu.memref_slice %arg2[%dma_wait3A_1012, %dma_wait3A_1013] : memref<100000x128xf32, #tpu.memory_space<hbm>> -> memref<256x128xf32, #tpu.memory_space<hbm>>
    %dma_wait3A_1015 = arith.constant 0 : i32
    %dma_wait3A_1016 = arith.constant 0 : i32
    %dma_wait3A_1017 = tpu.memref_slice %arg2[%dma_wait3A_1015, %dma_wait3A_1016] : memref<100000x128xf32, #tpu.memory_space<hbm>> -> memref<256x128xf32, #tpu.memory_space<hbm>>
    tpu.wait_dma2 semaphore(%arg17 : memref<!tpu.dma_semaphore, #tpu.memory_space<semaphore_mem>>) src(%dma_wait3A_1017 : memref<256x128xf32, #tpu.memory_space<hbm>>) dst(%arg8 : memref<256x128xf32, #tpu.memory_space<vmem>>)
    %dma_start3A_1018 = arith.constant 0 : i32
    %dma_start3A_1019 = arith.constant 0 : i32
    %dma_start3A_1020 = arith.constant 0 : i32
    %dma_start3A_1021 = tpu.memref_slice %arg8[%dma_start3A_1019, %dma_start3A_1020] : memref<256x128xf32, #tpu.memory_space<vmem>> -> memref<128x128xf32, #tpu.memory_space<vmem>>
    %dma_start3A_1022 = arith.constant 0 : i32
    %dma_start3A_1023 = tpu.memref_slice %arg11[%dma_start3A_1018, %dma_start3A_1022] : memref<2x128xi32, #tpu.memory_space<vmem>> -> memref<1x128xi32, #tpu.memory_space<vmem>>
    %dma_start3A_1024 = tpu.memref_squeeze %dma_start3A_1023 : memref<1x128xi32, #tpu.memory_space<vmem>> -> memref<128xi32, #tpu.memory_space<vmem>>
    %dma_start3A_1025 = arith.constant 0 : i32
    %dma_start3A_1026 = arith.constant 0 : i32
    %dma_start3A_1027 = tpu.memref_slice %arg14[%dma_start3A_1025, %dma_start3A_1026] : memref<512x128xf32, #tpu.memory_space<vmem_shared>> -> memref<512x128xf32, #tpu.memory_space<vmem_shared>>
    tpu.enqueue_indirect_dma source(%dma_start3A_1021 : memref<128x128xf32, #tpu.memory_space<vmem>>) target(%dma_start3A_1027 : memref<512x128xf32, #tpu.memory_space<vmem_shared>>) offsets(%dma_start3A_1024 : memref<128xi32, #tpu.memory_space<vmem>>) semaphore(%arg20 : memref<!tpu.dma_semaphore, #tpu.memory_space<semaphore_mem>>) {add = true}
    %dma_start3A_1028 = arith.constant 1 : i32
    %dma_start3A_1029 = arith.constant 128 : i32
    %dma_start3A_1030 = arith.constant 0 : i32
    %dma_start3A_1031 = tpu.memref_slice %arg8[%dma_start3A_1029, %dma_start3A_1030] : memref<256x128xf32, #tpu.memory_space<vmem>> -> memref<128x128xf32, #tpu.memory_space<vmem>>
    %dma_start3A_1032 = arith.constant 0 : i32
    %dma_start3A_1033 = tpu.memref_slice %arg11[%dma_start3A_1028, %dma_start3A_1032] : memref<2x128xi32, #tpu.memory_space<vmem>> -> memref<1x128xi32, #tpu.memory_space<vmem>>
    %dma_start3A_1034 = tpu.memref_squeeze %dma_start3A_1033 : memref<1x128xi32, #tpu.memory_space<vmem>> -> memref<128xi32, #tpu.memory_space<vmem>>
    %dma_start3A_1035 = arith.constant 0 : i32
    %dma_start3A_1036 = arith.constant 0 : i32
    %dma_start3A_1037 = tpu.memref_slice %arg14[%dma_start3A_1035, %dma_start3A_1036] : memref<512x128xf32, #tpu.memory_space<vmem_shared>> -> memref<512x128xf32, #tpu.memory_space<vmem_shared>>
    tpu.enqueue_indirect_dma source(%dma_start3A_1031 : memref<128x128xf32, #tpu.memory_space<vmem>>) target(%dma_start3A_1037 : memref<512x128xf32, #tpu.memory_space<vmem_shared>>) offsets(%dma_start3A_1034 : memref<128xi32, #tpu.memory_space<vmem>>) semaphore(%arg20 : memref<!tpu.dma_semaphore, #tpu.memory_space<semaphore_mem>>) {add = true}
    %get3A_1038 = arith.constant 0 : i32
    %get3A_1039 = arith.index_cast %get3A_1038 : i32 to index
    %get3A_1040 = arith.constant 0 : index
    %get3A_1041 = tpu.vector_load %arg11[%get3A_1039, %get3A_1040] {strides = array<i32>} : memref<2x128xi32, #tpu.memory_space<vmem>>, vector<16xi32>,
    tpu.vector_store_idx %arg13[%get3A_1041], %broadcast_in_dim3A_3 {add = true} : memref<512xf32, #tpu.memory_space<vmem>>[vector<16xi32>], vector<16xf32>,
    %get3A_1042 = arith.constant 0 : i32
    %get3A_1043 = arith.index_cast %get3A_1042 : i32 to index
    %get3A_1044 = arith.constant 16 : index
    %get3A_1045 = tpu.vector_load %arg11[%get3A_1043, %get3A_1044] {strides = array<i32>} : memref<2x128xi32, #tpu.memory_space<vmem>>, vector<16xi32>,
    tpu.vector_store_idx %arg13[%get3A_1045], %broadcast_in_dim3A_3 {add = true} : memref<512xf32, #tpu.memory_space<vmem>>[vector<16xi32>], vector<16xf32>,
    %get3A_1046 = arith.constant 0 : i32
    %get3A_1047 = arith.index_cast %get3A_1046 : i32 to index
    %get3A_1048 = arith.constant 32 : index
    %get3A_1049 = tpu.vector_load %arg11[%get3A_1047, %get3A_1048] {strides = array<i32>} : memref<2x128xi32, #tpu.memory_space<vmem>>, vector<16xi32>,
    tpu.vector_store_idx %arg13[%get3A_1049], %broadcast_in_dim3A_3 {add = true} : memref<512xf32, #tpu.memory_space<vmem>>[vector<16xi32>], vector<16xf32>,
    %get3A_1050 = arith.constant 0 : i32
    %get3A_1051 = arith.index_cast %get3A_1050 : i32 to index
    %get3A_1052 = arith.constant 48 : index
    %get3A_1053 = tpu.vector_load %arg11[%get3A_1051, %get3A_1052] {strides = array<i32>} : memref<2x128xi32, #tpu.memory_space<vmem>>, vector<16xi32>,
    tpu.vector_store_idx %arg13[%get3A_1053], %broadcast_in_dim3A_3 {add = true} : memref<512xf32, #tpu.memory_space<vmem>>[vector<16xi32>], vector<16xf32>,
    %get3A_1054 = arith.constant 0 : i32
    %get3A_1055 = arith.index_cast %get3A_1054 : i32 to index
    %get3A_1056 = arith.constant 64 : index
    %get3A_1057 = tpu.vector_load %arg11[%get3A_1055, %get3A_1056] {strides = array<i32>} : memref<2x128xi32, #tpu.memory_space<vmem>>, vector<16xi32>,
    tpu.vector_store_idx %arg13[%get3A_1057], %broadcast_in_dim3A_3 {add = true} : memref<512xf32, #tpu.memory_space<vmem>>[vector<16xi32>], vector<16xf32>,
    %get3A_1058 = arith.constant 0 : i32
    %get3A_1059 = arith.index_cast %get3A_1058 : i32 to index
    %get3A_1060 = arith.constant 80 : index
    %get3A_1061 = tpu.vector_load %arg11[%get3A_1059, %get3A_1060] {strides = array<i32>} : memref<2x128xi32, #tpu.memory_space<vmem>>, vector<16xi32>,
    tpu.vector_store_idx %arg13[%get3A_1061], %broadcast_in_dim3A_3 {add = true} : memref<512xf32, #tpu.memory_space<vmem>>[vector<16xi32>], vector<16xf32>,
    %get3A_1062 = arith.constant 0 : i32
    %get3A_1063 = arith.index_cast %get3A_1062 : i32 to index
    %get3A_1064 = arith.constant 96 : index
    %get3A_1065 = tpu.vector_load %arg11[%get3A_1063, %get3A_1064] {strides = array<i32>} : memref<2x128xi32, #tpu.memory_space<vmem>>, vector<16xi32>,
    tpu.vector_store_idx %arg13[%get3A_1065], %broadcast_in_dim3A_3 {add = true} : memref<512xf32, #tpu.memory_space<vmem>>[vector<16xi32>], vector<16xf32>,
    %get3A_1066 = arith.constant 0 : i32
    %get3A_1067 = arith.index_cast %get3A_1066 : i32 to index
    %get3A_1068 = arith.constant 112 : index
    %get3A_1069 = tpu.vector_load %arg11[%get3A_1067, %get3A_1068] {strides = array<i32>} : memref<2x128xi32, #tpu.memory_space<vmem>>, vector<16xi32>,
    tpu.vector_store_idx %arg13[%get3A_1069], %broadcast_in_dim3A_3 {add = true} : memref<512xf32, #tpu.memory_space<vmem>>[vector<16xi32>], vector<16xf32>,
    %get3A_1070 = arith.constant 1 : i32
    %get3A_1071 = arith.index_cast %get3A_1070 : i32 to index
    %get3A_1072 = arith.constant 0 : index
    %get3A_1073 = tpu.vector_load %arg11[%get3A_1071, %get3A_1072] {strides = array<i32>} : memref<2x128xi32, #tpu.memory_space<vmem>>, vector<16xi32>,
    tpu.vector_store_idx %arg13[%get3A_1073], %broadcast_in_dim3A_3 {add = true} : memref<512xf32, #tpu.memory_space<vmem>>[vector<16xi32>], vector<16xf32>,
    %get3A_1074 = arith.constant 1 : i32
    %get3A_1075 = arith.index_cast %get3A_1074 : i32 to index
    %get3A_1076 = arith.constant 16 : index
    %get3A_1077 = tpu.vector_load %arg11[%get3A_1075, %get3A_1076] {strides = array<i32>} : memref<2x128xi32, #tpu.memory_space<vmem>>, vector<16xi32>,
    tpu.vector_store_idx %arg13[%get3A_1077], %broadcast_in_dim3A_3 {add = true} : memref<512xf32, #tpu.memory_space<vmem>>[vector<16xi32>], vector<16xf32>,
    %get3A_1078 = arith.constant 1 : i32
    %get3A_1079 = arith.index_cast %get3A_1078 : i32 to index
    %get3A_1080 = arith.constant 32 : index
    %get3A_1081 = tpu.vector_load %arg11[%get3A_1079, %get3A_1080] {strides = array<i32>} : memref<2x128xi32, #tpu.memory_space<vmem>>, vector<16xi32>,
    tpu.vector_store_idx %arg13[%get3A_1081], %broadcast_in_dim3A_3 {add = true} : memref<512xf32, #tpu.memory_space<vmem>>[vector<16xi32>], vector<16xf32>,
    %get3A_1082 = arith.constant 1 : i32
    %get3A_1083 = arith.index_cast %get3A_1082 : i32 to index
    %get3A_1084 = arith.constant 48 : index
    %get3A_1085 = tpu.vector_load %arg11[%get3A_1083, %get3A_1084] {strides = array<i32>} : memref<2x128xi32, #tpu.memory_space<vmem>>, vector<16xi32>,
    tpu.vector_store_idx %arg13[%get3A_1085], %broadcast_in_dim3A_3 {add = true} : memref<512xf32, #tpu.memory_space<vmem>>[vector<16xi32>], vector<16xf32>,
    %get3A_1086 = arith.constant 1 : i32
    %get3A_1087 = arith.index_cast %get3A_1086 : i32 to index
    %get3A_1088 = arith.constant 64 : index
    %get3A_1089 = tpu.vector_load %arg11[%get3A_1087, %get3A_1088] {strides = array<i32>} : memref<2x128xi32, #tpu.memory_space<vmem>>, vector<16xi32>,
    tpu.vector_store_idx %arg13[%get3A_1089], %broadcast_in_dim3A_3 {add = true} : memref<512xf32, #tpu.memory_space<vmem>>[vector<16xi32>], vector<16xf32>,
    %get3A_1090 = arith.constant 1 : i32
    %get3A_1091 = arith.index_cast %get3A_1090 : i32 to index
    %get3A_1092 = arith.constant 80 : index
    %get3A_1093 = tpu.vector_load %arg11[%get3A_1091, %get3A_1092] {strides = array<i32>} : memref<2x128xi32, #tpu.memory_space<vmem>>, vector<16xi32>,
    tpu.vector_store_idx %arg13[%get3A_1093], %broadcast_in_dim3A_3 {add = true} : memref<512xf32, #tpu.memory_space<vmem>>[vector<16xi32>], vector<16xf32>,
    %get3A_1094 = arith.constant 1 : i32
    %get3A_1095 = arith.index_cast %get3A_1094 : i32 to index
    %get3A_1096 = arith.constant 96 : index
    %get3A_1097 = tpu.vector_load %arg11[%get3A_1095, %get3A_1096] {strides = array<i32>} : memref<2x128xi32, #tpu.memory_space<vmem>>, vector<16xi32>,
    tpu.vector_store_idx %arg13[%get3A_1097], %broadcast_in_dim3A_3 {add = true} : memref<512xf32, #tpu.memory_space<vmem>>[vector<16xi32>], vector<16xf32>,
    %get3A_1098 = arith.constant 1 : i32
    %get3A_1099 = arith.index_cast %get3A_1098 : i32 to index
    %get3A_1100 = arith.constant 112 : index
    %get3A_1101 = tpu.vector_load %arg11[%get3A_1099, %get3A_1100] {strides = array<i32>} : memref<2x128xi32, #tpu.memory_space<vmem>>, vector<16xi32>,
    tpu.vector_store_idx %arg13[%get3A_1101], %broadcast_in_dim3A_3 {add = true} : memref<512xf32, #tpu.memory_space<vmem>>[vector<16xi32>], vector<16xf32>,
    %dma_wait3A_1102 = arith.constant 0 : i32
    %dma_wait3A_1103 = arith.constant 0 : i32
    %dma_wait3A_1104 = arith.constant 0 : i32
    %dma_wait3A_1105 = tpu.memref_slice %arg8[%dma_wait3A_1103, %dma_wait3A_1104] : memref<256x128xf32, #tpu.memory_space<vmem>> -> memref<128x128xf32, #tpu.memory_space<vmem>>
    %dma_wait3A_1106 = arith.constant 0 : i32
    %dma_wait3A_1107 = tpu.memref_slice %arg11[%dma_wait3A_1102, %dma_wait3A_1106] : memref<2x128xi32, #tpu.memory_space<vmem>> -> memref<1x128xi32, #tpu.memory_space<vmem>>
    %dma_wait3A_1108 = tpu.memref_squeeze %dma_wait3A_1107 : memref<1x128xi32, #tpu.memory_space<vmem>> -> memref<128xi32, #tpu.memory_space<vmem>>
    %dma_wait3A_1109 = arith.constant 0 : i32
    %dma_wait3A_1110 = arith.constant 0 : i32
    %dma_wait3A_1111 = tpu.memref_slice %arg14[%dma_wait3A_1109, %dma_wait3A_1110] : memref<512x128xf32, #tpu.memory_space<vmem_shared>> -> memref<512x128xf32, #tpu.memory_space<vmem_shared>>
    tpu.wait_indirect_dma semaphore(%arg20 : memref<!tpu.dma_semaphore, #tpu.memory_space<semaphore_mem>>) src(%dma_wait3A_1105 : memref<128x128xf32, #tpu.memory_space<vmem>>) dst(%dma_wait3A_1111 : memref<512x128xf32, #tpu.memory_space<vmem_shared>>)
    %dma_wait3A_1112 = arith.constant 1 : i32
    %dma_wait3A_1113 = arith.constant 128 : i32
    %dma_wait3A_1114 = arith.constant 0 : i32
    %dma_wait3A_1115 = tpu.memref_slice %arg8[%dma_wait3A_1113, %dma_wait3A_1114] : memref<256x128xf32, #tpu.memory_space<vmem>> -> memref<128x128xf32, #tpu.memory_space<vmem>>
    %dma_wait3A_1116 = arith.constant 0 : i32
    %dma_wait3A_1117 = tpu.memref_slice %arg11[%dma_wait3A_1112, %dma_wait3A_1116] : memref<2x128xi32, #tpu.memory_space<vmem>> -> memref<1x128xi32, #tpu.memory_space<vmem>>
    %dma_wait3A_1118 = tpu.memref_squeeze %dma_wait3A_1117 : memref<1x128xi32, #tpu.memory_space<vmem>> -> memref<128xi32, #tpu.memory_space<vmem>>
    %dma_wait3A_1119 = arith.constant 0 : i32
    %dma_wait3A_1120 = arith.constant 0 : i32
    %dma_wait3A_1121 = tpu.memref_slice %arg14[%dma_wait3A_1119, %dma_wait3A_1120] : memref<512x128xf32, #tpu.memory_space<vmem_shared>> -> memref<512x128xf32, #tpu.memory_space<vmem_shared>>
    tpu.wait_indirect_dma semaphore(%arg20 : memref<!tpu.dma_semaphore, #tpu.memory_space<semaphore_mem>>) src(%dma_wait3A_1115 : memref<128x128xf32, #tpu.memory_space<vmem>>) dst(%dma_wait3A_1121 : memref<512x128xf32, #tpu.memory_space<vmem_shared>>)
    %add3A_1122 = arith.constant 256 : i32
    %add3A_1123 = arith.addi %add3A, %add3A_1122 : i32
    %mul3A_1124 = arith.constant 256 : i32
    %mul3A_1125 = arith.muli %add3A_1123, %mul3A_1124 : i32
    %dma_start3A_1126 = arith.constant 0 : i32
    %dma_start3A_1127 = arith.constant 0 : i32
    %dma_start3A_1128 = tpu.memref_slice %arg11[%dma_start3A_1126, %dma_start3A_1127] : memref<2x128xi32, #tpu.memory_space<vmem>> -> memref<1x128xi32, #tpu.memory_space<vmem>>
    %dma_start3A_1129 = tpu.memref_squeeze %dma_start3A_1128 : memref<1x128xi32, #tpu.memory_space<vmem>> -> memref<128xi32, #tpu.memory_space<vmem>>
    %dma_start3A_1130 = tpu.memref_slice %arg3[%mul3A_1125] : memref<100000xi32, #tpu.memory_space<hbm>> -> memref<128xi32, #tpu.memory_space<hbm>>
    %dma_start3A_1131 = arith.constant 0 : i32
    %dma_start3A_1132 = tpu.memref_slice %arg11[%dma_start3A_1126, %dma_start3A_1131] : memref<2x128xi32, #tpu.memory_space<vmem>> -> memref<1x128xi32, #tpu.memory_space<vmem>>
    %dma_start3A_1133 = tpu.memref_squeeze %dma_start3A_1132 : memref<1x128xi32, #tpu.memory_space<vmem>> -> memref<128xi32, #tpu.memory_space<vmem>>
    %dma_start3A_1134 = tpu.memref_slice %arg3[%mul3A_1125] : memref<100000xi32, #tpu.memory_space<hbm>> -> memref<128xi32, #tpu.memory_space<hbm>>
    tpu.enqueue_dma source(%dma_start3A_1134 : memref<128xi32, #tpu.memory_space<hbm>>) target(%dma_start3A_1133 : memref<128xi32, #tpu.memory_space<vmem>>) target_semaphore(%arg17 : memref<!tpu.dma_semaphore, #tpu.memory_space<semaphore_mem>>)
    %mul3A_1135 = arith.constant 256 : i32
    %mul3A_1136 = arith.muli %add3A_1123, %mul3A_1135 : i32
    %add3A_1137 = arith.constant 128 : i32
    %add3A_1138 = arith.addi %mul3A_1136, %add3A_1137 : i32
    %dma_start3A_1139 = arith.constant 1 : i32
    %dma_start3A_1140 = arith.constant 0 : i32
    %dma_start3A_1141 = tpu.memref_slice %arg11[%dma_start3A_1139, %dma_start3A_1140] : memref<2x128xi32, #tpu.memory_space<vmem>> -> memref<1x128xi32, #tpu.memory_space<vmem>>
    %dma_start3A_1142 = tpu.memref_squeeze %dma_start3A_1141 : memref<1x128xi32, #tpu.memory_space<vmem>> -> memref<128xi32, #tpu.memory_space<vmem>>
    %dma_start3A_1143 = tpu.memref_slice %arg3[%add3A_1138] : memref<100000xi32, #tpu.memory_space<hbm>> -> memref<128xi32, #tpu.memory_space<hbm>>
    %dma_start3A_1144 = arith.constant 0 : i32
    %dma_start3A_1145 = tpu.memref_slice %arg11[%dma_start3A_1139, %dma_start3A_1144] : memref<2x128xi32, #tpu.memory_space<vmem>> -> memref<1x128xi32, #tpu.memory_space<vmem>>
    %dma_start3A_1146 = tpu.memref_squeeze %dma_start3A_1145 : memref<1x128xi32, #tpu.memory_space<vmem>> -> memref<128xi32, #tpu.memory_space<vmem>>
    %dma_start3A_1147 = tpu.memref_slice %arg3[%add3A_1138] : memref<100000xi32, #tpu.memory_space<hbm>> -> memref<128xi32, #tpu.memory_space<hbm>>
    tpu.enqueue_dma source(%dma_start3A_1147 : memref<128xi32, #tpu.memory_space<hbm>>) target(%dma_start3A_1146 : memref<128xi32, #tpu.memory_space<vmem>>) target_semaphore(%arg17 : memref<!tpu.dma_semaphore, #tpu.memory_space<semaphore_mem>>)
    %mul3A_1148 = arith.constant 256 : i32
    %mul3A_1149 = arith.muli %add3A_1123, %mul3A_1148 : i32
    %dma_start3A_1150 = arith.constant 0 : i32
    %dma_start3A_1151 = tpu.memref_slice %arg2[%mul3A_1149, %dma_start3A_1150] : memref<100000x128xf32, #tpu.memory_space<hbm>> -> memref<256x128xf32, #tpu.memory_space<hbm>>
    %dma_start3A_1152 = arith.constant 0 : i32
    %dma_start3A_1153 = tpu.memref_slice %arg2[%mul3A_1149, %dma_start3A_1152] : memref<100000x128xf32, #tpu.memory_space<hbm>> -> memref<256x128xf32, #tpu.memory_space<hbm>>
    tpu.enqueue_dma source(%dma_start3A_1153 : memref<256x128xf32, #tpu.memory_space<hbm>>) target(%arg8 : memref<256x128xf32, #tpu.memory_space<vmem>>) target_semaphore(%arg17 : memref<!tpu.dma_semaphore, #tpu.memory_space<semaphore_mem>>)
    %dma_wait3A_1154 = arith.constant 0 : i32
    %dma_wait3A_1155 = arith.constant 0 : i32
    %dma_wait3A_1156 = tpu.memref_slice %arg9[%dma_wait3A_1154, %dma_wait3A_1155] : memref<2x128xi32, #tpu.memory_space<vmem>> -> memref<1x128xi32, #tpu.memory_space<vmem>>
    %dma_wait3A_1157 = tpu.memref_squeeze %dma_wait3A_1156 : memref<1x128xi32, #tpu.memory_space<vmem>> -> memref<128xi32, #tpu.memory_space<vmem>>
    %dma_wait3A_1158 = arith.constant 0 : i32
    %dma_wait3A_1159 = tpu.memref_slice %arg3[%dma_wait3A_1158] : memref<100000xi32, #tpu.memory_space<hbm>> -> memref<128xi32, #tpu.memory_space<hbm>>
    %dma_wait3A_1160 = arith.constant 0 : i32
    %dma_wait3A_1161 = tpu.memref_slice %arg9[%dma_wait3A_1154, %dma_wait3A_1160] : memref<2x128xi32, #tpu.memory_space<vmem>> -> memref<1x128xi32, #tpu.memory_space<vmem>>
    %dma_wait3A_1162 = tpu.memref_squeeze %dma_wait3A_1161 : memref<1x128xi32, #tpu.memory_space<vmem>> -> memref<128xi32, #tpu.memory_space<vmem>>
    %dma_wait3A_1163 = arith.constant 0 : i32
    %dma_wait3A_1164 = tpu.memref_slice %arg3[%dma_wait3A_1163] : memref<100000xi32, #tpu.memory_space<hbm>> -> memref<128xi32, #tpu.memory_space<hbm>>
    tpu.wait_dma2 semaphore(%arg15 : memref<!tpu.dma_semaphore, #tpu.memory_space<semaphore_mem>>) src(%dma_wait3A_1164 : memref<128xi32, #tpu.memory_space<hbm>>) dst(%dma_wait3A_1162 : memref<128xi32, #tpu.memory_space<vmem>>)
    %dma_wait3A_1165 = arith.constant 1 : i32
    %dma_wait3A_1166 = arith.constant 0 : i32
    %dma_wait3A_1167 = tpu.memref_slice %arg9[%dma_wait3A_1165, %dma_wait3A_1166] : memref<2x128xi32, #tpu.memory_space<vmem>> -> memref<1x128xi32, #tpu.memory_space<vmem>>
    %dma_wait3A_1168 = tpu.memref_squeeze %dma_wait3A_1167 : memref<1x128xi32, #tpu.memory_space<vmem>> -> memref<128xi32, #tpu.memory_space<vmem>>
    %dma_wait3A_1169 = arith.constant 0 : i32
    %dma_wait3A_1170 = tpu.memref_slice %arg3[%dma_wait3A_1169] : memref<100000xi32, #tpu.memory_space<hbm>> -> memref<128xi32, #tpu.memory_space<hbm>>
    %dma_wait3A_1171 = arith.constant 0 : i32
    %dma_wait3A_1172 = tpu.memref_slice %arg9[%dma_wait3A_1165, %dma_wait3A_1171] : memref<2x128xi32, #tpu.memory_space<vmem>> -> memref<1x128xi32, #tpu.memory_space<vmem>>
    %dma_wait3A_1173 = tpu.memref_squeeze %dma_wait3A_1172 : memref<1x128xi32, #tpu.memory_space<vmem>> -> memref<128xi32, #tpu.memory_space<vmem>>
    %dma_wait3A_1174 = arith.constant 0 : i32
    %dma_wait3A_1175 = tpu.memref_slice %arg3[%dma_wait3A_1174] : memref<100000xi32, #tpu.memory_space<hbm>> -> memref<128xi32, #tpu.memory_space<hbm>>
    tpu.wait_dma2 semaphore(%arg15 : memref<!tpu.dma_semaphore, #tpu.memory_space<semaphore_mem>>) src(%dma_wait3A_1175 : memref<128xi32, #tpu.memory_space<hbm>>) dst(%dma_wait3A_1173 : memref<128xi32, #tpu.memory_space<vmem>>)
    %dma_wait3A_1176 = arith.constant 0 : i32
    %dma_wait3A_1177 = arith.constant 0 : i32
    %dma_wait3A_1178 = tpu.memref_slice %arg2[%dma_wait3A_1176, %dma_wait3A_1177] : memref<100000x128xf32, #tpu.memory_space<hbm>> -> memref<256x128xf32, #tpu.memory_space<hbm>>
    %dma_wait3A_1179 = arith.constant 0 : i32
    %dma_wait3A_1180 = arith.constant 0 : i32
    %dma_wait3A_1181 = tpu.memref_slice %arg2[%dma_wait3A_1179, %dma_wait3A_1180] : memref<100000x128xf32, #tpu.memory_space<hbm>> -> memref<256x128xf32, #tpu.memory_space<hbm>>
    tpu.wait_dma2 semaphore(%arg15 : memref<!tpu.dma_semaphore, #tpu.memory_space<semaphore_mem>>) src(%dma_wait3A_1181 : memref<256x128xf32, #tpu.memory_space<hbm>>) dst(%arg6 : memref<256x128xf32, #tpu.memory_space<vmem>>)
    %dma_start3A_1182 = arith.constant 0 : i32
    %dma_start3A_1183 = arith.constant 0 : i32
    %dma_start3A_1184 = arith.constant 0 : i32
    %dma_start3A_1185 = tpu.memref_slice %arg6[%dma_start3A_1183, %dma_start3A_1184] : memref<256x128xf32, #tpu.memory_space<vmem>> -> memref<128x128xf32, #tpu.memory_space<vmem>>
    %dma_start3A_1186 = arith.constant 0 : i32
    %dma_start3A_1187 = tpu.memref_slice %arg9[%dma_start3A_1182, %dma_start3A_1186] : memref<2x128xi32, #tpu.memory_space<vmem>> -> memref<1x128xi32, #tpu.memory_space<vmem>>
    %dma_start3A_1188 = tpu.memref_squeeze %dma_start3A_1187 : memref<1x128xi32, #tpu.memory_space<vmem>> -> memref<128xi32, #tpu.memory_space<vmem>>
    %dma_start3A_1189 = arith.constant 0 : i32
    %dma_start3A_1190 = arith.constant 0 : i32
    %dma_start3A_1191 = tpu.memref_slice %arg14[%dma_start3A_1189, %dma_start3A_1190] : memref<512x128xf32, #tpu.memory_space<vmem_shared>> -> memref<512x128xf32, #tpu.memory_space<vmem_shared>>
    tpu.enqueue_indirect_dma source(%dma_start3A_1185 : memref<128x128xf32, #tpu.memory_space<vmem>>) target(%dma_start3A_1191 : memref<512x128xf32, #tpu.memory_space<vmem_shared>>) offsets(%dma_start3A_1188 : memref<128xi32, #tpu.memory_space<vmem>>) semaphore(%arg18 : memref<!tpu.dma_semaphore, #tpu.memory_space<semaphore_mem>>) {add = true}
    %dma_start3A_1192 = arith.constant 1 : i32
    %dma_start3A_1193 = arith.constant 128 : i32
    %dma_start3A_1194 = arith.constant 0 : i32
    %dma_start3A_1195 = tpu.memref_slice %arg6[%dma_start3A_1193, %dma_start3A_1194] : memref<256x128xf32, #tpu.memory_space<vmem>> -> memref<128x128xf32, #tpu.memory_space<vmem>>
    %dma_start3A_1196 = arith.constant 0 : i32
    %dma_start3A_1197 = tpu.memref_slice %arg9[%dma_start3A_1192, %dma_start3A_1196] : memref<2x128xi32, #tpu.memory_space<vmem>> -> memref<1x128xi32, #tpu.memory_space<vmem>>
    %dma_start3A_1198 = tpu.memref_squeeze %dma_start3A_1197 : memref<1x128xi32, #tpu.memory_space<vmem>> -> memref<128xi32, #tpu.memory_space<vmem>>
    %dma_start3A_1199 = arith.constant 0 : i32
    %dma_start3A_1200 = arith.constant 0 : i32
    %dma_start3A_1201 = tpu.memref_slice %arg14[%dma_start3A_1199, %dma_start3A_1200] : memref<512x128xf32, #tpu.memory_space<vmem_shared>> -> memref<512x128xf32, #tpu.memory_space<vmem_shared>>
    tpu.enqueue_indirect_dma source(%dma_start3A_1195 : memref<128x128xf32, #tpu.memory_space<vmem>>) target(%dma_start3A_1201 : memref<512x128xf32, #tpu.memory_space<vmem_shared>>) offsets(%dma_start3A_1198 : memref<128xi32, #tpu.memory_space<vmem>>) semaphore(%arg18 : memref<!tpu.dma_semaphore, #tpu.memory_space<semaphore_mem>>) {add = true}
    %get3A_1202 = arith.constant 0 : i32
    %get3A_1203 = arith.index_cast %get3A_1202 : i32 to index
    %get3A_1204 = arith.constant 0 : index
    %get3A_1205 = tpu.vector_load %arg9[%get3A_1203, %get3A_1204] {strides = array<i32>} : memref<2x128xi32, #tpu.memory_space<vmem>>, vector<16xi32>,
    tpu.vector_store_idx %arg13[%get3A_1205], %broadcast_in_dim3A_3 {add = true} : memref<512xf32, #tpu.memory_space<vmem>>[vector<16xi32>], vector<16xf32>,
    %get3A_1206 = arith.constant 0 : i32
    %get3A_1207 = arith.index_cast %get3A_1206 : i32 to index
    %get3A_1208 = arith.constant 16 : index
    %get3A_1209 = tpu.vector_load %arg9[%get3A_1207, %get3A_1208] {strides = array<i32>} : memref<2x128xi32, #tpu.memory_space<vmem>>, vector<16xi32>,
    tpu.vector_store_idx %arg13[%get3A_1209], %broadcast_in_dim3A_3 {add = true} : memref<512xf32, #tpu.memory_space<vmem>>[vector<16xi32>], vector<16xf32>,
    %get3A_1210 = arith.constant 0 : i32
    %get3A_1211 = arith.index_cast %get3A_1210 : i32 to index
    %get3A_1212 = arith.constant 32 : index
    %get3A_1213 = tpu.vector_load %arg9[%get3A_1211, %get3A_1212] {strides = array<i32>} : memref<2x128xi32, #tpu.memory_space<vmem>>, vector<16xi32>,
    tpu.vector_store_idx %arg13[%get3A_1213], %broadcast_in_dim3A_3 {add = true} : memref<512xf32, #tpu.memory_space<vmem>>[vector<16xi32>], vector<16xf32>,
    %get3A_1214 = arith.constant 0 : i32
    %get3A_1215 = arith.index_cast %get3A_1214 : i32 to index
    %get3A_1216 = arith.constant 48 : index
    %get3A_1217 = tpu.vector_load %arg9[%get3A_1215, %get3A_1216] {strides = array<i32>} : memref<2x128xi32, #tpu.memory_space<vmem>>, vector<16xi32>,
    tpu.vector_store_idx %arg13[%get3A_1217], %broadcast_in_dim3A_3 {add = true} : memref<512xf32, #tpu.memory_space<vmem>>[vector<16xi32>], vector<16xf32>,
    %get3A_1218 = arith.constant 0 : i32
    %get3A_1219 = arith.index_cast %get3A_1218 : i32 to index
    %get3A_1220 = arith.constant 64 : index
    %get3A_1221 = tpu.vector_load %arg9[%get3A_1219, %get3A_1220] {strides = array<i32>} : memref<2x128xi32, #tpu.memory_space<vmem>>, vector<16xi32>,
    tpu.vector_store_idx %arg13[%get3A_1221], %broadcast_in_dim3A_3 {add = true} : memref<512xf32, #tpu.memory_space<vmem>>[vector<16xi32>], vector<16xf32>,
    %get3A_1222 = arith.constant 0 : i32
    %get3A_1223 = arith.index_cast %get3A_1222 : i32 to index
    %get3A_1224 = arith.constant 80 : index
    %get3A_1225 = tpu.vector_load %arg9[%get3A_1223, %get3A_1224] {strides = array<i32>} : memref<2x128xi32, #tpu.memory_space<vmem>>, vector<16xi32>,
    tpu.vector_store_idx %arg13[%get3A_1225], %broadcast_in_dim3A_3 {add = true} : memref<512xf32, #tpu.memory_space<vmem>>[vector<16xi32>], vector<16xf32>,
    %get3A_1226 = arith.constant 0 : i32
    %get3A_1227 = arith.index_cast %get3A_1226 : i32 to index
    %get3A_1228 = arith.constant 96 : index
    %get3A_1229 = tpu.vector_load %arg9[%get3A_1227, %get3A_1228] {strides = array<i32>} : memref<2x128xi32, #tpu.memory_space<vmem>>, vector<16xi32>,
    tpu.vector_store_idx %arg13[%get3A_1229], %broadcast_in_dim3A_3 {add = true} : memref<512xf32, #tpu.memory_space<vmem>>[vector<16xi32>], vector<16xf32>,
    %get3A_1230 = arith.constant 0 : i32
    %get3A_1231 = arith.index_cast %get3A_1230 : i32 to index
    %get3A_1232 = arith.constant 112 : index
    %get3A_1233 = tpu.vector_load %arg9[%get3A_1231, %get3A_1232] {strides = array<i32>} : memref<2x128xi32, #tpu.memory_space<vmem>>, vector<16xi32>,
    tpu.vector_store_idx %arg13[%get3A_1233], %broadcast_in_dim3A_3 {add = true} : memref<512xf32, #tpu.memory_space<vmem>>[vector<16xi32>], vector<16xf32>,
    %get3A_1234 = arith.constant 1 : i32
    %get3A_1235 = arith.index_cast %get3A_1234 : i32 to index
    %get3A_1236 = arith.constant 0 : index
    %get3A_1237 = tpu.vector_load %arg9[%get3A_1235, %get3A_1236] {strides = array<i32>} : memref<2x128xi32, #tpu.memory_space<vmem>>, vector<16xi32>,
    tpu.vector_store_idx %arg13[%get3A_1237], %broadcast_in_dim3A_3 {add = true} : memref<512xf32, #tpu.memory_space<vmem>>[vector<16xi32>], vector<16xf32>,
    %get3A_1238 = arith.constant 1 : i32
    %get3A_1239 = arith.index_cast %get3A_1238 : i32 to index
    %get3A_1240 = arith.constant 16 : index
    %get3A_1241 = tpu.vector_load %arg9[%get3A_1239, %get3A_1240] {strides = array<i32>} : memref<2x128xi32, #tpu.memory_space<vmem>>, vector<16xi32>,
    tpu.vector_store_idx %arg13[%get3A_1241], %broadcast_in_dim3A_3 {add = true} : memref<512xf32, #tpu.memory_space<vmem>>[vector<16xi32>], vector<16xf32>,
    %get3A_1242 = arith.constant 1 : i32
    %get3A_1243 = arith.index_cast %get3A_1242 : i32 to index
    %get3A_1244 = arith.constant 32 : index
    %get3A_1245 = tpu.vector_load %arg9[%get3A_1243, %get3A_1244] {strides = array<i32>} : memref<2x128xi32, #tpu.memory_space<vmem>>, vector<16xi32>,
    tpu.vector_store_idx %arg13[%get3A_1245], %broadcast_in_dim3A_3 {add = true} : memref<512xf32, #tpu.memory_space<vmem>>[vector<16xi32>], vector<16xf32>,
    %get3A_1246 = arith.constant 1 : i32
    %get3A_1247 = arith.index_cast %get3A_1246 : i32 to index
    %get3A_1248 = arith.constant 48 : index
    %get3A_1249 = tpu.vector_load %arg9[%get3A_1247, %get3A_1248] {strides = array<i32>} : memref<2x128xi32, #tpu.memory_space<vmem>>, vector<16xi32>,
    tpu.vector_store_idx %arg13[%get3A_1249], %broadcast_in_dim3A_3 {add = true} : memref<512xf32, #tpu.memory_space<vmem>>[vector<16xi32>], vector<16xf32>,
    %get3A_1250 = arith.constant 1 : i32
    %get3A_1251 = arith.index_cast %get3A_1250 : i32 to index
    %get3A_1252 = arith.constant 64 : index
    %get3A_1253 = tpu.vector_load %arg9[%get3A_1251, %get3A_1252] {strides = array<i32>} : memref<2x128xi32, #tpu.memory_space<vmem>>, vector<16xi32>,
    tpu.vector_store_idx %arg13[%get3A_1253], %broadcast_in_dim3A_3 {add = true} : memref<512xf32, #tpu.memory_space<vmem>>[vector<16xi32>], vector<16xf32>,
    %get3A_1254 = arith.constant 1 : i32
    %get3A_1255 = arith.index_cast %get3A_1254 : i32 to index
    %get3A_1256 = arith.constant 80 : index
    %get3A_1257 = tpu.vector_load %arg9[%get3A_1255, %get3A_1256] {strides = array<i32>} : memref<2x128xi32, #tpu.memory_space<vmem>>, vector<16xi32>,
    tpu.vector_store_idx %arg13[%get3A_1257], %broadcast_in_dim3A_3 {add = true} : memref<512xf32, #tpu.memory_space<vmem>>[vector<16xi32>], vector<16xf32>,
    %get3A_1258 = arith.constant 1 : i32
    %get3A_1259 = arith.index_cast %get3A_1258 : i32 to index
    %get3A_1260 = arith.constant 96 : index
    %get3A_1261 = tpu.vector_load %arg9[%get3A_1259, %get3A_1260] {strides = array<i32>} : memref<2x128xi32, #tpu.memory_space<vmem>>, vector<16xi32>,
    tpu.vector_store_idx %arg13[%get3A_1261], %broadcast_in_dim3A_3 {add = true} : memref<512xf32, #tpu.memory_space<vmem>>[vector<16xi32>], vector<16xf32>,
    %get3A_1262 = arith.constant 1 : i32
    %get3A_1263 = arith.index_cast %get3A_1262 : i32 to index
    %get3A_1264 = arith.constant 112 : index
    %get3A_1265 = tpu.vector_load %arg9[%get3A_1263, %get3A_1264] {strides = array<i32>} : memref<2x128xi32, #tpu.memory_space<vmem>>, vector<16xi32>,
    tpu.vector_store_idx %arg13[%get3A_1265], %broadcast_in_dim3A_3 {add = true} : memref<512xf32, #tpu.memory_space<vmem>>[vector<16xi32>], vector<16xf32>,
    %dma_wait3A_1266 = arith.constant 0 : i32
    %dma_wait3A_1267 = arith.constant 0 : i32
    %dma_wait3A_1268 = arith.constant 0 : i32
    %dma_wait3A_1269 = tpu.memref_slice %arg6[%dma_wait3A_1267, %dma_wait3A_1268] : memref<256x128xf32, #tpu.memory_space<vmem>> -> memref<128x128xf32, #tpu.memory_space<vmem>>
    %dma_wait3A_1270 = arith.constant 0 : i32
    %dma_wait3A_1271 = tpu.memref_slice %arg9[%dma_wait3A_1266, %dma_wait3A_1270] : memref<2x128xi32, #tpu.memory_space<vmem>> -> memref<1x128xi32, #tpu.memory_space<vmem>>
    %dma_wait3A_1272 = tpu.memref_squeeze %dma_wait3A_1271 : memref<1x128xi32, #tpu.memory_space<vmem>> -> memref<128xi32, #tpu.memory_space<vmem>>
    %dma_wait3A_1273 = arith.constant 0 : i32
    %dma_wait3A_1274 = arith.constant 0 : i32
    %dma_wait3A_1275 = tpu.memref_slice %arg14[%dma_wait3A_1273, %dma_wait3A_1274] : memref<512x128xf32, #tpu.memory_space<vmem_shared>> -> memref<512x128xf32, #tpu.memory_space<vmem_shared>>
    tpu.wait_indirect_dma semaphore(%arg18 : memref<!tpu.dma_semaphore, #tpu.memory_space<semaphore_mem>>) src(%dma_wait3A_1269 : memref<128x128xf32, #tpu.memory_space<vmem>>) dst(%dma_wait3A_1275 : memref<512x128xf32, #tpu.memory_space<vmem_shared>>)
    %dma_wait3A_1276 = arith.constant 1 : i32
    %dma_wait3A_1277 = arith.constant 128 : i32
    %dma_wait3A_1278 = arith.constant 0 : i32
    %dma_wait3A_1279 = tpu.memref_slice %arg6[%dma_wait3A_1277, %dma_wait3A_1278] : memref<256x128xf32, #tpu.memory_space<vmem>> -> memref<128x128xf32, #tpu.memory_space<vmem>>
    %dma_wait3A_1280 = arith.constant 0 : i32
    %dma_wait3A_1281 = tpu.memref_slice %arg9[%dma_wait3A_1276, %dma_wait3A_1280] : memref<2x128xi32, #tpu.memory_space<vmem>> -> memref<1x128xi32, #tpu.memory_space<vmem>>
    %dma_wait3A_1282 = tpu.memref_squeeze %dma_wait3A_1281 : memref<1x128xi32, #tpu.memory_space<vmem>> -> memref<128xi32, #tpu.memory_space<vmem>>
    %dma_wait3A_1283 = arith.constant 0 : i32
    %dma_wait3A_1284 = arith.constant 0 : i32
    %dma_wait3A_1285 = tpu.memref_slice %arg14[%dma_wait3A_1283, %dma_wait3A_1284] : memref<512x128xf32, #tpu.memory_space<vmem_shared>> -> memref<512x128xf32, #tpu.memory_space<vmem_shared>>
    tpu.wait_indirect_dma semaphore(%arg18 : memref<!tpu.dma_semaphore, #tpu.memory_space<semaphore_mem>>) src(%dma_wait3A_1279 : memref<128x128xf32, #tpu.memory_space<vmem>>) dst(%dma_wait3A_1285 : memref<512x128xf32, #tpu.memory_space<vmem_shared>>)
    %add3A_1286 = arith.constant 288 : i32
    %add3A_1287 = arith.addi %add3A, %add3A_1286 : i32
    %mul3A_1288 = arith.constant 256 : i32
    %mul3A_1289 = arith.muli %add3A_1287, %mul3A_1288 : i32
    %dma_start3A_1290 = arith.constant 0 : i32
    %dma_start3A_1291 = arith.constant 0 : i32
    %dma_start3A_1292 = tpu.memref_slice %arg9[%dma_start3A_1290, %dma_start3A_1291] : memref<2x128xi32, #tpu.memory_space<vmem>> -> memref<1x128xi32, #tpu.memory_space<vmem>>
    %dma_start3A_1293 = tpu.memref_squeeze %dma_start3A_1292 : memref<1x128xi32, #tpu.memory_space<vmem>> -> memref<128xi32, #tpu.memory_space<vmem>>
    %dma_start3A_1294 = tpu.memref_slice %arg3[%mul3A_1289] : memref<100000xi32, #tpu.memory_space<hbm>> -> memref<128xi32, #tpu.memory_space<hbm>>
    %dma_start3A_1295 = arith.constant 0 : i32
    %dma_start3A_1296 = tpu.memref_slice %arg9[%dma_start3A_1290, %dma_start3A_1295] : memref<2x128xi32, #tpu.memory_space<vmem>> -> memref<1x128xi32, #tpu.memory_space<vmem>>
    %dma_start3A_1297 = tpu.memref_squeeze %dma_start3A_1296 : memref<1x128xi32, #tpu.memory_space<vmem>> -> memref<128xi32, #tpu.memory_space<vmem>>
    %dma_start3A_1298 = tpu.memref_slice %arg3[%mul3A_1289] : memref<100000xi32, #tpu.memory_space<hbm>> -> memref<128xi32, #tpu.memory_space<hbm>>
    tpu.enqueue_dma source(%dma_start3A_1298 : memref<128xi32, #tpu.memory_space<hbm>>) target(%dma_start3A_1297 : memref<128xi32, #tpu.memory_space<vmem>>) target_semaphore(%arg15 : memref<!tpu.dma_semaphore, #tpu.memory_space<semaphore_mem>>)
    %mul3A_1299 = arith.constant 256 : i32
    %mul3A_1300 = arith.muli %add3A_1287, %mul3A_1299 : i32
    %add3A_1301 = arith.constant 128 : i32
    %add3A_1302 = arith.addi %mul3A_1300, %add3A_1301 : i32
    %dma_start3A_1303 = arith.constant 1 : i32
    %dma_start3A_1304 = arith.constant 0 : i32
    %dma_start3A_1305 = tpu.memref_slice %arg9[%dma_start3A_1303, %dma_start3A_1304] : memref<2x128xi32, #tpu.memory_space<vmem>> -> memref<1x128xi32, #tpu.memory_space<vmem>>
    %dma_start3A_1306 = tpu.memref_squeeze %dma_start3A_1305 : memref<1x128xi32, #tpu.memory_space<vmem>> -> memref<128xi32, #tpu.memory_space<vmem>>
    %dma_start3A_1307 = tpu.memref_slice %arg3[%add3A_1302] : memref<100000xi32, #tpu.memory_space<hbm>> -> memref<128xi32, #tpu.memory_space<hbm>>
    %dma_start3A_1308 = arith.constant 0 : i32
    %dma_start3A_1309 = tpu.memref_slice %arg9[%dma_start3A_1303, %dma_start3A_1308] : memref<2x128xi32, #tpu.memory_space<vmem>> -> memref<1x128xi32, #tpu.memory_space<vmem>>
    %dma_start3A_1310 = tpu.memref_squeeze %dma_start3A_1309 : memref<1x128xi32, #tpu.memory_space<vmem>> -> memref<128xi32, #tpu.memory_space<vmem>>
    %dma_start3A_1311 = tpu.memref_slice %arg3[%add3A_1302] : memref<100000xi32, #tpu.memory_space<hbm>> -> memref<128xi32, #tpu.memory_space<hbm>>
    tpu.enqueue_dma source(%dma_start3A_1311 : memref<128xi32, #tpu.memory_space<hbm>>) target(%dma_start3A_1310 : memref<128xi32, #tpu.memory_space<vmem>>) target_semaphore(%arg15 : memref<!tpu.dma_semaphore, #tpu.memory_space<semaphore_mem>>)
    %mul3A_1312 = arith.constant 256 : i32
    %mul3A_1313 = arith.muli %add3A_1287, %mul3A_1312 : i32
    %dma_start3A_1314 = arith.constant 0 : i32
    %dma_start3A_1315 = tpu.memref_slice %arg2[%mul3A_1313, %dma_start3A_1314] : memref<100000x128xf32, #tpu.memory_space<hbm>> -> memref<256x128xf32, #tpu.memory_space<hbm>>
    %dma_start3A_1316 = arith.constant 0 : i32
    %dma_start3A_1317 = tpu.memref_slice %arg2[%mul3A_1313, %dma_start3A_1316] : memref<100000x128xf32, #tpu.memory_space<hbm>> -> memref<256x128xf32, #tpu.memory_space<hbm>>
    tpu.enqueue_dma source(%dma_start3A_1317 : memref<256x128xf32, #tpu.memory_space<hbm>>) target(%arg6 : memref<256x128xf32, #tpu.memory_space<vmem>>) target_semaphore(%arg15 : memref<!tpu.dma_semaphore, #tpu.memory_space<semaphore_mem>>)
    %dma_wait3A_1318 = arith.constant 0 : i32
    %dma_wait3A_1319 = arith.constant 0 : i32
    %dma_wait3A_1320 = tpu.memref_slice %arg10[%dma_wait3A_1318, %dma_wait3A_1319] : memref<2x128xi32, #tpu.memory_space<vmem>> -> memref<1x128xi32, #tpu.memory_space<vmem>>
    %dma_wait3A_1321 = tpu.memref_squeeze %dma_wait3A_1320 : memref<1x128xi32, #tpu.memory_space<vmem>> -> memref<128xi32, #tpu.memory_space<vmem>>
    %dma_wait3A_1322 = arith.constant 0 : i32
    %dma_wait3A_1323 = tpu.memref_slice %arg3[%dma_wait3A_1322] : memref<100000xi32, #tpu.memory_space<hbm>> -> memref<128xi32, #tpu.memory_space<hbm>>
    %dma_wait3A_1324 = arith.constant 0 : i32
    %dma_wait3A_1325 = tpu.memref_slice %arg10[%dma_wait3A_1318, %dma_wait3A_1324] : memref<2x128xi32, #tpu.memory_space<vmem>> -> memref<1x128xi32, #tpu.memory_space<vmem>>
    %dma_wait3A_1326 = tpu.memref_squeeze %dma_wait3A_1325 : memref<1x128xi32, #tpu.memory_space<vmem>> -> memref<128xi32, #tpu.memory_space<vmem>>
    %dma_wait3A_1327 = arith.constant 0 : i32
    %dma_wait3A_1328 = tpu.memref_slice %arg3[%dma_wait3A_1327] : memref<100000xi32, #tpu.memory_space<hbm>> -> memref<128xi32, #tpu.memory_space<hbm>>
    tpu.wait_dma2 semaphore(%arg16 : memref<!tpu.dma_semaphore, #tpu.memory_space<semaphore_mem>>) src(%dma_wait3A_1328 : memref<128xi32, #tpu.memory_space<hbm>>) dst(%dma_wait3A_1326 : memref<128xi32, #tpu.memory_space<vmem>>)
    %dma_wait3A_1329 = arith.constant 1 : i32
    %dma_wait3A_1330 = arith.constant 0 : i32
    %dma_wait3A_1331 = tpu.memref_slice %arg10[%dma_wait3A_1329, %dma_wait3A_1330] : memref<2x128xi32, #tpu.memory_space<vmem>> -> memref<1x128xi32, #tpu.memory_space<vmem>>
    %dma_wait3A_1332 = tpu.memref_squeeze %dma_wait3A_1331 : memref<1x128xi32, #tpu.memory_space<vmem>> -> memref<128xi32, #tpu.memory_space<vmem>>
    %dma_wait3A_1333 = arith.constant 0 : i32
    %dma_wait3A_1334 = tpu.memref_slice %arg3[%dma_wait3A_1333] : memref<100000xi32, #tpu.memory_space<hbm>> -> memref<128xi32, #tpu.memory_space<hbm>>
    %dma_wait3A_1335 = arith.constant 0 : i32
    %dma_wait3A_1336 = tpu.memref_slice %arg10[%dma_wait3A_1329, %dma_wait3A_1335] : memref<2x128xi32, #tpu.memory_space<vmem>> -> memref<1x128xi32, #tpu.memory_space<vmem>>
    %dma_wait3A_1337 = tpu.memref_squeeze %dma_wait3A_1336 : memref<1x128xi32, #tpu.memory_space<vmem>> -> memref<128xi32, #tpu.memory_space<vmem>>
    %dma_wait3A_1338 = arith.constant 0 : i32
    %dma_wait3A_1339 = tpu.memref_slice %arg3[%dma_wait3A_1338] : memref<100000xi32, #tpu.memory_space<hbm>> -> memref<128xi32, #tpu.memory_space<hbm>>
    tpu.wait_dma2 semaphore(%arg16 : memref<!tpu.dma_semaphore, #tpu.memory_space<semaphore_mem>>) src(%dma_wait3A_1339 : memref<128xi32, #tpu.memory_space<hbm>>) dst(%dma_wait3A_1337 : memref<128xi32, #tpu.memory_space<vmem>>)
    %dma_wait3A_1340 = arith.constant 0 : i32
    %dma_wait3A_1341 = arith.constant 0 : i32
    %dma_wait3A_1342 = tpu.memref_slice %arg2[%dma_wait3A_1340, %dma_wait3A_1341] : memref<100000x128xf32, #tpu.memory_space<hbm>> -> memref<256x128xf32, #tpu.memory_space<hbm>>
    %dma_wait3A_1343 = arith.constant 0 : i32
    %dma_wait3A_1344 = arith.constant 0 : i32
    %dma_wait3A_1345 = tpu.memref_slice %arg2[%dma_wait3A_1343, %dma_wait3A_1344] : memref<100000x128xf32, #tpu.memory_space<hbm>> -> memref<256x128xf32, #tpu.memory_space<hbm>>
    tpu.wait_dma2 semaphore(%arg16 : memref<!tpu.dma_semaphore, #tpu.memory_space<semaphore_mem>>) src(%dma_wait3A_1345 : memref<256x128xf32, #tpu.memory_space<hbm>>) dst(%arg7 : memref<256x128xf32, #tpu.memory_space<vmem>>)
    %dma_start3A_1346 = arith.constant 0 : i32
    %dma_start3A_1347 = arith.constant 0 : i32
    %dma_start3A_1348 = arith.constant 0 : i32
    %dma_start3A_1349 = tpu.memref_slice %arg7[%dma_start3A_1347, %dma_start3A_1348] : memref<256x128xf32, #tpu.memory_space<vmem>> -> memref<128x128xf32, #tpu.memory_space<vmem>>
    %dma_start3A_1350 = arith.constant 0 : i32
    %dma_start3A_1351 = tpu.memref_slice %arg10[%dma_start3A_1346, %dma_start3A_1350] : memref<2x128xi32, #tpu.memory_space<vmem>> -> memref<1x128xi32, #tpu.memory_space<vmem>>
    %dma_start3A_1352 = tpu.memref_squeeze %dma_start3A_1351 : memref<1x128xi32, #tpu.memory_space<vmem>> -> memref<128xi32, #tpu.memory_space<vmem>>
    %dma_start3A_1353 = arith.constant 0 : i32
    %dma_start3A_1354 = arith.constant 0 : i32
    %dma_start3A_1355 = tpu.memref_slice %arg14[%dma_start3A_1353, %dma_start3A_1354] : memref<512x128xf32, #tpu.memory_space<vmem_shared>> -> memref<512x128xf32, #tpu.memory_space<vmem_shared>>
    tpu.enqueue_indirect_dma source(%dma_start3A_1349 : memref<128x128xf32, #tpu.memory_space<vmem>>) target(%dma_start3A_1355 : memref<512x128xf32, #tpu.memory_space<vmem_shared>>) offsets(%dma_start3A_1352 : memref<128xi32, #tpu.memory_space<vmem>>) semaphore(%arg19 : memref<!tpu.dma_semaphore, #tpu.memory_space<semaphore_mem>>) {add = true}
    %dma_start3A_1356 = arith.constant 1 : i32
    %dma_start3A_1357 = arith.constant 128 : i32
    %dma_start3A_1358 = arith.constant 0 : i32
    %dma_start3A_1359 = tpu.memref_slice %arg7[%dma_start3A_1357, %dma_start3A_1358] : memref<256x128xf32, #tpu.memory_space<vmem>> -> memref<128x128xf32, #tpu.memory_space<vmem>>
    %dma_start3A_1360 = arith.constant 0 : i32
    %dma_start3A_1361 = tpu.memref_slice %arg10[%dma_start3A_1356, %dma_start3A_1360] : memref<2x128xi32, #tpu.memory_space<vmem>> -> memref<1x128xi32, #tpu.memory_space<vmem>>
    %dma_start3A_1362 = tpu.memref_squeeze %dma_start3A_1361 : memref<1x128xi32, #tpu.memory_space<vmem>> -> memref<128xi32, #tpu.memory_space<vmem>>
    %dma_start3A_1363 = arith.constant 0 : i32
    %dma_start3A_1364 = arith.constant 0 : i32
    %dma_start3A_1365 = tpu.memref_slice %arg14[%dma_start3A_1363, %dma_start3A_1364] : memref<512x128xf32, #tpu.memory_space<vmem_shared>> -> memref<512x128xf32, #tpu.memory_space<vmem_shared>>
    tpu.enqueue_indirect_dma source(%dma_start3A_1359 : memref<128x128xf32, #tpu.memory_space<vmem>>) target(%dma_start3A_1365 : memref<512x128xf32, #tpu.memory_space<vmem_shared>>) offsets(%dma_start3A_1362 : memref<128xi32, #tpu.memory_space<vmem>>) semaphore(%arg19 : memref<!tpu.dma_semaphore, #tpu.memory_space<semaphore_mem>>) {add = true}
    %get3A_1366 = arith.constant 0 : i32
    %get3A_1367 = arith.index_cast %get3A_1366 : i32 to index
    %get3A_1368 = arith.constant 0 : index
    %get3A_1369 = tpu.vector_load %arg10[%get3A_1367, %get3A_1368] {strides = array<i32>} : memref<2x128xi32, #tpu.memory_space<vmem>>, vector<16xi32>,
    tpu.vector_store_idx %arg13[%get3A_1369], %broadcast_in_dim3A_3 {add = true} : memref<512xf32, #tpu.memory_space<vmem>>[vector<16xi32>], vector<16xf32>,
    %get3A_1370 = arith.constant 0 : i32
    %get3A_1371 = arith.index_cast %get3A_1370 : i32 to index
    %get3A_1372 = arith.constant 16 : index
    %get3A_1373 = tpu.vector_load %arg10[%get3A_1371, %get3A_1372] {strides = array<i32>} : memref<2x128xi32, #tpu.memory_space<vmem>>, vector<16xi32>,
    tpu.vector_store_idx %arg13[%get3A_1373], %broadcast_in_dim3A_3 {add = true} : memref<512xf32, #tpu.memory_space<vmem>>[vector<16xi32>], vector<16xf32>,
    %get3A_1374 = arith.constant 0 : i32
    %get3A_1375 = arith.index_cast %get3A_1374 : i32 to index
    %get3A_1376 = arith.constant 32 : index
    %get3A_1377 = tpu.vector_load %arg10[%get3A_1375, %get3A_1376] {strides = array<i32>} : memref<2x128xi32, #tpu.memory_space<vmem>>, vector<16xi32>,
    tpu.vector_store_idx %arg13[%get3A_1377], %broadcast_in_dim3A_3 {add = true} : memref<512xf32, #tpu.memory_space<vmem>>[vector<16xi32>], vector<16xf32>,
    %get3A_1378 = arith.constant 0 : i32
    %get3A_1379 = arith.index_cast %get3A_1378 : i32 to index
    %get3A_1380 = arith.constant 48 : index
    %get3A_1381 = tpu.vector_load %arg10[%get3A_1379, %get3A_1380] {strides = array<i32>} : memref<2x128xi32, #tpu.memory_space<vmem>>, vector<16xi32>,
    tpu.vector_store_idx %arg13[%get3A_1381], %broadcast_in_dim3A_3 {add = true} : memref<512xf32, #tpu.memory_space<vmem>>[vector<16xi32>], vector<16xf32>,
    %get3A_1382 = arith.constant 0 : i32
    %get3A_1383 = arith.index_cast %get3A_1382 : i32 to index
    %get3A_1384 = arith.constant 64 : index
    %get3A_1385 = tpu.vector_load %arg10[%get3A_1383, %get3A_1384] {strides = array<i32>} : memref<2x128xi32, #tpu.memory_space<vmem>>, vector<16xi32>,
    tpu.vector_store_idx %arg13[%get3A_1385], %broadcast_in_dim3A_3 {add = true} : memref<512xf32, #tpu.memory_space<vmem>>[vector<16xi32>], vector<16xf32>,
    %get3A_1386 = arith.constant 0 : i32
    %get3A_1387 = arith.index_cast %get3A_1386 : i32 to index
    %get3A_1388 = arith.constant 80 : index
    %get3A_1389 = tpu.vector_load %arg10[%get3A_1387, %get3A_1388] {strides = array<i32>} : memref<2x128xi32, #tpu.memory_space<vmem>>, vector<16xi32>,
    tpu.vector_store_idx %arg13[%get3A_1389], %broadcast_in_dim3A_3 {add = true} : memref<512xf32, #tpu.memory_space<vmem>>[vector<16xi32>], vector<16xf32>,
    %get3A_1390 = arith.constant 0 : i32
    %get3A_1391 = arith.index_cast %get3A_1390 : i32 to index
    %get3A_1392 = arith.constant 96 : index
    %get3A_1393 = tpu.vector_load %arg10[%get3A_1391, %get3A_1392] {strides = array<i32>} : memref<2x128xi32, #tpu.memory_space<vmem>>, vector<16xi32>,
    tpu.vector_store_idx %arg13[%get3A_1393], %broadcast_in_dim3A_3 {add = true} : memref<512xf32, #tpu.memory_space<vmem>>[vector<16xi32>], vector<16xf32>,
    %get3A_1394 = arith.constant 0 : i32
    %get3A_1395 = arith.index_cast %get3A_1394 : i32 to index
    %get3A_1396 = arith.constant 112 : index
    %get3A_1397 = tpu.vector_load %arg10[%get3A_1395, %get3A_1396] {strides = array<i32>} : memref<2x128xi32, #tpu.memory_space<vmem>>, vector<16xi32>,
    tpu.vector_store_idx %arg13[%get3A_1397], %broadcast_in_dim3A_3 {add = true} : memref<512xf32, #tpu.memory_space<vmem>>[vector<16xi32>], vector<16xf32>,
    %get3A_1398 = arith.constant 1 : i32
    %get3A_1399 = arith.index_cast %get3A_1398 : i32 to index
    %get3A_1400 = arith.constant 0 : index
    %get3A_1401 = tpu.vector_load %arg10[%get3A_1399, %get3A_1400] {strides = array<i32>} : memref<2x128xi32, #tpu.memory_space<vmem>>, vector<16xi32>,
    tpu.vector_store_idx %arg13[%get3A_1401], %broadcast_in_dim3A_3 {add = true} : memref<512xf32, #tpu.memory_space<vmem>>[vector<16xi32>], vector<16xf32>,
    %get3A_1402 = arith.constant 1 : i32
    %get3A_1403 = arith.index_cast %get3A_1402 : i32 to index
    %get3A_1404 = arith.constant 16 : index
    %get3A_1405 = tpu.vector_load %arg10[%get3A_1403, %get3A_1404] {strides = array<i32>} : memref<2x128xi32, #tpu.memory_space<vmem>>, vector<16xi32>,
    tpu.vector_store_idx %arg13[%get3A_1405], %broadcast_in_dim3A_3 {add = true} : memref<512xf32, #tpu.memory_space<vmem>>[vector<16xi32>], vector<16xf32>,
    %get3A_1406 = arith.constant 1 : i32
    %get3A_1407 = arith.index_cast %get3A_1406 : i32 to index
    %get3A_1408 = arith.constant 32 : index
    %get3A_1409 = tpu.vector_load %arg10[%get3A_1407, %get3A_1408] {strides = array<i32>} : memref<2x128xi32, #tpu.memory_space<vmem>>, vector<16xi32>,
    tpu.vector_store_idx %arg13[%get3A_1409], %broadcast_in_dim3A_3 {add = true} : memref<512xf32, #tpu.memory_space<vmem>>[vector<16xi32>], vector<16xf32>,
    %get3A_1410 = arith.constant 1 : i32
    %get3A_1411 = arith.index_cast %get3A_1410 : i32 to index
    %get3A_1412 = arith.constant 48 : index
    %get3A_1413 = tpu.vector_load %arg10[%get3A_1411, %get3A_1412] {strides = array<i32>} : memref<2x128xi32, #tpu.memory_space<vmem>>, vector<16xi32>,
    tpu.vector_store_idx %arg13[%get3A_1413], %broadcast_in_dim3A_3 {add = true} : memref<512xf32, #tpu.memory_space<vmem>>[vector<16xi32>], vector<16xf32>,
    %get3A_1414 = arith.constant 1 : i32
    %get3A_1415 = arith.index_cast %get3A_1414 : i32 to index
    %get3A_1416 = arith.constant 64 : index
    %get3A_1417 = tpu.vector_load %arg10[%get3A_1415, %get3A_1416] {strides = array<i32>} : memref<2x128xi32, #tpu.memory_space<vmem>>, vector<16xi32>,
    tpu.vector_store_idx %arg13[%get3A_1417], %broadcast_in_dim3A_3 {add = true} : memref<512xf32, #tpu.memory_space<vmem>>[vector<16xi32>], vector<16xf32>,
    %get3A_1418 = arith.constant 1 : i32
    %get3A_1419 = arith.index_cast %get3A_1418 : i32 to index
    %get3A_1420 = arith.constant 80 : index
    %get3A_1421 = tpu.vector_load %arg10[%get3A_1419, %get3A_1420] {strides = array<i32>} : memref<2x128xi32, #tpu.memory_space<vmem>>, vector<16xi32>,
    tpu.vector_store_idx %arg13[%get3A_1421], %broadcast_in_dim3A_3 {add = true} : memref<512xf32, #tpu.memory_space<vmem>>[vector<16xi32>], vector<16xf32>,
    %get3A_1422 = arith.constant 1 : i32
    %get3A_1423 = arith.index_cast %get3A_1422 : i32 to index
    %get3A_1424 = arith.constant 96 : index
    %get3A_1425 = tpu.vector_load %arg10[%get3A_1423, %get3A_1424] {strides = array<i32>} : memref<2x128xi32, #tpu.memory_space<vmem>>, vector<16xi32>,
    tpu.vector_store_idx %arg13[%get3A_1425], %broadcast_in_dim3A_3 {add = true} : memref<512xf32, #tpu.memory_space<vmem>>[vector<16xi32>], vector<16xf32>,
    %get3A_1426 = arith.constant 1 : i32
    %get3A_1427 = arith.index_cast %get3A_1426 : i32 to index
    %get3A_1428 = arith.constant 112 : index
    %get3A_1429 = tpu.vector_load %arg10[%get3A_1427, %get3A_1428] {strides = array<i32>} : memref<2x128xi32, #tpu.memory_space<vmem>>, vector<16xi32>,
    tpu.vector_store_idx %arg13[%get3A_1429], %broadcast_in_dim3A_3 {add = true} : memref<512xf32, #tpu.memory_space<vmem>>[vector<16xi32>], vector<16xf32>,
    %dma_wait3A_1430 = arith.constant 0 : i32
    %dma_wait3A_1431 = arith.constant 0 : i32
    %dma_wait3A_1432 = arith.constant 0 : i32
    %dma_wait3A_1433 = tpu.memref_slice %arg7[%dma_wait3A_1431, %dma_wait3A_1432] : memref<256x128xf32, #tpu.memory_space<vmem>> -> memref<128x128xf32, #tpu.memory_space<vmem>>
    %dma_wait3A_1434 = arith.constant 0 : i32
    %dma_wait3A_1435 = tpu.memref_slice %arg10[%dma_wait3A_1430, %dma_wait3A_1434] : memref<2x128xi32, #tpu.memory_space<vmem>> -> memref<1x128xi32, #tpu.memory_space<vmem>>
    %dma_wait3A_1436 = tpu.memref_squeeze %dma_wait3A_1435 : memref<1x128xi32, #tpu.memory_space<vmem>> -> memref<128xi32, #tpu.memory_space<vmem>>
    %dma_wait3A_1437 = arith.constant 0 : i32
    %dma_wait3A_1438 = arith.constant 0 : i32
    %dma_wait3A_1439 = tpu.memref_slice %arg14[%dma_wait3A_1437, %dma_wait3A_1438] : memref<512x128xf32, #tpu.memory_space<vmem_shared>> -> memref<512x128xf32, #tpu.memory_space<vmem_shared>>
    tpu.wait_indirect_dma semaphore(%arg19 : memref<!tpu.dma_semaphore, #tpu.memory_space<semaphore_mem>>) src(%dma_wait3A_1433 : memref<128x128xf32, #tpu.memory_space<vmem>>) dst(%dma_wait3A_1439 : memref<512x128xf32, #tpu.memory_space<vmem_shared>>)
    %dma_wait3A_1440 = arith.constant 1 : i32
    %dma_wait3A_1441 = arith.constant 128 : i32
    %dma_wait3A_1442 = arith.constant 0 : i32
    %dma_wait3A_1443 = tpu.memref_slice %arg7[%dma_wait3A_1441, %dma_wait3A_1442] : memref<256x128xf32, #tpu.memory_space<vmem>> -> memref<128x128xf32, #tpu.memory_space<vmem>>
    %dma_wait3A_1444 = arith.constant 0 : i32
    %dma_wait3A_1445 = tpu.memref_slice %arg10[%dma_wait3A_1440, %dma_wait3A_1444] : memref<2x128xi32, #tpu.memory_space<vmem>> -> memref<1x128xi32, #tpu.memory_space<vmem>>
    %dma_wait3A_1446 = tpu.memref_squeeze %dma_wait3A_1445 : memref<1x128xi32, #tpu.memory_space<vmem>> -> memref<128xi32, #tpu.memory_space<vmem>>
    %dma_wait3A_1447 = arith.constant 0 : i32
    %dma_wait3A_1448 = arith.constant 0 : i32
    %dma_wait3A_1449 = tpu.memref_slice %arg14[%dma_wait3A_1447, %dma_wait3A_1448] : memref<512x128xf32, #tpu.memory_space<vmem_shared>> -> memref<512x128xf32, #tpu.memory_space<vmem_shared>>
    tpu.wait_indirect_dma semaphore(%arg19 : memref<!tpu.dma_semaphore, #tpu.memory_space<semaphore_mem>>) src(%dma_wait3A_1443 : memref<128x128xf32, #tpu.memory_space<vmem>>) dst(%dma_wait3A_1449 : memref<512x128xf32, #tpu.memory_space<vmem_shared>>)
    %add3A_1450 = arith.constant 320 : i32
    %add3A_1451 = arith.addi %add3A, %add3A_1450 : i32
    %mul3A_1452 = arith.constant 256 : i32
    %mul3A_1453 = arith.muli %add3A_1451, %mul3A_1452 : i32
    %dma_start3A_1454 = arith.constant 0 : i32
    %dma_start3A_1455 = arith.constant 0 : i32
    %dma_start3A_1456 = tpu.memref_slice %arg10[%dma_start3A_1454, %dma_start3A_1455] : memref<2x128xi32, #tpu.memory_space<vmem>> -> memref<1x128xi32, #tpu.memory_space<vmem>>
    %dma_start3A_1457 = tpu.memref_squeeze %dma_start3A_1456 : memref<1x128xi32, #tpu.memory_space<vmem>> -> memref<128xi32, #tpu.memory_space<vmem>>
    %dma_start3A_1458 = tpu.memref_slice %arg3[%mul3A_1453] : memref<100000xi32, #tpu.memory_space<hbm>> -> memref<128xi32, #tpu.memory_space<hbm>>
    %dma_start3A_1459 = arith.constant 0 : i32
    %dma_start3A_1460 = tpu.memref_slice %arg10[%dma_start3A_1454, %dma_start3A_1459] : memref<2x128xi32, #tpu.memory_space<vmem>> -> memref<1x128xi32, #tpu.memory_space<vmem>>
    %dma_start3A_1461 = tpu.memref_squeeze %dma_start3A_1460 : memref<1x128xi32, #tpu.memory_space<vmem>> -> memref<128xi32, #tpu.memory_space<vmem>>
    %dma_start3A_1462 = tpu.memref_slice %arg3[%mul3A_1453] : memref<100000xi32, #tpu.memory_space<hbm>> -> memref<128xi32, #tpu.memory_space<hbm>>
    tpu.enqueue_dma source(%dma_start3A_1462 : memref<128xi32, #tpu.memory_space<hbm>>) target(%dma_start3A_1461 : memref<128xi32, #tpu.memory_space<vmem>>) target_semaphore(%arg16 : memref<!tpu.dma_semaphore, #tpu.memory_space<semaphore_mem>>)
    %mul3A_1463 = arith.constant 256 : i32
    %mul3A_1464 = arith.muli %add3A_1451, %mul3A_1463 : i32
    %add3A_1465 = arith.constant 128 : i32
    %add3A_1466 = arith.addi %mul3A_1464, %add3A_1465 : i32
    %dma_start3A_1467 = arith.constant 1 : i32
    %dma_start3A_1468 = arith.constant 0 : i32
    %dma_start3A_1469 = tpu.memref_slice %arg10[%dma_start3A_1467, %dma_start3A_1468] : memref<2x128xi32, #tpu.memory_space<vmem>> -> memref<1x128xi32, #tpu.memory_space<vmem>>
    %dma_start3A_1470 = tpu.memref_squeeze %dma_start3A_1469 : memref<1x128xi32, #tpu.memory_space<vmem>> -> memref<128xi32, #tpu.memory_space<vmem>>
    %dma_start3A_1471 = tpu.memref_slice %arg3[%add3A_1466] : memref<100000xi32, #tpu.memory_space<hbm>> -> memref<128xi32, #tpu.memory_space<hbm>>
    %dma_start3A_1472 = arith.constant 0 : i32
    %dma_start3A_1473 = tpu.memref_slice %arg10[%dma_start3A_1467, %dma_start3A_1472] : memref<2x128xi32, #tpu.memory_space<vmem>> -> memref<1x128xi32, #tpu.memory_space<vmem>>
    %dma_start3A_1474 = tpu.memref_squeeze %dma_start3A_1473 : memref<1x128xi32, #tpu.memory_space<vmem>> -> memref<128xi32, #tpu.memory_space<vmem>>
    %dma_start3A_1475 = tpu.memref_slice %arg3[%add3A_1466] : memref<100000xi32, #tpu.memory_space<hbm>> -> memref<128xi32, #tpu.memory_space<hbm>>
    tpu.enqueue_dma source(%dma_start3A_1475 : memref<128xi32, #tpu.memory_space<hbm>>) target(%dma_start3A_1474 : memref<128xi32, #tpu.memory_space<vmem>>) target_semaphore(%arg16 : memref<!tpu.dma_semaphore, #tpu.memory_space<semaphore_mem>>)
    %mul3A_1476 = arith.constant 256 : i32
    %mul3A_1477 = arith.muli %add3A_1451, %mul3A_1476 : i32
    %dma_start3A_1478 = arith.constant 0 : i32
    %dma_start3A_1479 = tpu.memref_slice %arg2[%mul3A_1477, %dma_start3A_1478] : memref<100000x128xf32, #tpu.memory_space<hbm>> -> memref<256x128xf32, #tpu.memory_space<hbm>>
    %dma_start3A_1480 = arith.constant 0 : i32
    %dma_start3A_1481 = tpu.memref_slice %arg2[%mul3A_1477, %dma_start3A_1480] : memref<100000x128xf32, #tpu.memory_space<hbm>> -> memref<256x128xf32, #tpu.memory_space<hbm>>
    tpu.enqueue_dma source(%dma_start3A_1481 : memref<256x128xf32, #tpu.memory_space<hbm>>) target(%arg7 : memref<256x128xf32, #tpu.memory_space<vmem>>) target_semaphore(%arg16 : memref<!tpu.dma_semaphore, #tpu.memory_space<semaphore_mem>>)
    %dma_wait3A_1482 = arith.constant 0 : i32
    %dma_wait3A_1483 = arith.constant 0 : i32
    %dma_wait3A_1484 = tpu.memref_slice %arg11[%dma_wait3A_1482, %dma_wait3A_1483] : memref<2x128xi32, #tpu.memory_space<vmem>> -> memref<1x128xi32, #tpu.memory_space<vmem>>
    %dma_wait3A_1485 = tpu.memref_squeeze %dma_wait3A_1484 : memref<1x128xi32, #tpu.memory_space<vmem>> -> memref<128xi32, #tpu.memory_space<vmem>>
    %dma_wait3A_1486 = arith.constant 0 : i32
    %dma_wait3A_1487 = tpu.memref_slice %arg3[%dma_wait3A_1486] : memref<100000xi32, #tpu.memory_space<hbm>> -> memref<128xi32, #tpu.memory_space<hbm>>
    %dma_wait3A_1488 = arith.constant 0 : i32
    %dma_wait3A_1489 = tpu.memref_slice %arg11[%dma_wait3A_1482, %dma_wait3A_1488] : memref<2x128xi32, #tpu.memory_space<vmem>> -> memref<1x128xi32, #tpu.memory_space<vmem>>
    %dma_wait3A_1490 = tpu.memref_squeeze %dma_wait3A_1489 : memref<1x128xi32, #tpu.memory_space<vmem>> -> memref<128xi32, #tpu.memory_space<vmem>>
    %dma_wait3A_1491 = arith.constant 0 : i32
    %dma_wait3A_1492 = tpu.memref_slice %arg3[%dma_wait3A_1491] : memref<100000xi32, #tpu.memory_space<hbm>> -> memref<128xi32, #tpu.memory_space<hbm>>
    tpu.wait_dma2 semaphore(%arg17 : memref<!tpu.dma_semaphore, #tpu.memory_space<semaphore_mem>>) src(%dma_wait3A_1492 : memref<128xi32, #tpu.memory_space<hbm>>) dst(%dma_wait3A_1490 : memref<128xi32, #tpu.memory_space<vmem>>)
    %dma_wait3A_1493 = arith.constant 1 : i32
    %dma_wait3A_1494 = arith.constant 0 : i32
    %dma_wait3A_1495 = tpu.memref_slice %arg11[%dma_wait3A_1493, %dma_wait3A_1494] : memref<2x128xi32, #tpu.memory_space<vmem>> -> memref<1x128xi32, #tpu.memory_space<vmem>>
    %dma_wait3A_1496 = tpu.memref_squeeze %dma_wait3A_1495 : memref<1x128xi32, #tpu.memory_space<vmem>> -> memref<128xi32, #tpu.memory_space<vmem>>
    %dma_wait3A_1497 = arith.constant 0 : i32
    %dma_wait3A_1498 = tpu.memref_slice %arg3[%dma_wait3A_1497] : memref<100000xi32, #tpu.memory_space<hbm>> -> memref<128xi32, #tpu.memory_space<hbm>>
    %dma_wait3A_1499 = arith.constant 0 : i32
    %dma_wait3A_1500 = tpu.memref_slice %arg11[%dma_wait3A_1493, %dma_wait3A_1499] : memref<2x128xi32, #tpu.memory_space<vmem>> -> memref<1x128xi32, #tpu.memory_space<vmem>>
    %dma_wait3A_1501 = tpu.memref_squeeze %dma_wait3A_1500 : memref<1x128xi32, #tpu.memory_space<vmem>> -> memref<128xi32, #tpu.memory_space<vmem>>
    %dma_wait3A_1502 = arith.constant 0 : i32
    %dma_wait3A_1503 = tpu.memref_slice %arg3[%dma_wait3A_1502] : memref<100000xi32, #tpu.memory_space<hbm>> -> memref<128xi32, #tpu.memory_space<hbm>>
    tpu.wait_dma2 semaphore(%arg17 : memref<!tpu.dma_semaphore, #tpu.memory_space<semaphore_mem>>) src(%dma_wait3A_1503 : memref<128xi32, #tpu.memory_space<hbm>>) dst(%dma_wait3A_1501 : memref<128xi32, #tpu.memory_space<vmem>>)
    %dma_wait3A_1504 = arith.constant 0 : i32
    %dma_wait3A_1505 = arith.constant 0 : i32
    %dma_wait3A_1506 = tpu.memref_slice %arg2[%dma_wait3A_1504, %dma_wait3A_1505] : memref<100000x128xf32, #tpu.memory_space<hbm>> -> memref<256x128xf32, #tpu.memory_space<hbm>>
    %dma_wait3A_1507 = arith.constant 0 : i32
    %dma_wait3A_1508 = arith.constant 0 : i32
    %dma_wait3A_1509 = tpu.memref_slice %arg2[%dma_wait3A_1507, %dma_wait3A_1508] : memref<100000x128xf32, #tpu.memory_space<hbm>> -> memref<256x128xf32, #tpu.memory_space<hbm>>
    tpu.wait_dma2 semaphore(%arg17 : memref<!tpu.dma_semaphore, #tpu.memory_space<semaphore_mem>>) src(%dma_wait3A_1509 : memref<256x128xf32, #tpu.memory_space<hbm>>) dst(%arg8 : memref<256x128xf32, #tpu.memory_space<vmem>>)
    %dma_start3A_1510 = arith.constant 0 : i32
    %dma_start3A_1511 = arith.constant 0 : i32
    %dma_start3A_1512 = arith.constant 0 : i32
    %dma_start3A_1513 = tpu.memref_slice %arg8[%dma_start3A_1511, %dma_start3A_1512] : memref<256x128xf32, #tpu.memory_space<vmem>> -> memref<128x128xf32, #tpu.memory_space<vmem>>
    %dma_start3A_1514 = arith.constant 0 : i32
    %dma_start3A_1515 = tpu.memref_slice %arg11[%dma_start3A_1510, %dma_start3A_1514] : memref<2x128xi32, #tpu.memory_space<vmem>> -> memref<1x128xi32, #tpu.memory_space<vmem>>
    %dma_start3A_1516 = tpu.memref_squeeze %dma_start3A_1515 : memref<1x128xi32, #tpu.memory_space<vmem>> -> memref<128xi32, #tpu.memory_space<vmem>>
    %dma_start3A_1517 = arith.constant 0 : i32
    %dma_start3A_1518 = arith.constant 0 : i32
    %dma_start3A_1519 = tpu.memref_slice %arg14[%dma_start3A_1517, %dma_start3A_1518] : memref<512x128xf32, #tpu.memory_space<vmem_shared>> -> memref<512x128xf32, #tpu.memory_space<vmem_shared>>
    tpu.enqueue_indirect_dma source(%dma_start3A_1513 : memref<128x128xf32, #tpu.memory_space<vmem>>) target(%dma_start3A_1519 : memref<512x128xf32, #tpu.memory_space<vmem_shared>>) offsets(%dma_start3A_1516 : memref<128xi32, #tpu.memory_space<vmem>>) semaphore(%arg20 : memref<!tpu.dma_semaphore, #tpu.memory_space<semaphore_mem>>) {add = true}
    %dma_start3A_1520 = arith.constant 1 : i32
    %dma_start3A_1521 = arith.constant 128 : i32
    %dma_start3A_1522 = arith.constant 0 : i32
    %dma_start3A_1523 = tpu.memref_slice %arg8[%dma_start3A_1521, %dma_start3A_1522] : memref<256x128xf32, #tpu.memory_space<vmem>> -> memref<128x128xf32, #tpu.memory_space<vmem>>
    %dma_start3A_1524 = arith.constant 0 : i32
    %dma_start3A_1525 = tpu.memref_slice %arg11[%dma_start3A_1520, %dma_start3A_1524] : memref<2x128xi32, #tpu.memory_space<vmem>> -> memref<1x128xi32, #tpu.memory_space<vmem>>
    %dma_start3A_1526 = tpu.memref_squeeze %dma_start3A_1525 : memref<1x128xi32, #tpu.memory_space<vmem>> -> memref<128xi32, #tpu.memory_space<vmem>>
    %dma_start3A_1527 = arith.constant 0 : i32
    %dma_start3A_1528 = arith.constant 0 : i32
    %dma_start3A_1529 = tpu.memref_slice %arg14[%dma_start3A_1527, %dma_start3A_1528] : memref<512x128xf32, #tpu.memory_space<vmem_shared>> -> memref<512x128xf32, #tpu.memory_space<vmem_shared>>
    tpu.enqueue_indirect_dma source(%dma_start3A_1523 : memref<128x128xf32, #tpu.memory_space<vmem>>) target(%dma_start3A_1529 : memref<512x128xf32, #tpu.memory_space<vmem_shared>>) offsets(%dma_start3A_1526 : memref<128xi32, #tpu.memory_space<vmem>>) semaphore(%arg20 : memref<!tpu.dma_semaphore, #tpu.memory_space<semaphore_mem>>) {add = true}
    %get3A_1530 = arith.constant 0 : i32
    %get3A_1531 = arith.index_cast %get3A_1530 : i32 to index
    %get3A_1532 = arith.constant 0 : index
    %get3A_1533 = tpu.vector_load %arg11[%get3A_1531, %get3A_1532] {strides = array<i32>} : memref<2x128xi32, #tpu.memory_space<vmem>>, vector<16xi32>,
    tpu.vector_store_idx %arg13[%get3A_1533], %broadcast_in_dim3A_3 {add = true} : memref<512xf32, #tpu.memory_space<vmem>>[vector<16xi32>], vector<16xf32>,
    %get3A_1534 = arith.constant 0 : i32
    %get3A_1535 = arith.index_cast %get3A_1534 : i32 to index
    %get3A_1536 = arith.constant 16 : index
    %get3A_1537 = tpu.vector_load %arg11[%get3A_1535, %get3A_1536] {strides = array<i32>} : memref<2x128xi32, #tpu.memory_space<vmem>>, vector<16xi32>,
    tpu.vector_store_idx %arg13[%get3A_1537], %broadcast_in_dim3A_3 {add = true} : memref<512xf32, #tpu.memory_space<vmem>>[vector<16xi32>], vector<16xf32>,
    %get3A_1538 = arith.constant 0 : i32
    %get3A_1539 = arith.index_cast %get3A_1538 : i32 to index
    %get3A_1540 = arith.constant 32 : index
    %get3A_1541 = tpu.vector_load %arg11[%get3A_1539, %get3A_1540] {strides = array<i32>} : memref<2x128xi32, #tpu.memory_space<vmem>>, vector<16xi32>,
    tpu.vector_store_idx %arg13[%get3A_1541], %broadcast_in_dim3A_3 {add = true} : memref<512xf32, #tpu.memory_space<vmem>>[vector<16xi32>], vector<16xf32>,
    %get3A_1542 = arith.constant 0 : i32
    %get3A_1543 = arith.index_cast %get3A_1542 : i32 to index
    %get3A_1544 = arith.constant 48 : index
    %get3A_1545 = tpu.vector_load %arg11[%get3A_1543, %get3A_1544] {strides = array<i32>} : memref<2x128xi32, #tpu.memory_space<vmem>>, vector<16xi32>,
    tpu.vector_store_idx %arg13[%get3A_1545], %broadcast_in_dim3A_3 {add = true} : memref<512xf32, #tpu.memory_space<vmem>>[vector<16xi32>], vector<16xf32>,
    %get3A_1546 = arith.constant 0 : i32
    %get3A_1547 = arith.index_cast %get3A_1546 : i32 to index
    %get3A_1548 = arith.constant 64 : index
    %get3A_1549 = tpu.vector_load %arg11[%get3A_1547, %get3A_1548] {strides = array<i32>} : memref<2x128xi32, #tpu.memory_space<vmem>>, vector<16xi32>,
    tpu.vector_store_idx %arg13[%get3A_1549], %broadcast_in_dim3A_3 {add = true} : memref<512xf32, #tpu.memory_space<vmem>>[vector<16xi32>], vector<16xf32>,
    %get3A_1550 = arith.constant 0 : i32
    %get3A_1551 = arith.index_cast %get3A_1550 : i32 to index
    %get3A_1552 = arith.constant 80 : index
    %get3A_1553 = tpu.vector_load %arg11[%get3A_1551, %get3A_1552] {strides = array<i32>} : memref<2x128xi32, #tpu.memory_space<vmem>>, vector<16xi32>,
    tpu.vector_store_idx %arg13[%get3A_1553], %broadcast_in_dim3A_3 {add = true} : memref<512xf32, #tpu.memory_space<vmem>>[vector<16xi32>], vector<16xf32>,
    %get3A_1554 = arith.constant 0 : i32
    %get3A_1555 = arith.index_cast %get3A_1554 : i32 to index
    %get3A_1556 = arith.constant 96 : index
    %get3A_1557 = tpu.vector_load %arg11[%get3A_1555, %get3A_1556] {strides = array<i32>} : memref<2x128xi32, #tpu.memory_space<vmem>>, vector<16xi32>,
    tpu.vector_store_idx %arg13[%get3A_1557], %broadcast_in_dim3A_3 {add = true} : memref<512xf32, #tpu.memory_space<vmem>>[vector<16xi32>], vector<16xf32>,
    %get3A_1558 = arith.constant 0 : i32
    %get3A_1559 = arith.index_cast %get3A_1558 : i32 to index
    %get3A_1560 = arith.constant 112 : index
    %get3A_1561 = tpu.vector_load %arg11[%get3A_1559, %get3A_1560] {strides = array<i32>} : memref<2x128xi32, #tpu.memory_space<vmem>>, vector<16xi32>,
    tpu.vector_store_idx %arg13[%get3A_1561], %broadcast_in_dim3A_3 {add = true} : memref<512xf32, #tpu.memory_space<vmem>>[vector<16xi32>], vector<16xf32>,
    %get3A_1562 = arith.constant 1 : i32
    %get3A_1563 = arith.index_cast %get3A_1562 : i32 to index
    %get3A_1564 = arith.constant 0 : index
    %get3A_1565 = tpu.vector_load %arg11[%get3A_1563, %get3A_1564] {strides = array<i32>} : memref<2x128xi32, #tpu.memory_space<vmem>>, vector<16xi32>,
    tpu.vector_store_idx %arg13[%get3A_1565], %broadcast_in_dim3A_3 {add = true} : memref<512xf32, #tpu.memory_space<vmem>>[vector<16xi32>], vector<16xf32>,
    %get3A_1566 = arith.constant 1 : i32
    %get3A_1567 = arith.index_cast %get3A_1566 : i32 to index
    %get3A_1568 = arith.constant 16 : index
    %get3A_1569 = tpu.vector_load %arg11[%get3A_1567, %get3A_1568] {strides = array<i32>} : memref<2x128xi32, #tpu.memory_space<vmem>>, vector<16xi32>,
    tpu.vector_store_idx %arg13[%get3A_1569], %broadcast_in_dim3A_3 {add = true} : memref<512xf32, #tpu.memory_space<vmem>>[vector<16xi32>], vector<16xf32>,
    %get3A_1570 = arith.constant 1 : i32
    %get3A_1571 = arith.index_cast %get3A_1570 : i32 to index
    %get3A_1572 = arith.constant 32 : index
    %get3A_1573 = tpu.vector_load %arg11[%get3A_1571, %get3A_1572] {strides = array<i32>} : memref<2x128xi32, #tpu.memory_space<vmem>>, vector<16xi32>,
    tpu.vector_store_idx %arg13[%get3A_1573], %broadcast_in_dim3A_3 {add = true} : memref<512xf32, #tpu.memory_space<vmem>>[vector<16xi32>], vector<16xf32>,
    %get3A_1574 = arith.constant 1 : i32
    %get3A_1575 = arith.index_cast %get3A_1574 : i32 to index
    %get3A_1576 = arith.constant 48 : index
    %get3A_1577 = tpu.vector_load %arg11[%get3A_1575, %get3A_1576] {strides = array<i32>} : memref<2x128xi32, #tpu.memory_space<vmem>>, vector<16xi32>,
    tpu.vector_store_idx %arg13[%get3A_1577], %broadcast_in_dim3A_3 {add = true} : memref<512xf32, #tpu.memory_space<vmem>>[vector<16xi32>], vector<16xf32>,
    %get3A_1578 = arith.constant 1 : i32
    %get3A_1579 = arith.index_cast %get3A_1578 : i32 to index
    %get3A_1580 = arith.constant 64 : index
    %get3A_1581 = tpu.vector_load %arg11[%get3A_1579, %get3A_1580] {strides = array<i32>} : memref<2x128xi32, #tpu.memory_space<vmem>>, vector<16xi32>,
    tpu.vector_store_idx %arg13[%get3A_1581], %broadcast_in_dim3A_3 {add = true} : memref<512xf32, #tpu.memory_space<vmem>>[vector<16xi32>], vector<16xf32>,
    %get3A_1582 = arith.constant 1 : i32
    %get3A_1583 = arith.index_cast %get3A_1582 : i32 to index
    %get3A_1584 = arith.constant 80 : index
    %get3A_1585 = tpu.vector_load %arg11[%get3A_1583, %get3A_1584] {strides = array<i32>} : memref<2x128xi32, #tpu.memory_space<vmem>>, vector<16xi32>,
    tpu.vector_store_idx %arg13[%get3A_1585], %broadcast_in_dim3A_3 {add = true} : memref<512xf32, #tpu.memory_space<vmem>>[vector<16xi32>], vector<16xf32>,
    %get3A_1586 = arith.constant 1 : i32
    %get3A_1587 = arith.index_cast %get3A_1586 : i32 to index
    %get3A_1588 = arith.constant 96 : index
    %get3A_1589 = tpu.vector_load %arg11[%get3A_1587, %get3A_1588] {strides = array<i32>} : memref<2x128xi32, #tpu.memory_space<vmem>>, vector<16xi32>,
    tpu.vector_store_idx %arg13[%get3A_1589], %broadcast_in_dim3A_3 {add = true} : memref<512xf32, #tpu.memory_space<vmem>>[vector<16xi32>], vector<16xf32>,
    %get3A_1590 = arith.constant 1 : i32
    %get3A_1591 = arith.index_cast %get3A_1590 : i32 to index
    %get3A_1592 = arith.constant 112 : index
    %get3A_1593 = tpu.vector_load %arg11[%get3A_1591, %get3A_1592] {strides = array<i32>} : memref<2x128xi32, #tpu.memory_space<vmem>>, vector<16xi32>,
    tpu.vector_store_idx %arg13[%get3A_1593], %broadcast_in_dim3A_3 {add = true} : memref<512xf32, #tpu.memory_space<vmem>>[vector<16xi32>], vector<16xf32>,
    %dma_wait3A_1594 = arith.constant 0 : i32
    %dma_wait3A_1595 = arith.constant 0 : i32
    %dma_wait3A_1596 = arith.constant 0 : i32
    %dma_wait3A_1597 = tpu.memref_slice %arg8[%dma_wait3A_1595, %dma_wait3A_1596] : memref<256x128xf32, #tpu.memory_space<vmem>> -> memref<128x128xf32, #tpu.memory_space<vmem>>
    %dma_wait3A_1598 = arith.constant 0 : i32
    %dma_wait3A_1599 = tpu.memref_slice %arg11[%dma_wait3A_1594, %dma_wait3A_1598] : memref<2x128xi32, #tpu.memory_space<vmem>> -> memref<1x128xi32, #tpu.memory_space<vmem>>
    %dma_wait3A_1600 = tpu.memref_squeeze %dma_wait3A_1599 : memref<1x128xi32, #tpu.memory_space<vmem>> -> memref<128xi32, #tpu.memory_space<vmem>>
    %dma_wait3A_1601 = arith.constant 0 : i32
    %dma_wait3A_1602 = arith.constant 0 : i32
    %dma_wait3A_1603 = tpu.memref_slice %arg14[%dma_wait3A_1601, %dma_wait3A_1602] : memref<512x128xf32, #tpu.memory_space<vmem_shared>> -> memref<512x128xf32, #tpu.memory_space<vmem_shared>>
    tpu.wait_indirect_dma semaphore(%arg20 : memref<!tpu.dma_semaphore, #tpu.memory_space<semaphore_mem>>) src(%dma_wait3A_1597 : memref<128x128xf32, #tpu.memory_space<vmem>>) dst(%dma_wait3A_1603 : memref<512x128xf32, #tpu.memory_space<vmem_shared>>)
    %dma_wait3A_1604 = arith.constant 1 : i32
    %dma_wait3A_1605 = arith.constant 128 : i32
    %dma_wait3A_1606 = arith.constant 0 : i32
    %dma_wait3A_1607 = tpu.memref_slice %arg8[%dma_wait3A_1605, %dma_wait3A_1606] : memref<256x128xf32, #tpu.memory_space<vmem>> -> memref<128x128xf32, #tpu.memory_space<vmem>>
    %dma_wait3A_1608 = arith.constant 0 : i32
    %dma_wait3A_1609 = tpu.memref_slice %arg11[%dma_wait3A_1604, %dma_wait3A_1608] : memref<2x128xi32, #tpu.memory_space<vmem>> -> memref<1x128xi32, #tpu.memory_space<vmem>>
    %dma_wait3A_1610 = tpu.memref_squeeze %dma_wait3A_1609 : memref<1x128xi32, #tpu.memory_space<vmem>> -> memref<128xi32, #tpu.memory_space<vmem>>
    %dma_wait3A_1611 = arith.constant 0 : i32
    %dma_wait3A_1612 = arith.constant 0 : i32
    %dma_wait3A_1613 = tpu.memref_slice %arg14[%dma_wait3A_1611, %dma_wait3A_1612] : memref<512x128xf32, #tpu.memory_space<vmem_shared>> -> memref<512x128xf32, #tpu.memory_space<vmem_shared>>
    tpu.wait_indirect_dma semaphore(%arg20 : memref<!tpu.dma_semaphore, #tpu.memory_space<semaphore_mem>>) src(%dma_wait3A_1607 : memref<128x128xf32, #tpu.memory_space<vmem>>) dst(%dma_wait3A_1613 : memref<512x128xf32, #tpu.memory_space<vmem_shared>>)
    %add3A_1614 = arith.constant 352 : i32
    %add3A_1615 = arith.addi %add3A, %add3A_1614 : i32
    %mul3A_1616 = arith.constant 256 : i32
    %mul3A_1617 = arith.muli %add3A_1615, %mul3A_1616 : i32
    %dma_start3A_1618 = arith.constant 0 : i32
    %dma_start3A_1619 = arith.constant 0 : i32
    %dma_start3A_1620 = tpu.memref_slice %arg11[%dma_start3A_1618, %dma_start3A_1619] : memref<2x128xi32, #tpu.memory_space<vmem>> -> memref<1x128xi32, #tpu.memory_space<vmem>>
    %dma_start3A_1621 = tpu.memref_squeeze %dma_start3A_1620 : memref<1x128xi32, #tpu.memory_space<vmem>> -> memref<128xi32, #tpu.memory_space<vmem>>
    %dma_start3A_1622 = tpu.memref_slice %arg3[%mul3A_1617] : memref<100000xi32, #tpu.memory_space<hbm>> -> memref<128xi32, #tpu.memory_space<hbm>>
    %dma_start3A_1623 = arith.constant 0 : i32
    %dma_start3A_1624 = tpu.memref_slice %arg11[%dma_start3A_1618, %dma_start3A_1623] : memref<2x128xi32, #tpu.memory_space<vmem>> -> memref<1x128xi32, #tpu.memory_space<vmem>>
    %dma_start3A_1625 = tpu.memref_squeeze %dma_start3A_1624 : memref<1x128xi32, #tpu.memory_space<vmem>> -> memref<128xi32, #tpu.memory_space<vmem>>
    %dma_start3A_1626 = tpu.memref_slice %arg3[%mul3A_1617] : memref<100000xi32, #tpu.memory_space<hbm>> -> memref<128xi32, #tpu.memory_space<hbm>>
    tpu.enqueue_dma source(%dma_start3A_1626 : memref<128xi32, #tpu.memory_space<hbm>>) target(%dma_start3A_1625 : memref<128xi32, #tpu.memory_space<vmem>>) target_semaphore(%arg17 : memref<!tpu.dma_semaphore, #tpu.memory_space<semaphore_mem>>)
    %mul3A_1627 = arith.constant 256 : i32
    %mul3A_1628 = arith.muli %add3A_1615, %mul3A_1627 : i32
    %add3A_1629 = arith.constant 128 : i32
    %add3A_1630 = arith.addi %mul3A_1628, %add3A_1629 : i32
    %dma_start3A_1631 = arith.constant 1 : i32
    %dma_start3A_1632 = arith.constant 0 : i32
    %dma_start3A_1633 = tpu.memref_slice %arg11[%dma_start3A_1631, %dma_start3A_1632] : memref<2x128xi32, #tpu.memory_space<vmem>> -> memref<1x128xi32, #tpu.memory_space<vmem>>
    %dma_start3A_1634 = tpu.memref_squeeze %dma_start3A_1633 : memref<1x128xi32, #tpu.memory_space<vmem>> -> memref<128xi32, #tpu.memory_space<vmem>>
    %dma_start3A_1635 = tpu.memref_slice %arg3[%add3A_1630] : memref<100000xi32, #tpu.memory_space<hbm>> -> memref<128xi32, #tpu.memory_space<hbm>>
    %dma_start3A_1636 = arith.constant 0 : i32
    %dma_start3A_1637 = tpu.memref_slice %arg11[%dma_start3A_1631, %dma_start3A_1636] : memref<2x128xi32, #tpu.memory_space<vmem>> -> memref<1x128xi32, #tpu.memory_space<vmem>>
    %dma_start3A_1638 = tpu.memref_squeeze %dma_start3A_1637 : memref<1x128xi32, #tpu.memory_space<vmem>> -> memref<128xi32, #tpu.memory_space<vmem>>
    %dma_start3A_1639 = tpu.memref_slice %arg3[%add3A_1630] : memref<100000xi32, #tpu.memory_space<hbm>> -> memref<128xi32, #tpu.memory_space<hbm>>
    tpu.enqueue_dma source(%dma_start3A_1639 : memref<128xi32, #tpu.memory_space<hbm>>) target(%dma_start3A_1638 : memref<128xi32, #tpu.memory_space<vmem>>) target_semaphore(%arg17 : memref<!tpu.dma_semaphore, #tpu.memory_space<semaphore_mem>>)
    %mul3A_1640 = arith.constant 256 : i32
    %mul3A_1641 = arith.muli %add3A_1615, %mul3A_1640 : i32
    %dma_start3A_1642 = arith.constant 0 : i32
    %dma_start3A_1643 = tpu.memref_slice %arg2[%mul3A_1641, %dma_start3A_1642] : memref<100000x128xf32, #tpu.memory_space<hbm>> -> memref<256x128xf32, #tpu.memory_space<hbm>>
    %dma_start3A_1644 = arith.constant 0 : i32
    %dma_start3A_1645 = tpu.memref_slice %arg2[%mul3A_1641, %dma_start3A_1644] : memref<100000x128xf32, #tpu.memory_space<hbm>> -> memref<256x128xf32, #tpu.memory_space<hbm>>
    tpu.enqueue_dma source(%dma_start3A_1645 : memref<256x128xf32, #tpu.memory_space<hbm>>) target(%arg8 : memref<256x128xf32, #tpu.memory_space<vmem>>) target_semaphore(%arg17 : memref<!tpu.dma_semaphore, #tpu.memory_space<semaphore_mem>>)
    %dma_wait3A_1646 = arith.constant 0 : i32
    %dma_wait3A_1647 = arith.constant 0 : i32
    %dma_wait3A_1648 = tpu.memref_slice %arg9[%dma_wait3A_1646, %dma_wait3A_1647] : memref<2x128xi32, #tpu.memory_space<vmem>> -> memref<1x128xi32, #tpu.memory_space<vmem>>
    %dma_wait3A_1649 = tpu.memref_squeeze %dma_wait3A_1648 : memref<1x128xi32, #tpu.memory_space<vmem>> -> memref<128xi32, #tpu.memory_space<vmem>>
    %dma_wait3A_1650 = arith.constant 0 : i32
    %dma_wait3A_1651 = tpu.memref_slice %arg3[%dma_wait3A_1650] : memref<100000xi32, #tpu.memory_space<hbm>> -> memref<128xi32, #tpu.memory_space<hbm>>
    %dma_wait3A_1652 = arith.constant 0 : i32
    %dma_wait3A_1653 = tpu.memref_slice %arg9[%dma_wait3A_1646, %dma_wait3A_1652] : memref<2x128xi32, #tpu.memory_space<vmem>> -> memref<1x128xi32, #tpu.memory_space<vmem>>
    %dma_wait3A_1654 = tpu.memref_squeeze %dma_wait3A_1653 : memref<1x128xi32, #tpu.memory_space<vmem>> -> memref<128xi32, #tpu.memory_space<vmem>>
    %dma_wait3A_1655 = arith.constant 0 : i32
    %dma_wait3A_1656 = tpu.memref_slice %arg3[%dma_wait3A_1655] : memref<100000xi32, #tpu.memory_space<hbm>> -> memref<128xi32, #tpu.memory_space<hbm>>
    tpu.wait_dma2 semaphore(%arg15 : memref<!tpu.dma_semaphore, #tpu.memory_space<semaphore_mem>>) src(%dma_wait3A_1656 : memref<128xi32, #tpu.memory_space<hbm>>) dst(%dma_wait3A_1654 : memref<128xi32, #tpu.memory_space<vmem>>)
    %dma_wait3A_1657 = arith.constant 1 : i32
    %dma_wait3A_1658 = arith.constant 0 : i32
    %dma_wait3A_1659 = tpu.memref_slice %arg9[%dma_wait3A_1657, %dma_wait3A_1658] : memref<2x128xi32, #tpu.memory_space<vmem>> -> memref<1x128xi32, #tpu.memory_space<vmem>>
    %dma_wait3A_1660 = tpu.memref_squeeze %dma_wait3A_1659 : memref<1x128xi32, #tpu.memory_space<vmem>> -> memref<128xi32, #tpu.memory_space<vmem>>
    %dma_wait3A_1661 = arith.constant 0 : i32
    %dma_wait3A_1662 = tpu.memref_slice %arg3[%dma_wait3A_1661] : memref<100000xi32, #tpu.memory_space<hbm>> -> memref<128xi32, #tpu.memory_space<hbm>>
    %dma_wait3A_1663 = arith.constant 0 : i32
    %dma_wait3A_1664 = tpu.memref_slice %arg9[%dma_wait3A_1657, %dma_wait3A_1663] : memref<2x128xi32, #tpu.memory_space<vmem>> -> memref<1x128xi32, #tpu.memory_space<vmem>>
    %dma_wait3A_1665 = tpu.memref_squeeze %dma_wait3A_1664 : memref<1x128xi32, #tpu.memory_space<vmem>> -> memref<128xi32, #tpu.memory_space<vmem>>
    %dma_wait3A_1666 = arith.constant 0 : i32
    %dma_wait3A_1667 = tpu.memref_slice %arg3[%dma_wait3A_1666] : memref<100000xi32, #tpu.memory_space<hbm>> -> memref<128xi32, #tpu.memory_space<hbm>>
    tpu.wait_dma2 semaphore(%arg15 : memref<!tpu.dma_semaphore, #tpu.memory_space<semaphore_mem>>) src(%dma_wait3A_1667 : memref<128xi32, #tpu.memory_space<hbm>>) dst(%dma_wait3A_1665 : memref<128xi32, #tpu.memory_space<vmem>>)
    %dma_wait3A_1668 = arith.constant 0 : i32
    %dma_wait3A_1669 = arith.constant 0 : i32
    %dma_wait3A_1670 = tpu.memref_slice %arg2[%dma_wait3A_1668, %dma_wait3A_1669] : memref<100000x128xf32, #tpu.memory_space<hbm>> -> memref<256x128xf32, #tpu.memory_space<hbm>>
    %dma_wait3A_1671 = arith.constant 0 : i32
    %dma_wait3A_1672 = arith.constant 0 : i32
    %dma_wait3A_1673 = tpu.memref_slice %arg2[%dma_wait3A_1671, %dma_wait3A_1672] : memref<100000x128xf32, #tpu.memory_space<hbm>> -> memref<256x128xf32, #tpu.memory_space<hbm>>
    tpu.wait_dma2 semaphore(%arg15 : memref<!tpu.dma_semaphore, #tpu.memory_space<semaphore_mem>>) src(%dma_wait3A_1673 : memref<256x128xf32, #tpu.memory_space<hbm>>) dst(%arg6 : memref<256x128xf32, #tpu.memory_space<vmem>>)
    %dma_start3A_1674 = arith.constant 0 : i32
    %dma_start3A_1675 = arith.constant 0 : i32
    %dma_start3A_1676 = arith.constant 0 : i32
    %dma_start3A_1677 = tpu.memref_slice %arg6[%dma_start3A_1675, %dma_start3A_1676] : memref<256x128xf32, #tpu.memory_space<vmem>> -> memref<128x128xf32, #tpu.memory_space<vmem>>
    %dma_start3A_1678 = arith.constant 0 : i32
    %dma_start3A_1679 = tpu.memref_slice %arg9[%dma_start3A_1674, %dma_start3A_1678] : memref<2x128xi32, #tpu.memory_space<vmem>> -> memref<1x128xi32, #tpu.memory_space<vmem>>
    %dma_start3A_1680 = tpu.memref_squeeze %dma_start3A_1679 : memref<1x128xi32, #tpu.memory_space<vmem>> -> memref<128xi32, #tpu.memory_space<vmem>>
    %dma_start3A_1681 = arith.constant 0 : i32
    %dma_start3A_1682 = arith.constant 0 : i32
    %dma_start3A_1683 = tpu.memref_slice %arg14[%dma_start3A_1681, %dma_start3A_1682] : memref<512x128xf32, #tpu.memory_space<vmem_shared>> -> memref<512x128xf32, #tpu.memory_space<vmem_shared>>
    tpu.enqueue_indirect_dma source(%dma_start3A_1677 : memref<128x128xf32, #tpu.memory_space<vmem>>) target(%dma_start3A_1683 : memref<512x128xf32, #tpu.memory_space<vmem_shared>>) offsets(%dma_start3A_1680 : memref<128xi32, #tpu.memory_space<vmem>>) semaphore(%arg18 : memref<!tpu.dma_semaphore, #tpu.memory_space<semaphore_mem>>) {add = true}
    %dma_start3A_1684 = arith.constant 1 : i32
    %dma_start3A_1685 = arith.constant 128 : i32
    %dma_start3A_1686 = arith.constant 0 : i32
    %dma_start3A_1687 = tpu.memref_slice %arg6[%dma_start3A_1685, %dma_start3A_1686] : memref<256x128xf32, #tpu.memory_space<vmem>> -> memref<128x128xf32, #tpu.memory_space<vmem>>
    %dma_start3A_1688 = arith.constant 0 : i32
    %dma_start3A_1689 = tpu.memref_slice %arg9[%dma_start3A_1684, %dma_start3A_1688] : memref<2x128xi32, #tpu.memory_space<vmem>> -> memref<1x128xi32, #tpu.memory_space<vmem>>
    %dma_start3A_1690 = tpu.memref_squeeze %dma_start3A_1689 : memref<1x128xi32, #tpu.memory_space<vmem>> -> memref<128xi32, #tpu.memory_space<vmem>>
    %dma_start3A_1691 = arith.constant 0 : i32
    %dma_start3A_1692 = arith.constant 0 : i32
    %dma_start3A_1693 = tpu.memref_slice %arg14[%dma_start3A_1691, %dma_start3A_1692] : memref<512x128xf32, #tpu.memory_space<vmem_shared>> -> memref<512x128xf32, #tpu.memory_space<vmem_shared>>
    tpu.enqueue_indirect_dma source(%dma_start3A_1687 : memref<128x128xf32, #tpu.memory_space<vmem>>) target(%dma_start3A_1693 : memref<512x128xf32, #tpu.memory_space<vmem_shared>>) offsets(%dma_start3A_1690 : memref<128xi32, #tpu.memory_space<vmem>>) semaphore(%arg18 : memref<!tpu.dma_semaphore, #tpu.memory_space<semaphore_mem>>) {add = true}
    %get3A_1694 = arith.constant 0 : i32
    %get3A_1695 = arith.index_cast %get3A_1694 : i32 to index
    %get3A_1696 = arith.constant 0 : index
    %get3A_1697 = tpu.vector_load %arg9[%get3A_1695, %get3A_1696] {strides = array<i32>} : memref<2x128xi32, #tpu.memory_space<vmem>>, vector<16xi32>,
    tpu.vector_store_idx %arg13[%get3A_1697], %broadcast_in_dim3A_3 {add = true} : memref<512xf32, #tpu.memory_space<vmem>>[vector<16xi32>], vector<16xf32>,
    %get3A_1698 = arith.constant 0 : i32
    %get3A_1699 = arith.index_cast %get3A_1698 : i32 to index
    %get3A_1700 = arith.constant 16 : index
    %get3A_1701 = tpu.vector_load %arg9[%get3A_1699, %get3A_1700] {strides = array<i32>} : memref<2x128xi32, #tpu.memory_space<vmem>>, vector<16xi32>,
    tpu.vector_store_idx %arg13[%get3A_1701], %broadcast_in_dim3A_3 {add = true} : memref<512xf32, #tpu.memory_space<vmem>>[vector<16xi32>], vector<16xf32>,
    %get3A_1702 = arith.constant 0 : i32
    %get3A_1703 = arith.index_cast %get3A_1702 : i32 to index
    %get3A_1704 = arith.constant 32 : index
    %get3A_1705 = tpu.vector_load %arg9[%get3A_1703, %get3A_1704] {strides = array<i32>} : memref<2x128xi32, #tpu.memory_space<vmem>>, vector<16xi32>,
    tpu.vector_store_idx %arg13[%get3A_1705], %broadcast_in_dim3A_3 {add = true} : memref<512xf32, #tpu.memory_space<vmem>>[vector<16xi32>], vector<16xf32>,
    %get3A_1706 = arith.constant 0 : i32
    %get3A_1707 = arith.index_cast %get3A_1706 : i32 to index
    %get3A_1708 = arith.constant 48 : index
    %get3A_1709 = tpu.vector_load %arg9[%get3A_1707, %get3A_1708] {strides = array<i32>} : memref<2x128xi32, #tpu.memory_space<vmem>>, vector<16xi32>,
    tpu.vector_store_idx %arg13[%get3A_1709], %broadcast_in_dim3A_3 {add = true} : memref<512xf32, #tpu.memory_space<vmem>>[vector<16xi32>], vector<16xf32>,
    %get3A_1710 = arith.constant 0 : i32
    %get3A_1711 = arith.index_cast %get3A_1710 : i32 to index
    %get3A_1712 = arith.constant 64 : index
    %get3A_1713 = tpu.vector_load %arg9[%get3A_1711, %get3A_1712] {strides = array<i32>} : memref<2x128xi32, #tpu.memory_space<vmem>>, vector<16xi32>,
    tpu.vector_store_idx %arg13[%get3A_1713], %broadcast_in_dim3A_3 {add = true} : memref<512xf32, #tpu.memory_space<vmem>>[vector<16xi32>], vector<16xf32>,
    %get3A_1714 = arith.constant 0 : i32
    %get3A_1715 = arith.index_cast %get3A_1714 : i32 to index
    %get3A_1716 = arith.constant 80 : index
    %get3A_1717 = tpu.vector_load %arg9[%get3A_1715, %get3A_1716] {strides = array<i32>} : memref<2x128xi32, #tpu.memory_space<vmem>>, vector<16xi32>,
    tpu.vector_store_idx %arg13[%get3A_1717], %broadcast_in_dim3A_3 {add = true} : memref<512xf32, #tpu.memory_space<vmem>>[vector<16xi32>], vector<16xf32>,
    %get3A_1718 = arith.constant 0 : i32
    %get3A_1719 = arith.index_cast %get3A_1718 : i32 to index
    %get3A_1720 = arith.constant 96 : index
    %get3A_1721 = tpu.vector_load %arg9[%get3A_1719, %get3A_1720] {strides = array<i32>} : memref<2x128xi32, #tpu.memory_space<vmem>>, vector<16xi32>,
    tpu.vector_store_idx %arg13[%get3A_1721], %broadcast_in_dim3A_3 {add = true} : memref<512xf32, #tpu.memory_space<vmem>>[vector<16xi32>], vector<16xf32>,
    %get3A_1722 = arith.constant 0 : i32
    %get3A_1723 = arith.index_cast %get3A_1722 : i32 to index
    %get3A_1724 = arith.constant 112 : index
    %get3A_1725 = tpu.vector_load %arg9[%get3A_1723, %get3A_1724] {strides = array<i32>} : memref<2x128xi32, #tpu.memory_space<vmem>>, vector<16xi32>,
    tpu.vector_store_idx %arg13[%get3A_1725], %broadcast_in_dim3A_3 {add = true} : memref<512xf32, #tpu.memory_space<vmem>>[vector<16xi32>], vector<16xf32>,
    %get3A_1726 = arith.constant 1 : i32
    %get3A_1727 = arith.index_cast %get3A_1726 : i32 to index
    %get3A_1728 = arith.constant 0 : index
    %get3A_1729 = tpu.vector_load %arg9[%get3A_1727, %get3A_1728] {strides = array<i32>} : memref<2x128xi32, #tpu.memory_space<vmem>>, vector<16xi32>,
    tpu.vector_store_idx %arg13[%get3A_1729], %broadcast_in_dim3A_3 {add = true} : memref<512xf32, #tpu.memory_space<vmem>>[vector<16xi32>], vector<16xf32>,
    %get3A_1730 = arith.constant 1 : i32
    %get3A_1731 = arith.index_cast %get3A_1730 : i32 to index
    %get3A_1732 = arith.constant 16 : index
    %get3A_1733 = tpu.vector_load %arg9[%get3A_1731, %get3A_1732] {strides = array<i32>} : memref<2x128xi32, #tpu.memory_space<vmem>>, vector<16xi32>,
    tpu.vector_store_idx %arg13[%get3A_1733], %broadcast_in_dim3A_3 {add = true} : memref<512xf32, #tpu.memory_space<vmem>>[vector<16xi32>], vector<16xf32>,
    %get3A_1734 = arith.constant 1 : i32
    %get3A_1735 = arith.index_cast %get3A_1734 : i32 to index
    %get3A_1736 = arith.constant 32 : index
    %get3A_1737 = tpu.vector_load %arg9[%get3A_1735, %get3A_1736] {strides = array<i32>} : memref<2x128xi32, #tpu.memory_space<vmem>>, vector<16xi32>,
    tpu.vector_store_idx %arg13[%get3A_1737], %broadcast_in_dim3A_3 {add = true} : memref<512xf32, #tpu.memory_space<vmem>>[vector<16xi32>], vector<16xf32>,
    %get3A_1738 = arith.constant 1 : i32
    %get3A_1739 = arith.index_cast %get3A_1738 : i32 to index
    %get3A_1740 = arith.constant 48 : index
    %get3A_1741 = tpu.vector_load %arg9[%get3A_1739, %get3A_1740] {strides = array<i32>} : memref<2x128xi32, #tpu.memory_space<vmem>>, vector<16xi32>,
    tpu.vector_store_idx %arg13[%get3A_1741], %broadcast_in_dim3A_3 {add = true} : memref<512xf32, #tpu.memory_space<vmem>>[vector<16xi32>], vector<16xf32>,
    %get3A_1742 = arith.constant 1 : i32
    %get3A_1743 = arith.index_cast %get3A_1742 : i32 to index
    %get3A_1744 = arith.constant 64 : index
    %get3A_1745 = tpu.vector_load %arg9[%get3A_1743, %get3A_1744] {strides = array<i32>} : memref<2x128xi32, #tpu.memory_space<vmem>>, vector<16xi32>,
    tpu.vector_store_idx %arg13[%get3A_1745], %broadcast_in_dim3A_3 {add = true} : memref<512xf32, #tpu.memory_space<vmem>>[vector<16xi32>], vector<16xf32>,
    %get3A_1746 = arith.constant 1 : i32
    %get3A_1747 = arith.index_cast %get3A_1746 : i32 to index
    %get3A_1748 = arith.constant 80 : index
    %get3A_1749 = tpu.vector_load %arg9[%get3A_1747, %get3A_1748] {strides = array<i32>} : memref<2x128xi32, #tpu.memory_space<vmem>>, vector<16xi32>,
    tpu.vector_store_idx %arg13[%get3A_1749], %broadcast_in_dim3A_3 {add = true} : memref<512xf32, #tpu.memory_space<vmem>>[vector<16xi32>], vector<16xf32>,
    %get3A_1750 = arith.constant 1 : i32
    %get3A_1751 = arith.index_cast %get3A_1750 : i32 to index
    %get3A_1752 = arith.constant 96 : index
    %get3A_1753 = tpu.vector_load %arg9[%get3A_1751, %get3A_1752] {strides = array<i32>} : memref<2x128xi32, #tpu.memory_space<vmem>>, vector<16xi32>,
    tpu.vector_store_idx %arg13[%get3A_1753], %broadcast_in_dim3A_3 {add = true} : memref<512xf32, #tpu.memory_space<vmem>>[vector<16xi32>], vector<16xf32>,
    %get3A_1754 = arith.constant 1 : i32
    %get3A_1755 = arith.index_cast %get3A_1754 : i32 to index
    %get3A_1756 = arith.constant 112 : index
    %get3A_1757 = tpu.vector_load %arg9[%get3A_1755, %get3A_1756] {strides = array<i32>} : memref<2x128xi32, #tpu.memory_space<vmem>>, vector<16xi32>,
    tpu.vector_store_idx %arg13[%get3A_1757], %broadcast_in_dim3A_3 {add = true} : memref<512xf32, #tpu.memory_space<vmem>>[vector<16xi32>], vector<16xf32>,
    %dma_wait3A_1758 = arith.constant 0 : i32
    %dma_wait3A_1759 = arith.constant 0 : i32
    %dma_wait3A_1760 = arith.constant 0 : i32
    %dma_wait3A_1761 = tpu.memref_slice %arg6[%dma_wait3A_1759, %dma_wait3A_1760] : memref<256x128xf32, #tpu.memory_space<vmem>> -> memref<128x128xf32, #tpu.memory_space<vmem>>
    %dma_wait3A_1762 = arith.constant 0 : i32
    %dma_wait3A_1763 = tpu.memref_slice %arg9[%dma_wait3A_1758, %dma_wait3A_1762] : memref<2x128xi32, #tpu.memory_space<vmem>> -> memref<1x128xi32, #tpu.memory_space<vmem>>
    %dma_wait3A_1764 = tpu.memref_squeeze %dma_wait3A_1763 : memref<1x128xi32, #tpu.memory_space<vmem>> -> memref<128xi32, #tpu.memory_space<vmem>>
    %dma_wait3A_1765 = arith.constant 0 : i32
    %dma_wait3A_1766 = arith.constant 0 : i32
    %dma_wait3A_1767 = tpu.memref_slice %arg14[%dma_wait3A_1765, %dma_wait3A_1766] : memref<512x128xf32, #tpu.memory_space<vmem_shared>> -> memref<512x128xf32, #tpu.memory_space<vmem_shared>>
    tpu.wait_indirect_dma semaphore(%arg18 : memref<!tpu.dma_semaphore, #tpu.memory_space<semaphore_mem>>) src(%dma_wait3A_1761 : memref<128x128xf32, #tpu.memory_space<vmem>>) dst(%dma_wait3A_1767 : memref<512x128xf32, #tpu.memory_space<vmem_shared>>)
    %dma_wait3A_1768 = arith.constant 1 : i32
    %dma_wait3A_1769 = arith.constant 128 : i32
    %dma_wait3A_1770 = arith.constant 0 : i32
    %dma_wait3A_1771 = tpu.memref_slice %arg6[%dma_wait3A_1769, %dma_wait3A_1770] : memref<256x128xf32, #tpu.memory_space<vmem>> -> memref<128x128xf32, #tpu.memory_space<vmem>>
    %dma_wait3A_1772 = arith.constant 0 : i32
    %dma_wait3A_1773 = tpu.memref_slice %arg9[%dma_wait3A_1768, %dma_wait3A_1772] : memref<2x128xi32, #tpu.memory_space<vmem>> -> memref<1x128xi32, #tpu.memory_space<vmem>>
    %dma_wait3A_1774 = tpu.memref_squeeze %dma_wait3A_1773 : memref<1x128xi32, #tpu.memory_space<vmem>> -> memref<128xi32, #tpu.memory_space<vmem>>
    %dma_wait3A_1775 = arith.constant 0 : i32
    %dma_wait3A_1776 = arith.constant 0 : i32
    %dma_wait3A_1777 = tpu.memref_slice %arg14[%dma_wait3A_1775, %dma_wait3A_1776] : memref<512x128xf32, #tpu.memory_space<vmem_shared>> -> memref<512x128xf32, #tpu.memory_space<vmem_shared>>
    tpu.wait_indirect_dma semaphore(%arg18 : memref<!tpu.dma_semaphore, #tpu.memory_space<semaphore_mem>>) src(%dma_wait3A_1771 : memref<128x128xf32, #tpu.memory_space<vmem>>) dst(%dma_wait3A_1777 : memref<512x128xf32, #tpu.memory_space<vmem_shared>>)
    %convert_element_type3A = arith.extui %lt3A_75 : i1 to i32
    %cond3A = arith.constant 0 : i32
    %cond3A_1778 = arith.cmpi ne, %convert_element_type3A, %cond3A : i32
    scf.if %cond3A_1778 {
      %add3A_2060 = arith.constant 384 : i32
      %add3A_2061 = arith.addi %add3A, %add3A_2060 : i32
      %mul3A_2062 = arith.constant 256 : i32
      %mul3A_2063 = arith.muli %add3A_2061, %mul3A_2062 : i32
      %dma_start3A_2064 = arith.constant 0 : i32
      %dma_start3A_2065 = arith.constant 0 : i32
      %dma_start3A_2066 = tpu.memref_slice %arg9[%dma_start3A_2064, %dma_start3A_2065] : memref<2x128xi32, #tpu.memory_space<vmem>> -> memref<1x128xi32, #tpu.memory_space<vmem>>
      %dma_start3A_2067 = tpu.memref_squeeze %dma_start3A_2066 : memref<1x128xi32, #tpu.memory_space<vmem>> -> memref<128xi32, #tpu.memory_space<vmem>>
      %dma_start3A_2068 = tpu.memref_slice %arg3[%mul3A_2063] : memref<100000xi32, #tpu.memory_space<hbm>> -> memref<128xi32, #tpu.memory_space<hbm>>
      %dma_start3A_2069 = arith.constant 0 : i32
      %dma_start3A_2070 = tpu.memref_slice %arg9[%dma_start3A_2064, %dma_start3A_2069] : memref<2x128xi32, #tpu.memory_space<vmem>> -> memref<1x128xi32, #tpu.memory_space<vmem>>
      %dma_start3A_2071 = tpu.memref_squeeze %dma_start3A_2070 : memref<1x128xi32, #tpu.memory_space<vmem>> -> memref<128xi32, #tpu.memory_space<vmem>>
      %dma_start3A_2072 = tpu.memref_slice %arg3[%mul3A_2063] : memref<100000xi32, #tpu.memory_space<hbm>> -> memref<128xi32, #tpu.memory_space<hbm>>
      tpu.enqueue_dma source(%dma_start3A_2072 : memref<128xi32, #tpu.memory_space<hbm>>) target(%dma_start3A_2071 : memref<128xi32, #tpu.memory_space<vmem>>) target_semaphore(%arg15 : memref<!tpu.dma_semaphore, #tpu.memory_space<semaphore_mem>>)
      %mul3A_2073 = arith.constant 256 : i32
      %mul3A_2074 = arith.muli %add3A_2061, %mul3A_2073 : i32
      %add3A_2075 = arith.constant 128 : i32
      %add3A_2076 = arith.addi %mul3A_2074, %add3A_2075 : i32
      %dma_start3A_2077 = arith.constant 1 : i32
      %dma_start3A_2078 = arith.constant 0 : i32
      %dma_start3A_2079 = tpu.memref_slice %arg9[%dma_start3A_2077, %dma_start3A_2078] : memref<2x128xi32, #tpu.memory_space<vmem>> -> memref<1x128xi32, #tpu.memory_space<vmem>>
      %dma_start3A_2080 = tpu.memref_squeeze %dma_start3A_2079 : memref<1x128xi32, #tpu.memory_space<vmem>> -> memref<128xi32, #tpu.memory_space<vmem>>
      %dma_start3A_2081 = tpu.memref_slice %arg3[%add3A_2076] : memref<100000xi32, #tpu.memory_space<hbm>> -> memref<128xi32, #tpu.memory_space<hbm>>
      %dma_start3A_2082 = arith.constant 0 : i32
      %dma_start3A_2083 = tpu.memref_slice %arg9[%dma_start3A_2077, %dma_start3A_2082] : memref<2x128xi32, #tpu.memory_space<vmem>> -> memref<1x128xi32, #tpu.memory_space<vmem>>
      %dma_start3A_2084 = tpu.memref_squeeze %dma_start3A_2083 : memref<1x128xi32, #tpu.memory_space<vmem>> -> memref<128xi32, #tpu.memory_space<vmem>>
      %dma_start3A_2085 = tpu.memref_slice %arg3[%add3A_2076] : memref<100000xi32, #tpu.memory_space<hbm>> -> memref<128xi32, #tpu.memory_space<hbm>>
      tpu.enqueue_dma source(%dma_start3A_2085 : memref<128xi32, #tpu.memory_space<hbm>>) target(%dma_start3A_2084 : memref<128xi32, #tpu.memory_space<vmem>>) target_semaphore(%arg15 : memref<!tpu.dma_semaphore, #tpu.memory_space<semaphore_mem>>)
      %mul3A_2086 = arith.constant 256 : i32
      %mul3A_2087 = arith.muli %add3A_2061, %mul3A_2086 : i32
      %dma_start3A_2088 = arith.constant 0 : i32
      %dma_start3A_2089 = tpu.memref_slice %arg2[%mul3A_2087, %dma_start3A_2088] : memref<100000x128xf32, #tpu.memory_space<hbm>> -> memref<256x128xf32, #tpu.memory_space<hbm>>
      %dma_start3A_2090 = arith.constant 0 : i32
      %dma_start3A_2091 = tpu.memref_slice %arg2[%mul3A_2087, %dma_start3A_2090] : memref<100000x128xf32, #tpu.memory_space<hbm>> -> memref<256x128xf32, #tpu.memory_space<hbm>>
      tpu.enqueue_dma source(%dma_start3A_2091 : memref<256x128xf32, #tpu.memory_space<hbm>>) target(%arg6 : memref<256x128xf32, #tpu.memory_space<vmem>>) target_semaphore(%arg15 : memref<!tpu.dma_semaphore, #tpu.memory_space<semaphore_mem>>)
    } else {
    }
    %convert_element_type3A_1779 = arith.extui %eq3A_76 : i1 to i32
    %cond3A_1780 = arith.constant 0 : i32
    %cond3A_1781 = arith.cmpi ne, %convert_element_type3A_1779, %cond3A_1780 : i32
    scf.if %cond3A_1781 {
      %dma_start3A_2060 = arith.constant 0 : i32
      %dma_start3A_2061 = arith.constant 0 : i32
      %dma_start3A_2062 = tpu.memref_slice %arg9[%dma_start3A_2060, %dma_start3A_2061] : memref<2x128xi32, #tpu.memory_space<vmem>> -> memref<1x128xi32, #tpu.memory_space<vmem>>
      %dma_start3A_2063 = tpu.memref_squeeze %dma_start3A_2062 : memref<1x128xi32, #tpu.memory_space<vmem>> -> memref<128xi32, #tpu.memory_space<vmem>>
      %dma_start3A_2064 = arith.constant 99840 : i32
      %dma_start3A_2065 = tpu.memref_slice %arg3[%dma_start3A_2064] : memref<100000xi32, #tpu.memory_space<hbm>> -> memref<128xi32, #tpu.memory_space<hbm>>
      %dma_start3A_2066 = arith.constant 0 : i32
      %dma_start3A_2067 = tpu.memref_slice %arg9[%dma_start3A_2060, %dma_start3A_2066] : memref<2x128xi32, #tpu.memory_space<vmem>> -> memref<1x128xi32, #tpu.memory_space<vmem>>
      %dma_start3A_2068 = tpu.memref_squeeze %dma_start3A_2067 : memref<1x128xi32, #tpu.memory_space<vmem>> -> memref<128xi32, #tpu.memory_space<vmem>>
      %dma_start3A_2069 = arith.constant 99840 : i32
      %dma_start3A_2070 = tpu.memref_slice %arg3[%dma_start3A_2069] : memref<100000xi32, #tpu.memory_space<hbm>> -> memref<128xi32, #tpu.memory_space<hbm>>
      tpu.enqueue_dma source(%dma_start3A_2070 : memref<128xi32, #tpu.memory_space<hbm>>) target(%dma_start3A_2068 : memref<128xi32, #tpu.memory_space<vmem>>) target_semaphore(%arg15 : memref<!tpu.dma_semaphore, #tpu.memory_space<semaphore_mem>>)
      %dma_start3A_2071 = arith.constant 1 : i32
      %dma_start3A_2072 = arith.constant 0 : i32
      %dma_start3A_2073 = tpu.memref_slice %arg9[%dma_start3A_2071, %dma_start3A_2072] : memref<2x128xi32, #tpu.memory_space<vmem>> -> memref<1x32xi32, #tpu.memory_space<vmem>>
      %dma_start3A_2074 = tpu.memref_squeeze %dma_start3A_2073 : memref<1x32xi32, #tpu.memory_space<vmem>> -> memref<32xi32, #tpu.memory_space<vmem>>
      %dma_start3A_2075 = arith.constant 99968 : i32
      %dma_start3A_2076 = tpu.memref_slice %arg3[%dma_start3A_2075] : memref<100000xi32, #tpu.memory_space<hbm>> -> memref<32xi32, #tpu.memory_space<hbm>>
      %dma_start3A_2077 = arith.constant 0 : i32
      %dma_start3A_2078 = tpu.memref_slice %arg9[%dma_start3A_2071, %dma_start3A_2077] : memref<2x128xi32, #tpu.memory_space<vmem>> -> memref<1x32xi32, #tpu.memory_space<vmem>>
      %dma_start3A_2079 = tpu.memref_squeeze %dma_start3A_2078 : memref<1x32xi32, #tpu.memory_space<vmem>> -> memref<32xi32, #tpu.memory_space<vmem>>
      %dma_start3A_2080 = arith.constant 99968 : i32
      %dma_start3A_2081 = tpu.memref_slice %arg3[%dma_start3A_2080] : memref<100000xi32, #tpu.memory_space<hbm>> -> memref<32xi32, #tpu.memory_space<hbm>>
      tpu.enqueue_dma source(%dma_start3A_2081 : memref<32xi32, #tpu.memory_space<hbm>>) target(%dma_start3A_2079 : memref<32xi32, #tpu.memory_space<vmem>>) target_semaphore(%arg15 : memref<!tpu.dma_semaphore, #tpu.memory_space<semaphore_mem>>)
      %dma_start3A_2082 = arith.constant 0 : i32
      %dma_start3A_2083 = arith.constant 0 : i32
      %dma_start3A_2084 = tpu.memref_slice %arg6[%dma_start3A_2082, %dma_start3A_2083] : memref<256x128xf32, #tpu.memory_space<vmem>> -> memref<160x128xf32, #tpu.memory_space<vmem>>
      %dma_start3A_2085 = arith.constant 99840 : i32
      %dma_start3A_2086 = arith.constant 0 : i32
      %dma_start3A_2087 = tpu.memref_slice %arg2[%dma_start3A_2085, %dma_start3A_2086] : memref<100000x128xf32, #tpu.memory_space<hbm>> -> memref<160x128xf32, #tpu.memory_space<hbm>>
      %dma_start3A_2088 = arith.constant 0 : i32
      %dma_start3A_2089 = arith.constant 0 : i32
      %dma_start3A_2090 = tpu.memref_slice %arg6[%dma_start3A_2088, %dma_start3A_2089] : memref<256x128xf32, #tpu.memory_space<vmem>> -> memref<160x128xf32, #tpu.memory_space<vmem>>
      %dma_start3A_2091 = arith.constant 99840 : i32
      %dma_start3A_2092 = arith.constant 0 : i32
      %dma_start3A_2093 = tpu.memref_slice %arg2[%dma_start3A_2091, %dma_start3A_2092] : memref<100000x128xf32, #tpu.memory_space<hbm>> -> memref<160x128xf32, #tpu.memory_space<hbm>>
      tpu.enqueue_dma source(%dma_start3A_2093 : memref<160x128xf32, #tpu.memory_space<hbm>>) target(%dma_start3A_2090 : memref<160x128xf32, #tpu.memory_space<vmem>>) target_semaphore(%arg15 : memref<!tpu.dma_semaphore, #tpu.memory_space<semaphore_mem>>)
    } else {
    }
    %dma_wait3A_1782 = arith.constant 0 : i32
    %dma_wait3A_1783 = arith.constant 0 : i32
    %dma_wait3A_1784 = tpu.memref_slice %arg10[%dma_wait3A_1782, %dma_wait3A_1783] : memref<2x128xi32, #tpu.memory_space<vmem>> -> memref<1x128xi32, #tpu.memory_space<vmem>>
    %dma_wait3A_1785 = tpu.memref_squeeze %dma_wait3A_1784 : memref<1x128xi32, #tpu.memory_space<vmem>> -> memref<128xi32, #tpu.memory_space<vmem>>
    %dma_wait3A_1786 = arith.constant 0 : i32
    %dma_wait3A_1787 = tpu.memref_slice %arg3[%dma_wait3A_1786] : memref<100000xi32, #tpu.memory_space<hbm>> -> memref<128xi32, #tpu.memory_space<hbm>>
    %dma_wait3A_1788 = arith.constant 0 : i32
    %dma_wait3A_1789 = tpu.memref_slice %arg10[%dma_wait3A_1782, %dma_wait3A_1788] : memref<2x128xi32, #tpu.memory_space<vmem>> -> memref<1x128xi32, #tpu.memory_space<vmem>>
    %dma_wait3A_1790 = tpu.memref_squeeze %dma_wait3A_1789 : memref<1x128xi32, #tpu.memory_space<vmem>> -> memref<128xi32, #tpu.memory_space<vmem>>
    %dma_wait3A_1791 = arith.constant 0 : i32
    %dma_wait3A_1792 = tpu.memref_slice %arg3[%dma_wait3A_1791] : memref<100000xi32, #tpu.memory_space<hbm>> -> memref<128xi32, #tpu.memory_space<hbm>>
    tpu.wait_dma2 semaphore(%arg16 : memref<!tpu.dma_semaphore, #tpu.memory_space<semaphore_mem>>) src(%dma_wait3A_1792 : memref<128xi32, #tpu.memory_space<hbm>>) dst(%dma_wait3A_1790 : memref<128xi32, #tpu.memory_space<vmem>>)
    %dma_wait3A_1793 = arith.constant 1 : i32
    %dma_wait3A_1794 = arith.constant 0 : i32
    %dma_wait3A_1795 = tpu.memref_slice %arg10[%dma_wait3A_1793, %dma_wait3A_1794] : memref<2x128xi32, #tpu.memory_space<vmem>> -> memref<1x128xi32, #tpu.memory_space<vmem>>
    %dma_wait3A_1796 = tpu.memref_squeeze %dma_wait3A_1795 : memref<1x128xi32, #tpu.memory_space<vmem>> -> memref<128xi32, #tpu.memory_space<vmem>>
    %dma_wait3A_1797 = arith.constant 0 : i32
    %dma_wait3A_1798 = tpu.memref_slice %arg3[%dma_wait3A_1797] : memref<100000xi32, #tpu.memory_space<hbm>> -> memref<128xi32, #tpu.memory_space<hbm>>
    %dma_wait3A_1799 = arith.constant 0 : i32
    %dma_wait3A_1800 = tpu.memref_slice %arg10[%dma_wait3A_1793, %dma_wait3A_1799] : memref<2x128xi32, #tpu.memory_space<vmem>> -> memref<1x128xi32, #tpu.memory_space<vmem>>
    %dma_wait3A_1801 = tpu.memref_squeeze %dma_wait3A_1800 : memref<1x128xi32, #tpu.memory_space<vmem>> -> memref<128xi32, #tpu.memory_space<vmem>>
    %dma_wait3A_1802 = arith.constant 0 : i32
    %dma_wait3A_1803 = tpu.memref_slice %arg3[%dma_wait3A_1802] : memref<100000xi32, #tpu.memory_space<hbm>> -> memref<128xi32, #tpu.memory_space<hbm>>
    tpu.wait_dma2 semaphore(%arg16 : memref<!tpu.dma_semaphore, #tpu.memory_space<semaphore_mem>>) src(%dma_wait3A_1803 : memref<128xi32, #tpu.memory_space<hbm>>) dst(%dma_wait3A_1801 : memref<128xi32, #tpu.memory_space<vmem>>)
    %dma_wait3A_1804 = arith.constant 0 : i32
    %dma_wait3A_1805 = arith.constant 0 : i32
    %dma_wait3A_1806 = tpu.memref_slice %arg2[%dma_wait3A_1804, %dma_wait3A_1805] : memref<100000x128xf32, #tpu.memory_space<hbm>> -> memref<256x128xf32, #tpu.memory_space<hbm>>
    %dma_wait3A_1807 = arith.constant 0 : i32
    %dma_wait3A_1808 = arith.constant 0 : i32
    %dma_wait3A_1809 = tpu.memref_slice %arg2[%dma_wait3A_1807, %dma_wait3A_1808] : memref<100000x128xf32, #tpu.memory_space<hbm>> -> memref<256x128xf32, #tpu.memory_space<hbm>>
    tpu.wait_dma2 semaphore(%arg16 : memref<!tpu.dma_semaphore, #tpu.memory_space<semaphore_mem>>) src(%dma_wait3A_1809 : memref<256x128xf32, #tpu.memory_space<hbm>>) dst(%arg7 : memref<256x128xf32, #tpu.memory_space<vmem>>)
    %dma_start3A_1810 = arith.constant 0 : i32
    %dma_start3A_1811 = arith.constant 0 : i32
    %dma_start3A_1812 = arith.constant 0 : i32
    %dma_start3A_1813 = tpu.memref_slice %arg7[%dma_start3A_1811, %dma_start3A_1812] : memref<256x128xf32, #tpu.memory_space<vmem>> -> memref<128x128xf32, #tpu.memory_space<vmem>>
    %dma_start3A_1814 = arith.constant 0 : i32
    %dma_start3A_1815 = tpu.memref_slice %arg10[%dma_start3A_1810, %dma_start3A_1814] : memref<2x128xi32, #tpu.memory_space<vmem>> -> memref<1x128xi32, #tpu.memory_space<vmem>>
    %dma_start3A_1816 = tpu.memref_squeeze %dma_start3A_1815 : memref<1x128xi32, #tpu.memory_space<vmem>> -> memref<128xi32, #tpu.memory_space<vmem>>
    %dma_start3A_1817 = arith.constant 0 : i32
    %dma_start3A_1818 = arith.constant 0 : i32
    %dma_start3A_1819 = tpu.memref_slice %arg14[%dma_start3A_1817, %dma_start3A_1818] : memref<512x128xf32, #tpu.memory_space<vmem_shared>> -> memref<512x128xf32, #tpu.memory_space<vmem_shared>>
    tpu.enqueue_indirect_dma source(%dma_start3A_1813 : memref<128x128xf32, #tpu.memory_space<vmem>>) target(%dma_start3A_1819 : memref<512x128xf32, #tpu.memory_space<vmem_shared>>) offsets(%dma_start3A_1816 : memref<128xi32, #tpu.memory_space<vmem>>) semaphore(%arg19 : memref<!tpu.dma_semaphore, #tpu.memory_space<semaphore_mem>>) {add = true}
    %dma_start3A_1820 = arith.constant 1 : i32
    %dma_start3A_1821 = arith.constant 128 : i32
    %dma_start3A_1822 = arith.constant 0 : i32
    %dma_start3A_1823 = tpu.memref_slice %arg7[%dma_start3A_1821, %dma_start3A_1822] : memref<256x128xf32, #tpu.memory_space<vmem>> -> memref<128x128xf32, #tpu.memory_space<vmem>>
    %dma_start3A_1824 = arith.constant 0 : i32
    %dma_start3A_1825 = tpu.memref_slice %arg10[%dma_start3A_1820, %dma_start3A_1824] : memref<2x128xi32, #tpu.memory_space<vmem>> -> memref<1x128xi32, #tpu.memory_space<vmem>>
    %dma_start3A_1826 = tpu.memref_squeeze %dma_start3A_1825 : memref<1x128xi32, #tpu.memory_space<vmem>> -> memref<128xi32, #tpu.memory_space<vmem>>
    %dma_start3A_1827 = arith.constant 0 : i32
    %dma_start3A_1828 = arith.constant 0 : i32
    %dma_start3A_1829 = tpu.memref_slice %arg14[%dma_start3A_1827, %dma_start3A_1828] : memref<512x128xf32, #tpu.memory_space<vmem_shared>> -> memref<512x128xf32, #tpu.memory_space<vmem_shared>>
    tpu.enqueue_indirect_dma source(%dma_start3A_1823 : memref<128x128xf32, #tpu.memory_space<vmem>>) target(%dma_start3A_1829 : memref<512x128xf32, #tpu.memory_space<vmem_shared>>) offsets(%dma_start3A_1826 : memref<128xi32, #tpu.memory_space<vmem>>) semaphore(%arg19 : memref<!tpu.dma_semaphore, #tpu.memory_space<semaphore_mem>>) {add = true}
    %get3A_1830 = arith.constant 0 : i32
    %get3A_1831 = arith.index_cast %get3A_1830 : i32 to index
    %get3A_1832 = arith.constant 0 : index
    %get3A_1833 = tpu.vector_load %arg10[%get3A_1831, %get3A_1832] {strides = array<i32>} : memref<2x128xi32, #tpu.memory_space<vmem>>, vector<16xi32>,
    tpu.vector_store_idx %arg13[%get3A_1833], %broadcast_in_dim3A_3 {add = true} : memref<512xf32, #tpu.memory_space<vmem>>[vector<16xi32>], vector<16xf32>,
    %get3A_1834 = arith.constant 0 : i32
    %get3A_1835 = arith.index_cast %get3A_1834 : i32 to index
    %get3A_1836 = arith.constant 16 : index
    %get3A_1837 = tpu.vector_load %arg10[%get3A_1835, %get3A_1836] {strides = array<i32>} : memref<2x128xi32, #tpu.memory_space<vmem>>, vector<16xi32>,
    tpu.vector_store_idx %arg13[%get3A_1837], %broadcast_in_dim3A_3 {add = true} : memref<512xf32, #tpu.memory_space<vmem>>[vector<16xi32>], vector<16xf32>,
    %get3A_1838 = arith.constant 0 : i32
    %get3A_1839 = arith.index_cast %get3A_1838 : i32 to index
    %get3A_1840 = arith.constant 32 : index
    %get3A_1841 = tpu.vector_load %arg10[%get3A_1839, %get3A_1840] {strides = array<i32>} : memref<2x128xi32, #tpu.memory_space<vmem>>, vector<16xi32>,
    tpu.vector_store_idx %arg13[%get3A_1841], %broadcast_in_dim3A_3 {add = true} : memref<512xf32, #tpu.memory_space<vmem>>[vector<16xi32>], vector<16xf32>,
    %get3A_1842 = arith.constant 0 : i32
    %get3A_1843 = arith.index_cast %get3A_1842 : i32 to index
    %get3A_1844 = arith.constant 48 : index
    %get3A_1845 = tpu.vector_load %arg10[%get3A_1843, %get3A_1844] {strides = array<i32>} : memref<2x128xi32, #tpu.memory_space<vmem>>, vector<16xi32>,
    tpu.vector_store_idx %arg13[%get3A_1845], %broadcast_in_dim3A_3 {add = true} : memref<512xf32, #tpu.memory_space<vmem>>[vector<16xi32>], vector<16xf32>,
    %get3A_1846 = arith.constant 0 : i32
    %get3A_1847 = arith.index_cast %get3A_1846 : i32 to index
    %get3A_1848 = arith.constant 64 : index
    %get3A_1849 = tpu.vector_load %arg10[%get3A_1847, %get3A_1848] {strides = array<i32>} : memref<2x128xi32, #tpu.memory_space<vmem>>, vector<16xi32>,
    tpu.vector_store_idx %arg13[%get3A_1849], %broadcast_in_dim3A_3 {add = true} : memref<512xf32, #tpu.memory_space<vmem>>[vector<16xi32>], vector<16xf32>,
    %get3A_1850 = arith.constant 0 : i32
    %get3A_1851 = arith.index_cast %get3A_1850 : i32 to index
    %get3A_1852 = arith.constant 80 : index
    %get3A_1853 = tpu.vector_load %arg10[%get3A_1851, %get3A_1852] {strides = array<i32>} : memref<2x128xi32, #tpu.memory_space<vmem>>, vector<16xi32>,
    tpu.vector_store_idx %arg13[%get3A_1853], %broadcast_in_dim3A_3 {add = true} : memref<512xf32, #tpu.memory_space<vmem>>[vector<16xi32>], vector<16xf32>,
    %get3A_1854 = arith.constant 0 : i32
    %get3A_1855 = arith.index_cast %get3A_1854 : i32 to index
    %get3A_1856 = arith.constant 96 : index
    %get3A_1857 = tpu.vector_load %arg10[%get3A_1855, %get3A_1856] {strides = array<i32>} : memref<2x128xi32, #tpu.memory_space<vmem>>, vector<16xi32>,
    tpu.vector_store_idx %arg13[%get3A_1857], %broadcast_in_dim3A_3 {add = true} : memref<512xf32, #tpu.memory_space<vmem>>[vector<16xi32>], vector<16xf32>,
    %get3A_1858 = arith.constant 0 : i32
    %get3A_1859 = arith.index_cast %get3A_1858 : i32 to index
    %get3A_1860 = arith.constant 112 : index
    %get3A_1861 = tpu.vector_load %arg10[%get3A_1859, %get3A_1860] {strides = array<i32>} : memref<2x128xi32, #tpu.memory_space<vmem>>, vector<16xi32>,
    tpu.vector_store_idx %arg13[%get3A_1861], %broadcast_in_dim3A_3 {add = true} : memref<512xf32, #tpu.memory_space<vmem>>[vector<16xi32>], vector<16xf32>,
    %get3A_1862 = arith.constant 1 : i32
    %get3A_1863 = arith.index_cast %get3A_1862 : i32 to index
    %get3A_1864 = arith.constant 0 : index
    %get3A_1865 = tpu.vector_load %arg10[%get3A_1863, %get3A_1864] {strides = array<i32>} : memref<2x128xi32, #tpu.memory_space<vmem>>, vector<16xi32>,
    tpu.vector_store_idx %arg13[%get3A_1865], %broadcast_in_dim3A_3 {add = true} : memref<512xf32, #tpu.memory_space<vmem>>[vector<16xi32>], vector<16xf32>,
    %get3A_1866 = arith.constant 1 : i32
    %get3A_1867 = arith.index_cast %get3A_1866 : i32 to index
    %get3A_1868 = arith.constant 16 : index
    %get3A_1869 = tpu.vector_load %arg10[%get3A_1867, %get3A_1868] {strides = array<i32>} : memref<2x128xi32, #tpu.memory_space<vmem>>, vector<16xi32>,
    tpu.vector_store_idx %arg13[%get3A_1869], %broadcast_in_dim3A_3 {add = true} : memref<512xf32, #tpu.memory_space<vmem>>[vector<16xi32>], vector<16xf32>,
    %get3A_1870 = arith.constant 1 : i32
    %get3A_1871 = arith.index_cast %get3A_1870 : i32 to index
    %get3A_1872 = arith.constant 32 : index
    %get3A_1873 = tpu.vector_load %arg10[%get3A_1871, %get3A_1872] {strides = array<i32>} : memref<2x128xi32, #tpu.memory_space<vmem>>, vector<16xi32>,
    tpu.vector_store_idx %arg13[%get3A_1873], %broadcast_in_dim3A_3 {add = true} : memref<512xf32, #tpu.memory_space<vmem>>[vector<16xi32>], vector<16xf32>,
    %get3A_1874 = arith.constant 1 : i32
    %get3A_1875 = arith.index_cast %get3A_1874 : i32 to index
    %get3A_1876 = arith.constant 48 : index
    %get3A_1877 = tpu.vector_load %arg10[%get3A_1875, %get3A_1876] {strides = array<i32>} : memref<2x128xi32, #tpu.memory_space<vmem>>, vector<16xi32>,
    tpu.vector_store_idx %arg13[%get3A_1877], %broadcast_in_dim3A_3 {add = true} : memref<512xf32, #tpu.memory_space<vmem>>[vector<16xi32>], vector<16xf32>,
    %get3A_1878 = arith.constant 1 : i32
    %get3A_1879 = arith.index_cast %get3A_1878 : i32 to index
    %get3A_1880 = arith.constant 64 : index
    %get3A_1881 = tpu.vector_load %arg10[%get3A_1879, %get3A_1880] {strides = array<i32>} : memref<2x128xi32, #tpu.memory_space<vmem>>, vector<16xi32>,
    tpu.vector_store_idx %arg13[%get3A_1881], %broadcast_in_dim3A_3 {add = true} : memref<512xf32, #tpu.memory_space<vmem>>[vector<16xi32>], vector<16xf32>,
    %get3A_1882 = arith.constant 1 : i32
    %get3A_1883 = arith.index_cast %get3A_1882 : i32 to index
    %get3A_1884 = arith.constant 80 : index
    %get3A_1885 = tpu.vector_load %arg10[%get3A_1883, %get3A_1884] {strides = array<i32>} : memref<2x128xi32, #tpu.memory_space<vmem>>, vector<16xi32>,
    tpu.vector_store_idx %arg13[%get3A_1885], %broadcast_in_dim3A_3 {add = true} : memref<512xf32, #tpu.memory_space<vmem>>[vector<16xi32>], vector<16xf32>,
    %get3A_1886 = arith.constant 1 : i32
    %get3A_1887 = arith.index_cast %get3A_1886 : i32 to index
    %get3A_1888 = arith.constant 96 : index
    %get3A_1889 = tpu.vector_load %arg10[%get3A_1887, %get3A_1888] {strides = array<i32>} : memref<2x128xi32, #tpu.memory_space<vmem>>, vector<16xi32>,
    tpu.vector_store_idx %arg13[%get3A_1889], %broadcast_in_dim3A_3 {add = true} : memref<512xf32, #tpu.memory_space<vmem>>[vector<16xi32>], vector<16xf32>,
    %get3A_1890 = arith.constant 1 : i32
    %get3A_1891 = arith.index_cast %get3A_1890 : i32 to index
    %get3A_1892 = arith.constant 112 : index
    %get3A_1893 = tpu.vector_load %arg10[%get3A_1891, %get3A_1892] {strides = array<i32>} : memref<2x128xi32, #tpu.memory_space<vmem>>, vector<16xi32>,
    tpu.vector_store_idx %arg13[%get3A_1893], %broadcast_in_dim3A_3 {add = true} : memref<512xf32, #tpu.memory_space<vmem>>[vector<16xi32>], vector<16xf32>,
    %dma_wait3A_1894 = arith.constant 0 : i32
    %dma_wait3A_1895 = arith.constant 0 : i32
    %dma_wait3A_1896 = tpu.memref_slice %arg11[%dma_wait3A_1894, %dma_wait3A_1895] : memref<2x128xi32, #tpu.memory_space<vmem>> -> memref<1x128xi32, #tpu.memory_space<vmem>>
    %dma_wait3A_1897 = tpu.memref_squeeze %dma_wait3A_1896 : memref<1x128xi32, #tpu.memory_space<vmem>> -> memref<128xi32, #tpu.memory_space<vmem>>
    %dma_wait3A_1898 = arith.constant 0 : i32
    %dma_wait3A_1899 = tpu.memref_slice %arg3[%dma_wait3A_1898] : memref<100000xi32, #tpu.memory_space<hbm>> -> memref<128xi32, #tpu.memory_space<hbm>>
    %dma_wait3A_1900 = arith.constant 0 : i32
    %dma_wait3A_1901 = tpu.memref_slice %arg11[%dma_wait3A_1894, %dma_wait3A_1900] : memref<2x128xi32, #tpu.memory_space<vmem>> -> memref<1x128xi32, #tpu.memory_space<vmem>>
    %dma_wait3A_1902 = tpu.memref_squeeze %dma_wait3A_1901 : memref<1x128xi32, #tpu.memory_space<vmem>> -> memref<128xi32, #tpu.memory_space<vmem>>
    %dma_wait3A_1903 = arith.constant 0 : i32
    %dma_wait3A_1904 = tpu.memref_slice %arg3[%dma_wait3A_1903] : memref<100000xi32, #tpu.memory_space<hbm>> -> memref<128xi32, #tpu.memory_space<hbm>>
    tpu.wait_dma2 semaphore(%arg17 : memref<!tpu.dma_semaphore, #tpu.memory_space<semaphore_mem>>) src(%dma_wait3A_1904 : memref<128xi32, #tpu.memory_space<hbm>>) dst(%dma_wait3A_1902 : memref<128xi32, #tpu.memory_space<vmem>>)
    %dma_wait3A_1905 = arith.constant 1 : i32
    %dma_wait3A_1906 = arith.constant 0 : i32
    %dma_wait3A_1907 = tpu.memref_slice %arg11[%dma_wait3A_1905, %dma_wait3A_1906] : memref<2x128xi32, #tpu.memory_space<vmem>> -> memref<1x128xi32, #tpu.memory_space<vmem>>
    %dma_wait3A_1908 = tpu.memref_squeeze %dma_wait3A_1907 : memref<1x128xi32, #tpu.memory_space<vmem>> -> memref<128xi32, #tpu.memory_space<vmem>>
    %dma_wait3A_1909 = arith.constant 0 : i32
    %dma_wait3A_1910 = tpu.memref_slice %arg3[%dma_wait3A_1909] : memref<100000xi32, #tpu.memory_space<hbm>> -> memref<128xi32, #tpu.memory_space<hbm>>
    %dma_wait3A_1911 = arith.constant 0 : i32
    %dma_wait3A_1912 = tpu.memref_slice %arg11[%dma_wait3A_1905, %dma_wait3A_1911] : memref<2x128xi32, #tpu.memory_space<vmem>> -> memref<1x128xi32, #tpu.memory_space<vmem>>
    %dma_wait3A_1913 = tpu.memref_squeeze %dma_wait3A_1912 : memref<1x128xi32, #tpu.memory_space<vmem>> -> memref<128xi32, #tpu.memory_space<vmem>>
    %dma_wait3A_1914 = arith.constant 0 : i32
    %dma_wait3A_1915 = tpu.memref_slice %arg3[%dma_wait3A_1914] : memref<100000xi32, #tpu.memory_space<hbm>> -> memref<128xi32, #tpu.memory_space<hbm>>
    tpu.wait_dma2 semaphore(%arg17 : memref<!tpu.dma_semaphore, #tpu.memory_space<semaphore_mem>>) src(%dma_wait3A_1915 : memref<128xi32, #tpu.memory_space<hbm>>) dst(%dma_wait3A_1913 : memref<128xi32, #tpu.memory_space<vmem>>)
    %dma_wait3A_1916 = arith.constant 0 : i32
    %dma_wait3A_1917 = arith.constant 0 : i32
    %dma_wait3A_1918 = tpu.memref_slice %arg2[%dma_wait3A_1916, %dma_wait3A_1917] : memref<100000x128xf32, #tpu.memory_space<hbm>> -> memref<256x128xf32, #tpu.memory_space<hbm>>
    %dma_wait3A_1919 = arith.constant 0 : i32
    %dma_wait3A_1920 = arith.constant 0 : i32
    %dma_wait3A_1921 = tpu.memref_slice %arg2[%dma_wait3A_1919, %dma_wait3A_1920] : memref<100000x128xf32, #tpu.memory_space<hbm>> -> memref<256x128xf32, #tpu.memory_space<hbm>>
    tpu.wait_dma2 semaphore(%arg17 : memref<!tpu.dma_semaphore, #tpu.memory_space<semaphore_mem>>) src(%dma_wait3A_1921 : memref<256x128xf32, #tpu.memory_space<hbm>>) dst(%arg8 : memref<256x128xf32, #tpu.memory_space<vmem>>)
    %dma_start3A_1922 = arith.constant 0 : i32
    %dma_start3A_1923 = arith.constant 0 : i32
    %dma_start3A_1924 = arith.constant 0 : i32
    %dma_start3A_1925 = tpu.memref_slice %arg8[%dma_start3A_1923, %dma_start3A_1924] : memref<256x128xf32, #tpu.memory_space<vmem>> -> memref<128x128xf32, #tpu.memory_space<vmem>>
    %dma_start3A_1926 = arith.constant 0 : i32
    %dma_start3A_1927 = tpu.memref_slice %arg11[%dma_start3A_1922, %dma_start3A_1926] : memref<2x128xi32, #tpu.memory_space<vmem>> -> memref<1x128xi32, #tpu.memory_space<vmem>>
    %dma_start3A_1928 = tpu.memref_squeeze %dma_start3A_1927 : memref<1x128xi32, #tpu.memory_space<vmem>> -> memref<128xi32, #tpu.memory_space<vmem>>
    %dma_start3A_1929 = arith.constant 0 : i32
    %dma_start3A_1930 = arith.constant 0 : i32
    %dma_start3A_1931 = tpu.memref_slice %arg14[%dma_start3A_1929, %dma_start3A_1930] : memref<512x128xf32, #tpu.memory_space<vmem_shared>> -> memref<512x128xf32, #tpu.memory_space<vmem_shared>>
    tpu.enqueue_indirect_dma source(%dma_start3A_1925 : memref<128x128xf32, #tpu.memory_space<vmem>>) target(%dma_start3A_1931 : memref<512x128xf32, #tpu.memory_space<vmem_shared>>) offsets(%dma_start3A_1928 : memref<128xi32, #tpu.memory_space<vmem>>) semaphore(%arg20 : memref<!tpu.dma_semaphore, #tpu.memory_space<semaphore_mem>>) {add = true}
    %dma_start3A_1932 = arith.constant 1 : i32
    %dma_start3A_1933 = arith.constant 128 : i32
    %dma_start3A_1934 = arith.constant 0 : i32
    %dma_start3A_1935 = tpu.memref_slice %arg8[%dma_start3A_1933, %dma_start3A_1934] : memref<256x128xf32, #tpu.memory_space<vmem>> -> memref<128x128xf32, #tpu.memory_space<vmem>>
    %dma_start3A_1936 = arith.constant 0 : i32
    %dma_start3A_1937 = tpu.memref_slice %arg11[%dma_start3A_1932, %dma_start3A_1936] : memref<2x128xi32, #tpu.memory_space<vmem>> -> memref<1x128xi32, #tpu.memory_space<vmem>>
    %dma_start3A_1938 = tpu.memref_squeeze %dma_start3A_1937 : memref<1x128xi32, #tpu.memory_space<vmem>> -> memref<128xi32, #tpu.memory_space<vmem>>
    %dma_start3A_1939 = arith.constant 0 : i32
    %dma_start3A_1940 = arith.constant 0 : i32
    %dma_start3A_1941 = tpu.memref_slice %arg14[%dma_start3A_1939, %dma_start3A_1940] : memref<512x128xf32, #tpu.memory_space<vmem_shared>> -> memref<512x128xf32, #tpu.memory_space<vmem_shared>>
    tpu.enqueue_indirect_dma source(%dma_start3A_1935 : memref<128x128xf32, #tpu.memory_space<vmem>>) target(%dma_start3A_1941 : memref<512x128xf32, #tpu.memory_space<vmem_shared>>) offsets(%dma_start3A_1938 : memref<128xi32, #tpu.memory_space<vmem>>) semaphore(%arg20 : memref<!tpu.dma_semaphore, #tpu.memory_space<semaphore_mem>>) {add = true}
    %get3A_1942 = arith.constant 0 : i32
    %get3A_1943 = arith.index_cast %get3A_1942 : i32 to index
    %get3A_1944 = arith.constant 0 : index
    %get3A_1945 = tpu.vector_load %arg11[%get3A_1943, %get3A_1944] {strides = array<i32>} : memref<2x128xi32, #tpu.memory_space<vmem>>, vector<16xi32>,
    tpu.vector_store_idx %arg13[%get3A_1945], %broadcast_in_dim3A_3 {add = true} : memref<512xf32, #tpu.memory_space<vmem>>[vector<16xi32>], vector<16xf32>,
    %get3A_1946 = arith.constant 0 : i32
    %get3A_1947 = arith.index_cast %get3A_1946 : i32 to index
    %get3A_1948 = arith.constant 16 : index
    %get3A_1949 = tpu.vector_load %arg11[%get3A_1947, %get3A_1948] {strides = array<i32>} : memref<2x128xi32, #tpu.memory_space<vmem>>, vector<16xi32>,
    tpu.vector_store_idx %arg13[%get3A_1949], %broadcast_in_dim3A_3 {add = true} : memref<512xf32, #tpu.memory_space<vmem>>[vector<16xi32>], vector<16xf32>,
    %get3A_1950 = arith.constant 0 : i32
    %get3A_1951 = arith.index_cast %get3A_1950 : i32 to index
    %get3A_1952 = arith.constant 32 : index
    %get3A_1953 = tpu.vector_load %arg11[%get3A_1951, %get3A_1952] {strides = array<i32>} : memref<2x128xi32, #tpu.memory_space<vmem>>, vector<16xi32>,
    tpu.vector_store_idx %arg13[%get3A_1953], %broadcast_in_dim3A_3 {add = true} : memref<512xf32, #tpu.memory_space<vmem>>[vector<16xi32>], vector<16xf32>,
    %get3A_1954 = arith.constant 0 : i32
    %get3A_1955 = arith.index_cast %get3A_1954 : i32 to index
    %get3A_1956 = arith.constant 48 : index
    %get3A_1957 = tpu.vector_load %arg11[%get3A_1955, %get3A_1956] {strides = array<i32>} : memref<2x128xi32, #tpu.memory_space<vmem>>, vector<16xi32>,
    tpu.vector_store_idx %arg13[%get3A_1957], %broadcast_in_dim3A_3 {add = true} : memref<512xf32, #tpu.memory_space<vmem>>[vector<16xi32>], vector<16xf32>,
    %get3A_1958 = arith.constant 0 : i32
    %get3A_1959 = arith.index_cast %get3A_1958 : i32 to index
    %get3A_1960 = arith.constant 64 : index
    %get3A_1961 = tpu.vector_load %arg11[%get3A_1959, %get3A_1960] {strides = array<i32>} : memref<2x128xi32, #tpu.memory_space<vmem>>, vector<16xi32>,
    tpu.vector_store_idx %arg13[%get3A_1961], %broadcast_in_dim3A_3 {add = true} : memref<512xf32, #tpu.memory_space<vmem>>[vector<16xi32>], vector<16xf32>,
    %get3A_1962 = arith.constant 0 : i32
    %get3A_1963 = arith.index_cast %get3A_1962 : i32 to index
    %get3A_1964 = arith.constant 80 : index
    %get3A_1965 = tpu.vector_load %arg11[%get3A_1963, %get3A_1964] {strides = array<i32>} : memref<2x128xi32, #tpu.memory_space<vmem>>, vector<16xi32>,
    tpu.vector_store_idx %arg13[%get3A_1965], %broadcast_in_dim3A_3 {add = true} : memref<512xf32, #tpu.memory_space<vmem>>[vector<16xi32>], vector<16xf32>,
    %get3A_1966 = arith.constant 0 : i32
    %get3A_1967 = arith.index_cast %get3A_1966 : i32 to index
    %get3A_1968 = arith.constant 96 : index
    %get3A_1969 = tpu.vector_load %arg11[%get3A_1967, %get3A_1968] {strides = array<i32>} : memref<2x128xi32, #tpu.memory_space<vmem>>, vector<16xi32>,
    tpu.vector_store_idx %arg13[%get3A_1969], %broadcast_in_dim3A_3 {add = true} : memref<512xf32, #tpu.memory_space<vmem>>[vector<16xi32>], vector<16xf32>,
    %get3A_1970 = arith.constant 0 : i32
    %get3A_1971 = arith.index_cast %get3A_1970 : i32 to index
    %get3A_1972 = arith.constant 112 : index
    %get3A_1973 = tpu.vector_load %arg11[%get3A_1971, %get3A_1972] {strides = array<i32>} : memref<2x128xi32, #tpu.memory_space<vmem>>, vector<16xi32>,
    tpu.vector_store_idx %arg13[%get3A_1973], %broadcast_in_dim3A_3 {add = true} : memref<512xf32, #tpu.memory_space<vmem>>[vector<16xi32>], vector<16xf32>,
    %get3A_1974 = arith.constant 1 : i32
    %get3A_1975 = arith.index_cast %get3A_1974 : i32 to index
    %get3A_1976 = arith.constant 0 : index
    %get3A_1977 = tpu.vector_load %arg11[%get3A_1975, %get3A_1976] {strides = array<i32>} : memref<2x128xi32, #tpu.memory_space<vmem>>, vector<16xi32>,
    tpu.vector_store_idx %arg13[%get3A_1977], %broadcast_in_dim3A_3 {add = true} : memref<512xf32, #tpu.memory_space<vmem>>[vector<16xi32>], vector<16xf32>,
    %get3A_1978 = arith.constant 1 : i32
    %get3A_1979 = arith.index_cast %get3A_1978 : i32 to index
    %get3A_1980 = arith.constant 16 : index
    %get3A_1981 = tpu.vector_load %arg11[%get3A_1979, %get3A_1980] {strides = array<i32>} : memref<2x128xi32, #tpu.memory_space<vmem>>, vector<16xi32>,
    tpu.vector_store_idx %arg13[%get3A_1981], %broadcast_in_dim3A_3 {add = true} : memref<512xf32, #tpu.memory_space<vmem>>[vector<16xi32>], vector<16xf32>,
    %get3A_1982 = arith.constant 1 : i32
    %get3A_1983 = arith.index_cast %get3A_1982 : i32 to index
    %get3A_1984 = arith.constant 32 : index
    %get3A_1985 = tpu.vector_load %arg11[%get3A_1983, %get3A_1984] {strides = array<i32>} : memref<2x128xi32, #tpu.memory_space<vmem>>, vector<16xi32>,
    tpu.vector_store_idx %arg13[%get3A_1985], %broadcast_in_dim3A_3 {add = true} : memref<512xf32, #tpu.memory_space<vmem>>[vector<16xi32>], vector<16xf32>,
    %get3A_1986 = arith.constant 1 : i32
    %get3A_1987 = arith.index_cast %get3A_1986 : i32 to index
    %get3A_1988 = arith.constant 48 : index
    %get3A_1989 = tpu.vector_load %arg11[%get3A_1987, %get3A_1988] {strides = array<i32>} : memref<2x128xi32, #tpu.memory_space<vmem>>, vector<16xi32>,
    tpu.vector_store_idx %arg13[%get3A_1989], %broadcast_in_dim3A_3 {add = true} : memref<512xf32, #tpu.memory_space<vmem>>[vector<16xi32>], vector<16xf32>,
    %get3A_1990 = arith.constant 1 : i32
    %get3A_1991 = arith.index_cast %get3A_1990 : i32 to index
    %get3A_1992 = arith.constant 64 : index
    %get3A_1993 = tpu.vector_load %arg11[%get3A_1991, %get3A_1992] {strides = array<i32>} : memref<2x128xi32, #tpu.memory_space<vmem>>, vector<16xi32>,
    tpu.vector_store_idx %arg13[%get3A_1993], %broadcast_in_dim3A_3 {add = true} : memref<512xf32, #tpu.memory_space<vmem>>[vector<16xi32>], vector<16xf32>,
    %get3A_1994 = arith.constant 1 : i32
    %get3A_1995 = arith.index_cast %get3A_1994 : i32 to index
    %get3A_1996 = arith.constant 80 : index
    %get3A_1997 = tpu.vector_load %arg11[%get3A_1995, %get3A_1996] {strides = array<i32>} : memref<2x128xi32, #tpu.memory_space<vmem>>, vector<16xi32>,
    tpu.vector_store_idx %arg13[%get3A_1997], %broadcast_in_dim3A_3 {add = true} : memref<512xf32, #tpu.memory_space<vmem>>[vector<16xi32>], vector<16xf32>,
    %get3A_1998 = arith.constant 1 : i32
    %get3A_1999 = arith.index_cast %get3A_1998 : i32 to index
    %get3A_2000 = arith.constant 96 : index
    %get3A_2001 = tpu.vector_load %arg11[%get3A_1999, %get3A_2000] {strides = array<i32>} : memref<2x128xi32, #tpu.memory_space<vmem>>, vector<16xi32>,
    tpu.vector_store_idx %arg13[%get3A_2001], %broadcast_in_dim3A_3 {add = true} : memref<512xf32, #tpu.memory_space<vmem>>[vector<16xi32>], vector<16xf32>,
    %get3A_2002 = arith.constant 1 : i32
    %get3A_2003 = arith.index_cast %get3A_2002 : i32 to index
    %get3A_2004 = arith.constant 112 : index
    %get3A_2005 = tpu.vector_load %arg11[%get3A_2003, %get3A_2004] {strides = array<i32>} : memref<2x128xi32, #tpu.memory_space<vmem>>, vector<16xi32>,
    tpu.vector_store_idx %arg13[%get3A_2005], %broadcast_in_dim3A_3 {add = true} : memref<512xf32, #tpu.memory_space<vmem>>[vector<16xi32>], vector<16xf32>,
    %convert_element_type3A_2006 = arith.extui %lt3A_75 : i1 to i32
    %cond3A_2007 = arith.constant 0 : i32
    %cond3A_2008 = arith.cmpi ne, %convert_element_type3A_2006, %cond3A_2007 : i32
    scf.if %cond3A_2008 {
      %dma_wait3A_2060 = arith.constant 0 : i32
      %dma_wait3A_2061 = arith.constant 0 : i32
      %dma_wait3A_2062 = tpu.memref_slice %arg9[%dma_wait3A_2060, %dma_wait3A_2061] : memref<2x128xi32, #tpu.memory_space<vmem>> -> memref<1x128xi32, #tpu.memory_space<vmem>>
      %dma_wait3A_2063 = tpu.memref_squeeze %dma_wait3A_2062 : memref<1x128xi32, #tpu.memory_space<vmem>> -> memref<128xi32, #tpu.memory_space<vmem>>
      %dma_wait3A_2064 = arith.constant 0 : i32
      %dma_wait3A_2065 = tpu.memref_slice %arg3[%dma_wait3A_2064] : memref<100000xi32, #tpu.memory_space<hbm>> -> memref<128xi32, #tpu.memory_space<hbm>>
      %dma_wait3A_2066 = arith.constant 0 : i32
      %dma_wait3A_2067 = tpu.memref_slice %arg9[%dma_wait3A_2060, %dma_wait3A_2066] : memref<2x128xi32, #tpu.memory_space<vmem>> -> memref<1x128xi32, #tpu.memory_space<vmem>>
      %dma_wait3A_2068 = tpu.memref_squeeze %dma_wait3A_2067 : memref<1x128xi32, #tpu.memory_space<vmem>> -> memref<128xi32, #tpu.memory_space<vmem>>
      %dma_wait3A_2069 = arith.constant 0 : i32
      %dma_wait3A_2070 = tpu.memref_slice %arg3[%dma_wait3A_2069] : memref<100000xi32, #tpu.memory_space<hbm>> -> memref<128xi32, #tpu.memory_space<hbm>>
      tpu.wait_dma2 semaphore(%arg15 : memref<!tpu.dma_semaphore, #tpu.memory_space<semaphore_mem>>) src(%dma_wait3A_2070 : memref<128xi32, #tpu.memory_space<hbm>>) dst(%dma_wait3A_2068 : memref<128xi32, #tpu.memory_space<vmem>>)
      %dma_wait3A_2071 = arith.constant 1 : i32
      %dma_wait3A_2072 = arith.constant 0 : i32
      %dma_wait3A_2073 = tpu.memref_slice %arg9[%dma_wait3A_2071, %dma_wait3A_2072] : memref<2x128xi32, #tpu.memory_space<vmem>> -> memref<1x128xi32, #tpu.memory_space<vmem>>
      %dma_wait3A_2074 = tpu.memref_squeeze %dma_wait3A_2073 : memref<1x128xi32, #tpu.memory_space<vmem>> -> memref<128xi32, #tpu.memory_space<vmem>>
      %dma_wait3A_2075 = arith.constant 0 : i32
      %dma_wait3A_2076 = tpu.memref_slice %arg3[%dma_wait3A_2075] : memref<100000xi32, #tpu.memory_space<hbm>> -> memref<128xi32, #tpu.memory_space<hbm>>
      %dma_wait3A_2077 = arith.constant 0 : i32
      %dma_wait3A_2078 = tpu.memref_slice %arg9[%dma_wait3A_2071, %dma_wait3A_2077] : memref<2x128xi32, #tpu.memory_space<vmem>> -> memref<1x128xi32, #tpu.memory_space<vmem>>
      %dma_wait3A_2079 = tpu.memref_squeeze %dma_wait3A_2078 : memref<1x128xi32, #tpu.memory_space<vmem>> -> memref<128xi32, #tpu.memory_space<vmem>>
      %dma_wait3A_2080 = arith.constant 0 : i32
      %dma_wait3A_2081 = tpu.memref_slice %arg3[%dma_wait3A_2080] : memref<100000xi32, #tpu.memory_space<hbm>> -> memref<128xi32, #tpu.memory_space<hbm>>
      tpu.wait_dma2 semaphore(%arg15 : memref<!tpu.dma_semaphore, #tpu.memory_space<semaphore_mem>>) src(%dma_wait3A_2081 : memref<128xi32, #tpu.memory_space<hbm>>) dst(%dma_wait3A_2079 : memref<128xi32, #tpu.memory_space<vmem>>)
      %dma_wait3A_2082 = arith.constant 0 : i32
      %dma_wait3A_2083 = arith.constant 0 : i32
      %dma_wait3A_2084 = tpu.memref_slice %arg2[%dma_wait3A_2082, %dma_wait3A_2083] : memref<100000x128xf32, #tpu.memory_space<hbm>> -> memref<256x128xf32, #tpu.memory_space<hbm>>
      %dma_wait3A_2085 = arith.constant 0 : i32
      %dma_wait3A_2086 = arith.constant 0 : i32
      %dma_wait3A_2087 = tpu.memref_slice %arg2[%dma_wait3A_2085, %dma_wait3A_2086] : memref<100000x128xf32, #tpu.memory_space<hbm>> -> memref<256x128xf32, #tpu.memory_space<hbm>>
      tpu.wait_dma2 semaphore(%arg15 : memref<!tpu.dma_semaphore, #tpu.memory_space<semaphore_mem>>) src(%dma_wait3A_2087 : memref<256x128xf32, #tpu.memory_space<hbm>>) dst(%arg6 : memref<256x128xf32, #tpu.memory_space<vmem>>)
      %dma_start3A_2088 = arith.constant 0 : i32
      %dma_start3A_2089 = arith.constant 0 : i32
      %dma_start3A_2090 = arith.constant 0 : i32
      %dma_start3A_2091 = tpu.memref_slice %arg6[%dma_start3A_2089, %dma_start3A_2090] : memref<256x128xf32, #tpu.memory_space<vmem>> -> memref<128x128xf32, #tpu.memory_space<vmem>>
      %dma_start3A_2092 = arith.constant 0 : i32
      %dma_start3A_2093 = tpu.memref_slice %arg9[%dma_start3A_2088, %dma_start3A_2092] : memref<2x128xi32, #tpu.memory_space<vmem>> -> memref<1x128xi32, #tpu.memory_space<vmem>>
      %dma_start3A_2094 = tpu.memref_squeeze %dma_start3A_2093 : memref<1x128xi32, #tpu.memory_space<vmem>> -> memref<128xi32, #tpu.memory_space<vmem>>
      %dma_start3A_2095 = arith.constant 0 : i32
      %dma_start3A_2096 = arith.constant 0 : i32
      %dma_start3A_2097 = tpu.memref_slice %arg14[%dma_start3A_2095, %dma_start3A_2096] : memref<512x128xf32, #tpu.memory_space<vmem_shared>> -> memref<512x128xf32, #tpu.memory_space<vmem_shared>>
      tpu.enqueue_indirect_dma source(%dma_start3A_2091 : memref<128x128xf32, #tpu.memory_space<vmem>>) target(%dma_start3A_2097 : memref<512x128xf32, #tpu.memory_space<vmem_shared>>) offsets(%dma_start3A_2094 : memref<128xi32, #tpu.memory_space<vmem>>) semaphore(%arg18 : memref<!tpu.dma_semaphore, #tpu.memory_space<semaphore_mem>>) {add = true}
      %dma_start3A_2098 = arith.constant 1 : i32
      %dma_start3A_2099 = arith.constant 128 : i32
      %dma_start3A_2100 = arith.constant 0 : i32
      %dma_start3A_2101 = tpu.memref_slice %arg6[%dma_start3A_2099, %dma_start3A_2100] : memref<256x128xf32, #tpu.memory_space<vmem>> -> memref<128x128xf32, #tpu.memory_space<vmem>>
      %dma_start3A_2102 = arith.constant 0 : i32
      %dma_start3A_2103 = tpu.memref_slice %arg9[%dma_start3A_2098, %dma_start3A_2102] : memref<2x128xi32, #tpu.memory_space<vmem>> -> memref<1x128xi32, #tpu.memory_space<vmem>>
      %dma_start3A_2104 = tpu.memref_squeeze %dma_start3A_2103 : memref<1x128xi32, #tpu.memory_space<vmem>> -> memref<128xi32, #tpu.memory_space<vmem>>
      %dma_start3A_2105 = arith.constant 0 : i32
      %dma_start3A_2106 = arith.constant 0 : i32
      %dma_start3A_2107 = tpu.memref_slice %arg14[%dma_start3A_2105, %dma_start3A_2106] : memref<512x128xf32, #tpu.memory_space<vmem_shared>> -> memref<512x128xf32, #tpu.memory_space<vmem_shared>>
      tpu.enqueue_indirect_dma source(%dma_start3A_2101 : memref<128x128xf32, #tpu.memory_space<vmem>>) target(%dma_start3A_2107 : memref<512x128xf32, #tpu.memory_space<vmem_shared>>) offsets(%dma_start3A_2104 : memref<128xi32, #tpu.memory_space<vmem>>) semaphore(%arg18 : memref<!tpu.dma_semaphore, #tpu.memory_space<semaphore_mem>>) {add = true}
      %get3A_2108 = arith.constant 0 : i32
      %get3A_2109 = arith.index_cast %get3A_2108 : i32 to index
      %get3A_2110 = arith.constant 0 : index
      %get3A_2111 = tpu.vector_load %arg9[%get3A_2109, %get3A_2110] {strides = array<i32>} : memref<2x128xi32, #tpu.memory_space<vmem>>, vector<16xi32>,
      tpu.vector_store_idx %arg13[%get3A_2111], %broadcast_in_dim3A_3 {add = true} : memref<512xf32, #tpu.memory_space<vmem>>[vector<16xi32>], vector<16xf32>,
      %get3A_2112 = arith.constant 0 : i32
      %get3A_2113 = arith.index_cast %get3A_2112 : i32 to index
      %get3A_2114 = arith.constant 16 : index
      %get3A_2115 = tpu.vector_load %arg9[%get3A_2113, %get3A_2114] {strides = array<i32>} : memref<2x128xi32, #tpu.memory_space<vmem>>, vector<16xi32>,
      tpu.vector_store_idx %arg13[%get3A_2115], %broadcast_in_dim3A_3 {add = true} : memref<512xf32, #tpu.memory_space<vmem>>[vector<16xi32>], vector<16xf32>,
      %get3A_2116 = arith.constant 0 : i32
      %get3A_2117 = arith.index_cast %get3A_2116 : i32 to index
      %get3A_2118 = arith.constant 32 : index
      %get3A_2119 = tpu.vector_load %arg9[%get3A_2117, %get3A_2118] {strides = array<i32>} : memref<2x128xi32, #tpu.memory_space<vmem>>, vector<16xi32>,
      tpu.vector_store_idx %arg13[%get3A_2119], %broadcast_in_dim3A_3 {add = true} : memref<512xf32, #tpu.memory_space<vmem>>[vector<16xi32>], vector<16xf32>,
      %get3A_2120 = arith.constant 0 : i32
      %get3A_2121 = arith.index_cast %get3A_2120 : i32 to index
      %get3A_2122 = arith.constant 48 : index
      %get3A_2123 = tpu.vector_load %arg9[%get3A_2121, %get3A_2122] {strides = array<i32>} : memref<2x128xi32, #tpu.memory_space<vmem>>, vector<16xi32>,
      tpu.vector_store_idx %arg13[%get3A_2123], %broadcast_in_dim3A_3 {add = true} : memref<512xf32, #tpu.memory_space<vmem>>[vector<16xi32>], vector<16xf32>,
      %get3A_2124 = arith.constant 0 : i32
      %get3A_2125 = arith.index_cast %get3A_2124 : i32 to index
      %get3A_2126 = arith.constant 64 : index
      %get3A_2127 = tpu.vector_load %arg9[%get3A_2125, %get3A_2126] {strides = array<i32>} : memref<2x128xi32, #tpu.memory_space<vmem>>, vector<16xi32>,
      tpu.vector_store_idx %arg13[%get3A_2127], %broadcast_in_dim3A_3 {add = true} : memref<512xf32, #tpu.memory_space<vmem>>[vector<16xi32>], vector<16xf32>,
      %get3A_2128 = arith.constant 0 : i32
      %get3A_2129 = arith.index_cast %get3A_2128 : i32 to index
      %get3A_2130 = arith.constant 80 : index
      %get3A_2131 = tpu.vector_load %arg9[%get3A_2129, %get3A_2130] {strides = array<i32>} : memref<2x128xi32, #tpu.memory_space<vmem>>, vector<16xi32>,
      tpu.vector_store_idx %arg13[%get3A_2131], %broadcast_in_dim3A_3 {add = true} : memref<512xf32, #tpu.memory_space<vmem>>[vector<16xi32>], vector<16xf32>,
      %get3A_2132 = arith.constant 0 : i32
      %get3A_2133 = arith.index_cast %get3A_2132 : i32 to index
      %get3A_2134 = arith.constant 96 : index
      %get3A_2135 = tpu.vector_load %arg9[%get3A_2133, %get3A_2134] {strides = array<i32>} : memref<2x128xi32, #tpu.memory_space<vmem>>, vector<16xi32>,
      tpu.vector_store_idx %arg13[%get3A_2135], %broadcast_in_dim3A_3 {add = true} : memref<512xf32, #tpu.memory_space<vmem>>[vector<16xi32>], vector<16xf32>,
      %get3A_2136 = arith.constant 0 : i32
      %get3A_2137 = arith.index_cast %get3A_2136 : i32 to index
      %get3A_2138 = arith.constant 112 : index
      %get3A_2139 = tpu.vector_load %arg9[%get3A_2137, %get3A_2138] {strides = array<i32>} : memref<2x128xi32, #tpu.memory_space<vmem>>, vector<16xi32>,
      tpu.vector_store_idx %arg13[%get3A_2139], %broadcast_in_dim3A_3 {add = true} : memref<512xf32, #tpu.memory_space<vmem>>[vector<16xi32>], vector<16xf32>,
      %get3A_2140 = arith.constant 1 : i32
      %get3A_2141 = arith.index_cast %get3A_2140 : i32 to index
      %get3A_2142 = arith.constant 0 : index
      %get3A_2143 = tpu.vector_load %arg9[%get3A_2141, %get3A_2142] {strides = array<i32>} : memref<2x128xi32, #tpu.memory_space<vmem>>, vector<16xi32>,
      tpu.vector_store_idx %arg13[%get3A_2143], %broadcast_in_dim3A_3 {add = true} : memref<512xf32, #tpu.memory_space<vmem>>[vector<16xi32>], vector<16xf32>,
      %get3A_2144 = arith.constant 1 : i32
      %get3A_2145 = arith.index_cast %get3A_2144 : i32 to index
      %get3A_2146 = arith.constant 16 : index
      %get3A_2147 = tpu.vector_load %arg9[%get3A_2145, %get3A_2146] {strides = array<i32>} : memref<2x128xi32, #tpu.memory_space<vmem>>, vector<16xi32>,
      tpu.vector_store_idx %arg13[%get3A_2147], %broadcast_in_dim3A_3 {add = true} : memref<512xf32, #tpu.memory_space<vmem>>[vector<16xi32>], vector<16xf32>,
      %get3A_2148 = arith.constant 1 : i32
      %get3A_2149 = arith.index_cast %get3A_2148 : i32 to index
      %get3A_2150 = arith.constant 32 : index
      %get3A_2151 = tpu.vector_load %arg9[%get3A_2149, %get3A_2150] {strides = array<i32>} : memref<2x128xi32, #tpu.memory_space<vmem>>, vector<16xi32>,
      tpu.vector_store_idx %arg13[%get3A_2151], %broadcast_in_dim3A_3 {add = true} : memref<512xf32, #tpu.memory_space<vmem>>[vector<16xi32>], vector<16xf32>,
      %get3A_2152 = arith.constant 1 : i32
      %get3A_2153 = arith.index_cast %get3A_2152 : i32 to index
      %get3A_2154 = arith.constant 48 : index
      %get3A_2155 = tpu.vector_load %arg9[%get3A_2153, %get3A_2154] {strides = array<i32>} : memref<2x128xi32, #tpu.memory_space<vmem>>, vector<16xi32>,
      tpu.vector_store_idx %arg13[%get3A_2155], %broadcast_in_dim3A_3 {add = true} : memref<512xf32, #tpu.memory_space<vmem>>[vector<16xi32>], vector<16xf32>,
      %get3A_2156 = arith.constant 1 : i32
      %get3A_2157 = arith.index_cast %get3A_2156 : i32 to index
      %get3A_2158 = arith.constant 64 : index
      %get3A_2159 = tpu.vector_load %arg9[%get3A_2157, %get3A_2158] {strides = array<i32>} : memref<2x128xi32, #tpu.memory_space<vmem>>, vector<16xi32>,
      tpu.vector_store_idx %arg13[%get3A_2159], %broadcast_in_dim3A_3 {add = true} : memref<512xf32, #tpu.memory_space<vmem>>[vector<16xi32>], vector<16xf32>,
      %get3A_2160 = arith.constant 1 : i32
      %get3A_2161 = arith.index_cast %get3A_2160 : i32 to index
      %get3A_2162 = arith.constant 80 : index
      %get3A_2163 = tpu.vector_load %arg9[%get3A_2161, %get3A_2162] {strides = array<i32>} : memref<2x128xi32, #tpu.memory_space<vmem>>, vector<16xi32>,
      tpu.vector_store_idx %arg13[%get3A_2163], %broadcast_in_dim3A_3 {add = true} : memref<512xf32, #tpu.memory_space<vmem>>[vector<16xi32>], vector<16xf32>,
      %get3A_2164 = arith.constant 1 : i32
      %get3A_2165 = arith.index_cast %get3A_2164 : i32 to index
      %get3A_2166 = arith.constant 96 : index
      %get3A_2167 = tpu.vector_load %arg9[%get3A_2165, %get3A_2166] {strides = array<i32>} : memref<2x128xi32, #tpu.memory_space<vmem>>, vector<16xi32>,
      tpu.vector_store_idx %arg13[%get3A_2167], %broadcast_in_dim3A_3 {add = true} : memref<512xf32, #tpu.memory_space<vmem>>[vector<16xi32>], vector<16xf32>,
      %get3A_2168 = arith.constant 1 : i32
      %get3A_2169 = arith.index_cast %get3A_2168 : i32 to index
      %get3A_2170 = arith.constant 112 : index
      %get3A_2171 = tpu.vector_load %arg9[%get3A_2169, %get3A_2170] {strides = array<i32>} : memref<2x128xi32, #tpu.memory_space<vmem>>, vector<16xi32>,
      tpu.vector_store_idx %arg13[%get3A_2171], %broadcast_in_dim3A_3 {add = true} : memref<512xf32, #tpu.memory_space<vmem>>[vector<16xi32>], vector<16xf32>,
    } else {
    }
    %convert_element_type3A_2009 = arith.extui %eq3A_76 : i1 to i32
    %cond3A_2010 = arith.constant 0 : i32
    %cond3A_2011 = arith.cmpi ne, %convert_element_type3A_2009, %cond3A_2010 : i32
    scf.if %cond3A_2011 {
      %dma_wait3A_2060 = arith.constant 0 : i32
      %dma_wait3A_2061 = arith.constant 0 : i32
      %dma_wait3A_2062 = tpu.memref_slice %arg9[%dma_wait3A_2060, %dma_wait3A_2061] : memref<2x128xi32, #tpu.memory_space<vmem>> -> memref<1x128xi32, #tpu.memory_space<vmem>>
      %dma_wait3A_2063 = tpu.memref_squeeze %dma_wait3A_2062 : memref<1x128xi32, #tpu.memory_space<vmem>> -> memref<128xi32, #tpu.memory_space<vmem>>
      %dma_wait3A_2064 = arith.constant 99840 : i32
      %dma_wait3A_2065 = tpu.memref_slice %arg3[%dma_wait3A_2064] : memref<100000xi32, #tpu.memory_space<hbm>> -> memref<128xi32, #tpu.memory_space<hbm>>
      %dma_wait3A_2066 = arith.constant 0 : i32
      %dma_wait3A_2067 = tpu.memref_slice %arg9[%dma_wait3A_2060, %dma_wait3A_2066] : memref<2x128xi32, #tpu.memory_space<vmem>> -> memref<1x128xi32, #tpu.memory_space<vmem>>
      %dma_wait3A_2068 = tpu.memref_squeeze %dma_wait3A_2067 : memref<1x128xi32, #tpu.memory_space<vmem>> -> memref<128xi32, #tpu.memory_space<vmem>>
      %dma_wait3A_2069 = arith.constant 99840 : i32
      %dma_wait3A_2070 = tpu.memref_slice %arg3[%dma_wait3A_2069] : memref<100000xi32, #tpu.memory_space<hbm>> -> memref<128xi32, #tpu.memory_space<hbm>>
      tpu.wait_dma2 semaphore(%arg15 : memref<!tpu.dma_semaphore, #tpu.memory_space<semaphore_mem>>) src(%dma_wait3A_2070 : memref<128xi32, #tpu.memory_space<hbm>>) dst(%dma_wait3A_2068 : memref<128xi32, #tpu.memory_space<vmem>>)
      %dma_wait3A_2071 = arith.constant 1 : i32
      %dma_wait3A_2072 = arith.constant 0 : i32
      %dma_wait3A_2073 = tpu.memref_slice %arg9[%dma_wait3A_2071, %dma_wait3A_2072] : memref<2x128xi32, #tpu.memory_space<vmem>> -> memref<1x32xi32, #tpu.memory_space<vmem>>
      %dma_wait3A_2074 = tpu.memref_squeeze %dma_wait3A_2073 : memref<1x32xi32, #tpu.memory_space<vmem>> -> memref<32xi32, #tpu.memory_space<vmem>>
      %dma_wait3A_2075 = arith.constant 99840 : i32
      %dma_wait3A_2076 = tpu.memref_slice %arg3[%dma_wait3A_2075] : memref<100000xi32, #tpu.memory_space<hbm>> -> memref<32xi32, #tpu.memory_space<hbm>>
      %dma_wait3A_2077 = arith.constant 0 : i32
      %dma_wait3A_2078 = tpu.memref_slice %arg9[%dma_wait3A_2071, %dma_wait3A_2077] : memref<2x128xi32, #tpu.memory_space<vmem>> -> memref<1x32xi32, #tpu.memory_space<vmem>>
      %dma_wait3A_2079 = tpu.memref_squeeze %dma_wait3A_2078 : memref<1x32xi32, #tpu.memory_space<vmem>> -> memref<32xi32, #tpu.memory_space<vmem>>
      %dma_wait3A_2080 = arith.constant 99840 : i32
      %dma_wait3A_2081 = tpu.memref_slice %arg3[%dma_wait3A_2080] : memref<100000xi32, #tpu.memory_space<hbm>> -> memref<32xi32, #tpu.memory_space<hbm>>
      tpu.wait_dma2 semaphore(%arg15 : memref<!tpu.dma_semaphore, #tpu.memory_space<semaphore_mem>>) src(%dma_wait3A_2081 : memref<32xi32, #tpu.memory_space<hbm>>) dst(%dma_wait3A_2079 : memref<32xi32, #tpu.memory_space<vmem>>)
      %dma_wait3A_2082 = arith.constant 0 : i32
      %dma_wait3A_2083 = arith.constant 0 : i32
      %dma_wait3A_2084 = tpu.memref_slice %arg6[%dma_wait3A_2082, %dma_wait3A_2083] : memref<256x128xf32, #tpu.memory_space<vmem>> -> memref<160x128xf32, #tpu.memory_space<vmem>>
      %dma_wait3A_2085 = arith.constant 99840 : i32
      %dma_wait3A_2086 = arith.constant 0 : i32
      %dma_wait3A_2087 = tpu.memref_slice %arg2[%dma_wait3A_2085, %dma_wait3A_2086] : memref<100000x128xf32, #tpu.memory_space<hbm>> -> memref<160x128xf32, #tpu.memory_space<hbm>>
      %dma_wait3A_2088 = arith.constant 0 : i32
      %dma_wait3A_2089 = arith.constant 0 : i32
      %dma_wait3A_2090 = tpu.memref_slice %arg6[%dma_wait3A_2088, %dma_wait3A_2089] : memref<256x128xf32, #tpu.memory_space<vmem>> -> memref<160x128xf32, #tpu.memory_space<vmem>>
      %dma_wait3A_2091 = arith.constant 99840 : i32
      %dma_wait3A_2092 = arith.constant 0 : i32
      %dma_wait3A_2093 = tpu.memref_slice %arg2[%dma_wait3A_2091, %dma_wait3A_2092] : memref<100000x128xf32, #tpu.memory_space<hbm>> -> memref<160x128xf32, #tpu.memory_space<hbm>>
      tpu.wait_dma2 semaphore(%arg15 : memref<!tpu.dma_semaphore, #tpu.memory_space<semaphore_mem>>) src(%dma_wait3A_2093 : memref<160x128xf32, #tpu.memory_space<hbm>>) dst(%dma_wait3A_2090 : memref<160x128xf32, #tpu.memory_space<vmem>>)
      %broadcast_in_dim3A_2094 = arith.constant 511 : i32
      %broadcast_in_dim3A_2095 = vector.broadcast %broadcast_in_dim3A_2094 : i32 to vector<16xi32>
      %swap3A_2096 = arith.constant 1 : i32
      %swap3A_2097 = arith.index_cast %swap3A_2096 : i32 to index
      %swap3A_2098 = arith.constant 32 : index
      %swap3A_2099 = tpu.vector_load %arg9[%swap3A_2097, %swap3A_2098] {strides = array<i32>} : memref<2x128xi32, #tpu.memory_space<vmem>>, vector<16xi32>,
      tpu.vector_store %arg9[%swap3A_2097, %swap3A_2098], %broadcast_in_dim3A_2095 {strides = array<i32>} : memref<2x128xi32, #tpu.memory_space<vmem>>, vector<16xi32>,
      %broadcast_in_dim3A_2100 = arith.constant 511 : i32
      %broadcast_in_dim3A_2101 = vector.broadcast %broadcast_in_dim3A_2100 : i32 to vector<16xi32>
      %swap3A_2102 = arith.constant 1 : i32
      %swap3A_2103 = arith.index_cast %swap3A_2102 : i32 to index
      %swap3A_2104 = arith.constant 48 : index
      %swap3A_2105 = tpu.vector_load %arg9[%swap3A_2103, %swap3A_2104] {strides = array<i32>} : memref<2x128xi32, #tpu.memory_space<vmem>>, vector<16xi32>,
      tpu.vector_store %arg9[%swap3A_2103, %swap3A_2104], %broadcast_in_dim3A_2101 {strides = array<i32>} : memref<2x128xi32, #tpu.memory_space<vmem>>, vector<16xi32>,
      %broadcast_in_dim3A_2106 = arith.constant 511 : i32
      %broadcast_in_dim3A_2107 = vector.broadcast %broadcast_in_dim3A_2106 : i32 to vector<16xi32>
      %swap3A_2108 = arith.constant 1 : i32
      %swap3A_2109 = arith.index_cast %swap3A_2108 : i32 to index
      %swap3A_2110 = arith.constant 64 : index
      %swap3A_2111 = tpu.vector_load %arg9[%swap3A_2109, %swap3A_2110] {strides = array<i32>} : memref<2x128xi32, #tpu.memory_space<vmem>>, vector<16xi32>,
      tpu.vector_store %arg9[%swap3A_2109, %swap3A_2110], %broadcast_in_dim3A_2107 {strides = array<i32>} : memref<2x128xi32, #tpu.memory_space<vmem>>, vector<16xi32>,
      %broadcast_in_dim3A_2112 = arith.constant 511 : i32
      %broadcast_in_dim3A_2113 = vector.broadcast %broadcast_in_dim3A_2112 : i32 to vector<16xi32>
      %swap3A_2114 = arith.constant 1 : i32
      %swap3A_2115 = arith.index_cast %swap3A_2114 : i32 to index
      %swap3A_2116 = arith.constant 80 : index
      %swap3A_2117 = tpu.vector_load %arg9[%swap3A_2115, %swap3A_2116] {strides = array<i32>} : memref<2x128xi32, #tpu.memory_space<vmem>>, vector<16xi32>,
      tpu.vector_store %arg9[%swap3A_2115, %swap3A_2116], %broadcast_in_dim3A_2113 {strides = array<i32>} : memref<2x128xi32, #tpu.memory_space<vmem>>, vector<16xi32>,
      %broadcast_in_dim3A_2118 = arith.constant 511 : i32
      %broadcast_in_dim3A_2119 = vector.broadcast %broadcast_in_dim3A_2118 : i32 to vector<16xi32>
      %swap3A_2120 = arith.constant 1 : i32
      %swap3A_2121 = arith.index_cast %swap3A_2120 : i32 to index
      %swap3A_2122 = arith.constant 96 : index
      %swap3A_2123 = tpu.vector_load %arg9[%swap3A_2121, %swap3A_2122] {strides = array<i32>} : memref<2x128xi32, #tpu.memory_space<vmem>>, vector<16xi32>,
      tpu.vector_store %arg9[%swap3A_2121, %swap3A_2122], %broadcast_in_dim3A_2119 {strides = array<i32>} : memref<2x128xi32, #tpu.memory_space<vmem>>, vector<16xi32>,
      %broadcast_in_dim3A_2124 = arith.constant 511 : i32
      %broadcast_in_dim3A_2125 = vector.broadcast %broadcast_in_dim3A_2124 : i32 to vector<16xi32>
      %swap3A_2126 = arith.constant 1 : i32
      %swap3A_2127 = arith.index_cast %swap3A_2126 : i32 to index
      %swap3A_2128 = arith.constant 112 : index
      %swap3A_2129 = tpu.vector_load %arg9[%swap3A_2127, %swap3A_2128] {strides = array<i32>} : memref<2x128xi32, #tpu.memory_space<vmem>>, vector<16xi32>,
      tpu.vector_store %arg9[%swap3A_2127, %swap3A_2128], %broadcast_in_dim3A_2125 {strides = array<i32>} : memref<2x128xi32, #tpu.memory_space<vmem>>, vector<16xi32>,
      %scan3A_2130 = arith.constant 0 : i32
      %scan3A_2131 = arith.constant 160 : i32
      %scan3A_2132 = arith.constant 96 : i32
      %scan3A_2133 = arith.addi %scan3A_2131, %scan3A_2132 : i32
      %scan3A_2134 = arith.constant 1 : i32
      %scan3A_2135 = scf.for %scan3A_2197 = %scan3A_2131 to %scan3A_2133 step %scan3A_2134 iter_args(%scan3A_2198 = %scan3A_2130) -> (i32)  : i32 {
        %swap3A_2199 = arith.index_cast %scan3A_2197 : i32 to index
        %swap3A_2200 = arith.constant 0 : index
        %swap3A_2201 = tpu.vector_load %arg6[%swap3A_2199, %swap3A_2200] {strides = array<i32>} : memref<256x128xf32, #tpu.memory_space<vmem>>, vector<16xf32>,
        tpu.vector_store %arg6[%swap3A_2199, %swap3A_2200], %broadcast_in_dim3A_1 {strides = array<i32>} : memref<256x128xf32, #tpu.memory_space<vmem>>, vector<16xf32>,
        %swap3A_2202 = arith.index_cast %scan3A_2197 : i32 to index
        %swap3A_2203 = arith.constant 16 : index
        %swap3A_2204 = tpu.vector_load %arg6[%swap3A_2202, %swap3A_2203] {strides = array<i32>} : memref<256x128xf32, #tpu.memory_space<vmem>>, vector<16xf32>,
        tpu.vector_store %arg6[%swap3A_2202, %swap3A_2203], %broadcast_in_dim3A_1 {strides = array<i32>} : memref<256x128xf32, #tpu.memory_space<vmem>>, vector<16xf32>,
        %swap3A_2205 = arith.index_cast %scan3A_2197 : i32 to index
        %swap3A_2206 = arith.constant 32 : index
        %swap3A_2207 = tpu.vector_load %arg6[%swap3A_2205, %swap3A_2206] {strides = array<i32>} : memref<256x128xf32, #tpu.memory_space<vmem>>, vector<16xf32>,
        tpu.vector_store %arg6[%swap3A_2205, %swap3A_2206], %broadcast_in_dim3A_1 {strides = array<i32>} : memref<256x128xf32, #tpu.memory_space<vmem>>, vector<16xf32>,
        %swap3A_2208 = arith.index_cast %scan3A_2197 : i32 to index
        %swap3A_2209 = arith.constant 48 : index
        %swap3A_2210 = tpu.vector_load %arg6[%swap3A_2208, %swap3A_2209] {strides = array<i32>} : memref<256x128xf32, #tpu.memory_space<vmem>>, vector<16xf32>,
        tpu.vector_store %arg6[%swap3A_2208, %swap3A_2209], %broadcast_in_dim3A_1 {strides = array<i32>} : memref<256x128xf32, #tpu.memory_space<vmem>>, vector<16xf32>,
        %swap3A_2211 = arith.index_cast %scan3A_2197 : i32 to index
        %swap3A_2212 = arith.constant 64 : index
        %swap3A_2213 = tpu.vector_load %arg6[%swap3A_2211, %swap3A_2212] {strides = array<i32>} : memref<256x128xf32, #tpu.memory_space<vmem>>, vector<16xf32>,
        tpu.vector_store %arg6[%swap3A_2211, %swap3A_2212], %broadcast_in_dim3A_1 {strides = array<i32>} : memref<256x128xf32, #tpu.memory_space<vmem>>, vector<16xf32>,
        %swap3A_2214 = arith.index_cast %scan3A_2197 : i32 to index
        %swap3A_2215 = arith.constant 80 : index
        %swap3A_2216 = tpu.vector_load %arg6[%swap3A_2214, %swap3A_2215] {strides = array<i32>} : memref<256x128xf32, #tpu.memory_space<vmem>>, vector<16xf32>,
        tpu.vector_store %arg6[%swap3A_2214, %swap3A_2215], %broadcast_in_dim3A_1 {strides = array<i32>} : memref<256x128xf32, #tpu.memory_space<vmem>>, vector<16xf32>,
        %swap3A_2217 = arith.index_cast %scan3A_2197 : i32 to index
        %swap3A_2218 = arith.constant 96 : index
        %swap3A_2219 = tpu.vector_load %arg6[%swap3A_2217, %swap3A_2218] {strides = array<i32>} : memref<256x128xf32, #tpu.memory_space<vmem>>, vector<16xf32>,
        tpu.vector_store %arg6[%swap3A_2217, %swap3A_2218], %broadcast_in_dim3A_1 {strides = array<i32>} : memref<256x128xf32, #tpu.memory_space<vmem>>, vector<16xf32>,
        %swap3A_2220 = arith.index_cast %scan3A_2197 : i32 to index
        %swap3A_2221 = arith.constant 112 : index
        %swap3A_2222 = tpu.vector_load %arg6[%swap3A_2220, %swap3A_2221] {strides = array<i32>} : memref<256x128xf32, #tpu.memory_space<vmem>>, vector<16xf32>,
        tpu.vector_store %arg6[%swap3A_2220, %swap3A_2221], %broadcast_in_dim3A_1 {strides = array<i32>} : memref<256x128xf32, #tpu.memory_space<vmem>>, vector<16xf32>,
        %scan3A_2223 = arith.constant 0 : i32
        scf.yield %scan3A_2223 : i32
      }
      %scan3A_2136 = arith.constant 96 : i32
      %dma_start3A_2137 = arith.constant 0 : i32
      %dma_start3A_2138 = arith.constant 0 : i32
      %dma_start3A_2139 = arith.constant 0 : i32
      %dma_start3A_2140 = tpu.memref_slice %arg6[%dma_start3A_2138, %dma_start3A_2139] : memref<256x128xf32, #tpu.memory_space<vmem>> -> memref<128x128xf32, #tpu.memory_space<vmem>>
      %dma_start3A_2141 = arith.constant 0 : i32
      %dma_start3A_2142 = tpu.memref_slice %arg9[%dma_start3A_2137, %dma_start3A_2141] : memref<2x128xi32, #tpu.memory_space<vmem>> -> memref<1x128xi32, #tpu.memory_space<vmem>>
      %dma_start3A_2143 = tpu.memref_squeeze %dma_start3A_2142 : memref<1x128xi32, #tpu.memory_space<vmem>> -> memref<128xi32, #tpu.memory_space<vmem>>
      %dma_start3A_2144 = arith.constant 0 : i32
      %dma_start3A_2145 = arith.constant 0 : i32
      %dma_start3A_2146 = tpu.memref_slice %arg14[%dma_start3A_2144, %dma_start3A_2145] : memref<512x128xf32, #tpu.memory_space<vmem_shared>> -> memref<512x128xf32, #tpu.memory_space<vmem_shared>>
      tpu.enqueue_indirect_dma source(%dma_start3A_2140 : memref<128x128xf32, #tpu.memory_space<vmem>>) target(%dma_start3A_2146 : memref<512x128xf32, #tpu.memory_space<vmem_shared>>) offsets(%dma_start3A_2143 : memref<128xi32, #tpu.memory_space<vmem>>) semaphore(%arg18 : memref<!tpu.dma_semaphore, #tpu.memory_space<semaphore_mem>>) {add = true}
      %dma_start3A_2147 = arith.constant 1 : i32
      %dma_start3A_2148 = arith.constant 128 : i32
      %dma_start3A_2149 = arith.constant 0 : i32
      %dma_start3A_2150 = tpu.memref_slice %arg6[%dma_start3A_2148, %dma_start3A_2149] : memref<256x128xf32, #tpu.memory_space<vmem>> -> memref<128x128xf32, #tpu.memory_space<vmem>>
      %dma_start3A_2151 = arith.constant 0 : i32
      %dma_start3A_2152 = tpu.memref_slice %arg9[%dma_start3A_2147, %dma_start3A_2151] : memref<2x128xi32, #tpu.memory_space<vmem>> -> memref<1x128xi32, #tpu.memory_space<vmem>>
      %dma_start3A_2153 = tpu.memref_squeeze %dma_start3A_2152 : memref<1x128xi32, #tpu.memory_space<vmem>> -> memref<128xi32, #tpu.memory_space<vmem>>
      %dma_start3A_2154 = arith.constant 0 : i32
      %dma_start3A_2155 = arith.constant 0 : i32
      %dma_start3A_2156 = tpu.memref_slice %arg14[%dma_start3A_2154, %dma_start3A_2155] : memref<512x128xf32, #tpu.memory_space<vmem_shared>> -> memref<512x128xf32, #tpu.memory_space<vmem_shared>>
      tpu.enqueue_indirect_dma source(%dma_start3A_2150 : memref<128x128xf32, #tpu.memory_space<vmem>>) target(%dma_start3A_2156 : memref<512x128xf32, #tpu.memory_space<vmem_shared>>) offsets(%dma_start3A_2153 : memref<128xi32, #tpu.memory_space<vmem>>) semaphore(%arg18 : memref<!tpu.dma_semaphore, #tpu.memory_space<semaphore_mem>>) {add = true}
      %get3A_2157 = arith.constant 0 : i32
      %get3A_2158 = arith.index_cast %get3A_2157 : i32 to index
      %get3A_2159 = arith.constant 0 : index
      %get3A_2160 = tpu.vector_load %arg9[%get3A_2158, %get3A_2159] {strides = array<i32>} : memref<2x128xi32, #tpu.memory_space<vmem>>, vector<16xi32>,
      tpu.vector_store_idx %arg13[%get3A_2160], %broadcast_in_dim3A_3 {add = true} : memref<512xf32, #tpu.memory_space<vmem>>[vector<16xi32>], vector<16xf32>,
      %get3A_2161 = arith.constant 0 : i32
      %get3A_2162 = arith.index_cast %get3A_2161 : i32 to index
      %get3A_2163 = arith.constant 16 : index
      %get3A_2164 = tpu.vector_load %arg9[%get3A_2162, %get3A_2163] {strides = array<i32>} : memref<2x128xi32, #tpu.memory_space<vmem>>, vector<16xi32>,
      tpu.vector_store_idx %arg13[%get3A_2164], %broadcast_in_dim3A_3 {add = true} : memref<512xf32, #tpu.memory_space<vmem>>[vector<16xi32>], vector<16xf32>,
      %get3A_2165 = arith.constant 0 : i32
      %get3A_2166 = arith.index_cast %get3A_2165 : i32 to index
      %get3A_2167 = arith.constant 32 : index
      %get3A_2168 = tpu.vector_load %arg9[%get3A_2166, %get3A_2167] {strides = array<i32>} : memref<2x128xi32, #tpu.memory_space<vmem>>, vector<16xi32>,
      tpu.vector_store_idx %arg13[%get3A_2168], %broadcast_in_dim3A_3 {add = true} : memref<512xf32, #tpu.memory_space<vmem>>[vector<16xi32>], vector<16xf32>,
      %get3A_2169 = arith.constant 0 : i32
      %get3A_2170 = arith.index_cast %get3A_2169 : i32 to index
      %get3A_2171 = arith.constant 48 : index
      %get3A_2172 = tpu.vector_load %arg9[%get3A_2170, %get3A_2171] {strides = array<i32>} : memref<2x128xi32, #tpu.memory_space<vmem>>, vector<16xi32>,
      tpu.vector_store_idx %arg13[%get3A_2172], %broadcast_in_dim3A_3 {add = true} : memref<512xf32, #tpu.memory_space<vmem>>[vector<16xi32>], vector<16xf32>,
      %get3A_2173 = arith.constant 0 : i32
      %get3A_2174 = arith.index_cast %get3A_2173 : i32 to index
      %get3A_2175 = arith.constant 64 : index
      %get3A_2176 = tpu.vector_load %arg9[%get3A_2174, %get3A_2175] {strides = array<i32>} : memref<2x128xi32, #tpu.memory_space<vmem>>, vector<16xi32>,
      tpu.vector_store_idx %arg13[%get3A_2176], %broadcast_in_dim3A_3 {add = true} : memref<512xf32, #tpu.memory_space<vmem>>[vector<16xi32>], vector<16xf32>,
      %get3A_2177 = arith.constant 0 : i32
      %get3A_2178 = arith.index_cast %get3A_2177 : i32 to index
      %get3A_2179 = arith.constant 80 : index
      %get3A_2180 = tpu.vector_load %arg9[%get3A_2178, %get3A_2179] {strides = array<i32>} : memref<2x128xi32, #tpu.memory_space<vmem>>, vector<16xi32>,
      tpu.vector_store_idx %arg13[%get3A_2180], %broadcast_in_dim3A_3 {add = true} : memref<512xf32, #tpu.memory_space<vmem>>[vector<16xi32>], vector<16xf32>,
      %get3A_2181 = arith.constant 0 : i32
      %get3A_2182 = arith.index_cast %get3A_2181 : i32 to index
      %get3A_2183 = arith.constant 96 : index
      %get3A_2184 = tpu.vector_load %arg9[%get3A_2182, %get3A_2183] {strides = array<i32>} : memref<2x128xi32, #tpu.memory_space<vmem>>, vector<16xi32>,
      tpu.vector_store_idx %arg13[%get3A_2184], %broadcast_in_dim3A_3 {add = true} : memref<512xf32, #tpu.memory_space<vmem>>[vector<16xi32>], vector<16xf32>,
      %get3A_2185 = arith.constant 0 : i32
      %get3A_2186 = arith.index_cast %get3A_2185 : i32 to index
      %get3A_2187 = arith.constant 112 : index
      %get3A_2188 = tpu.vector_load %arg9[%get3A_2186, %get3A_2187] {strides = array<i32>} : memref<2x128xi32, #tpu.memory_space<vmem>>, vector<16xi32>,
      tpu.vector_store_idx %arg13[%get3A_2188], %broadcast_in_dim3A_3 {add = true} : memref<512xf32, #tpu.memory_space<vmem>>[vector<16xi32>], vector<16xf32>,
      %get3A_2189 = arith.constant 1 : i32
      %get3A_2190 = arith.index_cast %get3A_2189 : i32 to index
      %get3A_2191 = arith.constant 0 : index
      %get3A_2192 = tpu.vector_load %arg9[%get3A_2190, %get3A_2191] {strides = array<i32>} : memref<2x128xi32, #tpu.memory_space<vmem>>, vector<16xi32>,
      tpu.vector_store_idx %arg13[%get3A_2192], %broadcast_in_dim3A_3 {add = true} : memref<512xf32, #tpu.memory_space<vmem>>[vector<16xi32>], vector<16xf32>,
      %get3A_2193 = arith.constant 1 : i32
      %get3A_2194 = arith.index_cast %get3A_2193 : i32 to index
      %get3A_2195 = arith.constant 16 : index
      %get3A_2196 = tpu.vector_load %arg9[%get3A_2194, %get3A_2195] {strides = array<i32>} : memref<2x128xi32, #tpu.memory_space<vmem>>, vector<16xi32>,
      tpu.vector_store_idx %arg13[%get3A_2196], %broadcast_in_dim3A_3 {add = true} : memref<512xf32, #tpu.memory_space<vmem>>[vector<16xi32>], vector<16xf32>,
    } else {
    }
    %dma_wait3A_2012 = arith.constant 0 : i32
    %dma_wait3A_2013 = arith.constant 0 : i32
    %dma_wait3A_2014 = arith.constant 0 : i32
    %dma_wait3A_2015 = tpu.memref_slice %arg7[%dma_wait3A_2013, %dma_wait3A_2014] : memref<256x128xf32, #tpu.memory_space<vmem>> -> memref<128x128xf32, #tpu.memory_space<vmem>>
    %dma_wait3A_2016 = arith.constant 0 : i32
    %dma_wait3A_2017 = tpu.memref_slice %arg10[%dma_wait3A_2012, %dma_wait3A_2016] : memref<2x128xi32, #tpu.memory_space<vmem>> -> memref<1x128xi32, #tpu.memory_space<vmem>>
    %dma_wait3A_2018 = tpu.memref_squeeze %dma_wait3A_2017 : memref<1x128xi32, #tpu.memory_space<vmem>> -> memref<128xi32, #tpu.memory_space<vmem>>
    %dma_wait3A_2019 = arith.constant 0 : i32
    %dma_wait3A_2020 = arith.constant 0 : i32
    %dma_wait3A_2021 = tpu.memref_slice %arg14[%dma_wait3A_2019, %dma_wait3A_2020] : memref<512x128xf32, #tpu.memory_space<vmem_shared>> -> memref<512x128xf32, #tpu.memory_space<vmem_shared>>
    tpu.wait_indirect_dma semaphore(%arg19 : memref<!tpu.dma_semaphore, #tpu.memory_space<semaphore_mem>>) src(%dma_wait3A_2015 : memref<128x128xf32, #tpu.memory_space<vmem>>) dst(%dma_wait3A_2021 : memref<512x128xf32, #tpu.memory_space<vmem_shared>>)
    %dma_wait3A_2022 = arith.constant 1 : i32
    %dma_wait3A_2023 = arith.constant 128 : i32
    %dma_wait3A_2024 = arith.constant 0 : i32
    %dma_wait3A_2025 = tpu.memref_slice %arg7[%dma_wait3A_2023, %dma_wait3A_2024] : memref<256x128xf32, #tpu.memory_space<vmem>> -> memref<128x128xf32, #tpu.memory_space<vmem>>
    %dma_wait3A_2026 = arith.constant 0 : i32
    %dma_wait3A_2027 = tpu.memref_slice %arg10[%dma_wait3A_2022, %dma_wait3A_2026] : memref<2x128xi32, #tpu.memory_space<vmem>> -> memref<1x128xi32, #tpu.memory_space<vmem>>
    %dma_wait3A_2028 = tpu.memref_squeeze %dma_wait3A_2027 : memref<1x128xi32, #tpu.memory_space<vmem>> -> memref<128xi32, #tpu.memory_space<vmem>>
    %dma_wait3A_2029 = arith.constant 0 : i32
    %dma_wait3A_2030 = arith.constant 0 : i32
    %dma_wait3A_2031 = tpu.memref_slice %arg14[%dma_wait3A_2029, %dma_wait3A_2030] : memref<512x128xf32, #tpu.memory_space<vmem_shared>> -> memref<512x128xf32, #tpu.memory_space<vmem_shared>>
    tpu.wait_indirect_dma semaphore(%arg19 : memref<!tpu.dma_semaphore, #tpu.memory_space<semaphore_mem>>) src(%dma_wait3A_2025 : memref<128x128xf32, #tpu.memory_space<vmem>>) dst(%dma_wait3A_2031 : memref<512x128xf32, #tpu.memory_space<vmem_shared>>)
    %dma_wait3A_2032 = arith.constant 0 : i32
    %dma_wait3A_2033 = arith.constant 0 : i32
    %dma_wait3A_2034 = arith.constant 0 : i32
    %dma_wait3A_2035 = tpu.memref_slice %arg8[%dma_wait3A_2033, %dma_wait3A_2034] : memref<256x128xf32, #tpu.memory_space<vmem>> -> memref<128x128xf32, #tpu.memory_space<vmem>>
    %dma_wait3A_2036 = arith.constant 0 : i32
    %dma_wait3A_2037 = tpu.memref_slice %arg11[%dma_wait3A_2032, %dma_wait3A_2036] : memref<2x128xi32, #tpu.memory_space<vmem>> -> memref<1x128xi32, #tpu.memory_space<vmem>>
    %dma_wait3A_2038 = tpu.memref_squeeze %dma_wait3A_2037 : memref<1x128xi32, #tpu.memory_space<vmem>> -> memref<128xi32, #tpu.memory_space<vmem>>
    %dma_wait3A_2039 = arith.constant 0 : i32
    %dma_wait3A_2040 = arith.constant 0 : i32
    %dma_wait3A_2041 = tpu.memref_slice %arg14[%dma_wait3A_2039, %dma_wait3A_2040] : memref<512x128xf32, #tpu.memory_space<vmem_shared>> -> memref<512x128xf32, #tpu.memory_space<vmem_shared>>
    tpu.wait_indirect_dma semaphore(%arg20 : memref<!tpu.dma_semaphore, #tpu.memory_space<semaphore_mem>>) src(%dma_wait3A_2035 : memref<128x128xf32, #tpu.memory_space<vmem>>) dst(%dma_wait3A_2041 : memref<512x128xf32, #tpu.memory_space<vmem_shared>>)
    %dma_wait3A_2042 = arith.constant 1 : i32
    %dma_wait3A_2043 = arith.constant 128 : i32
    %dma_wait3A_2044 = arith.constant 0 : i32
    %dma_wait3A_2045 = tpu.memref_slice %arg8[%dma_wait3A_2043, %dma_wait3A_2044] : memref<256x128xf32, #tpu.memory_space<vmem>> -> memref<128x128xf32, #tpu.memory_space<vmem>>
    %dma_wait3A_2046 = arith.constant 0 : i32
    %dma_wait3A_2047 = tpu.memref_slice %arg11[%dma_wait3A_2042, %dma_wait3A_2046] : memref<2x128xi32, #tpu.memory_space<vmem>> -> memref<1x128xi32, #tpu.memory_space<vmem>>
    %dma_wait3A_2048 = tpu.memref_squeeze %dma_wait3A_2047 : memref<1x128xi32, #tpu.memory_space<vmem>> -> memref<128xi32, #tpu.memory_space<vmem>>
    %dma_wait3A_2049 = arith.constant 0 : i32
    %dma_wait3A_2050 = arith.constant 0 : i32
    %dma_wait3A_2051 = tpu.memref_slice %arg14[%dma_wait3A_2049, %dma_wait3A_2050] : memref<512x128xf32, #tpu.memory_space<vmem_shared>> -> memref<512x128xf32, #tpu.memory_space<vmem_shared>>
    tpu.wait_indirect_dma semaphore(%arg20 : memref<!tpu.dma_semaphore, #tpu.memory_space<semaphore_mem>>) src(%dma_wait3A_2045 : memref<128x128xf32, #tpu.memory_space<vmem>>) dst(%dma_wait3A_2051 : memref<512x128xf32, #tpu.memory_space<vmem_shared>>)
    %or3A = arith.ori %lt3A_75, %eq3A_76 : i1
    %convert_element_type3A_2052 = arith.extui %or3A : i1 to i32
    %cond3A_2053 = arith.constant 0 : i32
    %cond3A_2054 = arith.cmpi ne, %convert_element_type3A_2052, %cond3A_2053 : i32
    scf.if %cond3A_2054 {
      %dma_wait3A_2060 = arith.constant 0 : i32
      %dma_wait3A_2061 = arith.constant 0 : i32
      %dma_wait3A_2062 = arith.constant 0 : i32
      %dma_wait3A_2063 = tpu.memref_slice %arg6[%dma_wait3A_2061, %dma_wait3A_2062] : memref<256x128xf32, #tpu.memory_space<vmem>> -> memref<128x128xf32, #tpu.memory_space<vmem>>
      %dma_wait3A_2064 = arith.constant 0 : i32
      %dma_wait3A_2065 = tpu.memref_slice %arg9[%dma_wait3A_2060, %dma_wait3A_2064] : memref<2x128xi32, #tpu.memory_space<vmem>> -> memref<1x128xi32, #tpu.memory_space<vmem>>
      %dma_wait3A_2066 = tpu.memref_squeeze %dma_wait3A_2065 : memref<1x128xi32, #tpu.memory_space<vmem>> -> memref<128xi32, #tpu.memory_space<vmem>>
      %dma_wait3A_2067 = arith.constant 0 : i32
      %dma_wait3A_2068 = arith.constant 0 : i32
      %dma_wait3A_2069 = tpu.memref_slice %arg14[%dma_wait3A_2067, %dma_wait3A_2068] : memref<512x128xf32, #tpu.memory_space<vmem_shared>> -> memref<512x128xf32, #tpu.memory_space<vmem_shared>>
      tpu.wait_indirect_dma semaphore(%arg18 : memref<!tpu.dma_semaphore, #tpu.memory_space<semaphore_mem>>) src(%dma_wait3A_2063 : memref<128x128xf32, #tpu.memory_space<vmem>>) dst(%dma_wait3A_2069 : memref<512x128xf32, #tpu.memory_space<vmem_shared>>)
      %dma_wait3A_2070 = arith.constant 1 : i32
      %dma_wait3A_2071 = arith.constant 128 : i32
      %dma_wait3A_2072 = arith.constant 0 : i32
      %dma_wait3A_2073 = tpu.memref_slice %arg6[%dma_wait3A_2071, %dma_wait3A_2072] : memref<256x128xf32, #tpu.memory_space<vmem>> -> memref<128x128xf32, #tpu.memory_space<vmem>>
      %dma_wait3A_2074 = arith.constant 0 : i32
      %dma_wait3A_2075 = tpu.memref_slice %arg9[%dma_wait3A_2070, %dma_wait3A_2074] : memref<2x128xi32, #tpu.memory_space<vmem>> -> memref<1x128xi32, #tpu.memory_space<vmem>>
      %dma_wait3A_2076 = tpu.memref_squeeze %dma_wait3A_2075 : memref<1x128xi32, #tpu.memory_space<vmem>> -> memref<128xi32, #tpu.memory_space<vmem>>
      %dma_wait3A_2077 = arith.constant 0 : i32
      %dma_wait3A_2078 = arith.constant 0 : i32
      %dma_wait3A_2079 = tpu.memref_slice %arg14[%dma_wait3A_2077, %dma_wait3A_2078] : memref<512x128xf32, #tpu.memory_space<vmem_shared>> -> memref<512x128xf32, #tpu.memory_space<vmem_shared>>
      tpu.wait_indirect_dma semaphore(%arg18 : memref<!tpu.dma_semaphore, #tpu.memory_space<semaphore_mem>>) src(%dma_wait3A_2073 : memref<128x128xf32, #tpu.memory_space<vmem>>) dst(%dma_wait3A_2079 : memref<512x128xf32, #tpu.memory_space<vmem_shared>>)
    } else {
    }
    "tpu.region"() ({
      %run_scoped3A = tpu.sem_alloc : memref<!tpu.dma_semaphore, #tpu.memory_space<semaphore_mem>>
      %dma_start3A_2060 = arith.constant 0 : i32
      %dma_start3A_2061 = tpu.memref_slice %arg5[%add3A, %dma_start3A_2060] : memref<32x512xf32, #tpu.memory_space<hbm>> -> memref<1x512xf32, #tpu.memory_space<hbm>>
      %dma_start3A_2062 = tpu.memref_squeeze %dma_start3A_2061 : memref<1x512xf32, #tpu.memory_space<hbm>> -> memref<512xf32, #tpu.memory_space<hbm>>
      %dma_start3A_2063 = arith.constant 0 : i32
      %dma_start3A_2064 = tpu.memref_slice %arg5[%add3A, %dma_start3A_2063] : memref<32x512xf32, #tpu.memory_space<hbm>> -> memref<1x512xf32, #tpu.memory_space<hbm>>
      %dma_start3A_2065 = tpu.memref_squeeze %dma_start3A_2064 : memref<1x512xf32, #tpu.memory_space<hbm>> -> memref<512xf32, #tpu.memory_space<hbm>>
      tpu.enqueue_dma source(%arg13 : memref<512xf32, #tpu.memory_space<vmem>>) target(%dma_start3A_2065 : memref<512xf32, #tpu.memory_space<hbm>>) target_semaphore(%run_scoped3A : memref<!tpu.dma_semaphore, #tpu.memory_space<semaphore_mem>>)
      %dma_wait3A_2066 = arith.constant 0 : i32
      %dma_wait3A_2067 = tpu.memref_slice %arg5[%add3A, %dma_wait3A_2066] : memref<32x512xf32, #tpu.memory_space<hbm>> -> memref<1x512xf32, #tpu.memory_space<hbm>>
      %dma_wait3A_2068 = tpu.memref_squeeze %dma_wait3A_2067 : memref<1x512xf32, #tpu.memory_space<hbm>> -> memref<512xf32, #tpu.memory_space<hbm>>
      %dma_wait3A_2069 = arith.constant 0 : i32
      %dma_wait3A_2070 = tpu.memref_slice %arg5[%add3A, %dma_wait3A_2069] : memref<32x512xf32, #tpu.memory_space<hbm>> -> memref<1x512xf32, #tpu.memory_space<hbm>>
      %dma_wait3A_2071 = tpu.memref_squeeze %dma_wait3A_2070 : memref<1x512xf32, #tpu.memory_space<hbm>> -> memref<512xf32, #tpu.memory_space<hbm>>
      tpu.wait_dma2 semaphore(%run_scoped3A : memref<!tpu.dma_semaphore, #tpu.memory_space<semaphore_mem>>) src(%arg13 : memref<512xf32, #tpu.memory_space<vmem>>) dst(%dma_wait3A_2071 : memref<512xf32, #tpu.memory_space<hbm>>)
      tpu.yield
    }) : () -> ()
    %barrier3A_2055 = arith.constant 0 : index
    tpu.barrier barrier_id(%barrier3A_2055)
    %mul3A_2056 = arith.constant 32 : i32
    %mul3A_2057 = arith.muli %arg1, %mul3A_2056 : i32
    %mul3A_2058 = arith.constant 32 : i32
    %mul3A_2059 = arith.muli %arg1, %mul3A_2058 : i32
    "tpu.region"() ({
      %run_scoped3A = tpu.sem_alloc : memref<!tpu.dma_semaphore, #tpu.memory_space<semaphore_mem>>
      %dma_start3A_2060 = arith.constant 0 : i32
      %dma_start3A_2061 = tpu.memref_slice %arg4[%arg0, %mul3A_2059, %dma_start3A_2060] : memref<2x512x128xf32, #tpu.memory_space<hbm>> -> memref<1x32x128xf32, #tpu.memory_space<hbm>>
      %dma_start3A_2062 = tpu.memref_squeeze %dma_start3A_2061 : memref<1x32x128xf32, #tpu.memory_space<hbm>> -> memref<32x128xf32, #tpu.memory_space<hbm>>
      %dma_start3A_2063 = arith.constant 0 : i32
      %dma_start3A_2064 = tpu.memref_slice %arg14[%mul3A_2057, %dma_start3A_2063] : memref<512x128xf32, #tpu.memory_space<vmem_shared>> -> memref<32x128xf32, #tpu.memory_space<vmem_shared>>
      tpu.enqueue_dma source(%dma_start3A_2064 : memref<32x128xf32, #tpu.memory_space<vmem_shared>>) target(%dma_start3A_2062 : memref<32x128xf32, #tpu.memory_space<hbm>>) target_semaphore(%run_scoped3A : memref<!tpu.dma_semaphore, #tpu.memory_space<semaphore_mem>>)
      %dma_wait3A_2065 = arith.constant 0 : i32
      %dma_wait3A_2066 = tpu.memref_slice %arg4[%arg0, %mul3A_2059, %dma_wait3A_2065] : memref<2x512x128xf32, #tpu.memory_space<hbm>> -> memref<1x32x128xf32, #tpu.memory_space<hbm>>
      %dma_wait3A_2067 = tpu.memref_squeeze %dma_wait3A_2066 : memref<1x32x128xf32, #tpu.memory_space<hbm>> -> memref<32x128xf32, #tpu.memory_space<hbm>>
      %dma_wait3A_2068 = arith.constant 0 : i32
      %dma_wait3A_2069 = tpu.memref_slice %arg14[%mul3A_2057, %dma_wait3A_2068] : memref<512x128xf32, #tpu.memory_space<vmem_shared>> -> memref<32x128xf32, #tpu.memory_space<vmem_shared>>
      tpu.wait_dma2 semaphore(%run_scoped3A : memref<!tpu.dma_semaphore, #tpu.memory_space<semaphore_mem>>) src(%dma_wait3A_2069 : memref<32x128xf32, #tpu.memory_space<vmem_shared>>) dst(%dma_wait3A_2067 : memref<32x128xf32, #tpu.memory_space<hbm>>)
      tpu.yield
    }) : () -> ()
    return
  }
}

module attributes {stable_mosaic.version = 14 : i64} {
  func.func @_combine_body(%arg0: memref<2x512x128xf32, #tpu.memory_space<vmem>>, %arg1: memref<32x512xf32, #tpu.memory_space<vmem>>, %arg2: memref<512x128xf32, #tpu.memory_space<vmem>>) attributes {dimension_semantics = [], scalar_prefetch = 0 : i64, scratch_operands = 0 : i64, tpu.core_type = #tpu.core_type<tc>} {
    %get3A = arith.constant 0 : index
    %get3A_0 = arith.constant 0 : index
    %get3A_1 = arith.constant 0 : index
    %get3A_2 = vector.load %arg0[%get3A, %get3A_0, %get3A_1] : memref<2x512x128xf32, #tpu.memory_space<vmem>>, vector<1x512x128xf32>
    %get3A_3 = vector.shape_cast %get3A_2 : vector<1x512x128xf32> to vector<512x128xf32>
    %get3A_4 = arith.constant 1 : index
    %get3A_5 = arith.constant 0 : index
    %get3A_6 = arith.constant 0 : index
    %get3A_7 = vector.load %arg0[%get3A_4, %get3A_5, %get3A_6] : memref<2x512x128xf32, #tpu.memory_space<vmem>>, vector<1x512x128xf32>
    %get3A_8 = vector.shape_cast %get3A_7 : vector<1x512x128xf32> to vector<512x128xf32>
    %add3A = arith.addf %get3A_3, %get3A_8 : vector<512x128xf32>
    %get3A_9 = arith.constant 0 : index
    %get3A_10 = arith.constant 0 : index
    %get3A_11 = vector.load %arg1[%get3A_9, %get3A_10] : memref<32x512xf32, #tpu.memory_space<vmem>>, vector<32x512xf32>
    %reduce_sum3A = arith.constant dense<0.000000e+00> : vector<512xf32>
    %reduce_sum3A_12 = vector.multi_reduction <add>, %get3A_11, %reduce_sum3A [0] : vector<32x512xf32> to vector<512xf32>
    %max3A = arith.constant 1.000000e+00 : f32
    %max3A_13 = vector.broadcast %max3A : f32 to vector<512xf32>
    %max3A_14 = arith.maximumf %reduce_sum3A_12, %max3A_13 : vector<512xf32>
    %broadcast_in_dim3A = vector.shape_cast %max3A_14 : vector<512xf32> to vector<512x1xf32>
    %div3A = vector.broadcast %broadcast_in_dim3A : vector<512x1xf32> to vector<512x128xf32>
    %div3A_15 = arith.divf %add3A, %div3A : vector<512x128xf32>
    %swap3A = arith.constant 0 : index
    %swap3A_16 = arith.constant 0 : index
    %swap3A_17 = vector.load %arg2[%swap3A, %swap3A_16] : memref<512x128xf32, #tpu.memory_space<vmem>>, vector<512x128xf32>
    tpu.vector_store %arg2[%swap3A, %swap3A_16], %div3A_15 {strides = array<i32>} : memref<512x128xf32, #tpu.memory_space<vmem>>, vector<512x128xf32>,
    return
  }
}

</mosaic_0001>

<sc_bundles>
// kernel: kernel.4.cloned.1.call-start
scs
__scs_entry_jumppad:
0x0: {  	(pc) =	sbr.rel $0x88, $3  }
0x1: {  	(tag) =	ssettag $0x0;
	lr =	simm.s32 $0x1  }
0x2: {  	[smem:$0x3F9F] =	sst lr;
	_ =	strace $0xD0000000  }
0x3: {  	_ = 	snop  }
0x4: {  	_ = 	snop  }
0x5: {  	_ = 	snop  }
0x6: {  	_ = 	snop  }
0x7: {  	_ = 	snop  }
__scs_overlays_trampoline_lowered:
0x8: {  	[smem:$0x3FAE] =	sst s0  }
0x9: {  	[smem:$0x3FAF] =	sst s1  }
0xa: {  	[smem:$0x3FB0] =	sst s2  }
0xb: {  	[smem:$0x3FB1] =	sst s3  }
0xc: {  	[smem:$0x3FB2] =	sst s4  }
0xd: {  	[smem:$0x3FB3] =	sst s5  }
0xe: {  	[smem:$0x3FB4] =	sst s6  }
0xf: {  	[smem:$0x3FB5] =	sst s7  }
0x10: {  	[smem:$0x3FB6] =	sst s8  }
0x11: {  	[smem:$0x3FB7] =	sst s9;
	s0 =	simm.s32 @!p0 $0x0  }
0x12: {  	s1 =	sld [smem:$0x3F9D];
	s0 =	simm.s32 @p0 $0x1  }
0x13: {  	[smem:$0x3FB8] =	sst s0;
	s0 =	simm.s32 @!p1 $0x0  }
0x14: {  	s2 =	sld [smem:$0x3F9C];
	s0 =	simm.s32 @p1 $0x1  }
0x15: {  	[smem:$0x3FB9] =	sst s0;
	s0 =	simm.s32 @!p2 $0x0  }
0x16: {  	s3 =	sld [smem:$0x3FDB];
	s0 =	simm.s32 @p2 $0x1  }
0x17: {  	s4 =	simm.s32 $0x1BF5;
	[smem:$0x3FBB] =	sst s0  }
0x18: {  	s0 =	sld [smem:$0x3F9E];
	_ =	swait.ge [sflag:s4], $0x0  }
0x19: {  	s7 =	sld [smem:$0x3F9F]  }
0x1a: {  	s8 =	sadd.s32 $0xFFFFE003, lr  }
0x1b: {  	s9 =	sadd.s32 $0xFFFFFEF7, lr;
	s5 =	simm.s32 $0xFFFFFFFF;
	p2 =	slt.u32 s8, $0xFFFFF086  }
0x1c: {  	p1 =	slt.u32 s9, $0xF7A;
	s5 =	simm.s32 @!p2 $0x0  }
0x1d: {  	s5 =	simm.s32 @p1 $0x1;
	p0 =	seq.s32 s7, s2  }
0x1e: {  	s7 =	smul.u32 @!p0 $0xF7A, s2;
	p2 =	seq.s32 @!p0 s5, $0x0  }
0x1f: {  	s9 =	smul.u32 $0xF7A, s1;
	s8 =	simm.s32 @!p0 $0x1BF5;
	p2 =	por !p2, p0  }
0x20: {  	[sflag:s8] =	ssyncset.s32 @!p0 $0xFFFFF086;
	s6 =	sadd.s32 @!p0 s3, s7;
	s7 =	simm.s32 @!p0 $0x108  }
0x21: {  	s3 =	sadd.s32 s3, s9;
	s6 =	sadd.s32 @!p0 $0x88, s6;
	s7 =	simm.s32 @p2 $0x1082  }
0x22: {  	[simem:s7], [sflag:s8] =	dma.local @!p0 [hbm:s6], $0xF7A  }
0x23: {  	s9 =	sor.u32 $0xD0000000, s2;
	s6 =	simm.s32 $0x108;
	_ =	swait.ge @!p0 [sflag:s8], $0x0  }
0x24: {  	s3 =	sadd.s32 $0x88, s3;
	s6 =	simm.s32 @!p1 $0x1082;
	[sflag:s4] =	ssyncset.s32 $0xFFFFF086  }
0x25: {  	[simem:s6], [sflag:s4] =	dma.local [hbm:s3], $0xF7A  }
0x26: {  	[smem:$0x3F9F] =	sst s1;
	(tag) =	ssettag s2;
	_ =	strace s9  }
0x27: {  	s1 =	sld [smem:$0x3FAF]  }
0x28: {  	s2 =	sld [smem:$0x3FB0]  }
0x29: {  	s4 =	sld [smem:$0x3FB2]  }
0x2a: {  	p0 =	seq.s32 s5, $0x0;
	s5 =	sld [smem:$0x3FB3]  }
0x2b: {  	s6 =	sld [smem:$0x3FB4]  }
0x2c: {  	s7 =	sld [smem:$0x3FB5]  }
0x2d: {  	s3 =	simm.s32 $0x108;
	s8 =	sld [smem:$0x3FB6]  }
0x2e: {  	s3 =	simm.s32 @!p0 $0x1082;
	s9 =	sld [smem:$0x3FB7]  }
0x2f: {  	lr =	sadd.s32 s0, s3;
	s0 =	sld [smem:$0x3FAE]  }
0x30: {  	s3 =	sld [smem:$0x3FB1]  }
0x31: {  	[smem:$0x3FBA] =	sst s10  }
0x32: {  	s10 =	sld [smem:$0x3FB8];
	_ =	sdelay $0x3  }
0x33: {  	p0 =	seq.s32 s10, $0x1;
	s10 =	sld [smem:$0x3FBA];
	_ =	sdelay $0x3  }
0x34: {  	[smem:$0x3FBA] =	sst s10  }
0x35: {  	s10 =	sld [smem:$0x3FB9];
	_ =	sdelay $0x3  }
0x36: {  	p1 =	seq.s32 s10, $0x1;
	s10 =	sld [smem:$0x3FBA];
	_ =	sdelay $0x3  }
0x37: {  	[smem:$0x3FBA] =	sst s10  }
0x38: {  	s10 =	sld [smem:$0x3FBB]  }
0x39: {  	_ = 	snop;
	(pc) =	sbr.ind lr, $3  }
0x3a: {  	_ = 	snop  }
0x3b: {  	_ = 	snop  }
0x3c: {  	p2 =	seq.s32 s10, $0x1;
	s10 =	sld [smem:$0x3FBA]  }
0x3d: {  	_ =	shalt  }
0x3e: {  	_ =	shalt  }
0x3f: {  	_ =	shalt  }
0x40: {  	_ =	shalt  }
0x41: {  	_ =	shalt  }
0x42: {  	_ =	shalt  }
0x43: {  	_ =	shalt  }
0x44: {  	_ =	shalt  }
0x45: {  	_ =	shalt  }
0x46: {  	_ =	shalt  }
0x47: {  	_ =	shalt  }
0x48: {  	_ =	shalt  }
0x49: {  	_ =	shalt  }
0x4a: {  	_ =	shalt  }
0x4b: {  	_ =	shalt  }
0x4c: {  	_ =	shalt  }
0x4d: {  	_ =	shalt  }
0x4e: {  	_ =	shalt  }
0x4f: {  	_ =	shalt  }
0x50: {  	_ =	shalt  }
0x51: {  	_ =	shalt  }
0x52: {  	_ =	shalt  }
0x53: {  	_ =	shalt  }
0x54: {  	_ =	shalt  }
0x55: {  	_ =	shalt  }
0x56: {  	_ =	shalt  }
0x57: {  	_ =	shalt  }
0x58: {  	_ =	shalt  }
0x59: {  	_ =	shalt  }
0x5a: {  	_ =	shalt  }
0x5b: {  	_ =	shalt  }
0x5c: {  	_ =	shalt  }
0x5d: {  	_ =	shalt  }
0x5e: {  	_ =	shalt  }
0x5f: {  	_ =	shalt  }
0x60: {  	_ =	shalt  }
0x61: {  	_ =	shalt  }
0x62: {  	_ =	shalt  }
0x63: {  	_ =	shalt  }
0x64: {  	_ =	shalt  }
0x65: {  	_ =	shalt  }
0x66: {  	_ =	shalt  }
0x67: {  	_ =	shalt  }
0x68: {  	_ =	shalt  }
0x69: {  	_ =	shalt  }
0x6a: {  	_ =	shalt  }
0x6b: {  	_ =	shalt  }
0x6c: {  	_ =	shalt  }
0x6d: {  	_ =	shalt  }
0x6e: {  	_ =	shalt  }
0x6f: {  	_ =	shalt  }
0x70: {  	_ =	shalt  }
0x71: {  	_ =	shalt  }
0x72: {  	_ =	shalt  }
0x73: {  	_ =	shalt  }
0x74: {  	_ =	shalt  }
0x75: {  	_ =	shalt  }
0x76: {  	_ =	shalt  }
0x77: {  	_ =	shalt  }
0x78: {  	_ =	shalt  }
0x79: {  	_ =	shalt  }
0x7a: {  	_ =	shalt  }
0x7b: {  	_ =	shalt  }
0x7c: {  	_ =	shalt  }
0x7d: {  	_ =	shalt  }
0x7e: {  	_ =	shalt  }
0x7f: {  	_ =	shalt  }
0x80: {  	_ =	shalt  }
0x81: {  	_ =	shalt  }
0x82: {  	_ =	shalt  }
0x83: {  	_ =	shalt  }
0x84: {  	_ =	shalt  }
0x85: {  	_ =	shalt  }
0x86: {  	_ =	shalt  }
0x87: {  	_ =	shalt  }
.Lfunc_end0:
.L_simem_size_0:
called_computation_lowered:
.L_overlay_start_0:
0x88: {  	s2 =	sld [smem:$0x3FD9]  }
0x89: {  	s3 =	sld [smem:$0x3FFE];
	_ =	sdelay $0x1  }
0x8a: {  	s1 =	srdreg.scid  }
0x8b: {  	s0 =	sand.u32 $0x1, s1  }
0x8c: {  	s17 =	sshll.u32 s0, $0xA;
	s2 =	sadd.s32 s3, s2  }
0x8d: {  	s2 =	sadd.s32 s2, s17  }
0x8e: {  	[smem:$0x3FC6] =	sst s2  }
0x8f: {  	_ = 	snop  }
0x90: {  	s2 =	sld [smem:$0x3FC9]  }
0x91: {  	s18 =	sld [smem:$0x3FC8]  }
0x92: {  	s4 =	sld [smem:$0x3FD0];
	(tm) =	ssettm $0x1  }
0x93: {  	s5 =	sld [smem:$0x3FFB];
	_ =	sdelay $0x3  }
0x94: {  	_ =	strace s5  }
0x95: {  	s5 =	sld [smem:$0x3FFC];
	_ =	sdelay $0x3  }
0x96: {  	_ =	strace s5  }
0x97: {  	s5 =	sld [smem:$0x3FFD];
	_ =	sdelay $0x3  }
0x98: {  	_ =	strace s5  }
0x99: {  	_ =	strace $0x8FFFFFFF  }
0x9a: {  	s19 =	sld [smem:$0x3FDB];
	_ =	sdelay $0x1  }
0x9b: {  	s6 =	simm.s32 $_scs_section_size  }
0x9c: {  	s7 =	simm.s32 $_size__tile_overlayer_lowered;
	s8 =	simm.s32 $_tile_overlayer_lowered  }
0x9d: {  	s22 =	simm.s32 $0x1BFF;
	s21 =	sshll.u32 s8, $0x1;
	s5 =	sadd.s32 s6, s19  }
0x9e: {  	s9 =	simm.s32 $0x0;
	s20 =	sshll.u32 s7, $0x1;
	s7 =	sadd.s32 s21, s5  }
0x9f: {  	[timem:s9], [sflag:s22] =	dma.local [hbm:s7], s20  }
0xa0: {  	_ =	swait.ge [sflag:s22], s20  }
0xa1: {  	s6 =	ssub.s32 $0x0, s20;
	[sflag:s22] =	ssyncset.done $0x0  }
0xa2: {  	[sflag:s22] =	ssyncadd.s32 s6;
	_ =	sdelay $0x1  }
0xa3: {  	s23 =	simm.s32 $0x1B8B  }
0xa4: {  	_ =	swait.ge [sflag:s23], $0x1  }
0xa5: {  	[sflag:s23] =	ssyncset.done $0x0  }
0xa6: {  	s25 =	simm.s32 $0x1B8E;
	s24 =	sld [smem:$0x3FFE];
	[sflag:s23] =	ssyncadd.s32 $0xFFFFFFFF  }
0xa7: {  	s26 =	simm.s32 $execute0_lowered;
	[smem:$0x3FD2] =	sst s25  }
0xa8: {  	s7 =	sshll.u32 s26, $0x1;
	_ =	strace $0x80000046;
	[dreg:$0x1] =	wrdreg $0xFFFFFFFF  }
0xa9: {  	s28 =	simm.s32 $_size_execute0_lowered;
	s5 =	sadd.s32 s5, s7;
	[dreg:$0x0] =	wrdreg $0x0  }
0xaa: {  	s7 =	sshll.u32 s28, $0x1;
	[dreg:$0x2] =	wrdreg s5  }
0xab: {  	[dreg:$0x3] =	wrdreg s7  }
0xac: {  	[dreg:$0x4] =	wrdreg $0xC0  }
0xad: {  	_ =	task [dreg:s9], $0x5FFFF  }
0xae: {  	[dreg:$0x1] =	wrdreg $0xFFFFFFFF  }
0xaf: {  	[dreg:$0x0] =	wrdreg $0x60  }
0xb0: {  	[dreg:$0x2] =	wrdreg s2  }
0xb1: {  	[dreg:$0x3] =	wrdreg s18  }
0xb2: {  	[dreg:$0x4] =	wrdreg s24  }
0xb3: {  	[dreg:$0x5] =	wrdreg s4  }
0xb4: {  	[dreg:$0x6] =	wrdreg $0x195000  }
0xb5: {  	[dreg:$0x7] =	wrdreg $0x9  }
0xb6: {  	_ =	task.clear_ibuf [dreg:s9], $0x8FFFF;
	_ =	strace $0x90000046  }
0xb7: {  	s29 =	simm.s32 $0x9;
	_ =	strace $0x80000048  }
0xb8: {  	_ =	swait.ge [sflag:s29], $0x1  }
0xb9: {  	[sflag:s29] =	ssyncadd.s32 $0xFFFFFFFF  }
0xba: {  	_ =	strace $0x90000048  }
0xbb: {  	_ =	sfence  }
0xbc: {  	s30 =	sld [smem:$0x0];
	_ =	sdelay $0x2  }
0xbd: {  	s31 =	sshll.u32 s1, $0xD;
	s1 =	sshrl.u32 s1, $0x2  }
0xbe: {  	s3 =	sand.u32 $0x4000, s31;
	s1 =	sadd.s32 s1, s30  }
0xbf: {  	s0 =	sor.u32 s3, s0;
	s1 =	sshll.u32 s1, $0x11  }
0xc0: {  	s0 =	sor.u32 s1, s0  }
0xc1: {  	s0 =	sadd.s32 $0x8F2B, s0  }
0xc2: {  	[sflag:s0] =	ssyncadd.remote.s32 $0x1  }
0xc3: {  	_ =	sfence.sel $0xFFFF  }
0xc4: {  	[dreg:$0x0] =	wrdreg $0xFFFFFFFF;
	(pc) =	sbr.abs _section_cstart, $3  }
0xc5: {  	[dreg:$0x1] =	wrdreg $0xFFFFFFFF  }
0xc6: {  	_ =	task.clear_ibuf [dreg:s9], $0x2FFFF;
	_ =	strace $0x9FFFFFFF  }
0xc7: {  	(tm) =	ssettm $0x7FFFFFFF  }
tec
execute0_lowered:
.L_overlay_start_1:
0x0: {  	(tag) =	ssettag $0x1  }
0x1: {  	s0 =	rddreg [dreg:$0x0]  }
0x2: {  	s1 =	rddreg [dreg:$0x1]  }
0x3: {  	s4 =	rddreg [dreg:$0x2]  }
0x4: {  	s8 =	rddreg [dreg:$0x3]  }
0x5: {  	s2 =	rddreg [dreg:$0x4];
	s3 =	simm.s32 $0x0  }
0x6: {  	s16 =	stileid.u32;
	s5 =	srdreg.scid;
	s28 =	simm.s32 $0x18180  }
0x7: {  	[smem:$0x7FF] =	sst s3;
	s6 =	sshll.u32 s16, $0x9;
	s9 =	sand.u32 $0x1, s5  }
0x8: {  	s11 =	sshll.u32 s16, $0xC;
	_ =	strace $0x80000047;
	s10 =	sadd.s32 s6, s4  }
0x9: {  	s14 =	ssub.s32 $0x2, s9;
	s7 =	sshll.u32 s9, $0x4;
	s4 =	sadd.s32 s11, s2  }
0xa: {  	s9 =	sshll.u32 s9, $0xD;
	s15 =	sshrl.u32 s14, $0x1;
	s12 =	sor.u32 s16, s7  }
0xb: {  	s9 =	sadd.s32 s9, s10;
	s6 =	ssub.s32 s14, s15;
	s17 =	sshll.u32 s12, $0x5  }
0xc: {  	s18 =	sshll.u32 s12, $0xC;
	s7 =	sshll.u32 s12, $0x8;
	p0 =	sgt.u32 s12, $0x5  }
0xd: {  	p1 =	slt.u32 s12, $0x6;
	s5 =	sadd.s32 s1, s17;
	s11 =	sadd.s32 s0, s18  }
0xe: {  	s19 =	sor.u32 $0x2000, s7;
	s14 =	sor.u32 $0x4000, s7;
	s22 =	sor.u32 $0x6000, s7  }
0xf: {  	s24 =	sor.u32 $0x8000, s7;
	s17 =	sor.u32 $0xA000, s7;
	p3 =	sne.s32 @p0 s12, $0x1F  }
0x10: {  	p2 =	sne.s32 @!p1 s12, $0x1F;
	[dreg:$0x6] =	wrdreg s11;
	s13 =	sshrl.u32 s19, $0x3  }
0x11: {  	s11 =	sshll.u32 s19, $0x4;
	s20 =	sshrl.u32 s14, $0x3;
	s21 =	sshll.u32 s14, $0x4  }
0x12: {  	s23 =	sshrl.u32 s22, $0x3;
	s25 =	sshll.u32 s22, $0x4;
	s26 =	sshrl.u32 s24, $0x3  }
0x13: {  	s18 =	sshll.u32 s24, $0x4;
	s19 =	sshrl.u32 s17, $0x3;
	s22 =	sshll.u32 s12, $0x6  }
0x14: {  	s24 =	sor.u32 $0xC000, s7;
	p1 =	por p1, !p2;
	s13 =	sadd.s32 s1, s13  }
0x15: {  	p2 =	sne.s32 s12, $0x1F;
	s11 =	sadd.s32 s0, s11;
	[dreg:$0x7] =	wrdreg s13  }
0x16: {  	s14 =	sor.u32 $0x10000, s7;
	s15 =	sadd.s32 s1, s26;
	[dreg:$0x8] =	wrdreg s11  }
0x17: {  	s26 =	sor.u32 $0xE000, s7;
	s11 =	sadd.s32 s1, s20;
	[dreg:$0xd] =	wrdreg s15  }
0x18: {  	s15 =	sshll.u32 s16, $0x4;
	s13 =	sadd.s32 s0, s18;
	[dreg:$0x9] =	wrdreg s11  }
0x19: {  	s20 =	sadd.s32 s1, s19;
	s12 =	sshrl.u32 s26, $0x3;
	[dreg:$0xe] =	wrdreg s13  }
0x1a: {  	s18 =	sor.u32 $0x12000, s7;
	s11 =	sadd.s32 s0, s21;
	[dreg:$0xf] =	wrdreg s20  }
0x1b: {  	s21 =	sand.u32 $0x70, s15;
	s13 =	sshll.u32 s26, $0x4;
	s15 =	sshrl.u32 s14, $0x3  }
0x1c: {  	s20 =	sor.u32 $0x14000, s7;
	[dreg:$0xa] =	wrdreg s11;
	s11 =	sadd.s32 s1, s23  }
0x1d: {  	s8 =	sadd.s32 s8, s21;
	s23 =	sand.u32 $0x600, s22;
	s21 =	sshrl.u32 s20, $0x3  }
0x1e: {  	s22 =	sshll.u32 s20, $0x4;
	s20 =	sadd.s32 $0x810, s5;
	[dreg:$0xb] =	wrdreg s11  }
0x1f: {  	s11 =	sadd.s32 s0, s25;
	s8 =	sadd.s32 s23, s8;
	[smem:$0x7F7] =	sst s20  }
0x20: {  	s25 =	sshrl.u32 s24, $0x3;
	s23 =	sor.u32 $0x16000, s7;
	[dreg:$0xc] =	wrdreg s11  }
0x21: {  	s7 =	sor.u32 $0x18000, s7;
	s11 =	sshll.u32 s17, $0x4;
	[dreg:$0x11] =	wrdreg s8  }
0x22: {  	s8 =	sshll.u32 s24, $0x4;
	s10 =	sadd.s32 s1, s25;
	s24 =	sshrl.u32 s23, $0x3  }
0x23: {  	s25 =	sshll.u32 s23, $0x4;
	s23 =	sadd.s32 $0x1410, s5;
	[dreg:$0x12] =	wrdreg s10  }
0x24: {  	s26 =	sshrl.u32 s7, $0x3;
	s11 =	sadd.s32 s0, s11;
	[smem:$0x7FA] =	sst s23  }
0x25: {  	s7 =	sshll.u32 s7, $0x4;
	s8 =	sadd.s32 s0, s8;
	[dreg:$0x10] =	wrdreg s11  }
0x26: {  	s10 =	sshll.u32 s14, $0x4;
	s14 =	sadd.s32 s0, s7;
	[dreg:$0x13] =	wrdreg s8  }
0x27: {  	s29 =	simm.s32 $0x8000;
	s8 =	sadd.s32 s1, s12;
	[smem:$0x7F0] =	sst s14  }
0x28: {  	s19 =	sshrl.u32 s18, $0x3;
	s17 =	sadd.s32 s0, s10;
	[dreg:$0x14] =	wrdreg s8  }
0x29: {  	s30 =	simm.s32 $0x18200;
	s10 =	sadd.s32 s1, s19;
	[dreg:$0x17] =	wrdreg s17  }
0x2a: {  	s31 =	simm.s32 $0x18280;
	s11 =	sadd.s32 s1, s26;
	[dreg:$0x18] =	wrdreg s10  }
0x2b: {  	s12 =	sshll.u32 s16, $0x5;
	s16 =	sadd.s32 $0xC00, s9;
	[dreg:$0x1e] =	wrdreg s11  }
0x2c: {  	p3 =	por p3, !p0;
	s19 =	sadd.s32 $0x410, s5;
	[smem:$0x7F3] =	sst s16  }
0x2d: {  	s20 =	sadd.s32 $0x2410, s5;
	s26 =	sadd.s32 $0x2010, s5;
	[smem:$0x7F6] =	sst s19  }
0x2e: {  	s23 =	simm.s32 $0x7;
	s8 =	sadd.s32 s0, s13;
	[smem:$0x7FD] =	sst s26  }
0x2f: {  	s7 =	simm.s32 $0x4000;
	s13 =	sadd.s32 $0x30C0, s1;
	[dreg:$0x15] =	wrdreg s8  }
0x30: {  	s9 =	simm.s32 $0x4;
	s17 =	smax.u32 s6, $0x1;
	[dreg:$0x1f] =	wrdreg s13  }
0x31: {  	s14 =	simm.s32 $0x14000;
	s8 =	sadd.s32 s1, s15;
	[smem:$0x7F4] =	sst s17  }
0x32: {  	[dreg:$0x16] =	wrdreg s8;
	s8 =	sshll.u32 s18, $0x4;
	s18 =	sadd.s32 $0x10, s5  }
0x33: {  	s26 =	simm.s32 $0x18100;
	s8 =	sadd.s32 s0, s8;
	[smem:$0x7F5] =	sst s18  }
0x34: {  	s6 =	simm.s32 $0x80;
	[dreg:$0x19] =	wrdreg s8;
	s8 =	sadd.s32 s1, s21  }
0x35: {  	s10 =	simm.s32 $0x2;
	s21 =	sadd.s32 $0xC10, s5;
	[dreg:$0x1a] =	wrdreg s8  }
0x36: {  	s11 =	simm.s32 $0xC000;
	s8 =	sadd.s32 s0, s22;
	[smem:$0x7F8] =	sst s21  }
0x37: {  	s16 =	simm.s32 $0x0;
	s22 =	sadd.s32 $0x1010, s5;
	[dreg:$0x1b] =	wrdreg s8  }
0x38: {  	s13 =	simm.s32 $0x3;
	s8 =	sadd.s32 s1, s24;
	[smem:$0x7F9] =	sst s22  }
0x39: {  	s21 =	sadd.s32 $0x2810, s5;
	s24 =	sadd.s32 $0x1810, s5;
	[dreg:$0x1c] =	wrdreg s8  }
0x3a: {  	s22 =	sadd.s32 $0x2C10, s5;
	s8 =	sadd.s32 s0, s25;
	[smem:$0x7FB] =	sst s24  }
0x3b: {  	s0 =	sadd.s32 $0x186000, s0;
	s25 =	sadd.s32 $0x1C10, s5;
	[dreg:$0x1d] =	wrdreg s8  }
.Ltmp0:
0x3c: {  	s24 =	simm.s32 $0x18000;
	[smem:$0x7F1] =	sst s0;
	(pc) =	sbr.rel .LBB2_1-.Ltmp0, $4  }
0x3d: {  	s8 =	sadd.s32 s12, s1;
	s1 =	sadd.s32 $0x30D0, s1;
	[smem:$0x7FC] =	sst s25  }
0x3e: {  	s25 =	simm.s32 $0x18080;
	s0 =	simm.s32 $0x10000;
	s12 =	simm.s32 $0x5  }
0x3f: {  	[smem:$0x7EF] =	sst s1;
	s15 =	sadd.s32 $0x3010, s8;
	s1 =	simm.s32 $0x1  }
0x40: {  	v0 =	vimm.f32 $0.0e+00;
	v1 =	vimm.f32 $1.000000000e+00;
	v2 =	vimm.s32 $0x1FF;
	s8 =	simm.s32 $0x19300;
	[smem:$0x7F2] =	sst s15;
	s15 =	simm.s32 $0x6  }
.LBB2_4:
0x41: {  	_ =	swait.ge [sflag:s1], $0x80  }
0x42: {  	[sflag:s1] =	ssyncset.done $0x0  }
0x43: {  	[sflag:s1] =	ssyncadd.s32 $0xFFFFFF80  }
0x44: {  	_ =	swait.ge [sflag:s1], $0x80  }
0x45: {  	[sflag:s1] =	ssyncset.done $0x0  }
0x46: {  	[sflag:s1] =	ssyncadd.s32 $0xFFFFFF80  }
0x47: {  	_ =	swait.ge [sflag:s1], $0x8000  }
0x48: {  	[sflag:s1] =	ssyncset.done $0x0  }
0x49: {  	[sflag:s1] =	ssyncadd.s32 $0xFFFF8000  }
0x4a: {  	[spmem:s2] =	stream.indirect.scatter.add.f32 [tilespmem:s3], [sflag:$0x4], $0x80, s24, s6, $0xb8;
	[tilespmem:$0x1A500] =	vst v63  }
0x4b: {  	_ = 	snop  }
0x4c: {  	[spmem:s2] =	stream.indirect.scatter.add.f32 [tilespmem:s7], [sflag:$0x4], $0x80, s25, s6, $0xb8;
	[tilespmem:$0x1A500] =	vst v63  }
0x4d: {  	v3 =	vld [tilespmem:$0x18000];
	_ =	sdelay $0x7  }
0x4e: {  	[tilespmem:v3+s8+$0x0] =	vst.idx.add.f32.msk $0xffff, v1  }
0x4f: {  	v3 =	vld [tilespmem:$0x18010];
	_ =	sdelay $0x7  }
0x50: {  	[tilespmem:v3+s8+$0x0] =	vst.idx.add.f32.msk $0xffff, v1  }
0x51: {  	v3 =	vld [tilespmem:$0x18020];
	_ =	sdelay $0x7  }
0x52: {  	[tilespmem:v3+s8+$0x0] =	vst.idx.add.f32.msk $0xffff, v1  }
0x53: {  	v3 =	vld [tilespmem:$0x18030];
	_ =	sdelay $0x7  }
0x54: {  	[tilespmem:v3+s8+$0x0] =	vst.idx.add.f32.msk $0xffff, v1  }
0x55: {  	v3 =	vld [tilespmem:$0x18040];
	_ =	sdelay $0x7  }
0x56: {  	[tilespmem:v3+s8+$0x0] =	vst.idx.add.f32.msk $0xffff, v1  }
0x57: {  	v3 =	vld [tilespmem:$0x18050];
	_ =	sdelay $0x7  }
0x58: {  	[tilespmem:v3+s8+$0x0] =	vst.idx.add.f32.msk $0xffff, v1  }
0x59: {  	v3 =	vld [tilespmem:$0x18060];
	_ =	sdelay $0x7  }
0x5a: {  	[tilespmem:v3+s8+$0x0] =	vst.idx.add.f32.msk $0xffff, v1  }
0x5b: {  	v3 =	vld [tilespmem:$0x18070];
	_ =	sdelay $0x7  }
0x5c: {  	[tilespmem:v3+s8+$0x0] =	vst.idx.add.f32.msk $0xffff, v1  }
0x5d: {  	v3 =	vld [tilespmem:$0x18080];
	_ =	sdelay $0x7  }
0x5e: {  	[tilespmem:v3+s8+$0x0] =	vst.idx.add.f32.msk $0xffff, v1  }
0x5f: {  	v3 =	vld [tilespmem:$0x18090];
	_ =	sdelay $0x7  }
0x60: {  	[tilespmem:v3+s8+$0x0] =	vst.idx.add.f32.msk $0xffff, v1  }
0x61: {  	v3 =	vld [tilespmem:$0x180A0];
	_ =	sdelay $0x7  }
0x62: {  	[tilespmem:v3+s8+$0x0] =	vst.idx.add.f32.msk $0xffff, v1  }
0x63: {  	v3 =	vld [tilespmem:$0x180B0];
	_ =	sdelay $0x7  }
0x64: {  	[tilespmem:v3+s8+$0x0] =	vst.idx.add.f32.msk $0xffff, v1  }
0x65: {  	v3 =	vld [tilespmem:$0x180C0];
	_ =	sdelay $0x7  }
0x66: {  	[tilespmem:v3+s8+$0x0] =	vst.idx.add.f32.msk $0xffff, v1  }
0x67: {  	v3 =	vld [tilespmem:$0x180D0];
	_ =	sdelay $0x7  }
0x68: {  	s18 =	simm.s32 $0x180F0;
	s17 =	simm.s32 $0x180E0;
	[tilespmem:v3+s8+$0x0] =	vst.idx.add.f32.msk $0xffff, v1  }
.LBB2_9:
0x69: {  	v3 =	vld [tilespmem:s17+$0x0];
	_ =	sdelay $0x7  }
0x6a: {  	[tilespmem:v3+s8+$0x0] =	vst.idx.add.f32.msk $0xffff, v1  }
0x6b: {  	v3 =	vld [tilespmem:s18+$0x0];
	_ =	sdelay $0x7  }
0x6c: {  	[tilespmem:v3+s8+$0x0] =	vst.idx.add.f32.msk $0xffff, v1  }
.LBB2_10:
0x6d: {  	_ =	swait.ge [sflag:s12], $0x4000  }
0x6e: {  	[sflag:s12] =	ssyncset.done $0x0  }
0x6f: {  	[sflag:s12] =	ssyncadd.s32 $0xFFFFC000  }
0x70: {  	_ =	swait.ge [sflag:s12], $0x4000  }
0x71: {  	[sflag:s12] =	ssyncset.done $0x0  }
0x72: {  	[sflag:s12] =	ssyncadd.s32 $0xFFFFC000  }
0x73: {  	_ =	swait.ge [sflag:s15], $0x4000  }
0x74: {  	[sflag:s15] =	ssyncset.done $0x0  }
0x75: {  	[sflag:s15] =	ssyncadd.s32 $0xFFFFC000  }
0x76: {  	_ =	swait.ge [sflag:s15], $0x4000  }
0x77: {  	[sflag:s15] =	ssyncset.done $0x0  }
0x78: {  	[sflag:s15] =	ssyncadd.s32 $0xFFFFC000  }
0x79: {  	_ =	swait.ge @p1 [sflag:s9], $0x4000  }
0x7a: {  	[sflag:s9] =	ssyncset.done @p1 $0x0  }
0x7b: {  	[sflag:s9] =	ssyncadd.s32 @p1 $0xFFFFC000  }
0x7c: {  	_ =	swait.ge @p1 [sflag:s9], $0x4000  }
0x7d: {  	[sflag:s9] =	ssyncset.done @p1 $0x0  }
0x7e: {  	s18 =	simm.s32 $0x400;
	s17 =	rddreg [dreg:$0x11];
	[sflag:s9] =	ssyncadd.s32 @p1 $0xFFFFC000  }
0x7f: {  	[hbm4b:s17+s6] =	stream.strided.scatter [tilespmem:s8], [sflag:$0x7], $0x200, s18, s6, $0x38;
	[tilespmem:$0x1A500] =	vst v63  }
0x80: {  	_ =	swait.ge [sflag:s23], $0x200  }
0x81: {  	[sflag:s23] =	ssyncset.done $0x0  }
0x82: {  	[sflag:s23] =	ssyncadd.s32 $0xFFFFFE00  }
0x83: {  	[bflag:$0x0] =	sbarrier.arrive $0xFFFF  }
0x84: {  	s18 =	stileid.u32;
	s19 =	sld [smem:$0x7F3]  }
0x85: {  	s17 =	sshll.u32 s18, $0x6  }
0x86: {  	s18 =	sshrl.u32 s4, $0x3;
	s17 =	sor.u32 $0x1C07, s17  }
0x87: {  	[hbm:s19], [sflag:s17] =	dma.local [spmem:s18], $0x200  }
0x88: {  	_ =	swait.ge [sflag:s23], $0x200  }
0x89: {  	s19 =	sld [smem:$0x7F4];
	_ =	sdelay $0x1  }
0x8a: {  	s16 =	sadd.s32 $0x1, s16  }
0x8b: {  	p4 =	sne.s32 s16, s19  }
.Ltmp1:
0x8c: {  	_ = 	snop;
	(pc) =	sbr.rel @!p4 .LBB2_11-.Ltmp1, $3  }
0x8d: {  	_ =	sdelay $0x1  }
0x8e: {  	[sflag:s23] =	ssyncset.done $0x0  }
0x8f: {  	[sflag:s23] =	ssyncadd.s32 $0xFFFFFE00  }
.LBB2_1:
0x90: {  	[tilespmem:$0x19300] =	vst v0  }
0x91: {  	[tilespmem:$0x19310] =	vst v0  }
0x92: {  	[tilespmem:$0x19320] =	vst v0  }
0x93: {  	[tilespmem:$0x19330] =	vst v0  }
0x94: {  	[tilespmem:$0x19340] =	vst v0  }
0x95: {  	[tilespmem:$0x19350] =	vst v0  }
0x96: {  	[tilespmem:$0x19360] =	vst v0  }
0x97: {  	[tilespmem:$0x19370] =	vst v0  }
0x98: {  	[tilespmem:$0x19380] =	vst v0  }
0x99: {  	[tilespmem:$0x19390] =	vst v0  }
0x9a: {  	[tilespmem:$0x193A0] =	vst v0  }
0x9b: {  	[tilespmem:$0x193B0] =	vst v0  }
0x9c: {  	[tilespmem:$0x193C0] =	vst v0  }
0x9d: {  	[tilespmem:$0x193D0] =	vst v0  }
0x9e: {  	[tilespmem:$0x193E0] =	vst v0  }
0x9f: {  	[tilespmem:$0x193F0] =	vst v0  }
0xa0: {  	[tilespmem:$0x19400] =	vst v0  }
0xa1: {  	[tilespmem:$0x19410] =	vst v0  }
0xa2: {  	[tilespmem:$0x19420] =	vst v0  }
0xa3: {  	[tilespmem:$0x19430] =	vst v0  }
0xa4: {  	[tilespmem:$0x19440] =	vst v0  }
0xa5: {  	[tilespmem:$0x19450] =	vst v0  }
0xa6: {  	[tilespmem:$0x19460] =	vst v0  }
0xa7: {  	[tilespmem:$0x19470] =	vst v0  }
0xa8: {  	[tilespmem:$0x19480] =	vst v0  }
0xa9: {  	[tilespmem:$0x19490] =	vst v0  }
0xaa: {  	[tilespmem:$0x194A0] =	vst v0  }
0xab: {  	[tilespmem:$0x194B0] =	vst v0  }
0xac: {  	[tilespmem:$0x194C0] =	vst v0  }
0xad: {  	[tilespmem:$0x194D0] =	vst v0  }
0xae: {  	[tilespmem:$0x194E0] =	vst v0  }
0xaf: {  	[tilespmem:$0x194F0] =	vst v0;
	s17 =	simm.s32 $0x0;
	s18 =	simm.s32 $0x200  }
.LBB2_2:
0xb0: {  	p4 =	sne.s32 s18, $0x3E00;
	[tilespmem:s17+$0x18370] =	vst v0  }
0xb1: {  	[tilespmem:s17+$0x18300] =	vst v0  }
0xb2: {  	[tilespmem:s17+$0x18310] =	vst v0  }
.Ltmp2:
0xb3: {  	[tilespmem:s17+$0x18320] =	vst v0;
	(pc) =	sbr.rel @p4 .LBB2_2-.Ltmp2, $4  }
0xb4: {  	[tilespmem:s17+$0x18330] =	vst v0  }
0xb5: {  	[tilespmem:s17+$0x18340] =	vst v0  }
0xb6: {  	[tilespmem:s17+$0x18350] =	vst v0  }
0xb7: {  	[tilespmem:s17+$0x18360] =	vst v0;
	s17 =	sshra.s32 s18, $0x2;
	s18 =	sadd.s32 $0x200, s18  }
0xb8: {  	[tilespmem:s17+$0x18370] =	vst v0  }
0xb9: {  	[tilespmem:s17+$0x18300] =	vst v0  }
0xba: {  	[tilespmem:s17+$0x18310] =	vst v0  }
0xbb: {  	[tilespmem:s17+$0x18320] =	vst v0  }
0xbc: {  	[tilespmem:s17+$0x18330] =	vst v0  }
0xbd: {  	[tilespmem:s17+$0x18340] =	vst v0  }
0xbe: {  	[tilespmem:s17+$0x18350] =	vst v0  }
0xbf: {  	[tilespmem:s17+$0x18360] =	vst v0;
	s19 =	simm.s32 $0x18300  }
0xc0: {  	[spmem:s4] =	stream.linear.scatter [tilespmem:s19], [sflag:$0x7], $0x1000, $0x38;
	[tilespmem:$0x1A500] =	vst v63  }
0xc1: {  	_ =	swait.ge [sflag:s23], $0x1000  }
0xc2: {  	[sflag:s23] =	ssyncset.done $0x0  }
0xc3: {  	[sflag:s23] =	ssyncadd.s32 $0xFFFFF000  }
0xc4: {  	[bflag:$0x0] =	sbarrier.arrive $0xFFFF  }
0xc5: {  	s18 =	sld [smem:$0x7F5]  }
0xc6: {  	[tilespmem:s24], [sflag:$0x1] =	stream.linear.gather [hbm4b:s5+s3], $0x80, $0x38;
	[tilespmem:$0x1A500] =	vst v63  }
0xc7: {  	s19 =	rddreg [dreg:$0x6]  }
0xc8: {  	[tilespmem:s25], [sflag:$0x1] =	stream.linear.gather [hbm4b:s18+s3], $0x80, $0x38;
	[tilespmem:$0x1A500] =	vst v63  }
0xc9: {  	s18 =	rddreg [dreg:$0x7]  }
0xca: {  	[tilespmem:s3], [sflag:$0x1] =	stream.linear.gather [hbm4b:s19+s3], $0x8000, $0x38;
	[tilespmem:$0x1A500] =	vst v63  }
0xcb: {  	s19 =	sld [smem:$0x7F6]  }
0xcc: {  	[tilespmem:s26], [sflag:$0x2] =	stream.linear.gather [hbm4b:s18+s3], $0x80, $0x38;
	[tilespmem:$0x1A500] =	vst v63  }
0xcd: {  	s18 =	rddreg [dreg:$0x8]  }
0xce: {  	[tilespmem:s28], [sflag:$0x2] =	stream.linear.gather [hbm4b:s19+s3], $0x80, $0x38;
	[tilespmem:$0x1A500] =	vst v63  }
0xcf: {  	s19 =	rddreg [dreg:$0x9]  }
0xd0: {  	[tilespmem:s29], [sflag:$0x2] =	stream.linear.gather [hbm4b:s18+s3], $0x8000, $0x38;
	[tilespmem:$0x1A500] =	vst v63  }
0xd1: {  	s18 =	sld [smem:$0x7F7]  }
0xd2: {  	[tilespmem:s30], [sflag:$0x3] =	stream.linear.gather [hbm4b:s19+s3], $0x80, $0x38;
	[tilespmem:$0x1A500] =	vst v63  }
0xd3: {  	_ = 	snop  }
0xd4: {  	[tilespmem:s31], [sflag:$0x3] =	stream.linear.gather [hbm4b:s18+s3], $0x80, $0x38;
	[tilespmem:$0x1A500] =	vst v63  }
0xd5: {  	s19 =	rddreg [dreg:$0xa]  }
0xd6: {  	[tilespmem:s0], [sflag:$0x3] =	stream.linear.gather [hbm4b:s19+s3], $0x8000, $0x38;
	[tilespmem:$0x1A500] =	vst v63  }
0xd7: {  	_ =	swait.ge [sflag:s1], $0x80  }
0xd8: {  	[sflag:s1] =	ssyncset.done $0x0  }
0xd9: {  	[sflag:s1] =	ssyncadd.s32 $0xFFFFFF80  }
0xda: {  	_ =	swait.ge [sflag:s1], $0x80  }
0xdb: {  	[sflag:s1] =	ssyncset.done $0x0  }
0xdc: {  	[sflag:s1] =	ssyncadd.s32 $0xFFFFFF80  }
0xdd: {  	_ =	swait.ge [sflag:s1], $0x8000  }
0xde: {  	[sflag:s1] =	ssyncset.done $0x0  }
0xdf: {  	[sflag:s1] =	ssyncadd.s32 $0xFFFF8000  }
0xe0: {  	[spmem:s2] =	stream.indirect.scatter.add.f32 [tilespmem:s3], [sflag:$0x4], $0x80, s24, s6, $0xb8;
	[tilespmem:$0x1A500] =	vst v63  }
0xe1: {  	_ = 	snop  }
0xe2: {  	[spmem:s2] =	stream.indirect.scatter.add.f32 [tilespmem:s7], [sflag:$0x4], $0x80, s25, s6, $0xb8;
	[tilespmem:$0x1A500] =	vst v63  }
0xe3: {  	v3 =	vld [tilespmem:$0x18000];
	_ =	sdelay $0x7  }
0xe4: {  	[tilespmem:v3+s8+$0x0] =	vst.idx.add.f32.msk $0xffff, v1  }
0xe5: {  	v3 =	vld [tilespmem:$0x18010];
	_ =	sdelay $0x7  }
0xe6: {  	[tilespmem:v3+s8+$0x0] =	vst.idx.add.f32.msk $0xffff, v1  }
0xe7: {  	v3 =	vld [tilespmem:$0x18020];
	_ =	sdelay $0x7  }
0xe8: {  	[tilespmem:v3+s8+$0x0] =	vst.idx.add.f32.msk $0xffff, v1  }
0xe9: {  	v3 =	vld [tilespmem:$0x18030];
	_ =	sdelay $0x7  }
0xea: {  	[tilespmem:v3+s8+$0x0] =	vst.idx.add.f32.msk $0xffff, v1  }
0xeb: {  	v3 =	vld [tilespmem:$0x18040];
	_ =	sdelay $0x7  }
0xec: {  	[tilespmem:v3+s8+$0x0] =	vst.idx.add.f32.msk $0xffff, v1  }
0xed: {  	v3 =	vld [tilespmem:$0x18050];
	_ =	sdelay $0x7  }
0xee: {  	[tilespmem:v3+s8+$0x0] =	vst.idx.add.f32.msk $0xffff, v1  }
0xef: {  	v3 =	vld [tilespmem:$0x18060];
	_ =	sdelay $0x7  }
0xf0: {  	[tilespmem:v3+s8+$0x0] =	vst.idx.add.f32.msk $0xffff, v1  }
0xf1: {  	v3 =	vld [tilespmem:$0x18070];
	_ =	sdelay $0x7  }
0xf2: {  	[tilespmem:v3+s8+$0x0] =	vst.idx.add.f32.msk $0xffff, v1  }
0xf3: {  	v3 =	vld [tilespmem:$0x18080];
	_ =	sdelay $0x7  }
0xf4: {  	[tilespmem:v3+s8+$0x0] =	vst.idx.add.f32.msk $0xffff, v1  }
0xf5: {  	v3 =	vld [tilespmem:$0x18090];
	_ =	sdelay $0x7  }
0xf6: {  	[tilespmem:v3+s8+$0x0] =	vst.idx.add.f32.msk $0xffff, v1  }
0xf7: {  	v3 =	vld [tilespmem:$0x180A0];
	_ =	sdelay $0x7  }
0xf8: {  	[tilespmem:v3+s8+$0x0] =	vst.idx.add.f32.msk $0xffff, v1  }
0xf9: {  	v3 =	vld [tilespmem:$0x180B0];
	_ =	sdelay $0x7  }
0xfa: {  	[tilespmem:v3+s8+$0x0] =	vst.idx.add.f32.msk $0xffff, v1  }
0xfb: {  	v3 =	vld [tilespmem:$0x180C0];
	_ =	sdelay $0x7  }
0xfc: {  	[tilespmem:v3+s8+$0x0] =	vst.idx.add.f32.msk $0xffff, v1  }
0xfd: {  	v3 =	vld [tilespmem:$0x180D0];
	_ =	sdelay $0x7  }
0xfe: {  	[tilespmem:v3+s8+$0x0] =	vst.idx.add.f32.msk $0xffff, v1  }
0xff: {  	v3 =	vld [tilespmem:$0x180E0];
	_ =	sdelay $0x7  }
0x100: {  	[tilespmem:v3+s8+$0x0] =	vst.idx.add.f32.msk $0xffff, v1  }
0x101: {  	v3 =	vld [tilespmem:$0x180F0];
	_ =	sdelay $0x7  }
0x102: {  	[tilespmem:v3+s8+$0x0] =	vst.idx.add.f32.msk $0xffff, v1  }
0x103: {  	_ =	swait.ge [sflag:s9], $0x4000  }
0x104: {  	[sflag:s9] =	ssyncset.done $0x0  }
0x105: {  	[sflag:s9] =	ssyncadd.s32 $0xFFFFC000  }
0x106: {  	_ =	swait.ge [sflag:s9], $0x4000  }
0x107: {  	[sflag:s9] =	ssyncset.done $0x0;
	s18 =	rddreg [dreg:$0xb]  }
0x108: {  	s19 =	sld [smem:$0x7F8];
	[sflag:s9] =	ssyncadd.s32 $0xFFFFC000  }
0x109: {  	[tilespmem:s24], [sflag:$0x1] =	stream.linear.gather [hbm4b:s18+s3], $0x80, $0x38;
	[tilespmem:$0x1A500] =	vst v63  }
0x10a: {  	_ = 	snop  }
0x10b: {  	[tilespmem:s25], [sflag:$0x1] =	stream.linear.gather [hbm4b:s19+s3], $0x80, $0x38;
	[tilespmem:$0x1A500] =	vst v63  }
0x10c: {  	s18 =	rddreg [dreg:$0xc]  }
0x10d: {  	[tilespmem:s3], [sflag:$0x1] =	stream.linear.gather [hbm4b:s18+s3], $0x8000, $0x38;
	[tilespmem:$0x1A500] =	vst v63  }
0x10e: {  	_ =	swait.ge [sflag:s10], $0x80  }
0x10f: {  	[sflag:s10] =	ssyncset.done $0x0  }
0x110: {  	[sflag:s10] =	ssyncadd.s32 $0xFFFFFF80  }
0x111: {  	_ =	swait.ge [sflag:s10], $0x80  }
0x112: {  	[sflag:s10] =	ssyncset.done $0x0  }
0x113: {  	[sflag:s10] =	ssyncadd.s32 $0xFFFFFF80  }
0x114: {  	_ =	swait.ge [sflag:s10], $0x8000  }
0x115: {  	[sflag:s10] =	ssyncset.done $0x0  }
0x116: {  	[sflag:s10] =	ssyncadd.s32 $0xFFFF8000  }
0x117: {  	[spmem:s2] =	stream.indirect.scatter.add.f32 [tilespmem:s29], [sflag:$0x5], $0x80, s26, s6, $0xb8;
	[tilespmem:$0x1A500] =	vst v63  }
0x118: {  	_ = 	snop  }
0x119: {  	[spmem:s2] =	stream.indirect.scatter.add.f32 [tilespmem:s11], [sflag:$0x5], $0x80, s28, s6, $0xb8;
	[tilespmem:$0x1A500] =	vst v63  }
0x11a: {  	v3 =	vld [tilespmem:$0x18100];
	_ =	sdelay $0x7  }
0x11b: {  	[tilespmem:v3+s8+$0x0] =	vst.idx.add.f32.msk $0xffff, v1  }
0x11c: {  	v3 =	vld [tilespmem:$0x18110];
	_ =	sdelay $0x7  }
0x11d: {  	[tilespmem:v3+s8+$0x0] =	vst.idx.add.f32.msk $0xffff, v1  }
0x11e: {  	v3 =	vld [tilespmem:$0x18120];
	_ =	sdelay $0x7  }
0x11f: {  	[tilespmem:v3+s8+$0x0] =	vst.idx.add.f32.msk $0xffff, v1  }
0x120: {  	v3 =	vld [tilespmem:$0x18130];
	_ =	sdelay $0x7  }
0x121: {  	[tilespmem:v3+s8+$0x0] =	vst.idx.add.f32.msk $0xffff, v1  }
0x122: {  	v3 =	vld [tilespmem:$0x18140];
	_ =	sdelay $0x7  }
0x123: {  	[tilespmem:v3+s8+$0x0] =	vst.idx.add.f32.msk $0xffff, v1  }
0x124: {  	v3 =	vld [tilespmem:$0x18150];
	_ =	sdelay $0x7  }
0x125: {  	[tilespmem:v3+s8+$0x0] =	vst.idx.add.f32.msk $0xffff, v1  }
0x126: {  	v3 =	vld [tilespmem:$0x18160];
	_ =	sdelay $0x7  }
0x127: {  	[tilespmem:v3+s8+$0x0] =	vst.idx.add.f32.msk $0xffff, v1  }
0x128: {  	v3 =	vld [tilespmem:$0x18170];
	_ =	sdelay $0x7  }
0x129: {  	[tilespmem:v3+s8+$0x0] =	vst.idx.add.f32.msk $0xffff, v1  }
0x12a: {  	v3 =	vld [tilespmem:$0x18180];
	_ =	sdelay $0x7  }
0x12b: {  	[tilespmem:v3+s8+$0x0] =	vst.idx.add.f32.msk $0xffff, v1  }
0x12c: {  	v3 =	vld [tilespmem:$0x18190];
	_ =	sdelay $0x7  }
0x12d: {  	[tilespmem:v3+s8+$0x0] =	vst.idx.add.f32.msk $0xffff, v1  }
0x12e: {  	v3 =	vld [tilespmem:$0x181A0];
	_ =	sdelay $0x7  }
0x12f: {  	[tilespmem:v3+s8+$0x0] =	vst.idx.add.f32.msk $0xffff, v1  }
0x130: {  	v3 =	vld [tilespmem:$0x181B0];
	_ =	sdelay $0x7  }
0x131: {  	[tilespmem:v3+s8+$0x0] =	vst.idx.add.f32.msk $0xffff, v1  }
0x132: {  	v3 =	vld [tilespmem:$0x181C0];
	_ =	sdelay $0x7  }
0x133: {  	[tilespmem:v3+s8+$0x0] =	vst.idx.add.f32.msk $0xffff, v1  }
0x134: {  	v3 =	vld [tilespmem:$0x181D0];
	_ =	sdelay $0x7  }
0x135: {  	[tilespmem:v3+s8+$0x0] =	vst.idx.add.f32.msk $0xffff, v1  }
0x136: {  	v3 =	vld [tilespmem:$0x181E0];
	_ =	sdelay $0x7  }
0x137: {  	[tilespmem:v3+s8+$0x0] =	vst.idx.add.f32.msk $0xffff, v1  }
0x138: {  	v3 =	vld [tilespmem:$0x181F0];
	_ =	sdelay $0x7  }
0x139: {  	[tilespmem:v3+s8+$0x0] =	vst.idx.add.f32.msk $0xffff, v1  }
0x13a: {  	_ =	swait.ge [sflag:s12], $0x4000  }
0x13b: {  	[sflag:s12] =	ssyncset.done $0x0  }
0x13c: {  	[sflag:s12] =	ssyncadd.s32 $0xFFFFC000  }
0x13d: {  	_ =	swait.ge [sflag:s12], $0x4000  }
0x13e: {  	[sflag:s12] =	ssyncset.done $0x0;
	s19 =	rddreg [dreg:$0xd]  }
0x13f: {  	s18 =	sld [smem:$0x7F9];
	[sflag:s12] =	ssyncadd.s32 $0xFFFFC000  }
0x140: {  	[tilespmem:s26], [sflag:$0x2] =	stream.linear.gather [hbm4b:s19+s3], $0x80, $0x38;
	[tilespmem:$0x1A500] =	vst v63  }
0x141: {  	_ = 	snop  }
0x142: {  	[tilespmem:s28], [sflag:$0x2] =	stream.linear.gather [hbm4b:s18+s3], $0x80, $0x38;
	[tilespmem:$0x1A500] =	vst v63  }
0x143: {  	s19 =	rddreg [dreg:$0xe]  }
0x144: {  	[tilespmem:s29], [sflag:$0x2] =	stream.linear.gather [hbm4b:s19+s3], $0x8000, $0x38;
	[tilespmem:$0x1A500] =	vst v63  }
0x145: {  	_ =	swait.ge [sflag:s13], $0x80  }
0x146: {  	[sflag:s13] =	ssyncset.done $0x0  }
0x147: {  	[sflag:s13] =	ssyncadd.s32 $0xFFFFFF80  }
0x148: {  	_ =	swait.ge [sflag:s13], $0x80  }
0x149: {  	[sflag:s13] =	ssyncset.done $0x0  }
0x14a: {  	[sflag:s13] =	ssyncadd.s32 $0xFFFFFF80  }
0x14b: {  	_ =	swait.ge [sflag:s13], $0x8000  }
0x14c: {  	[sflag:s13] =	ssyncset.done $0x0  }
0x14d: {  	[sflag:s13] =	ssyncadd.s32 $0xFFFF8000  }
0x14e: {  	[spmem:s2] =	stream.indirect.scatter.add.f32 [tilespmem:s0], [sflag:$0x6], $0x80, s30, s6, $0xb8;
	[tilespmem:$0x1A500] =	vst v63  }
0x14f: {  	_ = 	snop  }
0x150: {  	[spmem:s2] =	stream.indirect.scatter.add.f32 [tilespmem:s14], [sflag:$0x6], $0x80, s31, s6, $0xb8;
	[tilespmem:$0x1A500] =	vst v63  }
0x151: {  	v3 =	vld [tilespmem:$0x18200];
	_ =	sdelay $0x7  }
0x152: {  	[tilespmem:v3+s8+$0x0] =	vst.idx.add.f32.msk $0xffff, v1  }
0x153: {  	v3 =	vld [tilespmem:$0x18210];
	_ =	sdelay $0x7  }
0x154: {  	[tilespmem:v3+s8+$0x0] =	vst.idx.add.f32.msk $0xffff, v1  }
0x155: {  	v3 =	vld [tilespmem:$0x18220];
	_ =	sdelay $0x7  }
0x156: {  	[tilespmem:v3+s8+$0x0] =	vst.idx.add.f32.msk $0xffff, v1  }
0x157: {  	v3 =	vld [tilespmem:$0x18230];
	_ =	sdelay $0x7  }
0x158: {  	[tilespmem:v3+s8+$0x0] =	vst.idx.add.f32.msk $0xffff, v1  }
0x159: {  	v3 =	vld [tilespmem:$0x18240];
	_ =	sdelay $0x7  }
0x15a: {  	[tilespmem:v3+s8+$0x0] =	vst.idx.add.f32.msk $0xffff, v1  }
0x15b: {  	v3 =	vld [tilespmem:$0x18250];
	_ =	sdelay $0x7  }
0x15c: {  	[tilespmem:v3+s8+$0x0] =	vst.idx.add.f32.msk $0xffff, v1  }
0x15d: {  	v3 =	vld [tilespmem:$0x18260];
	_ =	sdelay $0x7  }
0x15e: {  	[tilespmem:v3+s8+$0x0] =	vst.idx.add.f32.msk $0xffff, v1  }
0x15f: {  	v3 =	vld [tilespmem:$0x18270];
	_ =	sdelay $0x7  }
0x160: {  	[tilespmem:v3+s8+$0x0] =	vst.idx.add.f32.msk $0xffff, v1  }
0x161: {  	v3 =	vld [tilespmem:$0x18280];
	_ =	sdelay $0x7  }
0x162: {  	[tilespmem:v3+s8+$0x0] =	vst.idx.add.f32.msk $0xffff, v1  }
0x163: {  	v3 =	vld [tilespmem:$0x18290];
	_ =	sdelay $0x7  }
0x164: {  	[tilespmem:v3+s8+$0x0] =	vst.idx.add.f32.msk $0xffff, v1  }
0x165: {  	v3 =	vld [tilespmem:$0x182A0];
	_ =	sdelay $0x7  }
0x166: {  	[tilespmem:v3+s8+$0x0] =	vst.idx.add.f32.msk $0xffff, v1  }
0x167: {  	v3 =	vld [tilespmem:$0x182B0];
	_ =	sdelay $0x7  }
0x168: {  	[tilespmem:v3+s8+$0x0] =	vst.idx.add.f32.msk $0xffff, v1  }
0x169: {  	v3 =	vld [tilespmem:$0x182C0];
	_ =	sdelay $0x7  }
0x16a: {  	[tilespmem:v3+s8+$0x0] =	vst.idx.add.f32.msk $0xffff, v1  }
0x16b: {  	v3 =	vld [tilespmem:$0x182D0];
	_ =	sdelay $0x7  }
0x16c: {  	[tilespmem:v3+s8+$0x0] =	vst.idx.add.f32.msk $0xffff, v1  }
0x16d: {  	v3 =	vld [tilespmem:$0x182E0];
	_ =	sdelay $0x7  }
0x16e: {  	[tilespmem:v3+s8+$0x0] =	vst.idx.add.f32.msk $0xffff, v1  }
0x16f: {  	v3 =	vld [tilespmem:$0x182F0];
	_ =	sdelay $0x7  }
0x170: {  	[tilespmem:v3+s8+$0x0] =	vst.idx.add.f32.msk $0xffff, v1  }
0x171: {  	_ =	swait.ge [sflag:s15], $0x4000  }
0x172: {  	[sflag:s15] =	ssyncset.done $0x0  }
0x173: {  	[sflag:s15] =	ssyncadd.s32 $0xFFFFC000  }
0x174: {  	_ =	swait.ge [sflag:s15], $0x4000  }
0x175: {  	[sflag:s15] =	ssyncset.done $0x0;
	s18 =	rddreg [dreg:$0xf]  }
0x176: {  	s19 =	sld [smem:$0x7FA];
	[sflag:s15] =	ssyncadd.s32 $0xFFFFC000  }
0x177: {  	[tilespmem:s30], [sflag:$0x3] =	stream.linear.gather [hbm4b:s18+s3], $0x80, $0x38;
	[tilespmem:$0x1A500] =	vst v63  }
0x178: {  	_ = 	snop  }
0x179: {  	[tilespmem:s31], [sflag:$0x3] =	stream.linear.gather [hbm4b:s19+s3], $0x80, $0x38;
	[tilespmem:$0x1A500] =	vst v63  }
0x17a: {  	s18 =	rddreg [dreg:$0x10]  }
0x17b: {  	[tilespmem:s0], [sflag:$0x3] =	stream.linear.gather [hbm4b:s18+s3], $0x8000, $0x38;
	[tilespmem:$0x1A500] =	vst v63  }
0x17c: {  	_ =	swait.ge [sflag:s1], $0x80  }
0x17d: {  	[sflag:s1] =	ssyncset.done $0x0  }
0x17e: {  	[sflag:s1] =	ssyncadd.s32 $0xFFFFFF80  }
0x17f: {  	_ =	swait.ge [sflag:s1], $0x80  }
0x180: {  	[sflag:s1] =	ssyncset.done $0x0  }
0x181: {  	[sflag:s1] =	ssyncadd.s32 $0xFFFFFF80  }
0x182: {  	_ =	swait.ge [sflag:s1], $0x8000  }
0x183: {  	[sflag:s1] =	ssyncset.done $0x0  }
0x184: {  	[sflag:s1] =	ssyncadd.s32 $0xFFFF8000  }
0x185: {  	[spmem:s2] =	stream.indirect.scatter.add.f32 [tilespmem:s3], [sflag:$0x4], $0x80, s24, s6, $0xb8;
	[tilespmem:$0x1A500] =	vst v63  }
0x186: {  	_ = 	snop  }
0x187: {  	[spmem:s2] =	stream.indirect.scatter.add.f32 [tilespmem:s7], [sflag:$0x4], $0x80, s25, s6, $0xb8;
	[tilespmem:$0x1A500] =	vst v63  }
0x188: {  	v3 =	vld [tilespmem:$0x18000];
	_ =	sdelay $0x7  }
0x189: {  	[tilespmem:v3+s8+$0x0] =	vst.idx.add.f32.msk $0xffff, v1  }
0x18a: {  	v3 =	vld [tilespmem:$0x18010];
	_ =	sdelay $0x7  }
0x18b: {  	[tilespmem:v3+s8+$0x0] =	vst.idx.add.f32.msk $0xffff, v1  }
0x18c: {  	v3 =	vld [tilespmem:$0x18020];
	_ =	sdelay $0x7  }
0x18d: {  	[tilespmem:v3+s8+$0x0] =	vst.idx.add.f32.msk $0xffff, v1  }
0x18e: {  	v3 =	vld [tilespmem:$0x18030];
	_ =	sdelay $0x7  }
0x18f: {  	[tilespmem:v3+s8+$0x0] =	vst.idx.add.f32.msk $0xffff, v1  }
0x190: {  	v3 =	vld [tilespmem:$0x18040];
	_ =	sdelay $0x7  }
0x191: {  	[tilespmem:v3+s8+$0x0] =	vst.idx.add.f32.msk $0xffff, v1  }
0x192: {  	v3 =	vld [tilespmem:$0x18050];
	_ =	sdelay $0x7  }
0x193: {  	[tilespmem:v3+s8+$0x0] =	vst.idx.add.f32.msk $0xffff, v1  }
0x194: {  	v3 =	vld [tilespmem:$0x18060];
	_ =	sdelay $0x7  }
0x195: {  	[tilespmem:v3+s8+$0x0] =	vst.idx.add.f32.msk $0xffff, v1  }
0x196: {  	v3 =	vld [tilespmem:$0x18070];
	_ =	sdelay $0x7  }
0x197: {  	[tilespmem:v3+s8+$0x0] =	vst.idx.add.f32.msk $0xffff, v1  }
0x198: {  	v3 =	vld [tilespmem:$0x18080];
	_ =	sdelay $0x7  }
0x199: {  	[tilespmem:v3+s8+$0x0] =	vst.idx.add.f32.msk $0xffff, v1  }
0x19a: {  	v3 =	vld [tilespmem:$0x18090];
	_ =	sdelay $0x7  }
0x19b: {  	[tilespmem:v3+s8+$0x0] =	vst.idx.add.f32.msk $0xffff, v1  }
0x19c: {  	v3 =	vld [tilespmem:$0x180A0];
	_ =	sdelay $0x7  }
0x19d: {  	[tilespmem:v3+s8+$0x0] =	vst.idx.add.f32.msk $0xffff, v1  }
0x19e: {  	v3 =	vld [tilespmem:$0x180B0];
	_ =	sdelay $0x7  }
0x19f: {  	[tilespmem:v3+s8+$0x0] =	vst.idx.add.f32.msk $0xffff, v1  }
0x1a0: {  	v3 =	vld [tilespmem:$0x180C0];
	_ =	sdelay $0x7  }
0x1a1: {  	[tilespmem:v3+s8+$0x0] =	vst.idx.add.f32.msk $0xffff, v1  }
0x1a2: {  	v3 =	vld [tilespmem:$0x180D0];
	_ =	sdelay $0x7  }
0x1a3: {  	[tilespmem:v3+s8+$0x0] =	vst.idx.add.f32.msk $0xffff, v1  }
0x1a4: {  	v3 =	vld [tilespmem:$0x180E0];
	_ =	sdelay $0x7  }
0x1a5: {  	[tilespmem:v3+s8+$0x0] =	vst.idx.add.f32.msk $0xffff, v1  }
0x1a6: {  	v3 =	vld [tilespmem:$0x180F0];
	_ =	sdelay $0x7  }
0x1a7: {  	[tilespmem:v3+s8+$0x0] =	vst.idx.add.f32.msk $0xffff, v1  }
0x1a8: {  	_ =	swait.ge [sflag:s9], $0x4000  }
0x1a9: {  	[sflag:s9] =	ssyncset.done $0x0  }
0x1aa: {  	[sflag:s9] =	ssyncadd.s32 $0xFFFFC000  }
0x1ab: {  	_ =	swait.ge [sflag:s9], $0x4000  }
0x1ac: {  	[sflag:s9] =	ssyncset.done $0x0;
	s19 =	rddreg [dreg:$0x12]  }
0x1ad: {  	s18 =	sld [smem:$0x7FB];
	[sflag:s9] =	ssyncadd.s32 $0xFFFFC000  }
0x1ae: {  	[tilespmem:s24], [sflag:$0x1] =	stream.linear.gather [hbm4b:s19+s3], $0x80, $0x38;
	[tilespmem:$0x1A500] =	vst v63  }
0x1af: {  	_ = 	snop  }
0x1b0: {  	[tilespmem:s25], [sflag:$0x1] =	stream.linear.gather [hbm4b:s18+s3], $0x80, $0x38;
	[tilespmem:$0x1A500] =	vst v63  }
0x1b1: {  	s19 =	rddreg [dreg:$0x13]  }
0x1b2: {  	[tilespmem:s3], [sflag:$0x1] =	stream.linear.gather [hbm4b:s19+s3], $0x8000, $0x38;
	[tilespmem:$0x1A500] =	vst v63  }
0x1b3: {  	_ =	swait.ge [sflag:s10], $0x80  }
0x1b4: {  	[sflag:s10] =	ssyncset.done $0x0  }
0x1b5: {  	[sflag:s10] =	ssyncadd.s32 $0xFFFFFF80  }
0x1b6: {  	_ =	swait.ge [sflag:s10], $0x80  }
0x1b7: {  	[sflag:s10] =	ssyncset.done $0x0  }
0x1b8: {  	[sflag:s10] =	ssyncadd.s32 $0xFFFFFF80  }
0x1b9: {  	_ =	swait.ge [sflag:s10], $0x8000  }
0x1ba: {  	[sflag:s10] =	ssyncset.done $0x0  }
0x1bb: {  	[sflag:s10] =	ssyncadd.s32 $0xFFFF8000  }
0x1bc: {  	[spmem:s2] =	stream.indirect.scatter.add.f32 [tilespmem:s29], [sflag:$0x5], $0x80, s26, s6, $0xb8;
	[tilespmem:$0x1A500] =	vst v63  }
0x1bd: {  	_ = 	snop  }
0x1be: {  	[spmem:s2] =	stream.indirect.scatter.add.f32 [tilespmem:s11], [sflag:$0x5], $0x80, s28, s6, $0xb8;
	[tilespmem:$0x1A500] =	vst v63  }
0x1bf: {  	v3 =	vld [tilespmem:$0x18100];
	_ =	sdelay $0x7  }
0x1c0: {  	[tilespmem:v3+s8+$0x0] =	vst.idx.add.f32.msk $0xffff, v1  }
0x1c1: {  	v3 =	vld [tilespmem:$0x18110];
	_ =	sdelay $0x7  }
0x1c2: {  	[tilespmem:v3+s8+$0x0] =	vst.idx.add.f32.msk $0xffff, v1  }
0x1c3: {  	v3 =	vld [tilespmem:$0x18120];
	_ =	sdelay $0x7  }
0x1c4: {  	[tilespmem:v3+s8+$0x0] =	vst.idx.add.f32.msk $0xffff, v1  }
0x1c5: {  	v3 =	vld [tilespmem:$0x18130];
	_ =	sdelay $0x7  }
0x1c6: {  	[tilespmem:v3+s8+$0x0] =	vst.idx.add.f32.msk $0xffff, v1  }
0x1c7: {  	v3 =	vld [tilespmem:$0x18140];
	_ =	sdelay $0x7  }
0x1c8: {  	[tilespmem:v3+s8+$0x0] =	vst.idx.add.f32.msk $0xffff, v1  }
0x1c9: {  	v3 =	vld [tilespmem:$0x18150];
	_ =	sdelay $0x7  }
0x1ca: {  	[tilespmem:v3+s8+$0x0] =	vst.idx.add.f32.msk $0xffff, v1  }
0x1cb: {  	v3 =	vld [tilespmem:$0x18160];
	_ =	sdelay $0x7  }
0x1cc: {  	[tilespmem:v3+s8+$0x0] =	vst.idx.add.f32.msk $0xffff, v1  }
0x1cd: {  	v3 =	vld [tilespmem:$0x18170];
	_ =	sdelay $0x7  }
0x1ce: {  	[tilespmem:v3+s8+$0x0] =	vst.idx.add.f32.msk $0xffff, v1  }
0x1cf: {  	v3 =	vld [tilespmem:$0x18180];
	_ =	sdelay $0x7  }
0x1d0: {  	[tilespmem:v3+s8+$0x0] =	vst.idx.add.f32.msk $0xffff, v1  }
0x1d1: {  	v3 =	vld [tilespmem:$0x18190];
	_ =	sdelay $0x7  }
0x1d2: {  	[tilespmem:v3+s8+$0x0] =	vst.idx.add.f32.msk $0xffff, v1  }
0x1d3: {  	v3 =	vld [tilespmem:$0x181A0];
	_ =	sdelay $0x7  }
0x1d4: {  	[tilespmem:v3+s8+$0x0] =	vst.idx.add.f32.msk $0xffff, v1  }
0x1d5: {  	v3 =	vld [tilespmem:$0x181B0];
	_ =	sdelay $0x7  }
0x1d6: {  	[tilespmem:v3+s8+$0x0] =	vst.idx.add.f32.msk $0xffff, v1  }
0x1d7: {  	v3 =	vld [tilespmem:$0x181C0];
	_ =	sdelay $0x7  }
0x1d8: {  	[tilespmem:v3+s8+$0x0] =	vst.idx.add.f32.msk $0xffff, v1  }
0x1d9: {  	v3 =	vld [tilespmem:$0x181D0];
	_ =	sdelay $0x7  }
0x1da: {  	[tilespmem:v3+s8+$0x0] =	vst.idx.add.f32.msk $0xffff, v1  }
0x1db: {  	v3 =	vld [tilespmem:$0x181E0];
	_ =	sdelay $0x7  }
0x1dc: {  	[tilespmem:v3+s8+$0x0] =	vst.idx.add.f32.msk $0xffff, v1  }
0x1dd: {  	v3 =	vld [tilespmem:$0x181F0];
	_ =	sdelay $0x7  }
0x1de: {  	[tilespmem:v3+s8+$0x0] =	vst.idx.add.f32.msk $0xffff, v1  }
0x1df: {  	_ =	swait.ge [sflag:s12], $0x4000  }
0x1e0: {  	[sflag:s12] =	ssyncset.done $0x0  }
0x1e1: {  	[sflag:s12] =	ssyncadd.s32 $0xFFFFC000  }
0x1e2: {  	_ =	swait.ge [sflag:s12], $0x4000  }
0x1e3: {  	[sflag:s12] =	ssyncset.done $0x0;
	s18 =	rddreg [dreg:$0x14]  }
0x1e4: {  	s19 =	sld [smem:$0x7FC];
	[sflag:s12] =	ssyncadd.s32 $0xFFFFC000  }
0x1e5: {  	[tilespmem:s26], [sflag:$0x2] =	stream.linear.gather [hbm4b:s18+s3], $0x80, $0x38;
	[tilespmem:$0x1A500] =	vst v63  }
0x1e6: {  	_ = 	snop  }
0x1e7: {  	[tilespmem:s28], [sflag:$0x2] =	stream.linear.gather [hbm4b:s19+s3], $0x80, $0x38;
	[tilespmem:$0x1A500] =	vst v63  }
0x1e8: {  	s18 =	rddreg [dreg:$0x15]  }
0x1e9: {  	[tilespmem:s29], [sflag:$0x2] =	stream.linear.gather [hbm4b:s18+s3], $0x8000, $0x38;
	[tilespmem:$0x1A500] =	vst v63  }
0x1ea: {  	_ =	swait.ge [sflag:s13], $0x80  }
0x1eb: {  	[sflag:s13] =	ssyncset.done $0x0  }
0x1ec: {  	[sflag:s13] =	ssyncadd.s32 $0xFFFFFF80  }
0x1ed: {  	_ =	swait.ge [sflag:s13], $0x80  }
0x1ee: {  	[sflag:s13] =	ssyncset.done $0x0  }
0x1ef: {  	[sflag:s13] =	ssyncadd.s32 $0xFFFFFF80  }
0x1f0: {  	_ =	swait.ge [sflag:s13], $0x8000  }
0x1f1: {  	[sflag:s13] =	ssyncset.done $0x0  }
0x1f2: {  	[sflag:s13] =	ssyncadd.s32 $0xFFFF8000  }
0x1f3: {  	[spmem:s2] =	stream.indirect.scatter.add.f32 [tilespmem:s0], [sflag:$0x6], $0x80, s30, s6, $0xb8;
	[tilespmem:$0x1A500] =	vst v63  }
0x1f4: {  	_ = 	snop  }
0x1f5: {  	[spmem:s2] =	stream.indirect.scatter.add.f32 [tilespmem:s14], [sflag:$0x6], $0x80, s31, s6, $0xb8;
	[tilespmem:$0x1A500] =	vst v63  }
0x1f6: {  	v3 =	vld [tilespmem:$0x18200];
	_ =	sdelay $0x7  }
0x1f7: {  	[tilespmem:v3+s8+$0x0] =	vst.idx.add.f32.msk $0xffff, v1  }
0x1f8: {  	v3 =	vld [tilespmem:$0x18210];
	_ =	sdelay $0x7  }
0x1f9: {  	[tilespmem:v3+s8+$0x0] =	vst.idx.add.f32.msk $0xffff, v1  }
0x1fa: {  	v3 =	vld [tilespmem:$0x18220];
	_ =	sdelay $0x7  }
0x1fb: {  	[tilespmem:v3+s8+$0x0] =	vst.idx.add.f32.msk $0xffff, v1  }
0x1fc: {  	v3 =	vld [tilespmem:$0x18230];
	_ =	sdelay $0x7  }
0x1fd: {  	[tilespmem:v3+s8+$0x0] =	vst.idx.add.f32.msk $0xffff, v1  }
0x1fe: {  	v3 =	vld [tilespmem:$0x18240];
	_ =	sdelay $0x7  }
0x1ff: {  	[tilespmem:v3+s8+$0x0] =	vst.idx.add.f32.msk $0xffff, v1  }
0x200: {  	v3 =	vld [tilespmem:$0x18250];
	_ =	sdelay $0x7  }
0x201: {  	[tilespmem:v3+s8+$0x0] =	vst.idx.add.f32.msk $0xffff, v1  }
0x202: {  	v3 =	vld [tilespmem:$0x18260];
	_ =	sdelay $0x7  }
0x203: {  	[tilespmem:v3+s8+$0x0] =	vst.idx.add.f32.msk $0xffff, v1  }
0x204: {  	v3 =	vld [tilespmem:$0x18270];
	_ =	sdelay $0x7  }
0x205: {  	[tilespmem:v3+s8+$0x0] =	vst.idx.add.f32.msk $0xffff, v1  }
0x206: {  	v3 =	vld [tilespmem:$0x18280];
	_ =	sdelay $0x7  }
0x207: {  	[tilespmem:v3+s8+$0x0] =	vst.idx.add.f32.msk $0xffff, v1  }
0x208: {  	v3 =	vld [tilespmem:$0x18290];
	_ =	sdelay $0x7  }
0x209: {  	[tilespmem:v3+s8+$0x0] =	vst.idx.add.f32.msk $0xffff, v1  }
0x20a: {  	v3 =	vld [tilespmem:$0x182A0];
	_ =	sdelay $0x7  }
0x20b: {  	[tilespmem:v3+s8+$0x0] =	vst.idx.add.f32.msk $0xffff, v1  }
0x20c: {  	v3 =	vld [tilespmem:$0x182B0];
	_ =	sdelay $0x7  }
0x20d: {  	[tilespmem:v3+s8+$0x0] =	vst.idx.add.f32.msk $0xffff, v1  }
0x20e: {  	v3 =	vld [tilespmem:$0x182C0];
	_ =	sdelay $0x7  }
0x20f: {  	[tilespmem:v3+s8+$0x0] =	vst.idx.add.f32.msk $0xffff, v1  }
0x210: {  	v3 =	vld [tilespmem:$0x182D0];
	_ =	sdelay $0x7  }
0x211: {  	[tilespmem:v3+s8+$0x0] =	vst.idx.add.f32.msk $0xffff, v1  }
0x212: {  	v3 =	vld [tilespmem:$0x182E0];
	_ =	sdelay $0x7  }
0x213: {  	[tilespmem:v3+s8+$0x0] =	vst.idx.add.f32.msk $0xffff, v1  }
0x214: {  	v3 =	vld [tilespmem:$0x182F0];
	_ =	sdelay $0x7  }
0x215: {  	[tilespmem:v3+s8+$0x0] =	vst.idx.add.f32.msk $0xffff, v1  }
0x216: {  	_ =	swait.ge [sflag:s15], $0x4000  }
0x217: {  	[sflag:s15] =	ssyncset.done $0x0  }
0x218: {  	[sflag:s15] =	ssyncadd.s32 $0xFFFFC000  }
0x219: {  	_ =	swait.ge [sflag:s15], $0x4000  }
0x21a: {  	[sflag:s15] =	ssyncset.done $0x0;
	s19 =	rddreg [dreg:$0x16]  }
0x21b: {  	s18 =	sld [smem:$0x7FD];
	[sflag:s15] =	ssyncadd.s32 $0xFFFFC000  }
0x21c: {  	[tilespmem:s30], [sflag:$0x3] =	stream.linear.gather [hbm4b:s19+s3], $0x80, $0x38;
	[tilespmem:$0x1A500] =	vst v63  }
0x21d: {  	_ = 	snop  }
0x21e: {  	[tilespmem:s31], [sflag:$0x3] =	stream.linear.gather [hbm4b:s18+s3], $0x80, $0x38;
	[tilespmem:$0x1A500] =	vst v63  }
0x21f: {  	s19 =	rddreg [dreg:$0x17]  }
0x220: {  	[tilespmem:s0], [sflag:$0x3] =	stream.linear.gather [hbm4b:s19+s3], $0x8000, $0x38;
	[tilespmem:$0x1A500] =	vst v63  }
0x221: {  	_ =	swait.ge [sflag:s1], $0x80  }
0x222: {  	[sflag:s1] =	ssyncset.done $0x0  }
0x223: {  	[sflag:s1] =	ssyncadd.s32 $0xFFFFFF80  }
0x224: {  	_ =	swait.ge [sflag:s1], $0x80  }
0x225: {  	[sflag:s1] =	ssyncset.done $0x0  }
0x226: {  	[sflag:s1] =	ssyncadd.s32 $0xFFFFFF80  }
0x227: {  	_ =	swait.ge [sflag:s1], $0x8000  }
0x228: {  	[sflag:s1] =	ssyncset.done $0x0  }
0x229: {  	[sflag:s1] =	ssyncadd.s32 $0xFFFF8000  }
0x22a: {  	[spmem:s2] =	stream.indirect.scatter.add.f32 [tilespmem:s3], [sflag:$0x4], $0x80, s24, s6, $0xb8;
	[tilespmem:$0x1A500] =	vst v63  }
0x22b: {  	_ = 	snop  }
0x22c: {  	[spmem:s2] =	stream.indirect.scatter.add.f32 [tilespmem:s7], [sflag:$0x4], $0x80, s25, s6, $0xb8;
	[tilespmem:$0x1A500] =	vst v63  }
0x22d: {  	v3 =	vld [tilespmem:$0x18000];
	_ =	sdelay $0x7  }
0x22e: {  	[tilespmem:v3+s8+$0x0] =	vst.idx.add.f32.msk $0xffff, v1  }
0x22f: {  	v3 =	vld [tilespmem:$0x18010];
	_ =	sdelay $0x7  }
0x230: {  	[tilespmem:v3+s8+$0x0] =	vst.idx.add.f32.msk $0xffff, v1  }
0x231: {  	v3 =	vld [tilespmem:$0x18020];
	_ =	sdelay $0x7  }
0x232: {  	[tilespmem:v3+s8+$0x0] =	vst.idx.add.f32.msk $0xffff, v1  }
0x233: {  	v3 =	vld [tilespmem:$0x18030];
	_ =	sdelay $0x7  }
0x234: {  	[tilespmem:v3+s8+$0x0] =	vst.idx.add.f32.msk $0xffff, v1  }
0x235: {  	v3 =	vld [tilespmem:$0x18040];
	_ =	sdelay $0x7  }
0x236: {  	[tilespmem:v3+s8+$0x0] =	vst.idx.add.f32.msk $0xffff, v1  }
0x237: {  	v3 =	vld [tilespmem:$0x18050];
	_ =	sdelay $0x7  }
0x238: {  	[tilespmem:v3+s8+$0x0] =	vst.idx.add.f32.msk $0xffff, v1  }
0x239: {  	v3 =	vld [tilespmem:$0x18060];
	_ =	sdelay $0x7  }
0x23a: {  	[tilespmem:v3+s8+$0x0] =	vst.idx.add.f32.msk $0xffff, v1  }
0x23b: {  	v3 =	vld [tilespmem:$0x18070];
	_ =	sdelay $0x7  }
0x23c: {  	[tilespmem:v3+s8+$0x0] =	vst.idx.add.f32.msk $0xffff, v1  }
0x23d: {  	v3 =	vld [tilespmem:$0x18080];
	_ =	sdelay $0x7  }
0x23e: {  	[tilespmem:v3+s8+$0x0] =	vst.idx.add.f32.msk $0xffff, v1  }
0x23f: {  	v3 =	vld [tilespmem:$0x18090];
	_ =	sdelay $0x7  }
0x240: {  	[tilespmem:v3+s8+$0x0] =	vst.idx.add.f32.msk $0xffff, v1  }
0x241: {  	v3 =	vld [tilespmem:$0x180A0];
	_ =	sdelay $0x7  }
0x242: {  	[tilespmem:v3+s8+$0x0] =	vst.idx.add.f32.msk $0xffff, v1  }
0x243: {  	v3 =	vld [tilespmem:$0x180B0];
	_ =	sdelay $0x7  }
0x244: {  	[tilespmem:v3+s8+$0x0] =	vst.idx.add.f32.msk $0xffff, v1  }
0x245: {  	v3 =	vld [tilespmem:$0x180C0];
	_ =	sdelay $0x7  }
0x246: {  	[tilespmem:v3+s8+$0x0] =	vst.idx.add.f32.msk $0xffff, v1  }
0x247: {  	v3 =	vld [tilespmem:$0x180D0];
	_ =	sdelay $0x7  }
0x248: {  	[tilespmem:v3+s8+$0x0] =	vst.idx.add.f32.msk $0xffff, v1  }
0x249: {  	v3 =	vld [tilespmem:$0x180E0];
	_ =	sdelay $0x7  }
0x24a: {  	[tilespmem:v3+s8+$0x0] =	vst.idx.add.f32.msk $0xffff, v1  }
0x24b: {  	v3 =	vld [tilespmem:$0x180F0];
	_ =	sdelay $0x7  }
0x24c: {  	[tilespmem:v3+s8+$0x0] =	vst.idx.add.f32.msk $0xffff, v1  }
0x24d: {  	_ =	swait.ge [sflag:s9], $0x4000  }
0x24e: {  	[sflag:s9] =	ssyncset.done $0x0  }
0x24f: {  	[sflag:s9] =	ssyncadd.s32 $0xFFFFC000  }
0x250: {  	_ =	swait.ge [sflag:s9], $0x4000  }
0x251: {  	[sflag:s9] =	ssyncset.done $0x0  }
0x252: {  	s18 =	rddreg [dreg:$0x18];
	[sflag:s9] =	ssyncadd.s32 $0xFFFFC000  }
0x253: {  	[tilespmem:s24], [sflag:$0x1] =	stream.linear.gather [hbm4b:s18+s3], $0x80, $0x38;
	[tilespmem:$0x1A500] =	vst v63  }
0x254: {  	_ = 	snop  }
0x255: {  	[tilespmem:s25], [sflag:$0x1] =	stream.linear.gather [hbm4b:s20+s3], $0x80, $0x38;
	[tilespmem:$0x1A500] =	vst v63  }
0x256: {  	s19 =	rddreg [dreg:$0x19]  }
0x257: {  	[tilespmem:s3], [sflag:$0x1] =	stream.linear.gather [hbm4b:s19+s3], $0x8000, $0x38;
	[tilespmem:$0x1A500] =	vst v63  }
0x258: {  	_ =	swait.ge [sflag:s10], $0x80  }
0x259: {  	[sflag:s10] =	ssyncset.done $0x0  }
0x25a: {  	[sflag:s10] =	ssyncadd.s32 $0xFFFFFF80  }
0x25b: {  	_ =	swait.ge [sflag:s10], $0x80  }
0x25c: {  	[sflag:s10] =	ssyncset.done $0x0  }
0x25d: {  	[sflag:s10] =	ssyncadd.s32 $0xFFFFFF80  }
0x25e: {  	_ =	swait.ge [sflag:s10], $0x8000  }
0x25f: {  	[sflag:s10] =	ssyncset.done $0x0  }
0x260: {  	[sflag:s10] =	ssyncadd.s32 $0xFFFF8000  }
0x261: {  	[spmem:s2] =	stream.indirect.scatter.add.f32 [tilespmem:s29], [sflag:$0x5], $0x80, s26, s6, $0xb8;
	[tilespmem:$0x1A500] =	vst v63  }
0x262: {  	_ = 	snop  }
0x263: {  	[spmem:s2] =	stream.indirect.scatter.add.f32 [tilespmem:s11], [sflag:$0x5], $0x80, s28, s6, $0xb8;
	[tilespmem:$0x1A500] =	vst v63  }
0x264: {  	v3 =	vld [tilespmem:$0x18100];
	_ =	sdelay $0x7  }
0x265: {  	[tilespmem:v3+s8+$0x0] =	vst.idx.add.f32.msk $0xffff, v1  }
0x266: {  	v3 =	vld [tilespmem:$0x18110];
	_ =	sdelay $0x7  }
0x267: {  	[tilespmem:v3+s8+$0x0] =	vst.idx.add.f32.msk $0xffff, v1  }
0x268: {  	v3 =	vld [tilespmem:$0x18120];
	_ =	sdelay $0x7  }
0x269: {  	[tilespmem:v3+s8+$0x0] =	vst.idx.add.f32.msk $0xffff, v1  }
0x26a: {  	v3 =	vld [tilespmem:$0x18130];
	_ =	sdelay $0x7  }
0x26b: {  	[tilespmem:v3+s8+$0x0] =	vst.idx.add.f32.msk $0xffff, v1  }
0x26c: {  	v3 =	vld [tilespmem:$0x18140];
	_ =	sdelay $0x7  }
0x26d: {  	[tilespmem:v3+s8+$0x0] =	vst.idx.add.f32.msk $0xffff, v1  }
0x26e: {  	v3 =	vld [tilespmem:$0x18150];
	_ =	sdelay $0x7  }
0x26f: {  	[tilespmem:v3+s8+$0x0] =	vst.idx.add.f32.msk $0xffff, v1  }
0x270: {  	v3 =	vld [tilespmem:$0x18160];
	_ =	sdelay $0x7  }
0x271: {  	[tilespmem:v3+s8+$0x0] =	vst.idx.add.f32.msk $0xffff, v1  }
0x272: {  	v3 =	vld [tilespmem:$0x18170];
	_ =	sdelay $0x7  }
0x273: {  	[tilespmem:v3+s8+$0x0] =	vst.idx.add.f32.msk $0xffff, v1  }
0x274: {  	v3 =	vld [tilespmem:$0x18180];
	_ =	sdelay $0x7  }
0x275: {  	[tilespmem:v3+s8+$0x0] =	vst.idx.add.f32.msk $0xffff, v1  }
0x276: {  	v3 =	vld [tilespmem:$0x18190];
	_ =	sdelay $0x7  }
0x277: {  	[tilespmem:v3+s8+$0x0] =	vst.idx.add.f32.msk $0xffff, v1  }
0x278: {  	v3 =	vld [tilespmem:$0x181A0];
	_ =	sdelay $0x7  }
0x279: {  	[tilespmem:v3+s8+$0x0] =	vst.idx.add.f32.msk $0xffff, v1  }
0x27a: {  	v3 =	vld [tilespmem:$0x181B0];
	_ =	sdelay $0x7  }
0x27b: {  	[tilespmem:v3+s8+$0x0] =	vst.idx.add.f32.msk $0xffff, v1  }
0x27c: {  	v3 =	vld [tilespmem:$0x181C0];
	_ =	sdelay $0x7  }
0x27d: {  	[tilespmem:v3+s8+$0x0] =	vst.idx.add.f32.msk $0xffff, v1  }
0x27e: {  	v3 =	vld [tilespmem:$0x181D0];
	_ =	sdelay $0x7  }
0x27f: {  	[tilespmem:v3+s8+$0x0] =	vst.idx.add.f32.msk $0xffff, v1  }
0x280: {  	v3 =	vld [tilespmem:$0x181E0];
	_ =	sdelay $0x7  }
0x281: {  	[tilespmem:v3+s8+$0x0] =	vst.idx.add.f32.msk $0xffff, v1  }
0x282: {  	v3 =	vld [tilespmem:$0x181F0];
	_ =	sdelay $0x7  }
0x283: {  	[tilespmem:v3+s8+$0x0] =	vst.idx.add.f32.msk $0xffff, v1  }
0x284: {  	_ =	swait.ge [sflag:s12], $0x4000  }
0x285: {  	[sflag:s12] =	ssyncset.done $0x0  }
0x286: {  	[sflag:s12] =	ssyncadd.s32 $0xFFFFC000  }
0x287: {  	_ =	swait.ge [sflag:s12], $0x4000  }
0x288: {  	[sflag:s12] =	ssyncset.done $0x0  }
0x289: {  	s18 =	rddreg [dreg:$0x1a];
	[sflag:s12] =	ssyncadd.s32 $0xFFFFC000  }
0x28a: {  	[tilespmem:s26], [sflag:$0x2] =	stream.linear.gather [hbm4b:s18+s3], $0x80, $0x38;
	[tilespmem:$0x1A500] =	vst v63  }
0x28b: {  	_ = 	snop  }
0x28c: {  	[tilespmem:s28], [sflag:$0x2] =	stream.linear.gather [hbm4b:s21+s3], $0x80, $0x38;
	[tilespmem:$0x1A500] =	vst v63  }
0x28d: {  	s19 =	rddreg [dreg:$0x1b]  }
0x28e: {  	[tilespmem:s29], [sflag:$0x2] =	stream.linear.gather [hbm4b:s19+s3], $0x8000, $0x38;
	[tilespmem:$0x1A500] =	vst v63  }
0x28f: {  	_ =	swait.ge [sflag:s13], $0x80  }
0x290: {  	[sflag:s13] =	ssyncset.done $0x0  }
0x291: {  	[sflag:s13] =	ssyncadd.s32 $0xFFFFFF80  }
0x292: {  	_ =	swait.ge [sflag:s13], $0x80  }
0x293: {  	[sflag:s13] =	ssyncset.done $0x0  }
0x294: {  	[sflag:s13] =	ssyncadd.s32 $0xFFFFFF80  }
0x295: {  	_ =	swait.ge [sflag:s13], $0x8000  }
0x296: {  	[sflag:s13] =	ssyncset.done $0x0  }
0x297: {  	[sflag:s13] =	ssyncadd.s32 $0xFFFF8000  }
0x298: {  	[spmem:s2] =	stream.indirect.scatter.add.f32 [tilespmem:s0], [sflag:$0x6], $0x80, s30, s6, $0xb8;
	[tilespmem:$0x1A500] =	vst v63  }
0x299: {  	_ = 	snop  }
0x29a: {  	[spmem:s2] =	stream.indirect.scatter.add.f32 [tilespmem:s14], [sflag:$0x6], $0x80, s31, s6, $0xb8;
	[tilespmem:$0x1A500] =	vst v63  }
0x29b: {  	v3 =	vld [tilespmem:$0x18200];
	_ =	sdelay $0x7  }
0x29c: {  	[tilespmem:v3+s8+$0x0] =	vst.idx.add.f32.msk $0xffff, v1  }
0x29d: {  	v3 =	vld [tilespmem:$0x18210];
	_ =	sdelay $0x7  }
0x29e: {  	[tilespmem:v3+s8+$0x0] =	vst.idx.add.f32.msk $0xffff, v1  }
0x29f: {  	v3 =	vld [tilespmem:$0x18220];
	_ =	sdelay $0x7  }
0x2a0: {  	[tilespmem:v3+s8+$0x0] =	vst.idx.add.f32.msk $0xffff, v1  }
0x2a1: {  	v3 =	vld [tilespmem:$0x18230];
	_ =	sdelay $0x7  }
0x2a2: {  	[tilespmem:v3+s8+$0x0] =	vst.idx.add.f32.msk $0xffff, v1  }
0x2a3: {  	v3 =	vld [tilespmem:$0x18240];
	_ =	sdelay $0x7  }
0x2a4: {  	[tilespmem:v3+s8+$0x0] =	vst.idx.add.f32.msk $0xffff, v1  }
0x2a5: {  	v3 =	vld [tilespmem:$0x18250];
	_ =	sdelay $0x7  }
0x2a6: {  	[tilespmem:v3+s8+$0x0] =	vst.idx.add.f32.msk $0xffff, v1  }
0x2a7: {  	v3 =	vld [tilespmem:$0x18260];
	_ =	sdelay $0x7  }
0x2a8: {  	[tilespmem:v3+s8+$0x0] =	vst.idx.add.f32.msk $0xffff, v1  }
0x2a9: {  	v3 =	vld [tilespmem:$0x18270];
	_ =	sdelay $0x7  }
0x2aa: {  	[tilespmem:v3+s8+$0x0] =	vst.idx.add.f32.msk $0xffff, v1  }
0x2ab: {  	v3 =	vld [tilespmem:$0x18280];
	_ =	sdelay $0x7  }
0x2ac: {  	[tilespmem:v3+s8+$0x0] =	vst.idx.add.f32.msk $0xffff, v1  }
0x2ad: {  	v3 =	vld [tilespmem:$0x18290];
	_ =	sdelay $0x7  }
0x2ae: {  	[tilespmem:v3+s8+$0x0] =	vst.idx.add.f32.msk $0xffff, v1  }
0x2af: {  	v3 =	vld [tilespmem:$0x182A0];
	_ =	sdelay $0x7  }
0x2b0: {  	[tilespmem:v3+s8+$0x0] =	vst.idx.add.f32.msk $0xffff, v1  }
0x2b1: {  	v3 =	vld [tilespmem:$0x182B0];
	_ =	sdelay $0x7  }
0x2b2: {  	[tilespmem:v3+s8+$0x0] =	vst.idx.add.f32.msk $0xffff, v1  }
0x2b3: {  	v3 =	vld [tilespmem:$0x182C0];
	_ =	sdelay $0x7  }
0x2b4: {  	[tilespmem:v3+s8+$0x0] =	vst.idx.add.f32.msk $0xffff, v1  }
0x2b5: {  	v3 =	vld [tilespmem:$0x182D0];
	_ =	sdelay $0x7  }
0x2b6: {  	[tilespmem:v3+s8+$0x0] =	vst.idx.add.f32.msk $0xffff, v1  }
0x2b7: {  	v3 =	vld [tilespmem:$0x182E0];
	_ =	sdelay $0x7  }
0x2b8: {  	[tilespmem:v3+s8+$0x0] =	vst.idx.add.f32.msk $0xffff, v1  }
0x2b9: {  	v3 =	vld [tilespmem:$0x182F0];
	_ =	sdelay $0x7  }
0x2ba: {  	[tilespmem:v3+s8+$0x0] =	vst.idx.add.f32.msk $0xffff, v1  }
0x2bb: {  	_ =	swait.ge [sflag:s15], $0x4000  }
0x2bc: {  	[sflag:s15] =	ssyncset.done $0x0  }
0x2bd: {  	[sflag:s15] =	ssyncadd.s32 $0xFFFFC000  }
0x2be: {  	_ =	swait.ge [sflag:s15], $0x4000  }
0x2bf: {  	[sflag:s15] =	ssyncset.done $0x0  }
0x2c0: {  	s18 =	rddreg [dreg:$0x1c];
	[sflag:s15] =	ssyncadd.s32 $0xFFFFC000  }
0x2c1: {  	[tilespmem:s30], [sflag:$0x3] =	stream.linear.gather [hbm4b:s18+s3], $0x80, $0x38;
	[tilespmem:$0x1A500] =	vst v63  }
0x2c2: {  	_ = 	snop  }
0x2c3: {  	[tilespmem:s31], [sflag:$0x3] =	stream.linear.gather [hbm4b:s22+s3], $0x80, $0x38;
	[tilespmem:$0x1A500] =	vst v63  }
0x2c4: {  	s19 =	rddreg [dreg:$0x1d]  }
0x2c5: {  	[tilespmem:s0], [sflag:$0x3] =	stream.linear.gather [hbm4b:s19+s3], $0x8000, $0x38;
	[tilespmem:$0x1A500] =	vst v63  }
0x2c6: {  	_ =	swait.ge [sflag:s1], $0x80  }
0x2c7: {  	[sflag:s1] =	ssyncset.done $0x0  }
0x2c8: {  	[sflag:s1] =	ssyncadd.s32 $0xFFFFFF80  }
0x2c9: {  	_ =	swait.ge [sflag:s1], $0x80  }
0x2ca: {  	[sflag:s1] =	ssyncset.done $0x0  }
0x2cb: {  	[sflag:s1] =	ssyncadd.s32 $0xFFFFFF80  }
0x2cc: {  	_ =	swait.ge [sflag:s1], $0x8000  }
0x2cd: {  	[sflag:s1] =	ssyncset.done $0x0  }
0x2ce: {  	[sflag:s1] =	ssyncadd.s32 $0xFFFF8000  }
0x2cf: {  	[spmem:s2] =	stream.indirect.scatter.add.f32 [tilespmem:s3], [sflag:$0x4], $0x80, s24, s6, $0xb8;
	[tilespmem:$0x1A500] =	vst v63  }
0x2d0: {  	_ = 	snop  }
0x2d1: {  	[spmem:s2] =	stream.indirect.scatter.add.f32 [tilespmem:s7], [sflag:$0x4], $0x80, s25, s6, $0xb8;
	[tilespmem:$0x1A500] =	vst v63  }
0x2d2: {  	v3 =	vld [tilespmem:$0x18000];
	_ =	sdelay $0x7  }
0x2d3: {  	[tilespmem:v3+s8+$0x0] =	vst.idx.add.f32.msk $0xffff, v1  }
0x2d4: {  	v3 =	vld [tilespmem:$0x18010];
	_ =	sdelay $0x7  }
0x2d5: {  	[tilespmem:v3+s8+$0x0] =	vst.idx.add.f32.msk $0xffff, v1  }
0x2d6: {  	v3 =	vld [tilespmem:$0x18020];
	_ =	sdelay $0x7  }
0x2d7: {  	[tilespmem:v3+s8+$0x0] =	vst.idx.add.f32.msk $0xffff, v1  }
0x2d8: {  	v3 =	vld [tilespmem:$0x18030];
	_ =	sdelay $0x7  }
0x2d9: {  	[tilespmem:v3+s8+$0x0] =	vst.idx.add.f32.msk $0xffff, v1  }
0x2da: {  	v3 =	vld [tilespmem:$0x18040];
	_ =	sdelay $0x7  }
0x2db: {  	[tilespmem:v3+s8+$0x0] =	vst.idx.add.f32.msk $0xffff, v1  }
0x2dc: {  	v3 =	vld [tilespmem:$0x18050];
	_ =	sdelay $0x7  }
0x2dd: {  	[tilespmem:v3+s8+$0x0] =	vst.idx.add.f32.msk $0xffff, v1  }
0x2de: {  	v3 =	vld [tilespmem:$0x18060];
	_ =	sdelay $0x7  }
0x2df: {  	[tilespmem:v3+s8+$0x0] =	vst.idx.add.f32.msk $0xffff, v1  }
0x2e0: {  	v3 =	vld [tilespmem:$0x18070];
	_ =	sdelay $0x7  }
0x2e1: {  	[tilespmem:v3+s8+$0x0] =	vst.idx.add.f32.msk $0xffff, v1  }
0x2e2: {  	v3 =	vld [tilespmem:$0x18080];
	_ =	sdelay $0x7  }
0x2e3: {  	[tilespmem:v3+s8+$0x0] =	vst.idx.add.f32.msk $0xffff, v1  }
0x2e4: {  	v3 =	vld [tilespmem:$0x18090];
	_ =	sdelay $0x7  }
0x2e5: {  	[tilespmem:v3+s8+$0x0] =	vst.idx.add.f32.msk $0xffff, v1  }
0x2e6: {  	v3 =	vld [tilespmem:$0x180A0];
	_ =	sdelay $0x7  }
0x2e7: {  	[tilespmem:v3+s8+$0x0] =	vst.idx.add.f32.msk $0xffff, v1  }
0x2e8: {  	v3 =	vld [tilespmem:$0x180B0];
	_ =	sdelay $0x7  }
0x2e9: {  	[tilespmem:v3+s8+$0x0] =	vst.idx.add.f32.msk $0xffff, v1  }
0x2ea: {  	v3 =	vld [tilespmem:$0x180C0];
	_ =	sdelay $0x7  }
0x2eb: {  	[tilespmem:v3+s8+$0x0] =	vst.idx.add.f32.msk $0xffff, v1  }
0x2ec: {  	v3 =	vld [tilespmem:$0x180D0];
	_ =	sdelay $0x7  }
0x2ed: {  	[tilespmem:v3+s8+$0x0] =	vst.idx.add.f32.msk $0xffff, v1  }
0x2ee: {  	v3 =	vld [tilespmem:$0x180E0];
	_ =	sdelay $0x7  }
0x2ef: {  	[tilespmem:v3+s8+$0x0] =	vst.idx.add.f32.msk $0xffff, v1  }
0x2f0: {  	v3 =	vld [tilespmem:$0x180F0];
	_ =	sdelay $0x7  }
0x2f1: {  	[tilespmem:v3+s8+$0x0] =	vst.idx.add.f32.msk $0xffff, v1  }
0x2f2: {  	_ =	swait.ge [sflag:s9], $0x4000  }
0x2f3: {  	[sflag:s9] =	ssyncset.done $0x0  }
0x2f4: {  	[sflag:s9] =	ssyncadd.s32 $0xFFFFC000  }
0x2f5: {  	_ =	swait.ge [sflag:s9], $0x4000  }
0x2f6: {  	s17 =	simm.s32 @!p3 $0x0;
	[sflag:s9] =	ssyncset.done $0x0  }
0x2f7: {  	s18 =	simm.s32 @!p3 $0x18000;
	s19 =	rddreg [dreg:$0x1f];
	[sflag:s9] =	ssyncadd.s32 $0xFFFFC000  }
0x2f8: {  	[tilespmem:s18], [sflag:$0x1] =	stream.linear.gather @!p3 [hbm4b:s19+s17], $0x80, $0x38;
	[tilespmem:$0x1A500] =	vst v63  }
0x2f9: {  	s19 =	sld [smem:$0x7EF];
	_ =	sdelay $0x1  }
0x2fa: {  	s18 =	simm.s32 @!p3 $0x18080  }
0x2fb: {  	[tilespmem:s18], [sflag:$0x1] =	stream.linear.gather @!p3 [hbm4b:s19+s17], $0x20, $0x38;
	[tilespmem:$0x1A500] =	vst v63  }
0x2fc: {  	s18 =	sld [smem:$0x7F1];
	_ =	sdelay $0x2  }
0x2fd: {  	[tilespmem:s17], [sflag:$0x1] =	stream.linear.gather @!p3 [hbm4b:s18+s17], $0x5000, $0x38;
	[tilespmem:$0x1A500] =	vst v63  }
0x2fe: {  	s19 =	rddreg [dreg:$0x1e];
	s17 =	simm.s32 @!p0 $0x0;
	s18 =	simm.s32 @!p0 $0x18000  }
0x2ff: {  	[tilespmem:s18], [sflag:$0x1] =	stream.linear.gather @!p0 [hbm4b:s19+s17], $0x80, $0x38;
	[tilespmem:$0x1A500] =	vst v63  }
0x300: {  	s19 =	sld [smem:$0x7F2];
	_ =	sdelay $0x1  }
0x301: {  	s18 =	simm.s32 @!p0 $0x18080  }
0x302: {  	[tilespmem:s18], [sflag:$0x1] =	stream.linear.gather @!p0 [hbm4b:s19+s17], $0x80, $0x38;
	[tilespmem:$0x1A500] =	vst v63  }
0x303: {  	s18 =	sld [smem:$0x7F0];
	_ =	sdelay $0x2  }
0x304: {  	[tilespmem:s17], [sflag:$0x1] =	stream.linear.gather @!p0 [hbm4b:s18+s17], $0x8000, $0x38;
	[tilespmem:$0x1A500] =	vst v63  }
0x305: {  	_ =	swait.ge [sflag:s10], $0x80  }
0x306: {  	[sflag:s10] =	ssyncset.done $0x0  }
0x307: {  	[sflag:s10] =	ssyncadd.s32 $0xFFFFFF80  }
0x308: {  	_ =	swait.ge [sflag:s10], $0x80  }
0x309: {  	[sflag:s10] =	ssyncset.done $0x0  }
0x30a: {  	[sflag:s10] =	ssyncadd.s32 $0xFFFFFF80  }
0x30b: {  	_ =	swait.ge [sflag:s10], $0x8000  }
0x30c: {  	[sflag:s10] =	ssyncset.done $0x0  }
0x30d: {  	[sflag:s10] =	ssyncadd.s32 $0xFFFF8000  }
0x30e: {  	[spmem:s2] =	stream.indirect.scatter.add.f32 [tilespmem:s29], [sflag:$0x5], $0x80, s26, s6, $0xb8;
	[tilespmem:$0x1A500] =	vst v63  }
0x30f: {  	_ = 	snop  }
0x310: {  	[spmem:s2] =	stream.indirect.scatter.add.f32 [tilespmem:s11], [sflag:$0x5], $0x80, s28, s6, $0xb8;
	[tilespmem:$0x1A500] =	vst v63  }
0x311: {  	v3 =	vld [tilespmem:$0x18100];
	_ =	sdelay $0x7  }
0x312: {  	[tilespmem:v3+s8+$0x0] =	vst.idx.add.f32.msk $0xffff, v1  }
0x313: {  	v3 =	vld [tilespmem:$0x18110];
	_ =	sdelay $0x7  }
0x314: {  	[tilespmem:v3+s8+$0x0] =	vst.idx.add.f32.msk $0xffff, v1  }
0x315: {  	v3 =	vld [tilespmem:$0x18120];
	_ =	sdelay $0x7  }
0x316: {  	[tilespmem:v3+s8+$0x0] =	vst.idx.add.f32.msk $0xffff, v1  }
0x317: {  	v3 =	vld [tilespmem:$0x18130];
	_ =	sdelay $0x7  }
0x318: {  	[tilespmem:v3+s8+$0x0] =	vst.idx.add.f32.msk $0xffff, v1  }
0x319: {  	v3 =	vld [tilespmem:$0x18140];
	_ =	sdelay $0x7  }
0x31a: {  	[tilespmem:v3+s8+$0x0] =	vst.idx.add.f32.msk $0xffff, v1  }
0x31b: {  	v3 =	vld [tilespmem:$0x18150];
	_ =	sdelay $0x7  }
0x31c: {  	[tilespmem:v3+s8+$0x0] =	vst.idx.add.f32.msk $0xffff, v1  }
0x31d: {  	v3 =	vld [tilespmem:$0x18160];
	_ =	sdelay $0x7  }
0x31e: {  	[tilespmem:v3+s8+$0x0] =	vst.idx.add.f32.msk $0xffff, v1  }
0x31f: {  	v3 =	vld [tilespmem:$0x18170];
	_ =	sdelay $0x7  }
0x320: {  	[tilespmem:v3+s8+$0x0] =	vst.idx.add.f32.msk $0xffff, v1  }
0x321: {  	v3 =	vld [tilespmem:$0x18180];
	_ =	sdelay $0x7  }
0x322: {  	[tilespmem:v3+s8+$0x0] =	vst.idx.add.f32.msk $0xffff, v1  }
0x323: {  	v3 =	vld [tilespmem:$0x18190];
	_ =	sdelay $0x7  }
0x324: {  	[tilespmem:v3+s8+$0x0] =	vst.idx.add.f32.msk $0xffff, v1  }
0x325: {  	v3 =	vld [tilespmem:$0x181A0];
	_ =	sdelay $0x7  }
0x326: {  	[tilespmem:v3+s8+$0x0] =	vst.idx.add.f32.msk $0xffff, v1  }
0x327: {  	v3 =	vld [tilespmem:$0x181B0];
	_ =	sdelay $0x7  }
0x328: {  	[tilespmem:v3+s8+$0x0] =	vst.idx.add.f32.msk $0xffff, v1  }
0x329: {  	v3 =	vld [tilespmem:$0x181C0];
	_ =	sdelay $0x7  }
0x32a: {  	[tilespmem:v3+s8+$0x0] =	vst.idx.add.f32.msk $0xffff, v1  }
0x32b: {  	v3 =	vld [tilespmem:$0x181D0];
	_ =	sdelay $0x7  }
0x32c: {  	[tilespmem:v3+s8+$0x0] =	vst.idx.add.f32.msk $0xffff, v1  }
0x32d: {  	v3 =	vld [tilespmem:$0x181E0];
	_ =	sdelay $0x7  }
0x32e: {  	[tilespmem:v3+s8+$0x0] =	vst.idx.add.f32.msk $0xffff, v1  }
0x32f: {  	v3 =	vld [tilespmem:$0x181F0];
	_ =	sdelay $0x7  }
0x330: {  	[tilespmem:v3+s8+$0x0] =	vst.idx.add.f32.msk $0xffff, v1  }
0x331: {  	_ =	swait.ge [sflag:s13], $0x80  }
0x332: {  	[sflag:s13] =	ssyncset.done $0x0  }
0x333: {  	[sflag:s13] =	ssyncadd.s32 $0xFFFFFF80  }
0x334: {  	_ =	swait.ge [sflag:s13], $0x80  }
0x335: {  	[sflag:s13] =	ssyncset.done $0x0  }
0x336: {  	[sflag:s13] =	ssyncadd.s32 $0xFFFFFF80  }
0x337: {  	_ =	swait.ge [sflag:s13], $0x8000  }
0x338: {  	[sflag:s13] =	ssyncset.done $0x0  }
0x339: {  	[sflag:s13] =	ssyncadd.s32 $0xFFFF8000  }
0x33a: {  	[spmem:s2] =	stream.indirect.scatter.add.f32 [tilespmem:s0], [sflag:$0x6], $0x80, s30, s6, $0xb8;
	[tilespmem:$0x1A500] =	vst v63  }
0x33b: {  	_ = 	snop  }
0x33c: {  	[spmem:s2] =	stream.indirect.scatter.add.f32 [tilespmem:s14], [sflag:$0x6], $0x80, s31, s6, $0xb8;
	[tilespmem:$0x1A500] =	vst v63  }
0x33d: {  	v3 =	vld [tilespmem:$0x18200];
	_ =	sdelay $0x7  }
0x33e: {  	[tilespmem:v3+s8+$0x0] =	vst.idx.add.f32.msk $0xffff, v1  }
0x33f: {  	v3 =	vld [tilespmem:$0x18210];
	_ =	sdelay $0x7  }
0x340: {  	[tilespmem:v3+s8+$0x0] =	vst.idx.add.f32.msk $0xffff, v1  }
0x341: {  	v3 =	vld [tilespmem:$0x18220];
	_ =	sdelay $0x7  }
0x342: {  	[tilespmem:v3+s8+$0x0] =	vst.idx.add.f32.msk $0xffff, v1  }
0x343: {  	v3 =	vld [tilespmem:$0x18230];
	_ =	sdelay $0x7  }
0x344: {  	[tilespmem:v3+s8+$0x0] =	vst.idx.add.f32.msk $0xffff, v1  }
0x345: {  	v3 =	vld [tilespmem:$0x18240];
	_ =	sdelay $0x7  }
0x346: {  	[tilespmem:v3+s8+$0x0] =	vst.idx.add.f32.msk $0xffff, v1  }
0x347: {  	v3 =	vld [tilespmem:$0x18250];
	_ =	sdelay $0x7  }
0x348: {  	[tilespmem:v3+s8+$0x0] =	vst.idx.add.f32.msk $0xffff, v1  }
0x349: {  	v3 =	vld [tilespmem:$0x18260];
	_ =	sdelay $0x7  }
0x34a: {  	[tilespmem:v3+s8+$0x0] =	vst.idx.add.f32.msk $0xffff, v1  }
0x34b: {  	v3 =	vld [tilespmem:$0x18270];
	_ =	sdelay $0x7  }
0x34c: {  	[tilespmem:v3+s8+$0x0] =	vst.idx.add.f32.msk $0xffff, v1  }
0x34d: {  	v3 =	vld [tilespmem:$0x18280];
	_ =	sdelay $0x7  }
0x34e: {  	[tilespmem:v3+s8+$0x0] =	vst.idx.add.f32.msk $0xffff, v1  }
0x34f: {  	v3 =	vld [tilespmem:$0x18290];
	_ =	sdelay $0x7  }
0x350: {  	[tilespmem:v3+s8+$0x0] =	vst.idx.add.f32.msk $0xffff, v1  }
0x351: {  	v3 =	vld [tilespmem:$0x182A0];
	_ =	sdelay $0x7  }
0x352: {  	[tilespmem:v3+s8+$0x0] =	vst.idx.add.f32.msk $0xffff, v1  }
0x353: {  	v3 =	vld [tilespmem:$0x182B0];
	_ =	sdelay $0x7  }
0x354: {  	[tilespmem:v3+s8+$0x0] =	vst.idx.add.f32.msk $0xffff, v1  }
0x355: {  	v3 =	vld [tilespmem:$0x182C0];
	_ =	sdelay $0x7  }
0x356: {  	[tilespmem:v3+s8+$0x0] =	vst.idx.add.f32.msk $0xffff, v1  }
0x357: {  	v3 =	vld [tilespmem:$0x182D0];
	_ =	sdelay $0x7  }
0x358: {  	[tilespmem:v3+s8+$0x0] =	vst.idx.add.f32.msk $0xffff, v1  }
0x359: {  	v3 =	vld [tilespmem:$0x182E0];
	_ =	sdelay $0x7  }
0x35a: {  	[tilespmem:v3+s8+$0x0] =	vst.idx.add.f32.msk $0xffff, v1  }
0x35b: {  	v3 =	vld [tilespmem:$0x182F0];
	_ =	sdelay $0x3  }
.Ltmp3:
0x35c: {  	_ = 	snop;
	(pc) =	sbr.rel @!p0 .LBB2_4-.Ltmp3, $2  }
0x35d: {  	_ =	sdelay $0x2  }
0x35e: {  	[tilespmem:v3+s8+$0x0] =	vst.idx.add.f32.msk $0xffff, v1  }
.Ltmp4:
0x35f: {  	(pc) =	sbr.rel @p2 .LBB2_10-.Ltmp4, $1  }
0x360: {  	_ =	sdelay $0x3  }
0x361: {  	_ =	swait.ge [sflag:s1], $0x80  }
0x362: {  	[sflag:s1] =	ssyncset.done $0x0  }
0x363: {  	[sflag:s1] =	ssyncadd.s32 $0xFFFFFF80  }
0x364: {  	_ =	swait.ge [sflag:s1], $0x20  }
0x365: {  	[sflag:s1] =	ssyncset.done $0x0  }
0x366: {  	[sflag:s1] =	ssyncadd.s32 $0xFFFFFFE0  }
0x367: {  	_ =	swait.ge [sflag:s1], $0x5000  }
0x368: {  	[sflag:s1] =	ssyncset.done $0x0  }
0x369: {  	[sflag:s1] =	ssyncadd.s32 $0xFFFFB000  }
0x36a: {  	[tilespmem:$0x180A0] =	vst v2  }
0x36b: {  	[tilespmem:$0x180B0] =	vst v2  }
0x36c: {  	[tilespmem:$0x180C0] =	vst v2  }
0x36d: {  	[tilespmem:$0x180D0] =	vst v2  }
0x36e: {  	[tilespmem:$0x180E0] =	vst v2  }
0x36f: {  	s17 =	simm.s32 $0x0;
	s18 =	simm.s32 $0x200;
	[tilespmem:$0x180F0] =	vst v2  }
.LBB2_7:
0x370: {  	p4 =	sne.s32 s18, $0xBE00;
	[tilespmem:s17+$0x5070] =	vst v0  }
0x371: {  	[tilespmem:s17+$0x5000] =	vst v0  }
0x372: {  	[tilespmem:s17+$0x5010] =	vst v0  }
.Ltmp5:
0x373: {  	[tilespmem:s17+$0x5020] =	vst v0;
	(pc) =	sbr.rel @p4 .LBB2_7-.Ltmp5, $4  }
0x374: {  	[tilespmem:s17+$0x5030] =	vst v0  }
0x375: {  	[tilespmem:s17+$0x5040] =	vst v0  }
0x376: {  	[tilespmem:s17+$0x5050] =	vst v0  }
0x377: {  	[tilespmem:s17+$0x5060] =	vst v0;
	s17 =	sshra.s32 s18, $0x2;
	s18 =	sadd.s32 $0x200, s18  }
0x378: {  	[tilespmem:s17+$0x5070] =	vst v0  }
0x379: {  	[tilespmem:s17+$0x5000] =	vst v0  }
0x37a: {  	[tilespmem:s17+$0x5010] =	vst v0  }
0x37b: {  	[tilespmem:s17+$0x5020] =	vst v0  }
0x37c: {  	[tilespmem:s17+$0x5030] =	vst v0  }
0x37d: {  	[tilespmem:s17+$0x5040] =	vst v0  }
0x37e: {  	[tilespmem:s17+$0x5050] =	vst v0  }
0x37f: {  	[tilespmem:s17+$0x5060] =	vst v0  }
0x380: {  	[spmem:s2] =	stream.indirect.scatter.add.f32 [tilespmem:s3], [sflag:$0x4], $0x80, s24, s6, $0xb8;
	[tilespmem:$0x1A500] =	vst v63  }
0x381: {  	s17 =	simm.s32 $0x18080  }
0x382: {  	[spmem:s2] =	stream.indirect.scatter.add.f32 [tilespmem:s7], [sflag:$0x4], $0x80, s17, s6, $0xb8;
	[tilespmem:$0x1A500] =	vst v63  }
0x383: {  	v3 =	vld [tilespmem:$0x18000];
	_ =	sdelay $0x7  }
0x384: {  	[tilespmem:v3+s8+$0x0] =	vst.idx.add.f32.msk $0xffff, v1  }
0x385: {  	v3 =	vld [tilespmem:$0x18010];
	_ =	sdelay $0x7  }
0x386: {  	[tilespmem:v3+s8+$0x0] =	vst.idx.add.f32.msk $0xffff, v1  }
0x387: {  	v3 =	vld [tilespmem:$0x18020];
	_ =	sdelay $0x7  }
0x388: {  	[tilespmem:v3+s8+$0x0] =	vst.idx.add.f32.msk $0xffff, v1  }
0x389: {  	v3 =	vld [tilespmem:$0x18030];
	_ =	sdelay $0x7  }
0x38a: {  	[tilespmem:v3+s8+$0x0] =	vst.idx.add.f32.msk $0xffff, v1  }
0x38b: {  	v3 =	vld [tilespmem:$0x18040];
	_ =	sdelay $0x7  }
0x38c: {  	[tilespmem:v3+s8+$0x0] =	vst.idx.add.f32.msk $0xffff, v1  }
0x38d: {  	v3 =	vld [tilespmem:$0x18050];
	_ =	sdelay $0x7  }
0x38e: {  	[tilespmem:v3+s8+$0x0] =	vst.idx.add.f32.msk $0xffff, v1  }
0x38f: {  	v3 =	vld [tilespmem:$0x18060];
	_ =	sdelay $0x7  }
0x390: {  	[tilespmem:v3+s8+$0x0] =	vst.idx.add.f32.msk $0xffff, v1  }
0x391: {  	v3 =	vld [tilespmem:$0x18070];
	_ =	sdelay $0x3  }
.Ltmp6:
0x392: {  	_ = 	snop;
	(pc) =	sbr.rel .LBB2_9-.Ltmp6, $2  }
0x393: {  	_ =	sdelay $0x2  }
0x394: {  	s18 =	simm.s32 $0x18090;
	[tilespmem:v3+s8+$0x0] =	vst.idx.add.f32.msk $0xffff, v1  }
.LBB2_11:
0x395: {  	_ =	sfence.sel $0x180000  }
0x396: {  	[bflag:$0x0] =	sbarrier.arrive $0xFFFF  }
0x397: {  	_ =	strace $0x90000047  }
0x398: {  	s0 =	stileid.u32;
	[bflag:$0x2] =	sbarrier.arrive $0xFFFF  }
0x399: {  	p0 =	sne.s32 s0, $0x0;
	s0 =	rddreg [dreg:$0x5]  }
0x39a: {  	s0 =	sadd.s32 @!p0 $0x100000, s0  }
0x39b: {  	[sflag:s0] =	ssyncadd.tile.s32 @!p0 $0x1;
	_ =	shalt  }
.Lfunc_end2:
_tile_overlayer_lowered:
.L_overlay_start_2:
0x39c: {  	(tag) =	ssettag $0x2  }
0x39d: {  	s0 =	rddreg [dreg:$0x0];
	s2 =	stileid.u32  }
0x39e: {  	s1 =	rddreg [dreg:$0x1];
	p0 =	sne.s32 s2, $0x0  }
0x39f: {  	s3 =	rddreg [dreg:$0x2];
	[bflag:$0x3] =	sbarrier.arrive $0xFFFF;
	s2 =	simm.s32 @!p0 $0x1C07  }
0x3a0: {  	[timem:s3], [sflag:s2] =	dma.local @!p0 [hbm:s0], s1  }
0x3a1: {  	s0 =	simm.s32 @!p0 $0x7  }
0x3a2: {  	_ =	swait.ge @!p0 [sflag:s0], s1  }
0x3a3: {  	s1 =	ssub.s32 @!p0 $0x0, s1;
	[sflag:s0] =	ssyncset.done @!p0 $0x0  }
0x3a4: {  	[sflag:s0] =	ssyncadd.s32 @!p0 s1  }
0x3a5: {  	[bflag:$0x3] =	sbarrier.arrive $0xFFFF  }
0x3a6: {  	_ =	shalt  }

</sc_bundles>
